<compile_context>
chip_gen: v7x
topology: tpu7x:2x2x1
jax: 0.10.2.dev20260603
libtpu: 0.0.44.dev20260713+nightly
codegen_flags: <defaults>
</compile_context>

<pallas_src>
import functools

import jax
import jax.numpy as jnp
from jax import lax
from jax.experimental import pallas as pl
from jax.experimental.pallas import tpu as pltpu
from jax.experimental.pallas import tpu_sc as plsc

EMB = 32
LANES = 16
IDXW = 128
QW = 512
KD = QW // IDXW
B = 4096
NQ = B // QW


@functools.lru_cache(maxsize=None)
def _make_gather(n_planes: int, vocab: int):
    info = plsc.get_sparse_core_info()
    nw = info.num_cores * info.num_subcores
    n_c = (n_planes + nw - 1) // nw
    rows_per_plane = B // IDXW

    mesh = plsc.VectorSubcoreMesh(core_axis_name="c", subcore_axis_name="s")

    @functools.partial(
        pl.kernel,
        mesh=mesh,
        out_type=jax.ShapeDtypeStruct((n_planes, EMB, B), jnp.float32),
        scratch_types=[
            pltpu.VMEM((rows_per_plane, IDXW), jnp.int32),
            pltpu.VMEM((2, QW, EMB), jnp.float32),
            pltpu.VMEM((2, EMB, QW + 1), jnp.float32),
            pltpu.SemaphoreType.DMA((2,)),
            pltpu.SemaphoreType.DMA((2,)),
        ],
        compiler_params=pltpu.CompilerParams(
            use_tc_tiling_on_sc=False, needs_layout_passes=False),
    )
    def gather(idx_hbm, tbl_hbm, out_hbm, idx_v, gbuf, obuf, gsem, osem):
        wid = lax.axis_index("s") * info.num_cores + lax.axis_index("c")
        iota = lax.iota(jnp.int32, LANES)

        def gcp(s, j, r):
            return pltpu.make_async_copy(
                tbl_hbm.at[idx_v.at[r]],
                gbuf.at[s, pl.ds(j * IDXW, IDXW)],
                gsem.at[s])

        def ocp(t, q, s):
            return pltpu.make_async_copy(
                obuf.at[s, :, pl.ds(0, QW)],
                out_hbm.at[t, :, pl.ds(q * QW, QW)],
                osem.at[s])

        def plane(c, carry):
            t = c * nw + wid

            @pl.when(t < n_planes)
            def _():
                pltpu.sync_copy(
                    idx_hbm.at[pl.ds(t * rows_per_plane, rows_per_plane)],
                    idx_v)
                for j in range(KD):
                    gcp(0, j, j).start()
                for q in range(NQ):
                    s = q % 2
                    if q + 1 < NQ:
                        for j in range(KD):
                            gcp(1 - s, j, (q + 1) * KD + j).start()
                    for j in range(KD):
                        gcp(s, j, q * KD + j).wait()
                    if q >= 2:
                        ocp(t, q, s).wait()
                    else:
                        @pl.when(c > 0)
                        def _():
                            ocp(t, q, s).wait()

                    e_lo = iota
                    e_hi = iota + LANES

                    @plsc.parallel_loop(0, QW, unroll=8)
                    def _(w):
                        w_vec = jnp.full((LANES,), 0, jnp.int32) + w
                        lo = gbuf[s, w, pl.ds(0, LANES)]
                        hi = gbuf[s, w, pl.ds(LANES, LANES)]
                        plsc.store_scatter(obuf.at[s], [e_lo, w_vec], lo)
                        plsc.store_scatter(obuf.at[s], [e_hi, w_vec], hi)
                    ocp(t, q, s).start()

            return carry

        lax.fori_loop(0, n_c, plane, 0)
        ocp(0, 0, 0).wait()
        ocp(0, 0, 1).wait()

    return gather


def kernel(x, table):
    b, h = x.shape
    idx = jnp.asarray(x, jnp.int32).T.reshape(h * b // IDXW, IDXW)
    out = _make_gather(h, table.shape[0])(idx, table)
    return jnp.transpose(out, (2, 0, 1))

# --- scband reference (transcript-rebuilt; emitter-appended) ---
"""Pipeline reference for scband-token-embeddings-3435973836861 (READ-ONLY COPY).

The authoritative reference and input builder live on the scoring server;
editing this copy changes nothing except your own understanding.
"""

import jax, jax.numpy as jnp
import numpy as np

VOCAB = 1000000
EMB = 32
BATCH = 4096
HIST = 200

def setup_inputs(seed: int = 0) -> dict:
    key = jax.random.key(seed)
    k1, k2 = jax.random.split(key)
    x = jax.random.randint(k1, (BATCH, HIST), 0, VOCAB, dtype=jnp.int64 if jax.config.jax_enable_x64 else jnp.int32)
    table = jax.random.normal(k2, (VOCAB, EMB), dtype=jnp.float32)
    return {"x": x, "table": table}

def reference(x, table):
    # nn.Embedding forward: gather rows of the embedding table by token id
    return jnp.take(table, x, axis=0)

if __name__ == "__main__":
    import jax
    _d = setup_inputs()
    print(jax.jit(kernel)(*tuple(_d.values())))

</pallas_src>

<mosaic_0001>
#map = affine_map<(d0, d1) -> (0, 0)>
#map1 = affine_map<(d0, d1) -> (0, 0, 0)>
module attributes {stable_mosaic.version = 14 : i64} {
  func.func @gather(%arg0: i32, %arg1: i32, %arg2: memref<6400x128xi32, #tpu.memory_space<hbm>>, %arg3: memref<1000000x32xf32, #tpu.memory_space<hbm>>, %arg4: memref<200x32x4096xf32, #tpu.memory_space<hbm>>, %arg5: memref<32x128xi32, #tpu.memory_space<vmem>>, %arg6: memref<2x512x32xf32, #tpu.memory_space<vmem>>, %arg7: memref<2x32x513xf32, #tpu.memory_space<vmem>>, %arg8: memref<2x!tpu.dma_semaphore, #tpu.memory_space<semaphore_mem>>, %arg9: memref<2x!tpu.dma_semaphore, #tpu.memory_space<semaphore_mem>>) attributes {dimension_semantics = [#tpu.dimension_semantics<core_parallel>, #tpu.dimension_semantics<subcore_parallel>], iteration_bounds = array<i64: 2, 16>, scalar_prefetch = 0 : i64, scratch_operands = 5 : i64, tpu.core_type = #tpu.core_type<sc_vector_subcore>, window_params = [{transform_indices = #map}, {transform_indices = #map}, {transform_indices = #map1}]} {
    %mul3A = arith.constant 2 : i32
    %mul3A_0 = arith.muli %arg1, %mul3A : i32
    %add3A = arith.addi %mul3A_0, %arg0 : i32
    %iota3A = tpu.iota {dimensions = array<i32: 0>} : vector<16xi32>
    %scan3A = arith.constant 0 : i32
    %scan3A_1 = arith.constant 0 : i32
    %scan3A_2 = arith.constant 7 : i32
    %scan3A_3 = arith.addi %scan3A_1, %scan3A_2 : i32
    %scan3A_4 = arith.constant 1 : i32
    scf.for %scan3A_47 = %scan3A_1 to %scan3A_3 step %scan3A_4  : i32 {
      %mul3A_48 = arith.constant 32 : i32
      %mul3A_49 = arith.muli %scan3A_47, %mul3A_48 : i32
      %add3A_50 = arith.addi %mul3A_49, %add3A : i32
      %lt3A = arith.constant 200 : i32
      %lt3A_51 = arith.cmpi slt, %add3A_50, %lt3A : i32
      %convert_element_type3A = arith.extui %lt3A_51 : i1 to i32
      %cond3A = arith.constant 0 : i32
      %cond3A_52 = arith.cmpi ne, %convert_element_type3A, %cond3A : i32
      scf.if %cond3A_52 {
        %mul3A_53 = arith.constant 32 : i32
        %mul3A_54 = arith.muli %add3A_50, %mul3A_53 : i32
        "tpu.region"() ({
          %run_scoped3A = tpu.sem_alloc : memref<!tpu.dma_semaphore, #tpu.memory_space<semaphore_mem>>
          %dma_start3A_1350 = arith.constant 0 : i32
          %dma_start3A_1351 = tpu.memref_slice %arg2[%mul3A_54, %dma_start3A_1350] : memref<6400x128xi32, #tpu.memory_space<hbm>> -> memref<32x128xi32, #tpu.memory_space<hbm>>
          %dma_start3A_1352 = arith.constant 0 : i32
          %dma_start3A_1353 = tpu.memref_slice %arg2[%mul3A_54, %dma_start3A_1352] : memref<6400x128xi32, #tpu.memory_space<hbm>> -> memref<32x128xi32, #tpu.memory_space<hbm>>
          tpu.enqueue_dma source(%dma_start3A_1353 : memref<32x128xi32, #tpu.memory_space<hbm>>) target(%arg5 : memref<32x128xi32, #tpu.memory_space<vmem>>) target_semaphore(%run_scoped3A : memref<!tpu.dma_semaphore, #tpu.memory_space<semaphore_mem>>)
          %dma_wait3A_1354 = arith.constant 0 : i32
          %dma_wait3A_1355 = tpu.memref_slice %arg2[%mul3A_54, %dma_wait3A_1354] : memref<6400x128xi32, #tpu.memory_space<hbm>> -> memref<32x128xi32, #tpu.memory_space<hbm>>
          %dma_wait3A_1356 = arith.constant 0 : i32
          %dma_wait3A_1357 = tpu.memref_slice %arg2[%mul3A_54, %dma_wait3A_1356] : memref<6400x128xi32, #tpu.memory_space<hbm>> -> memref<32x128xi32, #tpu.memory_space<hbm>>
          tpu.wait_dma2 semaphore(%run_scoped3A : memref<!tpu.dma_semaphore, #tpu.memory_space<semaphore_mem>>) src(%dma_wait3A_1357 : memref<32x128xi32, #tpu.memory_space<hbm>>) dst(%arg5 : memref<32x128xi32, #tpu.memory_space<vmem>>)
          tpu.yield
        }) : () -> ()
        %dma_start3A = arith.constant 0 : i32
        %dma_start3A_55 = arith.constant 0 : i32
        %dma_start3A_56 = arith.constant 0 : i32
        %dma_start3A_57 = arith.constant 0 : i32
        %dma_start3A_58 = arith.constant 0 : i32
        %dma_start3A_59 = tpu.memref_slice %arg6[%dma_start3A_55, %dma_start3A_57, %dma_start3A_58] : memref<2x512x32xf32, #tpu.memory_space<vmem>> -> memref<1x128x32xf32, #tpu.memory_space<vmem>>
        %dma_start3A_60 = tpu.memref_squeeze %dma_start3A_59 : memref<1x128x32xf32, #tpu.memory_space<vmem>> -> memref<128x32xf32, #tpu.memory_space<vmem>>
        %dma_start3A_61 = arith.constant 0 : i32
        %dma_start3A_62 = tpu.memref_slice %arg5[%dma_start3A, %dma_start3A_61] : memref<32x128xi32, #tpu.memory_space<vmem>> -> memref<1x128xi32, #tpu.memory_space<vmem>>
        %dma_start3A_63 = tpu.memref_squeeze %dma_start3A_62 : memref<1x128xi32, #tpu.memory_space<vmem>> -> memref<128xi32, #tpu.memory_space<vmem>>
        %dma_start3A_64 = arith.constant 0 : i32
        %dma_start3A_65 = arith.constant 0 : i32
        %dma_start3A_66 = tpu.memref_slice %arg3[%dma_start3A_64, %dma_start3A_65] : memref<1000000x32xf32, #tpu.memory_space<hbm>> -> memref<1000000x32xf32, #tpu.memory_space<hbm>>
        %dma_start3A_67 = tpu.memref_slice %arg8[%dma_start3A_56] : memref<2x!tpu.dma_semaphore, #tpu.memory_space<semaphore_mem>> -> memref<1x!tpu.dma_semaphore, #tpu.memory_space<semaphore_mem>>
        %dma_start3A_68 = tpu.memref_squeeze %dma_start3A_67 : memref<1x!tpu.dma_semaphore, #tpu.memory_space<semaphore_mem>> -> memref<!tpu.dma_semaphore, #tpu.memory_space<semaphore_mem>>
        tpu.enqueue_indirect_dma source(%dma_start3A_66 : memref<1000000x32xf32, #tpu.memory_space<hbm>>) target(%dma_start3A_60 : memref<128x32xf32, #tpu.memory_space<vmem>>) offsets(%dma_start3A_63 : memref<128xi32, #tpu.memory_space<vmem>>) semaphore(%dma_start3A_68 : memref<!tpu.dma_semaphore, #tpu.memory_space<semaphore_mem>>)
        %dma_start3A_69 = arith.constant 1 : i32
        %dma_start3A_70 = arith.constant 0 : i32
        %dma_start3A_71 = arith.constant 0 : i32
        %dma_start3A_72 = arith.constant 128 : i32
        %dma_start3A_73 = arith.constant 0 : i32
        %dma_start3A_74 = tpu.memref_slice %arg6[%dma_start3A_70, %dma_start3A_72, %dma_start3A_73] : memref<2x512x32xf32, #tpu.memory_space<vmem>> -> memref<1x128x32xf32, #tpu.memory_space<vmem>>
        %dma_start3A_75 = tpu.memref_squeeze %dma_start3A_74 : memref<1x128x32xf32, #tpu.memory_space<vmem>> -> memref<128x32xf32, #tpu.memory_space<vmem>>
        %dma_start3A_76 = arith.constant 0 : i32
        %dma_start3A_77 = tpu.memref_slice %arg5[%dma_start3A_69, %dma_start3A_76] : memref<32x128xi32, #tpu.memory_space<vmem>> -> memref<1x128xi32, #tpu.memory_space<vmem>>
        %dma_start3A_78 = tpu.memref_squeeze %dma_start3A_77 : memref<1x128xi32, #tpu.memory_space<vmem>> -> memref<128xi32, #tpu.memory_space<vmem>>
        %dma_start3A_79 = arith.constant 0 : i32
        %dma_start3A_80 = arith.constant 0 : i32
        %dma_start3A_81 = tpu.memref_slice %arg3[%dma_start3A_79, %dma_start3A_80] : memref<1000000x32xf32, #tpu.memory_space<hbm>> -> memref<1000000x32xf32, #tpu.memory_space<hbm>>
        %dma_start3A_82 = tpu.memref_slice %arg8[%dma_start3A_71] : memref<2x!tpu.dma_semaphore, #tpu.memory_space<semaphore_mem>> -> memref<1x!tpu.dma_semaphore, #tpu.memory_space<semaphore_mem>>
        %dma_start3A_83 = tpu.memref_squeeze %dma_start3A_82 : memref<1x!tpu.dma_semaphore, #tpu.memory_space<semaphore_mem>> -> memref<!tpu.dma_semaphore, #tpu.memory_space<semaphore_mem>>
        tpu.enqueue_indirect_dma source(%dma_start3A_81 : memref<1000000x32xf32, #tpu.memory_space<hbm>>) target(%dma_start3A_75 : memref<128x32xf32, #tpu.memory_space<vmem>>) offsets(%dma_start3A_78 : memref<128xi32, #tpu.memory_space<vmem>>) semaphore(%dma_start3A_83 : memref<!tpu.dma_semaphore, #tpu.memory_space<semaphore_mem>>)
        %dma_start3A_84 = arith.constant 2 : i32
        %dma_start3A_85 = arith.constant 0 : i32
        %dma_start3A_86 = arith.constant 0 : i32
        %dma_start3A_87 = arith.constant 256 : i32
        %dma_start3A_88 = arith.constant 0 : i32
        %dma_start3A_89 = tpu.memref_slice %arg6[%dma_start3A_85, %dma_start3A_87, %dma_start3A_88] : memref<2x512x32xf32, #tpu.memory_space<vmem>> -> memref<1x128x32xf32, #tpu.memory_space<vmem>>
        %dma_start3A_90 = tpu.memref_squeeze %dma_start3A_89 : memref<1x128x32xf32, #tpu.memory_space<vmem>> -> memref<128x32xf32, #tpu.memory_space<vmem>>
        %dma_start3A_91 = arith.constant 0 : i32
        %dma_start3A_92 = tpu.memref_slice %arg5[%dma_start3A_84, %dma_start3A_91] : memref<32x128xi32, #tpu.memory_space<vmem>> -> memref<1x128xi32, #tpu.memory_space<vmem>>
        %dma_start3A_93 = tpu.memref_squeeze %dma_start3A_92 : memref<1x128xi32, #tpu.memory_space<vmem>> -> memref<128xi32, #tpu.memory_space<vmem>>
        %dma_start3A_94 = arith.constant 0 : i32
        %dma_start3A_95 = arith.constant 0 : i32
        %dma_start3A_96 = tpu.memref_slice %arg3[%dma_start3A_94, %dma_start3A_95] : memref<1000000x32xf32, #tpu.memory_space<hbm>> -> memref<1000000x32xf32, #tpu.memory_space<hbm>>
        %dma_start3A_97 = tpu.memref_slice %arg8[%dma_start3A_86] : memref<2x!tpu.dma_semaphore, #tpu.memory_space<semaphore_mem>> -> memref<1x!tpu.dma_semaphore, #tpu.memory_space<semaphore_mem>>
        %dma_start3A_98 = tpu.memref_squeeze %dma_start3A_97 : memref<1x!tpu.dma_semaphore, #tpu.memory_space<semaphore_mem>> -> memref<!tpu.dma_semaphore, #tpu.memory_space<semaphore_mem>>
        tpu.enqueue_indirect_dma source(%dma_start3A_96 : memref<1000000x32xf32, #tpu.memory_space<hbm>>) target(%dma_start3A_90 : memref<128x32xf32, #tpu.memory_space<vmem>>) offsets(%dma_start3A_93 : memref<128xi32, #tpu.memory_space<vmem>>) semaphore(%dma_start3A_98 : memref<!tpu.dma_semaphore, #tpu.memory_space<semaphore_mem>>)
        %dma_start3A_99 = arith.constant 3 : i32
        %dma_start3A_100 = arith.constant 0 : i32
        %dma_start3A_101 = arith.constant 0 : i32
        %dma_start3A_102 = arith.constant 384 : i32
        %dma_start3A_103 = arith.constant 0 : i32
        %dma_start3A_104 = tpu.memref_slice %arg6[%dma_start3A_100, %dma_start3A_102, %dma_start3A_103] : memref<2x512x32xf32, #tpu.memory_space<vmem>> -> memref<1x128x32xf32, #tpu.memory_space<vmem>>
        %dma_start3A_105 = tpu.memref_squeeze %dma_start3A_104 : memref<1x128x32xf32, #tpu.memory_space<vmem>> -> memref<128x32xf32, #tpu.memory_space<vmem>>
        %dma_start3A_106 = arith.constant 0 : i32
        %dma_start3A_107 = tpu.memref_slice %arg5[%dma_start3A_99, %dma_start3A_106] : memref<32x128xi32, #tpu.memory_space<vmem>> -> memref<1x128xi32, #tpu.memory_space<vmem>>
        %dma_start3A_108 = tpu.memref_squeeze %dma_start3A_107 : memref<1x128xi32, #tpu.memory_space<vmem>> -> memref<128xi32, #tpu.memory_space<vmem>>
        %dma_start3A_109 = arith.constant 0 : i32
        %dma_start3A_110 = arith.constant 0 : i32
        %dma_start3A_111 = tpu.memref_slice %arg3[%dma_start3A_109, %dma_start3A_110] : memref<1000000x32xf32, #tpu.memory_space<hbm>> -> memref<1000000x32xf32, #tpu.memory_space<hbm>>
        %dma_start3A_112 = tpu.memref_slice %arg8[%dma_start3A_101] : memref<2x!tpu.dma_semaphore, #tpu.memory_space<semaphore_mem>> -> memref<1x!tpu.dma_semaphore, #tpu.memory_space<semaphore_mem>>
        %dma_start3A_113 = tpu.memref_squeeze %dma_start3A_112 : memref<1x!tpu.dma_semaphore, #tpu.memory_space<semaphore_mem>> -> memref<!tpu.dma_semaphore, #tpu.memory_space<semaphore_mem>>
        tpu.enqueue_indirect_dma source(%dma_start3A_111 : memref<1000000x32xf32, #tpu.memory_space<hbm>>) target(%dma_start3A_105 : memref<128x32xf32, #tpu.memory_space<vmem>>) offsets(%dma_start3A_108 : memref<128xi32, #tpu.memory_space<vmem>>) semaphore(%dma_start3A_113 : memref<!tpu.dma_semaphore, #tpu.memory_space<semaphore_mem>>)
        %dma_start3A_114 = arith.constant 4 : i32
        %dma_start3A_115 = arith.constant 1 : i32
        %dma_start3A_116 = arith.constant 1 : i32
        %dma_start3A_117 = arith.constant 0 : i32
        %dma_start3A_118 = arith.constant 0 : i32
        %dma_start3A_119 = tpu.memref_slice %arg6[%dma_start3A_115, %dma_start3A_117, %dma_start3A_118] : memref<2x512x32xf32, #tpu.memory_space<vmem>> -> memref<1x128x32xf32, #tpu.memory_space<vmem>>
        %dma_start3A_120 = tpu.memref_squeeze %dma_start3A_119 : memref<1x128x32xf32, #tpu.memory_space<vmem>> -> memref<128x32xf32, #tpu.memory_space<vmem>>
        %dma_start3A_121 = arith.constant 0 : i32
        %dma_start3A_122 = tpu.memref_slice %arg5[%dma_start3A_114, %dma_start3A_121] : memref<32x128xi32, #tpu.memory_space<vmem>> -> memref<1x128xi32, #tpu.memory_space<vmem>>
        %dma_start3A_123 = tpu.memref_squeeze %dma_start3A_122 : memref<1x128xi32, #tpu.memory_space<vmem>> -> memref<128xi32, #tpu.memory_space<vmem>>
        %dma_start3A_124 = arith.constant 0 : i32
        %dma_start3A_125 = arith.constant 0 : i32
        %dma_start3A_126 = tpu.memref_slice %arg3[%dma_start3A_124, %dma_start3A_125] : memref<1000000x32xf32, #tpu.memory_space<hbm>> -> memref<1000000x32xf32, #tpu.memory_space<hbm>>
        %dma_start3A_127 = tpu.memref_slice %arg8[%dma_start3A_116] : memref<2x!tpu.dma_semaphore, #tpu.memory_space<semaphore_mem>> -> memref<1x!tpu.dma_semaphore, #tpu.memory_space<semaphore_mem>>
        %dma_start3A_128 = tpu.memref_squeeze %dma_start3A_127 : memref<1x!tpu.dma_semaphore, #tpu.memory_space<semaphore_mem>> -> memref<!tpu.dma_semaphore, #tpu.memory_space<semaphore_mem>>
        tpu.enqueue_indirect_dma source(%dma_start3A_126 : memref<1000000x32xf32, #tpu.memory_space<hbm>>) target(%dma_start3A_120 : memref<128x32xf32, #tpu.memory_space<vmem>>) offsets(%dma_start3A_123 : memref<128xi32, #tpu.memory_space<vmem>>) semaphore(%dma_start3A_128 : memref<!tpu.dma_semaphore, #tpu.memory_space<semaphore_mem>>)
        %dma_start3A_129 = arith.constant 5 : i32
        %dma_start3A_130 = arith.constant 1 : i32
        %dma_start3A_131 = arith.constant 1 : i32
        %dma_start3A_132 = arith.constant 128 : i32
        %dma_start3A_133 = arith.constant 0 : i32
        %dma_start3A_134 = tpu.memref_slice %arg6[%dma_start3A_130, %dma_start3A_132, %dma_start3A_133] : memref<2x512x32xf32, #tpu.memory_space<vmem>> -> memref<1x128x32xf32, #tpu.memory_space<vmem>>
        %dma_start3A_135 = tpu.memref_squeeze %dma_start3A_134 : memref<1x128x32xf32, #tpu.memory_space<vmem>> -> memref<128x32xf32, #tpu.memory_space<vmem>>
        %dma_start3A_136 = arith.constant 0 : i32
        %dma_start3A_137 = tpu.memref_slice %arg5[%dma_start3A_129, %dma_start3A_136] : memref<32x128xi32, #tpu.memory_space<vmem>> -> memref<1x128xi32, #tpu.memory_space<vmem>>
        %dma_start3A_138 = tpu.memref_squeeze %dma_start3A_137 : memref<1x128xi32, #tpu.memory_space<vmem>> -> memref<128xi32, #tpu.memory_space<vmem>>
        %dma_start3A_139 = arith.constant 0 : i32
        %dma_start3A_140 = arith.constant 0 : i32
        %dma_start3A_141 = tpu.memref_slice %arg3[%dma_start3A_139, %dma_start3A_140] : memref<1000000x32xf32, #tpu.memory_space<hbm>> -> memref<1000000x32xf32, #tpu.memory_space<hbm>>
        %dma_start3A_142 = tpu.memref_slice %arg8[%dma_start3A_131] : memref<2x!tpu.dma_semaphore, #tpu.memory_space<semaphore_mem>> -> memref<1x!tpu.dma_semaphore, #tpu.memory_space<semaphore_mem>>
        %dma_start3A_143 = tpu.memref_squeeze %dma_start3A_142 : memref<1x!tpu.dma_semaphore, #tpu.memory_space<semaphore_mem>> -> memref<!tpu.dma_semaphore, #tpu.memory_space<semaphore_mem>>
        tpu.enqueue_indirect_dma source(%dma_start3A_141 : memref<1000000x32xf32, #tpu.memory_space<hbm>>) target(%dma_start3A_135 : memref<128x32xf32, #tpu.memory_space<vmem>>) offsets(%dma_start3A_138 : memref<128xi32, #tpu.memory_space<vmem>>) semaphore(%dma_start3A_143 : memref<!tpu.dma_semaphore, #tpu.memory_space<semaphore_mem>>)
        %dma_start3A_144 = arith.constant 6 : i32
        %dma_start3A_145 = arith.constant 1 : i32
        %dma_start3A_146 = arith.constant 1 : i32
        %dma_start3A_147 = arith.constant 256 : i32
        %dma_start3A_148 = arith.constant 0 : i32
        %dma_start3A_149 = tpu.memref_slice %arg6[%dma_start3A_145, %dma_start3A_147, %dma_start3A_148] : memref<2x512x32xf32, #tpu.memory_space<vmem>> -> memref<1x128x32xf32, #tpu.memory_space<vmem>>
        %dma_start3A_150 = tpu.memref_squeeze %dma_start3A_149 : memref<1x128x32xf32, #tpu.memory_space<vmem>> -> memref<128x32xf32, #tpu.memory_space<vmem>>
        %dma_start3A_151 = arith.constant 0 : i32
        %dma_start3A_152 = tpu.memref_slice %arg5[%dma_start3A_144, %dma_start3A_151] : memref<32x128xi32, #tpu.memory_space<vmem>> -> memref<1x128xi32, #tpu.memory_space<vmem>>
        %dma_start3A_153 = tpu.memref_squeeze %dma_start3A_152 : memref<1x128xi32, #tpu.memory_space<vmem>> -> memref<128xi32, #tpu.memory_space<vmem>>
        %dma_start3A_154 = arith.constant 0 : i32
        %dma_start3A_155 = arith.constant 0 : i32
        %dma_start3A_156 = tpu.memref_slice %arg3[%dma_start3A_154, %dma_start3A_155] : memref<1000000x32xf32, #tpu.memory_space<hbm>> -> memref<1000000x32xf32, #tpu.memory_space<hbm>>
        %dma_start3A_157 = tpu.memref_slice %arg8[%dma_start3A_146] : memref<2x!tpu.dma_semaphore, #tpu.memory_space<semaphore_mem>> -> memref<1x!tpu.dma_semaphore, #tpu.memory_space<semaphore_mem>>
        %dma_start3A_158 = tpu.memref_squeeze %dma_start3A_157 : memref<1x!tpu.dma_semaphore, #tpu.memory_space<semaphore_mem>> -> memref<!tpu.dma_semaphore, #tpu.memory_space<semaphore_mem>>
        tpu.enqueue_indirect_dma source(%dma_start3A_156 : memref<1000000x32xf32, #tpu.memory_space<hbm>>) target(%dma_start3A_150 : memref<128x32xf32, #tpu.memory_space<vmem>>) offsets(%dma_start3A_153 : memref<128xi32, #tpu.memory_space<vmem>>) semaphore(%dma_start3A_158 : memref<!tpu.dma_semaphore, #tpu.memory_space<semaphore_mem>>)
        %dma_start3A_159 = arith.constant 7 : i32
        %dma_start3A_160 = arith.constant 1 : i32
        %dma_start3A_161 = arith.constant 1 : i32
        %dma_start3A_162 = arith.constant 384 : i32
        %dma_start3A_163 = arith.constant 0 : i32
        %dma_start3A_164 = tpu.memref_slice %arg6[%dma_start3A_160, %dma_start3A_162, %dma_start3A_163] : memref<2x512x32xf32, #tpu.memory_space<vmem>> -> memref<1x128x32xf32, #tpu.memory_space<vmem>>
        %dma_start3A_165 = tpu.memref_squeeze %dma_start3A_164 : memref<1x128x32xf32, #tpu.memory_space<vmem>> -> memref<128x32xf32, #tpu.memory_space<vmem>>
        %dma_start3A_166 = arith.constant 0 : i32
        %dma_start3A_167 = tpu.memref_slice %arg5[%dma_start3A_159, %dma_start3A_166] : memref<32x128xi32, #tpu.memory_space<vmem>> -> memref<1x128xi32, #tpu.memory_space<vmem>>
        %dma_start3A_168 = tpu.memref_squeeze %dma_start3A_167 : memref<1x128xi32, #tpu.memory_space<vmem>> -> memref<128xi32, #tpu.memory_space<vmem>>
        %dma_start3A_169 = arith.constant 0 : i32
        %dma_start3A_170 = arith.constant 0 : i32
        %dma_start3A_171 = tpu.memref_slice %arg3[%dma_start3A_169, %dma_start3A_170] : memref<1000000x32xf32, #tpu.memory_space<hbm>> -> memref<1000000x32xf32, #tpu.memory_space<hbm>>
        %dma_start3A_172 = tpu.memref_slice %arg8[%dma_start3A_161] : memref<2x!tpu.dma_semaphore, #tpu.memory_space<semaphore_mem>> -> memref<1x!tpu.dma_semaphore, #tpu.memory_space<semaphore_mem>>
        %dma_start3A_173 = tpu.memref_squeeze %dma_start3A_172 : memref<1x!tpu.dma_semaphore, #tpu.memory_space<semaphore_mem>> -> memref<!tpu.dma_semaphore, #tpu.memory_space<semaphore_mem>>
        tpu.enqueue_indirect_dma source(%dma_start3A_171 : memref<1000000x32xf32, #tpu.memory_space<hbm>>) target(%dma_start3A_165 : memref<128x32xf32, #tpu.memory_space<vmem>>) offsets(%dma_start3A_168 : memref<128xi32, #tpu.memory_space<vmem>>) semaphore(%dma_start3A_173 : memref<!tpu.dma_semaphore, #tpu.memory_space<semaphore_mem>>)
        %dma_wait3A_174 = arith.constant 0 : i32
        %dma_wait3A_175 = arith.constant 0 : i32
        %dma_wait3A_176 = arith.constant 0 : i32
        %dma_wait3A_177 = arith.constant 0 : i32
        %dma_wait3A_178 = arith.constant 0 : i32
        %dma_wait3A_179 = tpu.memref_slice %arg6[%dma_wait3A_175, %dma_wait3A_177, %dma_wait3A_178] : memref<2x512x32xf32, #tpu.memory_space<vmem>> -> memref<1x128x32xf32, #tpu.memory_space<vmem>>
        %dma_wait3A_180 = tpu.memref_squeeze %dma_wait3A_179 : memref<1x128x32xf32, #tpu.memory_space<vmem>> -> memref<128x32xf32, #tpu.memory_space<vmem>>
        %dma_wait3A_181 = arith.constant 0 : i32
        %dma_wait3A_182 = tpu.memref_slice %arg5[%dma_wait3A_174, %dma_wait3A_181] : memref<32x128xi32, #tpu.memory_space<vmem>> -> memref<1x128xi32, #tpu.memory_space<vmem>>
        %dma_wait3A_183 = tpu.memref_squeeze %dma_wait3A_182 : memref<1x128xi32, #tpu.memory_space<vmem>> -> memref<128xi32, #tpu.memory_space<vmem>>
        %dma_wait3A_184 = arith.constant 0 : i32
        %dma_wait3A_185 = arith.constant 0 : i32
        %dma_wait3A_186 = tpu.memref_slice %arg3[%dma_wait3A_184, %dma_wait3A_185] : memref<1000000x32xf32, #tpu.memory_space<hbm>> -> memref<1000000x32xf32, #tpu.memory_space<hbm>>
        %dma_wait3A_187 = tpu.memref_slice %arg8[%dma_wait3A_176] : memref<2x!tpu.dma_semaphore, #tpu.memory_space<semaphore_mem>> -> memref<1x!tpu.dma_semaphore, #tpu.memory_space<semaphore_mem>>
        %dma_wait3A_188 = tpu.memref_squeeze %dma_wait3A_187 : memref<1x!tpu.dma_semaphore, #tpu.memory_space<semaphore_mem>> -> memref<!tpu.dma_semaphore, #tpu.memory_space<semaphore_mem>>
        tpu.wait_indirect_dma semaphore(%dma_wait3A_188 : memref<!tpu.dma_semaphore, #tpu.memory_space<semaphore_mem>>) src(%dma_wait3A_186 : memref<1000000x32xf32, #tpu.memory_space<hbm>>) dst(%dma_wait3A_180 : memref<128x32xf32, #tpu.memory_space<vmem>>)
        %dma_wait3A_189 = arith.constant 1 : i32
        %dma_wait3A_190 = arith.constant 0 : i32
        %dma_wait3A_191 = arith.constant 0 : i32
        %dma_wait3A_192 = arith.constant 128 : i32
        %dma_wait3A_193 = arith.constant 0 : i32
        %dma_wait3A_194 = tpu.memref_slice %arg6[%dma_wait3A_190, %dma_wait3A_192, %dma_wait3A_193] : memref<2x512x32xf32, #tpu.memory_space<vmem>> -> memref<1x128x32xf32, #tpu.memory_space<vmem>>
        %dma_wait3A_195 = tpu.memref_squeeze %dma_wait3A_194 : memref<1x128x32xf32, #tpu.memory_space<vmem>> -> memref<128x32xf32, #tpu.memory_space<vmem>>
        %dma_wait3A_196 = arith.constant 0 : i32
        %dma_wait3A_197 = tpu.memref_slice %arg5[%dma_wait3A_189, %dma_wait3A_196] : memref<32x128xi32, #tpu.memory_space<vmem>> -> memref<1x128xi32, #tpu.memory_space<vmem>>
        %dma_wait3A_198 = tpu.memref_squeeze %dma_wait3A_197 : memref<1x128xi32, #tpu.memory_space<vmem>> -> memref<128xi32, #tpu.memory_space<vmem>>
        %dma_wait3A_199 = arith.constant 0 : i32
        %dma_wait3A_200 = arith.constant 0 : i32
        %dma_wait3A_201 = tpu.memref_slice %arg3[%dma_wait3A_199, %dma_wait3A_200] : memref<1000000x32xf32, #tpu.memory_space<hbm>> -> memref<1000000x32xf32, #tpu.memory_space<hbm>>
        %dma_wait3A_202 = tpu.memref_slice %arg8[%dma_wait3A_191] : memref<2x!tpu.dma_semaphore, #tpu.memory_space<semaphore_mem>> -> memref<1x!tpu.dma_semaphore, #tpu.memory_space<semaphore_mem>>
        %dma_wait3A_203 = tpu.memref_squeeze %dma_wait3A_202 : memref<1x!tpu.dma_semaphore, #tpu.memory_space<semaphore_mem>> -> memref<!tpu.dma_semaphore, #tpu.memory_space<semaphore_mem>>
        tpu.wait_indirect_dma semaphore(%dma_wait3A_203 : memref<!tpu.dma_semaphore, #tpu.memory_space<semaphore_mem>>) src(%dma_wait3A_201 : memref<1000000x32xf32, #tpu.memory_space<hbm>>) dst(%dma_wait3A_195 : memref<128x32xf32, #tpu.memory_space<vmem>>)
        %dma_wait3A_204 = arith.constant 2 : i32
        %dma_wait3A_205 = arith.constant 0 : i32
        %dma_wait3A_206 = arith.constant 0 : i32
        %dma_wait3A_207 = arith.constant 256 : i32
        %dma_wait3A_208 = arith.constant 0 : i32
        %dma_wait3A_209 = tpu.memref_slice %arg6[%dma_wait3A_205, %dma_wait3A_207, %dma_wait3A_208] : memref<2x512x32xf32, #tpu.memory_space<vmem>> -> memref<1x128x32xf32, #tpu.memory_space<vmem>>
        %dma_wait3A_210 = tpu.memref_squeeze %dma_wait3A_209 : memref<1x128x32xf32, #tpu.memory_space<vmem>> -> memref<128x32xf32, #tpu.memory_space<vmem>>
        %dma_wait3A_211 = arith.constant 0 : i32
        %dma_wait3A_212 = tpu.memref_slice %arg5[%dma_wait3A_204, %dma_wait3A_211] : memref<32x128xi32, #tpu.memory_space<vmem>> -> memref<1x128xi32, #tpu.memory_space<vmem>>
        %dma_wait3A_213 = tpu.memref_squeeze %dma_wait3A_212 : memref<1x128xi32, #tpu.memory_space<vmem>> -> memref<128xi32, #tpu.memory_space<vmem>>
        %dma_wait3A_214 = arith.constant 0 : i32
        %dma_wait3A_215 = arith.constant 0 : i32
        %dma_wait3A_216 = tpu.memref_slice %arg3[%dma_wait3A_214, %dma_wait3A_215] : memref<1000000x32xf32, #tpu.memory_space<hbm>> -> memref<1000000x32xf32, #tpu.memory_space<hbm>>
        %dma_wait3A_217 = tpu.memref_slice %arg8[%dma_wait3A_206] : memref<2x!tpu.dma_semaphore, #tpu.memory_space<semaphore_mem>> -> memref<1x!tpu.dma_semaphore, #tpu.memory_space<semaphore_mem>>
        %dma_wait3A_218 = tpu.memref_squeeze %dma_wait3A_217 : memref<1x!tpu.dma_semaphore, #tpu.memory_space<semaphore_mem>> -> memref<!tpu.dma_semaphore, #tpu.memory_space<semaphore_mem>>
        tpu.wait_indirect_dma semaphore(%dma_wait3A_218 : memref<!tpu.dma_semaphore, #tpu.memory_space<semaphore_mem>>) src(%dma_wait3A_216 : memref<1000000x32xf32, #tpu.memory_space<hbm>>) dst(%dma_wait3A_210 : memref<128x32xf32, #tpu.memory_space<vmem>>)
        %dma_wait3A_219 = arith.constant 3 : i32
        %dma_wait3A_220 = arith.constant 0 : i32
        %dma_wait3A_221 = arith.constant 0 : i32
        %dma_wait3A_222 = arith.constant 384 : i32
        %dma_wait3A_223 = arith.constant 0 : i32
        %dma_wait3A_224 = tpu.memref_slice %arg6[%dma_wait3A_220, %dma_wait3A_222, %dma_wait3A_223] : memref<2x512x32xf32, #tpu.memory_space<vmem>> -> memref<1x128x32xf32, #tpu.memory_space<vmem>>
        %dma_wait3A_225 = tpu.memref_squeeze %dma_wait3A_224 : memref<1x128x32xf32, #tpu.memory_space<vmem>> -> memref<128x32xf32, #tpu.memory_space<vmem>>
        %dma_wait3A_226 = arith.constant 0 : i32
        %dma_wait3A_227 = tpu.memref_slice %arg5[%dma_wait3A_219, %dma_wait3A_226] : memref<32x128xi32, #tpu.memory_space<vmem>> -> memref<1x128xi32, #tpu.memory_space<vmem>>
        %dma_wait3A_228 = tpu.memref_squeeze %dma_wait3A_227 : memref<1x128xi32, #tpu.memory_space<vmem>> -> memref<128xi32, #tpu.memory_space<vmem>>
        %dma_wait3A_229 = arith.constant 0 : i32
        %dma_wait3A_230 = arith.constant 0 : i32
        %dma_wait3A_231 = tpu.memref_slice %arg3[%dma_wait3A_229, %dma_wait3A_230] : memref<1000000x32xf32, #tpu.memory_space<hbm>> -> memref<1000000x32xf32, #tpu.memory_space<hbm>>
        %dma_wait3A_232 = tpu.memref_slice %arg8[%dma_wait3A_221] : memref<2x!tpu.dma_semaphore, #tpu.memory_space<semaphore_mem>> -> memref<1x!tpu.dma_semaphore, #tpu.memory_space<semaphore_mem>>
        %dma_wait3A_233 = tpu.memref_squeeze %dma_wait3A_232 : memref<1x!tpu.dma_semaphore, #tpu.memory_space<semaphore_mem>> -> memref<!tpu.dma_semaphore, #tpu.memory_space<semaphore_mem>>
        tpu.wait_indirect_dma semaphore(%dma_wait3A_233 : memref<!tpu.dma_semaphore, #tpu.memory_space<semaphore_mem>>) src(%dma_wait3A_231 : memref<1000000x32xf32, #tpu.memory_space<hbm>>) dst(%dma_wait3A_225 : memref<128x32xf32, #tpu.memory_space<vmem>>)
        %gt3A = arith.constant 0 : i32
        %gt3A_234 = arith.cmpi sgt, %scan3A_47, %gt3A : i32
        %convert_element_type3A_235 = arith.extui %gt3A_234 : i1 to i32
        %cond3A_236 = arith.constant 0 : i32
        %cond3A_237 = arith.cmpi ne, %convert_element_type3A_235, %cond3A_236 : i32
        scf.if %cond3A_237 {
          %dma_wait3A_1350 = arith.constant 0 : i32
          %dma_wait3A_1351 = arith.constant 0 : i32
          %dma_wait3A_1352 = arith.constant 0 : i32
          %dma_wait3A_1353 = arith.constant 0 : i32
          %dma_wait3A_1354 = tpu.memref_slice %arg7[%dma_wait3A_1350, %dma_wait3A_1352, %dma_wait3A_1353] : memref<2x32x513xf32, #tpu.memory_space<vmem>> -> memref<1x32x512xf32, #tpu.memory_space<vmem>>
          %dma_wait3A_1355 = tpu.memref_squeeze %dma_wait3A_1354 : memref<1x32x512xf32, #tpu.memory_space<vmem>> -> memref<32x512xf32, #tpu.memory_space<vmem>>
          %dma_wait3A_1356 = arith.constant 0 : i32
          %dma_wait3A_1357 = arith.constant 0 : i32
          %dma_wait3A_1358 = tpu.memref_slice %arg4[%add3A_50, %dma_wait3A_1356, %dma_wait3A_1357] : memref<200x32x4096xf32, #tpu.memory_space<hbm>> -> memref<1x32x512xf32, #tpu.memory_space<hbm>>
          %dma_wait3A_1359 = tpu.memref_squeeze %dma_wait3A_1358 : memref<1x32x512xf32, #tpu.memory_space<hbm>> -> memref<32x512xf32, #tpu.memory_space<hbm>>
          %dma_wait3A_1360 = tpu.memref_slice %arg9[%dma_wait3A_1351] : memref<2x!tpu.dma_semaphore, #tpu.memory_space<semaphore_mem>> -> memref<1x!tpu.dma_semaphore, #tpu.memory_space<semaphore_mem>>
          %dma_wait3A_1361 = tpu.memref_squeeze %dma_wait3A_1360 : memref<1x!tpu.dma_semaphore, #tpu.memory_space<semaphore_mem>> -> memref<!tpu.dma_semaphore, #tpu.memory_space<semaphore_mem>>
          %dma_wait3A_1362 = arith.constant 0 : i32
          %dma_wait3A_1363 = arith.constant 0 : i32
          %dma_wait3A_1364 = tpu.memref_slice %arg4[%add3A_50, %dma_wait3A_1362, %dma_wait3A_1363] : memref<200x32x4096xf32, #tpu.memory_space<hbm>> -> memref<1x32x512xf32, #tpu.memory_space<hbm>>
          %dma_wait3A_1365 = tpu.memref_squeeze %dma_wait3A_1364 : memref<1x32x512xf32, #tpu.memory_space<hbm>> -> memref<32x512xf32, #tpu.memory_space<hbm>>
          %dma_wait3A_1366 = arith.constant 0 : i32
          %dma_wait3A_1367 = arith.constant 0 : i32
          %dma_wait3A_1368 = tpu.memref_slice %arg7[%dma_wait3A_1350, %dma_wait3A_1366, %dma_wait3A_1367] : memref<2x32x513xf32, #tpu.memory_space<vmem>> -> memref<1x32x512xf32, #tpu.memory_space<vmem>>
          %dma_wait3A_1369 = tpu.memref_squeeze %dma_wait3A_1368 : memref<1x32x512xf32, #tpu.memory_space<vmem>> -> memref<32x512xf32, #tpu.memory_space<vmem>>
          tpu.wait_dma2 semaphore(%dma_wait3A_1361 : memref<!tpu.dma_semaphore, #tpu.memory_space<semaphore_mem>>) src(%dma_wait3A_1369 : memref<32x512xf32, #tpu.memory_space<vmem>>) dst(%dma_wait3A_1365 : memref<32x512xf32, #tpu.memory_space<hbm>>)
        } else {
        }
        %add3A_238 = arith.constant 16 : i32
        %add3A_239 = vector.broadcast %add3A_238 : i32 to vector<16xi32>
        %add3A_240 = arith.addi %iota3A, %add3A_239 : vector<16xi32>
        %parallel_loop3A = arith.constant 0 : i32
        %parallel_loop3A_241 = arith.constant 512 : i32
        %parallel_loop3A_242 = arith.constant 1 : i32
        scf.for %parallel_loop3A_1350 = %parallel_loop3A to %parallel_loop3A_241 step %parallel_loop3A_242  : i32 {
          %parallel_loop3A_1351 = arith.constant 0 : i32
          %parallel_loop3A_1352 = vector.broadcast %parallel_loop3A_1351 : i32 to vector<16xi32>
          %parallel_loop3A_1353 = vector.broadcast %parallel_loop3A_1350 : i32 to vector<16xi32>
          %parallel_loop3A_1354 = arith.addi %parallel_loop3A_1352, %parallel_loop3A_1353 : vector<16xi32>
          %parallel_loop3A_1355 = arith.constant 0 : i32
          %parallel_loop3A_1356 = arith.index_cast %parallel_loop3A_1355 : i32 to index
          %parallel_loop3A_1357 = arith.index_cast %parallel_loop3A_1350 : i32 to index
          %parallel_loop3A_1358 = arith.constant 0 : index
          %parallel_loop3A_1359 = tpu.vector_load %arg6[%parallel_loop3A_1356, %parallel_loop3A_1357, %parallel_loop3A_1358] {strides = array<i32>} : memref<2x512x32xf32, #tpu.memory_space<vmem>>, vector<16xf32>,
          %parallel_loop3A_1360 = arith.constant 0 : i32
          %parallel_loop3A_1361 = arith.index_cast %parallel_loop3A_1360 : i32 to index
          %parallel_loop3A_1362 = arith.index_cast %parallel_loop3A_1350 : i32 to index
          %parallel_loop3A_1363 = arith.constant 16 : index
          %parallel_loop3A_1364 = tpu.vector_load %arg6[%parallel_loop3A_1361, %parallel_loop3A_1362, %parallel_loop3A_1363] {strides = array<i32>} : memref<2x512x32xf32, #tpu.memory_space<vmem>>, vector<16xf32>,
          %parallel_loop3A_1365 = arith.constant 0 : i32
          %parallel_loop3A_1366 = arith.constant 0 : i32
          %parallel_loop3A_1367 = arith.constant 0 : i32
          %parallel_loop3A_1368 = tpu.memref_slice %arg7[%parallel_loop3A_1365, %parallel_loop3A_1366, %parallel_loop3A_1367] : memref<2x32x513xf32, #tpu.memory_space<vmem>> -> memref<1x32x513xf32, #tpu.memory_space<vmem>>
          %parallel_loop3A_1369 = tpu.memref_squeeze %parallel_loop3A_1368 : memref<1x32x513xf32, #tpu.memory_space<vmem>> -> memref<32x513xf32, #tpu.memory_space<vmem>>
          tpu.vector_store_idx %parallel_loop3A_1369[%iota3A, %parallel_loop3A_1354], %parallel_loop3A_1359 : memref<32x513xf32, #tpu.memory_space<vmem>>[vector<16xi32>, vector<16xi32>], vector<16xf32>,
          %parallel_loop3A_1370 = arith.constant 0 : i32
          %parallel_loop3A_1371 = arith.constant 0 : i32
          %parallel_loop3A_1372 = arith.constant 0 : i32
          %parallel_loop3A_1373 = tpu.memref_slice %arg7[%parallel_loop3A_1370, %parallel_loop3A_1371, %parallel_loop3A_1372] : memref<2x32x513xf32, #tpu.memory_space<vmem>> -> memref<1x32x513xf32, #tpu.memory_space<vmem>>
          %parallel_loop3A_1374 = tpu.memref_squeeze %parallel_loop3A_1373 : memref<1x32x513xf32, #tpu.memory_space<vmem>> -> memref<32x513xf32, #tpu.memory_space<vmem>>
          tpu.vector_store_idx %parallel_loop3A_1374[%add3A_240, %parallel_loop3A_1354], %parallel_loop3A_1364 : memref<32x513xf32, #tpu.memory_space<vmem>>[vector<16xi32>, vector<16xi32>], vector<16xf32>,
        } {sc.loop_unroll_factor = 8 : i64, sc.parallel_access}
        %dma_start3A_243 = arith.constant 0 : i32
        %dma_start3A_244 = arith.constant 0 : i32
        %dma_start3A_245 = arith.constant 0 : i32
        %dma_start3A_246 = arith.constant 0 : i32
        %dma_start3A_247 = tpu.memref_slice %arg7[%dma_start3A_243, %dma_start3A_245, %dma_start3A_246] : memref<2x32x513xf32, #tpu.memory_space<vmem>> -> memref<1x32x512xf32, #tpu.memory_space<vmem>>
        %dma_start3A_248 = tpu.memref_squeeze %dma_start3A_247 : memref<1x32x512xf32, #tpu.memory_space<vmem>> -> memref<32x512xf32, #tpu.memory_space<vmem>>
        %dma_start3A_249 = arith.constant 0 : i32
        %dma_start3A_250 = arith.constant 0 : i32
        %dma_start3A_251 = tpu.memref_slice %arg4[%add3A_50, %dma_start3A_249, %dma_start3A_250] : memref<200x32x4096xf32, #tpu.memory_space<hbm>> -> memref<1x32x512xf32, #tpu.memory_space<hbm>>
        %dma_start3A_252 = tpu.memref_squeeze %dma_start3A_251 : memref<1x32x512xf32, #tpu.memory_space<hbm>> -> memref<32x512xf32, #tpu.memory_space<hbm>>
        %dma_start3A_253 = tpu.memref_slice %arg9[%dma_start3A_244] : memref<2x!tpu.dma_semaphore, #tpu.memory_space<semaphore_mem>> -> memref<1x!tpu.dma_semaphore, #tpu.memory_space<semaphore_mem>>
        %dma_start3A_254 = tpu.memref_squeeze %dma_start3A_253 : memref<1x!tpu.dma_semaphore, #tpu.memory_space<semaphore_mem>> -> memref<!tpu.dma_semaphore, #tpu.memory_space<semaphore_mem>>
        %dma_start3A_255 = arith.constant 0 : i32
        %dma_start3A_256 = arith.constant 0 : i32
        %dma_start3A_257 = tpu.memref_slice %arg4[%add3A_50, %dma_start3A_255, %dma_start3A_256] : memref<200x32x4096xf32, #tpu.memory_space<hbm>> -> memref<1x32x512xf32, #tpu.memory_space<hbm>>
        %dma_start3A_258 = tpu.memref_squeeze %dma_start3A_257 : memref<1x32x512xf32, #tpu.memory_space<hbm>> -> memref<32x512xf32, #tpu.memory_space<hbm>>
        %dma_start3A_259 = arith.constant 0 : i32
        %dma_start3A_260 = arith.constant 0 : i32
        %dma_start3A_261 = tpu.memref_slice %arg7[%dma_start3A_243, %dma_start3A_259, %dma_start3A_260] : memref<2x32x513xf32, #tpu.memory_space<vmem>> -> memref<1x32x512xf32, #tpu.memory_space<vmem>>
        %dma_start3A_262 = tpu.memref_squeeze %dma_start3A_261 : memref<1x32x512xf32, #tpu.memory_space<vmem>> -> memref<32x512xf32, #tpu.memory_space<vmem>>
        tpu.enqueue_dma source(%dma_start3A_262 : memref<32x512xf32, #tpu.memory_space<vmem>>) target(%dma_start3A_258 : memref<32x512xf32, #tpu.memory_space<hbm>>) target_semaphore(%dma_start3A_254 : memref<!tpu.dma_semaphore, #tpu.memory_space<semaphore_mem>>)
        %dma_start3A_263 = arith.constant 8 : i32
        %dma_start3A_264 = arith.constant 0 : i32
        %dma_start3A_265 = arith.constant 0 : i32
        %dma_start3A_266 = arith.constant 0 : i32
        %dma_start3A_267 = arith.constant 0 : i32
        %dma_start3A_268 = tpu.memref_slice %arg6[%dma_start3A_264, %dma_start3A_266, %dma_start3A_267] : memref<2x512x32xf32, #tpu.memory_space<vmem>> -> memref<1x128x32xf32, #tpu.memory_space<vmem>>
        %dma_start3A_269 = tpu.memref_squeeze %dma_start3A_268 : memref<1x128x32xf32, #tpu.memory_space<vmem>> -> memref<128x32xf32, #tpu.memory_space<vmem>>
        %dma_start3A_270 = arith.constant 0 : i32
        %dma_start3A_271 = tpu.memref_slice %arg5[%dma_start3A_263, %dma_start3A_270] : memref<32x128xi32, #tpu.memory_space<vmem>> -> memref<1x128xi32, #tpu.memory_space<vmem>>
        %dma_start3A_272 = tpu.memref_squeeze %dma_start3A_271 : memref<1x128xi32, #tpu.memory_space<vmem>> -> memref<128xi32, #tpu.memory_space<vmem>>
        %dma_start3A_273 = arith.constant 0 : i32
        %dma_start3A_274 = arith.constant 0 : i32
        %dma_start3A_275 = tpu.memref_slice %arg3[%dma_start3A_273, %dma_start3A_274] : memref<1000000x32xf32, #tpu.memory_space<hbm>> -> memref<1000000x32xf32, #tpu.memory_space<hbm>>
        %dma_start3A_276 = tpu.memref_slice %arg8[%dma_start3A_265] : memref<2x!tpu.dma_semaphore, #tpu.memory_space<semaphore_mem>> -> memref<1x!tpu.dma_semaphore, #tpu.memory_space<semaphore_mem>>
        %dma_start3A_277 = tpu.memref_squeeze %dma_start3A_276 : memref<1x!tpu.dma_semaphore, #tpu.memory_space<semaphore_mem>> -> memref<!tpu.dma_semaphore, #tpu.memory_space<semaphore_mem>>
        tpu.enqueue_indirect_dma source(%dma_start3A_275 : memref<1000000x32xf32, #tpu.memory_space<hbm>>) target(%dma_start3A_269 : memref<128x32xf32, #tpu.memory_space<vmem>>) offsets(%dma_start3A_272 : memref<128xi32, #tpu.memory_space<vmem>>) semaphore(%dma_start3A_277 : memref<!tpu.dma_semaphore, #tpu.memory_space<semaphore_mem>>)
        %dma_start3A_278 = arith.constant 9 : i32
        %dma_start3A_279 = arith.constant 0 : i32
        %dma_start3A_280 = arith.constant 0 : i32
        %dma_start3A_281 = arith.constant 128 : i32
        %dma_start3A_282 = arith.constant 0 : i32
        %dma_start3A_283 = tpu.memref_slice %arg6[%dma_start3A_279, %dma_start3A_281, %dma_start3A_282] : memref<2x512x32xf32, #tpu.memory_space<vmem>> -> memref<1x128x32xf32, #tpu.memory_space<vmem>>
        %dma_start3A_284 = tpu.memref_squeeze %dma_start3A_283 : memref<1x128x32xf32, #tpu.memory_space<vmem>> -> memref<128x32xf32, #tpu.memory_space<vmem>>
        %dma_start3A_285 = arith.constant 0 : i32
        %dma_start3A_286 = tpu.memref_slice %arg5[%dma_start3A_278, %dma_start3A_285] : memref<32x128xi32, #tpu.memory_space<vmem>> -> memref<1x128xi32, #tpu.memory_space<vmem>>
        %dma_start3A_287 = tpu.memref_squeeze %dma_start3A_286 : memref<1x128xi32, #tpu.memory_space<vmem>> -> memref<128xi32, #tpu.memory_space<vmem>>
        %dma_start3A_288 = arith.constant 0 : i32
        %dma_start3A_289 = arith.constant 0 : i32
        %dma_start3A_290 = tpu.memref_slice %arg3[%dma_start3A_288, %dma_start3A_289] : memref<1000000x32xf32, #tpu.memory_space<hbm>> -> memref<1000000x32xf32, #tpu.memory_space<hbm>>
        %dma_start3A_291 = tpu.memref_slice %arg8[%dma_start3A_280] : memref<2x!tpu.dma_semaphore, #tpu.memory_space<semaphore_mem>> -> memref<1x!tpu.dma_semaphore, #tpu.memory_space<semaphore_mem>>
        %dma_start3A_292 = tpu.memref_squeeze %dma_start3A_291 : memref<1x!tpu.dma_semaphore, #tpu.memory_space<semaphore_mem>> -> memref<!tpu.dma_semaphore, #tpu.memory_space<semaphore_mem>>
        tpu.enqueue_indirect_dma source(%dma_start3A_290 : memref<1000000x32xf32, #tpu.memory_space<hbm>>) target(%dma_start3A_284 : memref<128x32xf32, #tpu.memory_space<vmem>>) offsets(%dma_start3A_287 : memref<128xi32, #tpu.memory_space<vmem>>) semaphore(%dma_start3A_292 : memref<!tpu.dma_semaphore, #tpu.memory_space<semaphore_mem>>)
        %dma_start3A_293 = arith.constant 10 : i32
        %dma_start3A_294 = arith.constant 0 : i32
        %dma_start3A_295 = arith.constant 0 : i32
        %dma_start3A_296 = arith.constant 256 : i32
        %dma_start3A_297 = arith.constant 0 : i32
        %dma_start3A_298 = tpu.memref_slice %arg6[%dma_start3A_294, %dma_start3A_296, %dma_start3A_297] : memref<2x512x32xf32, #tpu.memory_space<vmem>> -> memref<1x128x32xf32, #tpu.memory_space<vmem>>
        %dma_start3A_299 = tpu.memref_squeeze %dma_start3A_298 : memref<1x128x32xf32, #tpu.memory_space<vmem>> -> memref<128x32xf32, #tpu.memory_space<vmem>>
        %dma_start3A_300 = arith.constant 0 : i32
        %dma_start3A_301 = tpu.memref_slice %arg5[%dma_start3A_293, %dma_start3A_300] : memref<32x128xi32, #tpu.memory_space<vmem>> -> memref<1x128xi32, #tpu.memory_space<vmem>>
        %dma_start3A_302 = tpu.memref_squeeze %dma_start3A_301 : memref<1x128xi32, #tpu.memory_space<vmem>> -> memref<128xi32, #tpu.memory_space<vmem>>
        %dma_start3A_303 = arith.constant 0 : i32
        %dma_start3A_304 = arith.constant 0 : i32
        %dma_start3A_305 = tpu.memref_slice %arg3[%dma_start3A_303, %dma_start3A_304] : memref<1000000x32xf32, #tpu.memory_space<hbm>> -> memref<1000000x32xf32, #tpu.memory_space<hbm>>
        %dma_start3A_306 = tpu.memref_slice %arg8[%dma_start3A_295] : memref<2x!tpu.dma_semaphore, #tpu.memory_space<semaphore_mem>> -> memref<1x!tpu.dma_semaphore, #tpu.memory_space<semaphore_mem>>
        %dma_start3A_307 = tpu.memref_squeeze %dma_start3A_306 : memref<1x!tpu.dma_semaphore, #tpu.memory_space<semaphore_mem>> -> memref<!tpu.dma_semaphore, #tpu.memory_space<semaphore_mem>>
        tpu.enqueue_indirect_dma source(%dma_start3A_305 : memref<1000000x32xf32, #tpu.memory_space<hbm>>) target(%dma_start3A_299 : memref<128x32xf32, #tpu.memory_space<vmem>>) offsets(%dma_start3A_302 : memref<128xi32, #tpu.memory_space<vmem>>) semaphore(%dma_start3A_307 : memref<!tpu.dma_semaphore, #tpu.memory_space<semaphore_mem>>)
        %dma_start3A_308 = arith.constant 11 : i32
        %dma_start3A_309 = arith.constant 0 : i32
        %dma_start3A_310 = arith.constant 0 : i32
        %dma_start3A_311 = arith.constant 384 : i32
        %dma_start3A_312 = arith.constant 0 : i32
        %dma_start3A_313 = tpu.memref_slice %arg6[%dma_start3A_309, %dma_start3A_311, %dma_start3A_312] : memref<2x512x32xf32, #tpu.memory_space<vmem>> -> memref<1x128x32xf32, #tpu.memory_space<vmem>>
        %dma_start3A_314 = tpu.memref_squeeze %dma_start3A_313 : memref<1x128x32xf32, #tpu.memory_space<vmem>> -> memref<128x32xf32, #tpu.memory_space<vmem>>
        %dma_start3A_315 = arith.constant 0 : i32
        %dma_start3A_316 = tpu.memref_slice %arg5[%dma_start3A_308, %dma_start3A_315] : memref<32x128xi32, #tpu.memory_space<vmem>> -> memref<1x128xi32, #tpu.memory_space<vmem>>
        %dma_start3A_317 = tpu.memref_squeeze %dma_start3A_316 : memref<1x128xi32, #tpu.memory_space<vmem>> -> memref<128xi32, #tpu.memory_space<vmem>>
        %dma_start3A_318 = arith.constant 0 : i32
        %dma_start3A_319 = arith.constant 0 : i32
        %dma_start3A_320 = tpu.memref_slice %arg3[%dma_start3A_318, %dma_start3A_319] : memref<1000000x32xf32, #tpu.memory_space<hbm>> -> memref<1000000x32xf32, #tpu.memory_space<hbm>>
        %dma_start3A_321 = tpu.memref_slice %arg8[%dma_start3A_310] : memref<2x!tpu.dma_semaphore, #tpu.memory_space<semaphore_mem>> -> memref<1x!tpu.dma_semaphore, #tpu.memory_space<semaphore_mem>>
        %dma_start3A_322 = tpu.memref_squeeze %dma_start3A_321 : memref<1x!tpu.dma_semaphore, #tpu.memory_space<semaphore_mem>> -> memref<!tpu.dma_semaphore, #tpu.memory_space<semaphore_mem>>
        tpu.enqueue_indirect_dma source(%dma_start3A_320 : memref<1000000x32xf32, #tpu.memory_space<hbm>>) target(%dma_start3A_314 : memref<128x32xf32, #tpu.memory_space<vmem>>) offsets(%dma_start3A_317 : memref<128xi32, #tpu.memory_space<vmem>>) semaphore(%dma_start3A_322 : memref<!tpu.dma_semaphore, #tpu.memory_space<semaphore_mem>>)
        %dma_wait3A_323 = arith.constant 4 : i32
        %dma_wait3A_324 = arith.constant 1 : i32
        %dma_wait3A_325 = arith.constant 1 : i32
        %dma_wait3A_326 = arith.constant 0 : i32
        %dma_wait3A_327 = arith.constant 0 : i32
        %dma_wait3A_328 = tpu.memref_slice %arg6[%dma_wait3A_324, %dma_wait3A_326, %dma_wait3A_327] : memref<2x512x32xf32, #tpu.memory_space<vmem>> -> memref<1x128x32xf32, #tpu.memory_space<vmem>>
        %dma_wait3A_329 = tpu.memref_squeeze %dma_wait3A_328 : memref<1x128x32xf32, #tpu.memory_space<vmem>> -> memref<128x32xf32, #tpu.memory_space<vmem>>
        %dma_wait3A_330 = arith.constant 0 : i32
        %dma_wait3A_331 = tpu.memref_slice %arg5[%dma_wait3A_323, %dma_wait3A_330] : memref<32x128xi32, #tpu.memory_space<vmem>> -> memref<1x128xi32, #tpu.memory_space<vmem>>
        %dma_wait3A_332 = tpu.memref_squeeze %dma_wait3A_331 : memref<1x128xi32, #tpu.memory_space<vmem>> -> memref<128xi32, #tpu.memory_space<vmem>>
        %dma_wait3A_333 = arith.constant 0 : i32
        %dma_wait3A_334 = arith.constant 0 : i32
        %dma_wait3A_335 = tpu.memref_slice %arg3[%dma_wait3A_333, %dma_wait3A_334] : memref<1000000x32xf32, #tpu.memory_space<hbm>> -> memref<1000000x32xf32, #tpu.memory_space<hbm>>
        %dma_wait3A_336 = tpu.memref_slice %arg8[%dma_wait3A_325] : memref<2x!tpu.dma_semaphore, #tpu.memory_space<semaphore_mem>> -> memref<1x!tpu.dma_semaphore, #tpu.memory_space<semaphore_mem>>
        %dma_wait3A_337 = tpu.memref_squeeze %dma_wait3A_336 : memref<1x!tpu.dma_semaphore, #tpu.memory_space<semaphore_mem>> -> memref<!tpu.dma_semaphore, #tpu.memory_space<semaphore_mem>>
        tpu.wait_indirect_dma semaphore(%dma_wait3A_337 : memref<!tpu.dma_semaphore, #tpu.memory_space<semaphore_mem>>) src(%dma_wait3A_335 : memref<1000000x32xf32, #tpu.memory_space<hbm>>) dst(%dma_wait3A_329 : memref<128x32xf32, #tpu.memory_space<vmem>>)
        %dma_wait3A_338 = arith.constant 5 : i32
        %dma_wait3A_339 = arith.constant 1 : i32
        %dma_wait3A_340 = arith.constant 1 : i32
        %dma_wait3A_341 = arith.constant 128 : i32
        %dma_wait3A_342 = arith.constant 0 : i32
        %dma_wait3A_343 = tpu.memref_slice %arg6[%dma_wait3A_339, %dma_wait3A_341, %dma_wait3A_342] : memref<2x512x32xf32, #tpu.memory_space<vmem>> -> memref<1x128x32xf32, #tpu.memory_space<vmem>>
        %dma_wait3A_344 = tpu.memref_squeeze %dma_wait3A_343 : memref<1x128x32xf32, #tpu.memory_space<vmem>> -> memref<128x32xf32, #tpu.memory_space<vmem>>
        %dma_wait3A_345 = arith.constant 0 : i32
        %dma_wait3A_346 = tpu.memref_slice %arg5[%dma_wait3A_338, %dma_wait3A_345] : memref<32x128xi32, #tpu.memory_space<vmem>> -> memref<1x128xi32, #tpu.memory_space<vmem>>
        %dma_wait3A_347 = tpu.memref_squeeze %dma_wait3A_346 : memref<1x128xi32, #tpu.memory_space<vmem>> -> memref<128xi32, #tpu.memory_space<vmem>>
        %dma_wait3A_348 = arith.constant 0 : i32
        %dma_wait3A_349 = arith.constant 0 : i32
        %dma_wait3A_350 = tpu.memref_slice %arg3[%dma_wait3A_348, %dma_wait3A_349] : memref<1000000x32xf32, #tpu.memory_space<hbm>> -> memref<1000000x32xf32, #tpu.memory_space<hbm>>
        %dma_wait3A_351 = tpu.memref_slice %arg8[%dma_wait3A_340] : memref<2x!tpu.dma_semaphore, #tpu.memory_space<semaphore_mem>> -> memref<1x!tpu.dma_semaphore, #tpu.memory_space<semaphore_mem>>
        %dma_wait3A_352 = tpu.memref_squeeze %dma_wait3A_351 : memref<1x!tpu.dma_semaphore, #tpu.memory_space<semaphore_mem>> -> memref<!tpu.dma_semaphore, #tpu.memory_space<semaphore_mem>>
        tpu.wait_indirect_dma semaphore(%dma_wait3A_352 : memref<!tpu.dma_semaphore, #tpu.memory_space<semaphore_mem>>) src(%dma_wait3A_350 : memref<1000000x32xf32, #tpu.memory_space<hbm>>) dst(%dma_wait3A_344 : memref<128x32xf32, #tpu.memory_space<vmem>>)
        %dma_wait3A_353 = arith.constant 6 : i32
        %dma_wait3A_354 = arith.constant 1 : i32
        %dma_wait3A_355 = arith.constant 1 : i32
        %dma_wait3A_356 = arith.constant 256 : i32
        %dma_wait3A_357 = arith.constant 0 : i32
        %dma_wait3A_358 = tpu.memref_slice %arg6[%dma_wait3A_354, %dma_wait3A_356, %dma_wait3A_357] : memref<2x512x32xf32, #tpu.memory_space<vmem>> -> memref<1x128x32xf32, #tpu.memory_space<vmem>>
        %dma_wait3A_359 = tpu.memref_squeeze %dma_wait3A_358 : memref<1x128x32xf32, #tpu.memory_space<vmem>> -> memref<128x32xf32, #tpu.memory_space<vmem>>
        %dma_wait3A_360 = arith.constant 0 : i32
        %dma_wait3A_361 = tpu.memref_slice %arg5[%dma_wait3A_353, %dma_wait3A_360] : memref<32x128xi32, #tpu.memory_space<vmem>> -> memref<1x128xi32, #tpu.memory_space<vmem>>
        %dma_wait3A_362 = tpu.memref_squeeze %dma_wait3A_361 : memref<1x128xi32, #tpu.memory_space<vmem>> -> memref<128xi32, #tpu.memory_space<vmem>>
        %dma_wait3A_363 = arith.constant 0 : i32
        %dma_wait3A_364 = arith.constant 0 : i32
        %dma_wait3A_365 = tpu.memref_slice %arg3[%dma_wait3A_363, %dma_wait3A_364] : memref<1000000x32xf32, #tpu.memory_space<hbm>> -> memref<1000000x32xf32, #tpu.memory_space<hbm>>
        %dma_wait3A_366 = tpu.memref_slice %arg8[%dma_wait3A_355] : memref<2x!tpu.dma_semaphore, #tpu.memory_space<semaphore_mem>> -> memref<1x!tpu.dma_semaphore, #tpu.memory_space<semaphore_mem>>
        %dma_wait3A_367 = tpu.memref_squeeze %dma_wait3A_366 : memref<1x!tpu.dma_semaphore, #tpu.memory_space<semaphore_mem>> -> memref<!tpu.dma_semaphore, #tpu.memory_space<semaphore_mem>>
        tpu.wait_indirect_dma semaphore(%dma_wait3A_367 : memref<!tpu.dma_semaphore, #tpu.memory_space<semaphore_mem>>) src(%dma_wait3A_365 : memref<1000000x32xf32, #tpu.memory_space<hbm>>) dst(%dma_wait3A_359 : memref<128x32xf32, #tpu.memory_space<vmem>>)
        %dma_wait3A_368 = arith.constant 7 : i32
        %dma_wait3A_369 = arith.constant 1 : i32
        %dma_wait3A_370 = arith.constant 1 : i32
        %dma_wait3A_371 = arith.constant 384 : i32
        %dma_wait3A_372 = arith.constant 0 : i32
        %dma_wait3A_373 = tpu.memref_slice %arg6[%dma_wait3A_369, %dma_wait3A_371, %dma_wait3A_372] : memref<2x512x32xf32, #tpu.memory_space<vmem>> -> memref<1x128x32xf32, #tpu.memory_space<vmem>>
        %dma_wait3A_374 = tpu.memref_squeeze %dma_wait3A_373 : memref<1x128x32xf32, #tpu.memory_space<vmem>> -> memref<128x32xf32, #tpu.memory_space<vmem>>
        %dma_wait3A_375 = arith.constant 0 : i32
        %dma_wait3A_376 = tpu.memref_slice %arg5[%dma_wait3A_368, %dma_wait3A_375] : memref<32x128xi32, #tpu.memory_space<vmem>> -> memref<1x128xi32, #tpu.memory_space<vmem>>
        %dma_wait3A_377 = tpu.memref_squeeze %dma_wait3A_376 : memref<1x128xi32, #tpu.memory_space<vmem>> -> memref<128xi32, #tpu.memory_space<vmem>>
        %dma_wait3A_378 = arith.constant 0 : i32
        %dma_wait3A_379 = arith.constant 0 : i32
        %dma_wait3A_380 = tpu.memref_slice %arg3[%dma_wait3A_378, %dma_wait3A_379] : memref<1000000x32xf32, #tpu.memory_space<hbm>> -> memref<1000000x32xf32, #tpu.memory_space<hbm>>
        %dma_wait3A_381 = tpu.memref_slice %arg8[%dma_wait3A_370] : memref<2x!tpu.dma_semaphore, #tpu.memory_space<semaphore_mem>> -> memref<1x!tpu.dma_semaphore, #tpu.memory_space<semaphore_mem>>
        %dma_wait3A_382 = tpu.memref_squeeze %dma_wait3A_381 : memref<1x!tpu.dma_semaphore, #tpu.memory_space<semaphore_mem>> -> memref<!tpu.dma_semaphore, #tpu.memory_space<semaphore_mem>>
        tpu.wait_indirect_dma semaphore(%dma_wait3A_382 : memref<!tpu.dma_semaphore, #tpu.memory_space<semaphore_mem>>) src(%dma_wait3A_380 : memref<1000000x32xf32, #tpu.memory_space<hbm>>) dst(%dma_wait3A_374 : memref<128x32xf32, #tpu.memory_space<vmem>>)
        %gt3A_383 = arith.constant 0 : i32
        %gt3A_384 = arith.cmpi sgt, %scan3A_47, %gt3A_383 : i32
        %convert_element_type3A_385 = arith.extui %gt3A_384 : i1 to i32
        %cond3A_386 = arith.constant 0 : i32
        %cond3A_387 = arith.cmpi ne, %convert_element_type3A_385, %cond3A_386 : i32
        scf.if %cond3A_387 {
          %dma_wait3A_1350 = arith.constant 1 : i32
          %dma_wait3A_1351 = arith.constant 1 : i32
          %dma_wait3A_1352 = arith.constant 0 : i32
          %dma_wait3A_1353 = arith.constant 0 : i32
          %dma_wait3A_1354 = tpu.memref_slice %arg7[%dma_wait3A_1350, %dma_wait3A_1352, %dma_wait3A_1353] : memref<2x32x513xf32, #tpu.memory_space<vmem>> -> memref<1x32x512xf32, #tpu.memory_space<vmem>>
          %dma_wait3A_1355 = tpu.memref_squeeze %dma_wait3A_1354 : memref<1x32x512xf32, #tpu.memory_space<vmem>> -> memref<32x512xf32, #tpu.memory_space<vmem>>
          %dma_wait3A_1356 = arith.constant 0 : i32
          %dma_wait3A_1357 = arith.constant 512 : i32
          %dma_wait3A_1358 = tpu.memref_slice %arg4[%add3A_50, %dma_wait3A_1356, %dma_wait3A_1357] : memref<200x32x4096xf32, #tpu.memory_space<hbm>> -> memref<1x32x512xf32, #tpu.memory_space<hbm>>
          %dma_wait3A_1359 = tpu.memref_squeeze %dma_wait3A_1358 : memref<1x32x512xf32, #tpu.memory_space<hbm>> -> memref<32x512xf32, #tpu.memory_space<hbm>>
          %dma_wait3A_1360 = tpu.memref_slice %arg9[%dma_wait3A_1351] : memref<2x!tpu.dma_semaphore, #tpu.memory_space<semaphore_mem>> -> memref<1x!tpu.dma_semaphore, #tpu.memory_space<semaphore_mem>>
          %dma_wait3A_1361 = tpu.memref_squeeze %dma_wait3A_1360 : memref<1x!tpu.dma_semaphore, #tpu.memory_space<semaphore_mem>> -> memref<!tpu.dma_semaphore, #tpu.memory_space<semaphore_mem>>
          %dma_wait3A_1362 = arith.constant 0 : i32
          %dma_wait3A_1363 = arith.constant 512 : i32
          %dma_wait3A_1364 = tpu.memref_slice %arg4[%add3A_50, %dma_wait3A_1362, %dma_wait3A_1363] : memref<200x32x4096xf32, #tpu.memory_space<hbm>> -> memref<1x32x512xf32, #tpu.memory_space<hbm>>
          %dma_wait3A_1365 = tpu.memref_squeeze %dma_wait3A_1364 : memref<1x32x512xf32, #tpu.memory_space<hbm>> -> memref<32x512xf32, #tpu.memory_space<hbm>>
          %dma_wait3A_1366 = arith.constant 0 : i32
          %dma_wait3A_1367 = arith.constant 0 : i32
          %dma_wait3A_1368 = tpu.memref_slice %arg7[%dma_wait3A_1350, %dma_wait3A_1366, %dma_wait3A_1367] : memref<2x32x513xf32, #tpu.memory_space<vmem>> -> memref<1x32x512xf32, #tpu.memory_space<vmem>>
          %dma_wait3A_1369 = tpu.memref_squeeze %dma_wait3A_1368 : memref<1x32x512xf32, #tpu.memory_space<vmem>> -> memref<32x512xf32, #tpu.memory_space<vmem>>
          tpu.wait_dma2 semaphore(%dma_wait3A_1361 : memref<!tpu.dma_semaphore, #tpu.memory_space<semaphore_mem>>) src(%dma_wait3A_1369 : memref<32x512xf32, #tpu.memory_space<vmem>>) dst(%dma_wait3A_1365 : memref<32x512xf32, #tpu.memory_space<hbm>>)
        } else {
        }
        %add3A_388 = arith.constant 16 : i32
        %add3A_389 = vector.broadcast %add3A_388 : i32 to vector<16xi32>
        %add3A_390 = arith.addi %iota3A, %add3A_389 : vector<16xi32>
        %parallel_loop3A_391 = arith.constant 0 : i32
        %parallel_loop3A_392 = arith.constant 512 : i32
        %parallel_loop3A_393 = arith.constant 1 : i32
        scf.for %parallel_loop3A_1350 = %parallel_loop3A_391 to %parallel_loop3A_392 step %parallel_loop3A_393  : i32 {
          %parallel_loop3A_1351 = arith.constant 0 : i32
          %parallel_loop3A_1352 = vector.broadcast %parallel_loop3A_1351 : i32 to vector<16xi32>
          %parallel_loop3A_1353 = vector.broadcast %parallel_loop3A_1350 : i32 to vector<16xi32>
          %parallel_loop3A_1354 = arith.addi %parallel_loop3A_1352, %parallel_loop3A_1353 : vector<16xi32>
          %parallel_loop3A_1355 = arith.constant 1 : i32
          %parallel_loop3A_1356 = arith.index_cast %parallel_loop3A_1355 : i32 to index
          %parallel_loop3A_1357 = arith.index_cast %parallel_loop3A_1350 : i32 to index
          %parallel_loop3A_1358 = arith.constant 0 : index
          %parallel_loop3A_1359 = tpu.vector_load %arg6[%parallel_loop3A_1356, %parallel_loop3A_1357, %parallel_loop3A_1358] {strides = array<i32>} : memref<2x512x32xf32, #tpu.memory_space<vmem>>, vector<16xf32>,
          %parallel_loop3A_1360 = arith.constant 1 : i32
          %parallel_loop3A_1361 = arith.index_cast %parallel_loop3A_1360 : i32 to index
          %parallel_loop3A_1362 = arith.index_cast %parallel_loop3A_1350 : i32 to index
          %parallel_loop3A_1363 = arith.constant 16 : index
          %parallel_loop3A_1364 = tpu.vector_load %arg6[%parallel_loop3A_1361, %parallel_loop3A_1362, %parallel_loop3A_1363] {strides = array<i32>} : memref<2x512x32xf32, #tpu.memory_space<vmem>>, vector<16xf32>,
          %parallel_loop3A_1365 = arith.constant 1 : i32
          %parallel_loop3A_1366 = arith.constant 0 : i32
          %parallel_loop3A_1367 = arith.constant 0 : i32
          %parallel_loop3A_1368 = tpu.memref_slice %arg7[%parallel_loop3A_1365, %parallel_loop3A_1366, %parallel_loop3A_1367] : memref<2x32x513xf32, #tpu.memory_space<vmem>> -> memref<1x32x513xf32, #tpu.memory_space<vmem>>
          %parallel_loop3A_1369 = tpu.memref_squeeze %parallel_loop3A_1368 : memref<1x32x513xf32, #tpu.memory_space<vmem>> -> memref<32x513xf32, #tpu.memory_space<vmem>>
          tpu.vector_store_idx %parallel_loop3A_1369[%iota3A, %parallel_loop3A_1354], %parallel_loop3A_1359 : memref<32x513xf32, #tpu.memory_space<vmem>>[vector<16xi32>, vector<16xi32>], vector<16xf32>,
          %parallel_loop3A_1370 = arith.constant 1 : i32
          %parallel_loop3A_1371 = arith.constant 0 : i32
          %parallel_loop3A_1372 = arith.constant 0 : i32
          %parallel_loop3A_1373 = tpu.memref_slice %arg7[%parallel_loop3A_1370, %parallel_loop3A_1371, %parallel_loop3A_1372] : memref<2x32x513xf32, #tpu.memory_space<vmem>> -> memref<1x32x513xf32, #tpu.memory_space<vmem>>
          %parallel_loop3A_1374 = tpu.memref_squeeze %parallel_loop3A_1373 : memref<1x32x513xf32, #tpu.memory_space<vmem>> -> memref<32x513xf32, #tpu.memory_space<vmem>>
          tpu.vector_store_idx %parallel_loop3A_1374[%add3A_390, %parallel_loop3A_1354], %parallel_loop3A_1364 : memref<32x513xf32, #tpu.memory_space<vmem>>[vector<16xi32>, vector<16xi32>], vector<16xf32>,
        } {sc.loop_unroll_factor = 8 : i64, sc.parallel_access}
        %dma_start3A_394 = arith.constant 1 : i32
        %dma_start3A_395 = arith.constant 1 : i32
        %dma_start3A_396 = arith.constant 0 : i32
        %dma_start3A_397 = arith.constant 0 : i32
        %dma_start3A_398 = tpu.memref_slice %arg7[%dma_start3A_394, %dma_start3A_396, %dma_start3A_397] : memref<2x32x513xf32, #tpu.memory_space<vmem>> -> memref<1x32x512xf32, #tpu.memory_space<vmem>>
        %dma_start3A_399 = tpu.memref_squeeze %dma_start3A_398 : memref<1x32x512xf32, #tpu.memory_space<vmem>> -> memref<32x512xf32, #tpu.memory_space<vmem>>
        %dma_start3A_400 = arith.constant 0 : i32
        %dma_start3A_401 = arith.constant 512 : i32
        %dma_start3A_402 = tpu.memref_slice %arg4[%add3A_50, %dma_start3A_400, %dma_start3A_401] : memref<200x32x4096xf32, #tpu.memory_space<hbm>> -> memref<1x32x512xf32, #tpu.memory_space<hbm>>
        %dma_start3A_403 = tpu.memref_squeeze %dma_start3A_402 : memref<1x32x512xf32, #tpu.memory_space<hbm>> -> memref<32x512xf32, #tpu.memory_space<hbm>>
        %dma_start3A_404 = tpu.memref_slice %arg9[%dma_start3A_395] : memref<2x!tpu.dma_semaphore, #tpu.memory_space<semaphore_mem>> -> memref<1x!tpu.dma_semaphore, #tpu.memory_space<semaphore_mem>>
        %dma_start3A_405 = tpu.memref_squeeze %dma_start3A_404 : memref<1x!tpu.dma_semaphore, #tpu.memory_space<semaphore_mem>> -> memref<!tpu.dma_semaphore, #tpu.memory_space<semaphore_mem>>
        %dma_start3A_406 = arith.constant 0 : i32
        %dma_start3A_407 = arith.constant 512 : i32
        %dma_start3A_408 = tpu.memref_slice %arg4[%add3A_50, %dma_start3A_406, %dma_start3A_407] : memref<200x32x4096xf32, #tpu.memory_space<hbm>> -> memref<1x32x512xf32, #tpu.memory_space<hbm>>
        %dma_start3A_409 = tpu.memref_squeeze %dma_start3A_408 : memref<1x32x512xf32, #tpu.memory_space<hbm>> -> memref<32x512xf32, #tpu.memory_space<hbm>>
        %dma_start3A_410 = arith.constant 0 : i32
        %dma_start3A_411 = arith.constant 0 : i32
        %dma_start3A_412 = tpu.memref_slice %arg7[%dma_start3A_394, %dma_start3A_410, %dma_start3A_411] : memref<2x32x513xf32, #tpu.memory_space<vmem>> -> memref<1x32x512xf32, #tpu.memory_space<vmem>>
        %dma_start3A_413 = tpu.memref_squeeze %dma_start3A_412 : memref<1x32x512xf32, #tpu.memory_space<vmem>> -> memref<32x512xf32, #tpu.memory_space<vmem>>
        tpu.enqueue_dma source(%dma_start3A_413 : memref<32x512xf32, #tpu.memory_space<vmem>>) target(%dma_start3A_409 : memref<32x512xf32, #tpu.memory_space<hbm>>) target_semaphore(%dma_start3A_405 : memref<!tpu.dma_semaphore, #tpu.memory_space<semaphore_mem>>)
        %dma_start3A_414 = arith.constant 12 : i32
        %dma_start3A_415 = arith.constant 1 : i32
        %dma_start3A_416 = arith.constant 1 : i32
        %dma_start3A_417 = arith.constant 0 : i32
        %dma_start3A_418 = arith.constant 0 : i32
        %dma_start3A_419 = tpu.memref_slice %arg6[%dma_start3A_415, %dma_start3A_417, %dma_start3A_418] : memref<2x512x32xf32, #tpu.memory_space<vmem>> -> memref<1x128x32xf32, #tpu.memory_space<vmem>>
        %dma_start3A_420 = tpu.memref_squeeze %dma_start3A_419 : memref<1x128x32xf32, #tpu.memory_space<vmem>> -> memref<128x32xf32, #tpu.memory_space<vmem>>
        %dma_start3A_421 = arith.constant 0 : i32
        %dma_start3A_422 = tpu.memref_slice %arg5[%dma_start3A_414, %dma_start3A_421] : memref<32x128xi32, #tpu.memory_space<vmem>> -> memref<1x128xi32, #tpu.memory_space<vmem>>
        %dma_start3A_423 = tpu.memref_squeeze %dma_start3A_422 : memref<1x128xi32, #tpu.memory_space<vmem>> -> memref<128xi32, #tpu.memory_space<vmem>>
        %dma_start3A_424 = arith.constant 0 : i32
        %dma_start3A_425 = arith.constant 0 : i32
        %dma_start3A_426 = tpu.memref_slice %arg3[%dma_start3A_424, %dma_start3A_425] : memref<1000000x32xf32, #tpu.memory_space<hbm>> -> memref<1000000x32xf32, #tpu.memory_space<hbm>>
        %dma_start3A_427 = tpu.memref_slice %arg8[%dma_start3A_416] : memref<2x!tpu.dma_semaphore, #tpu.memory_space<semaphore_mem>> -> memref<1x!tpu.dma_semaphore, #tpu.memory_space<semaphore_mem>>
        %dma_start3A_428 = tpu.memref_squeeze %dma_start3A_427 : memref<1x!tpu.dma_semaphore, #tpu.memory_space<semaphore_mem>> -> memref<!tpu.dma_semaphore, #tpu.memory_space<semaphore_mem>>
        tpu.enqueue_indirect_dma source(%dma_start3A_426 : memref<1000000x32xf32, #tpu.memory_space<hbm>>) target(%dma_start3A_420 : memref<128x32xf32, #tpu.memory_space<vmem>>) offsets(%dma_start3A_423 : memref<128xi32, #tpu.memory_space<vmem>>) semaphore(%dma_start3A_428 : memref<!tpu.dma_semaphore, #tpu.memory_space<semaphore_mem>>)
        %dma_start3A_429 = arith.constant 13 : i32
        %dma_start3A_430 = arith.constant 1 : i32
        %dma_start3A_431 = arith.constant 1 : i32
        %dma_start3A_432 = arith.constant 128 : i32
        %dma_start3A_433 = arith.constant 0 : i32
        %dma_start3A_434 = tpu.memref_slice %arg6[%dma_start3A_430, %dma_start3A_432, %dma_start3A_433] : memref<2x512x32xf32, #tpu.memory_space<vmem>> -> memref<1x128x32xf32, #tpu.memory_space<vmem>>
        %dma_start3A_435 = tpu.memref_squeeze %dma_start3A_434 : memref<1x128x32xf32, #tpu.memory_space<vmem>> -> memref<128x32xf32, #tpu.memory_space<vmem>>
        %dma_start3A_436 = arith.constant 0 : i32
        %dma_start3A_437 = tpu.memref_slice %arg5[%dma_start3A_429, %dma_start3A_436] : memref<32x128xi32, #tpu.memory_space<vmem>> -> memref<1x128xi32, #tpu.memory_space<vmem>>
        %dma_start3A_438 = tpu.memref_squeeze %dma_start3A_437 : memref<1x128xi32, #tpu.memory_space<vmem>> -> memref<128xi32, #tpu.memory_space<vmem>>
        %dma_start3A_439 = arith.constant 0 : i32
        %dma_start3A_440 = arith.constant 0 : i32
        %dma_start3A_441 = tpu.memref_slice %arg3[%dma_start3A_439, %dma_start3A_440] : memref<1000000x32xf32, #tpu.memory_space<hbm>> -> memref<1000000x32xf32, #tpu.memory_space<hbm>>
        %dma_start3A_442 = tpu.memref_slice %arg8[%dma_start3A_431] : memref<2x!tpu.dma_semaphore, #tpu.memory_space<semaphore_mem>> -> memref<1x!tpu.dma_semaphore, #tpu.memory_space<semaphore_mem>>
        %dma_start3A_443 = tpu.memref_squeeze %dma_start3A_442 : memref<1x!tpu.dma_semaphore, #tpu.memory_space<semaphore_mem>> -> memref<!tpu.dma_semaphore, #tpu.memory_space<semaphore_mem>>
        tpu.enqueue_indirect_dma source(%dma_start3A_441 : memref<1000000x32xf32, #tpu.memory_space<hbm>>) target(%dma_start3A_435 : memref<128x32xf32, #tpu.memory_space<vmem>>) offsets(%dma_start3A_438 : memref<128xi32, #tpu.memory_space<vmem>>) semaphore(%dma_start3A_443 : memref<!tpu.dma_semaphore, #tpu.memory_space<semaphore_mem>>)
        %dma_start3A_444 = arith.constant 14 : i32
        %dma_start3A_445 = arith.constant 1 : i32
        %dma_start3A_446 = arith.constant 1 : i32
        %dma_start3A_447 = arith.constant 256 : i32
        %dma_start3A_448 = arith.constant 0 : i32
        %dma_start3A_449 = tpu.memref_slice %arg6[%dma_start3A_445, %dma_start3A_447, %dma_start3A_448] : memref<2x512x32xf32, #tpu.memory_space<vmem>> -> memref<1x128x32xf32, #tpu.memory_space<vmem>>
        %dma_start3A_450 = tpu.memref_squeeze %dma_start3A_449 : memref<1x128x32xf32, #tpu.memory_space<vmem>> -> memref<128x32xf32, #tpu.memory_space<vmem>>
        %dma_start3A_451 = arith.constant 0 : i32
        %dma_start3A_452 = tpu.memref_slice %arg5[%dma_start3A_444, %dma_start3A_451] : memref<32x128xi32, #tpu.memory_space<vmem>> -> memref<1x128xi32, #tpu.memory_space<vmem>>
        %dma_start3A_453 = tpu.memref_squeeze %dma_start3A_452 : memref<1x128xi32, #tpu.memory_space<vmem>> -> memref<128xi32, #tpu.memory_space<vmem>>
        %dma_start3A_454 = arith.constant 0 : i32
        %dma_start3A_455 = arith.constant 0 : i32
        %dma_start3A_456 = tpu.memref_slice %arg3[%dma_start3A_454, %dma_start3A_455] : memref<1000000x32xf32, #tpu.memory_space<hbm>> -> memref<1000000x32xf32, #tpu.memory_space<hbm>>
        %dma_start3A_457 = tpu.memref_slice %arg8[%dma_start3A_446] : memref<2x!tpu.dma_semaphore, #tpu.memory_space<semaphore_mem>> -> memref<1x!tpu.dma_semaphore, #tpu.memory_space<semaphore_mem>>
        %dma_start3A_458 = tpu.memref_squeeze %dma_start3A_457 : memref<1x!tpu.dma_semaphore, #tpu.memory_space<semaphore_mem>> -> memref<!tpu.dma_semaphore, #tpu.memory_space<semaphore_mem>>
        tpu.enqueue_indirect_dma source(%dma_start3A_456 : memref<1000000x32xf32, #tpu.memory_space<hbm>>) target(%dma_start3A_450 : memref<128x32xf32, #tpu.memory_space<vmem>>) offsets(%dma_start3A_453 : memref<128xi32, #tpu.memory_space<vmem>>) semaphore(%dma_start3A_458 : memref<!tpu.dma_semaphore, #tpu.memory_space<semaphore_mem>>)
        %dma_start3A_459 = arith.constant 15 : i32
        %dma_start3A_460 = arith.constant 1 : i32
        %dma_start3A_461 = arith.constant 1 : i32
        %dma_start3A_462 = arith.constant 384 : i32
        %dma_start3A_463 = arith.constant 0 : i32
        %dma_start3A_464 = tpu.memref_slice %arg6[%dma_start3A_460, %dma_start3A_462, %dma_start3A_463] : memref<2x512x32xf32, #tpu.memory_space<vmem>> -> memref<1x128x32xf32, #tpu.memory_space<vmem>>
        %dma_start3A_465 = tpu.memref_squeeze %dma_start3A_464 : memref<1x128x32xf32, #tpu.memory_space<vmem>> -> memref<128x32xf32, #tpu.memory_space<vmem>>
        %dma_start3A_466 = arith.constant 0 : i32
        %dma_start3A_467 = tpu.memref_slice %arg5[%dma_start3A_459, %dma_start3A_466] : memref<32x128xi32, #tpu.memory_space<vmem>> -> memref<1x128xi32, #tpu.memory_space<vmem>>
        %dma_start3A_468 = tpu.memref_squeeze %dma_start3A_467 : memref<1x128xi32, #tpu.memory_space<vmem>> -> memref<128xi32, #tpu.memory_space<vmem>>
        %dma_start3A_469 = arith.constant 0 : i32
        %dma_start3A_470 = arith.constant 0 : i32
        %dma_start3A_471 = tpu.memref_slice %arg3[%dma_start3A_469, %dma_start3A_470] : memref<1000000x32xf32, #tpu.memory_space<hbm>> -> memref<1000000x32xf32, #tpu.memory_space<hbm>>
        %dma_start3A_472 = tpu.memref_slice %arg8[%dma_start3A_461] : memref<2x!tpu.dma_semaphore, #tpu.memory_space<semaphore_mem>> -> memref<1x!tpu.dma_semaphore, #tpu.memory_space<semaphore_mem>>
        %dma_start3A_473 = tpu.memref_squeeze %dma_start3A_472 : memref<1x!tpu.dma_semaphore, #tpu.memory_space<semaphore_mem>> -> memref<!tpu.dma_semaphore, #tpu.memory_space<semaphore_mem>>
        tpu.enqueue_indirect_dma source(%dma_start3A_471 : memref<1000000x32xf32, #tpu.memory_space<hbm>>) target(%dma_start3A_465 : memref<128x32xf32, #tpu.memory_space<vmem>>) offsets(%dma_start3A_468 : memref<128xi32, #tpu.memory_space<vmem>>) semaphore(%dma_start3A_473 : memref<!tpu.dma_semaphore, #tpu.memory_space<semaphore_mem>>)
        %dma_wait3A_474 = arith.constant 8 : i32
        %dma_wait3A_475 = arith.constant 0 : i32
        %dma_wait3A_476 = arith.constant 0 : i32
        %dma_wait3A_477 = arith.constant 0 : i32
        %dma_wait3A_478 = arith.constant 0 : i32
        %dma_wait3A_479 = tpu.memref_slice %arg6[%dma_wait3A_475, %dma_wait3A_477, %dma_wait3A_478] : memref<2x512x32xf32, #tpu.memory_space<vmem>> -> memref<1x128x32xf32, #tpu.memory_space<vmem>>
        %dma_wait3A_480 = tpu.memref_squeeze %dma_wait3A_479 : memref<1x128x32xf32, #tpu.memory_space<vmem>> -> memref<128x32xf32, #tpu.memory_space<vmem>>
        %dma_wait3A_481 = arith.constant 0 : i32
        %dma_wait3A_482 = tpu.memref_slice %arg5[%dma_wait3A_474, %dma_wait3A_481] : memref<32x128xi32, #tpu.memory_space<vmem>> -> memref<1x128xi32, #tpu.memory_space<vmem>>
        %dma_wait3A_483 = tpu.memref_squeeze %dma_wait3A_482 : memref<1x128xi32, #tpu.memory_space<vmem>> -> memref<128xi32, #tpu.memory_space<vmem>>
        %dma_wait3A_484 = arith.constant 0 : i32
        %dma_wait3A_485 = arith.constant 0 : i32
        %dma_wait3A_486 = tpu.memref_slice %arg3[%dma_wait3A_484, %dma_wait3A_485] : memref<1000000x32xf32, #tpu.memory_space<hbm>> -> memref<1000000x32xf32, #tpu.memory_space<hbm>>
        %dma_wait3A_487 = tpu.memref_slice %arg8[%dma_wait3A_476] : memref<2x!tpu.dma_semaphore, #tpu.memory_space<semaphore_mem>> -> memref<1x!tpu.dma_semaphore, #tpu.memory_space<semaphore_mem>>
        %dma_wait3A_488 = tpu.memref_squeeze %dma_wait3A_487 : memref<1x!tpu.dma_semaphore, #tpu.memory_space<semaphore_mem>> -> memref<!tpu.dma_semaphore, #tpu.memory_space<semaphore_mem>>
        tpu.wait_indirect_dma semaphore(%dma_wait3A_488 : memref<!tpu.dma_semaphore, #tpu.memory_space<semaphore_mem>>) src(%dma_wait3A_486 : memref<1000000x32xf32, #tpu.memory_space<hbm>>) dst(%dma_wait3A_480 : memref<128x32xf32, #tpu.memory_space<vmem>>)
        %dma_wait3A_489 = arith.constant 9 : i32
        %dma_wait3A_490 = arith.constant 0 : i32
        %dma_wait3A_491 = arith.constant 0 : i32
        %dma_wait3A_492 = arith.constant 128 : i32
        %dma_wait3A_493 = arith.constant 0 : i32
        %dma_wait3A_494 = tpu.memref_slice %arg6[%dma_wait3A_490, %dma_wait3A_492, %dma_wait3A_493] : memref<2x512x32xf32, #tpu.memory_space<vmem>> -> memref<1x128x32xf32, #tpu.memory_space<vmem>>
        %dma_wait3A_495 = tpu.memref_squeeze %dma_wait3A_494 : memref<1x128x32xf32, #tpu.memory_space<vmem>> -> memref<128x32xf32, #tpu.memory_space<vmem>>
        %dma_wait3A_496 = arith.constant 0 : i32
        %dma_wait3A_497 = tpu.memref_slice %arg5[%dma_wait3A_489, %dma_wait3A_496] : memref<32x128xi32, #tpu.memory_space<vmem>> -> memref<1x128xi32, #tpu.memory_space<vmem>>
        %dma_wait3A_498 = tpu.memref_squeeze %dma_wait3A_497 : memref<1x128xi32, #tpu.memory_space<vmem>> -> memref<128xi32, #tpu.memory_space<vmem>>
        %dma_wait3A_499 = arith.constant 0 : i32
        %dma_wait3A_500 = arith.constant 0 : i32
        %dma_wait3A_501 = tpu.memref_slice %arg3[%dma_wait3A_499, %dma_wait3A_500] : memref<1000000x32xf32, #tpu.memory_space<hbm>> -> memref<1000000x32xf32, #tpu.memory_space<hbm>>
        %dma_wait3A_502 = tpu.memref_slice %arg8[%dma_wait3A_491] : memref<2x!tpu.dma_semaphore, #tpu.memory_space<semaphore_mem>> -> memref<1x!tpu.dma_semaphore, #tpu.memory_space<semaphore_mem>>
        %dma_wait3A_503 = tpu.memref_squeeze %dma_wait3A_502 : memref<1x!tpu.dma_semaphore, #tpu.memory_space<semaphore_mem>> -> memref<!tpu.dma_semaphore, #tpu.memory_space<semaphore_mem>>
        tpu.wait_indirect_dma semaphore(%dma_wait3A_503 : memref<!tpu.dma_semaphore, #tpu.memory_space<semaphore_mem>>) src(%dma_wait3A_501 : memref<1000000x32xf32, #tpu.memory_space<hbm>>) dst(%dma_wait3A_495 : memref<128x32xf32, #tpu.memory_space<vmem>>)
        %dma_wait3A_504 = arith.constant 10 : i32
        %dma_wait3A_505 = arith.constant 0 : i32
        %dma_wait3A_506 = arith.constant 0 : i32
        %dma_wait3A_507 = arith.constant 256 : i32
        %dma_wait3A_508 = arith.constant 0 : i32
        %dma_wait3A_509 = tpu.memref_slice %arg6[%dma_wait3A_505, %dma_wait3A_507, %dma_wait3A_508] : memref<2x512x32xf32, #tpu.memory_space<vmem>> -> memref<1x128x32xf32, #tpu.memory_space<vmem>>
        %dma_wait3A_510 = tpu.memref_squeeze %dma_wait3A_509 : memref<1x128x32xf32, #tpu.memory_space<vmem>> -> memref<128x32xf32, #tpu.memory_space<vmem>>
        %dma_wait3A_511 = arith.constant 0 : i32
        %dma_wait3A_512 = tpu.memref_slice %arg5[%dma_wait3A_504, %dma_wait3A_511] : memref<32x128xi32, #tpu.memory_space<vmem>> -> memref<1x128xi32, #tpu.memory_space<vmem>>
        %dma_wait3A_513 = tpu.memref_squeeze %dma_wait3A_512 : memref<1x128xi32, #tpu.memory_space<vmem>> -> memref<128xi32, #tpu.memory_space<vmem>>
        %dma_wait3A_514 = arith.constant 0 : i32
        %dma_wait3A_515 = arith.constant 0 : i32
        %dma_wait3A_516 = tpu.memref_slice %arg3[%dma_wait3A_514, %dma_wait3A_515] : memref<1000000x32xf32, #tpu.memory_space<hbm>> -> memref<1000000x32xf32, #tpu.memory_space<hbm>>
        %dma_wait3A_517 = tpu.memref_slice %arg8[%dma_wait3A_506] : memref<2x!tpu.dma_semaphore, #tpu.memory_space<semaphore_mem>> -> memref<1x!tpu.dma_semaphore, #tpu.memory_space<semaphore_mem>>
        %dma_wait3A_518 = tpu.memref_squeeze %dma_wait3A_517 : memref<1x!tpu.dma_semaphore, #tpu.memory_space<semaphore_mem>> -> memref<!tpu.dma_semaphore, #tpu.memory_space<semaphore_mem>>
        tpu.wait_indirect_dma semaphore(%dma_wait3A_518 : memref<!tpu.dma_semaphore, #tpu.memory_space<semaphore_mem>>) src(%dma_wait3A_516 : memref<1000000x32xf32, #tpu.memory_space<hbm>>) dst(%dma_wait3A_510 : memref<128x32xf32, #tpu.memory_space<vmem>>)
        %dma_wait3A_519 = arith.constant 11 : i32
        %dma_wait3A_520 = arith.constant 0 : i32
        %dma_wait3A_521 = arith.constant 0 : i32
        %dma_wait3A_522 = arith.constant 384 : i32
        %dma_wait3A_523 = arith.constant 0 : i32
        %dma_wait3A_524 = tpu.memref_slice %arg6[%dma_wait3A_520, %dma_wait3A_522, %dma_wait3A_523] : memref<2x512x32xf32, #tpu.memory_space<vmem>> -> memref<1x128x32xf32, #tpu.memory_space<vmem>>
        %dma_wait3A_525 = tpu.memref_squeeze %dma_wait3A_524 : memref<1x128x32xf32, #tpu.memory_space<vmem>> -> memref<128x32xf32, #tpu.memory_space<vmem>>
        %dma_wait3A_526 = arith.constant 0 : i32
        %dma_wait3A_527 = tpu.memref_slice %arg5[%dma_wait3A_519, %dma_wait3A_526] : memref<32x128xi32, #tpu.memory_space<vmem>> -> memref<1x128xi32, #tpu.memory_space<vmem>>
        %dma_wait3A_528 = tpu.memref_squeeze %dma_wait3A_527 : memref<1x128xi32, #tpu.memory_space<vmem>> -> memref<128xi32, #tpu.memory_space<vmem>>
        %dma_wait3A_529 = arith.constant 0 : i32
        %dma_wait3A_530 = arith.constant 0 : i32
        %dma_wait3A_531 = tpu.memref_slice %arg3[%dma_wait3A_529, %dma_wait3A_530] : memref<1000000x32xf32, #tpu.memory_space<hbm>> -> memref<1000000x32xf32, #tpu.memory_space<hbm>>
        %dma_wait3A_532 = tpu.memref_slice %arg8[%dma_wait3A_521] : memref<2x!tpu.dma_semaphore, #tpu.memory_space<semaphore_mem>> -> memref<1x!tpu.dma_semaphore, #tpu.memory_space<semaphore_mem>>
        %dma_wait3A_533 = tpu.memref_squeeze %dma_wait3A_532 : memref<1x!tpu.dma_semaphore, #tpu.memory_space<semaphore_mem>> -> memref<!tpu.dma_semaphore, #tpu.memory_space<semaphore_mem>>
        tpu.wait_indirect_dma semaphore(%dma_wait3A_533 : memref<!tpu.dma_semaphore, #tpu.memory_space<semaphore_mem>>) src(%dma_wait3A_531 : memref<1000000x32xf32, #tpu.memory_space<hbm>>) dst(%dma_wait3A_525 : memref<128x32xf32, #tpu.memory_space<vmem>>)
        %dma_wait3A_534 = arith.constant 0 : i32
        %dma_wait3A_535 = arith.constant 0 : i32
        %dma_wait3A_536 = arith.constant 0 : i32
        %dma_wait3A_537 = arith.constant 0 : i32
        %dma_wait3A_538 = tpu.memref_slice %arg7[%dma_wait3A_534, %dma_wait3A_536, %dma_wait3A_537] : memref<2x32x513xf32, #tpu.memory_space<vmem>> -> memref<1x32x512xf32, #tpu.memory_space<vmem>>
        %dma_wait3A_539 = tpu.memref_squeeze %dma_wait3A_538 : memref<1x32x512xf32, #tpu.memory_space<vmem>> -> memref<32x512xf32, #tpu.memory_space<vmem>>
        %dma_wait3A_540 = arith.constant 0 : i32
        %dma_wait3A_541 = arith.constant 1024 : i32
        %dma_wait3A_542 = tpu.memref_slice %arg4[%add3A_50, %dma_wait3A_540, %dma_wait3A_541] : memref<200x32x4096xf32, #tpu.memory_space<hbm>> -> memref<1x32x512xf32, #tpu.memory_space<hbm>>
        %dma_wait3A_543 = tpu.memref_squeeze %dma_wait3A_542 : memref<1x32x512xf32, #tpu.memory_space<hbm>> -> memref<32x512xf32, #tpu.memory_space<hbm>>
        %dma_wait3A_544 = tpu.memref_slice %arg9[%dma_wait3A_535] : memref<2x!tpu.dma_semaphore, #tpu.memory_space<semaphore_mem>> -> memref<1x!tpu.dma_semaphore, #tpu.memory_space<semaphore_mem>>
        %dma_wait3A_545 = tpu.memref_squeeze %dma_wait3A_544 : memref<1x!tpu.dma_semaphore, #tpu.memory_space<semaphore_mem>> -> memref<!tpu.dma_semaphore, #tpu.memory_space<semaphore_mem>>
        %dma_wait3A_546 = arith.constant 0 : i32
        %dma_wait3A_547 = arith.constant 1024 : i32
        %dma_wait3A_548 = tpu.memref_slice %arg4[%add3A_50, %dma_wait3A_546, %dma_wait3A_547] : memref<200x32x4096xf32, #tpu.memory_space<hbm>> -> memref<1x32x512xf32, #tpu.memory_space<hbm>>
        %dma_wait3A_549 = tpu.memref_squeeze %dma_wait3A_548 : memref<1x32x512xf32, #tpu.memory_space<hbm>> -> memref<32x512xf32, #tpu.memory_space<hbm>>
        %dma_wait3A_550 = arith.constant 0 : i32
        %dma_wait3A_551 = arith.constant 0 : i32
        %dma_wait3A_552 = tpu.memref_slice %arg7[%dma_wait3A_534, %dma_wait3A_550, %dma_wait3A_551] : memref<2x32x513xf32, #tpu.memory_space<vmem>> -> memref<1x32x512xf32, #tpu.memory_space<vmem>>
        %dma_wait3A_553 = tpu.memref_squeeze %dma_wait3A_552 : memref<1x32x512xf32, #tpu.memory_space<vmem>> -> memref<32x512xf32, #tpu.memory_space<vmem>>
        tpu.wait_dma2 semaphore(%dma_wait3A_545 : memref<!tpu.dma_semaphore, #tpu.memory_space<semaphore_mem>>) src(%dma_wait3A_553 : memref<32x512xf32, #tpu.memory_space<vmem>>) dst(%dma_wait3A_549 : memref<32x512xf32, #tpu.memory_space<hbm>>)
        %add3A_554 = arith.constant 16 : i32
        %add3A_555 = vector.broadcast %add3A_554 : i32 to vector<16xi32>
        %add3A_556 = arith.addi %iota3A, %add3A_555 : vector<16xi32>
        %parallel_loop3A_557 = arith.constant 0 : i32
        %parallel_loop3A_558 = arith.constant 512 : i32
        %parallel_loop3A_559 = arith.constant 1 : i32
        scf.for %parallel_loop3A_1350 = %parallel_loop3A_557 to %parallel_loop3A_558 step %parallel_loop3A_559  : i32 {
          %parallel_loop3A_1351 = arith.constant 0 : i32
          %parallel_loop3A_1352 = vector.broadcast %parallel_loop3A_1351 : i32 to vector<16xi32>
          %parallel_loop3A_1353 = vector.broadcast %parallel_loop3A_1350 : i32 to vector<16xi32>
          %parallel_loop3A_1354 = arith.addi %parallel_loop3A_1352, %parallel_loop3A_1353 : vector<16xi32>
          %parallel_loop3A_1355 = arith.constant 0 : i32
          %parallel_loop3A_1356 = arith.index_cast %parallel_loop3A_1355 : i32 to index
          %parallel_loop3A_1357 = arith.index_cast %parallel_loop3A_1350 : i32 to index
          %parallel_loop3A_1358 = arith.constant 0 : index
          %parallel_loop3A_1359 = tpu.vector_load %arg6[%parallel_loop3A_1356, %parallel_loop3A_1357, %parallel_loop3A_1358] {strides = array<i32>} : memref<2x512x32xf32, #tpu.memory_space<vmem>>, vector<16xf32>,
          %parallel_loop3A_1360 = arith.constant 0 : i32
          %parallel_loop3A_1361 = arith.index_cast %parallel_loop3A_1360 : i32 to index
          %parallel_loop3A_1362 = arith.index_cast %parallel_loop3A_1350 : i32 to index
          %parallel_loop3A_1363 = arith.constant 16 : index
          %parallel_loop3A_1364 = tpu.vector_load %arg6[%parallel_loop3A_1361, %parallel_loop3A_1362, %parallel_loop3A_1363] {strides = array<i32>} : memref<2x512x32xf32, #tpu.memory_space<vmem>>, vector<16xf32>,
          %parallel_loop3A_1365 = arith.constant 0 : i32
          %parallel_loop3A_1366 = arith.constant 0 : i32
          %parallel_loop3A_1367 = arith.constant 0 : i32
          %parallel_loop3A_1368 = tpu.memref_slice %arg7[%parallel_loop3A_1365, %parallel_loop3A_1366, %parallel_loop3A_1367] : memref<2x32x513xf32, #tpu.memory_space<vmem>> -> memref<1x32x513xf32, #tpu.memory_space<vmem>>
          %parallel_loop3A_1369 = tpu.memref_squeeze %parallel_loop3A_1368 : memref<1x32x513xf32, #tpu.memory_space<vmem>> -> memref<32x513xf32, #tpu.memory_space<vmem>>
          tpu.vector_store_idx %parallel_loop3A_1369[%iota3A, %parallel_loop3A_1354], %parallel_loop3A_1359 : memref<32x513xf32, #tpu.memory_space<vmem>>[vector<16xi32>, vector<16xi32>], vector<16xf32>,
          %parallel_loop3A_1370 = arith.constant 0 : i32
          %parallel_loop3A_1371 = arith.constant 0 : i32
          %parallel_loop3A_1372 = arith.constant 0 : i32
          %parallel_loop3A_1373 = tpu.memref_slice %arg7[%parallel_loop3A_1370, %parallel_loop3A_1371, %parallel_loop3A_1372] : memref<2x32x513xf32, #tpu.memory_space<vmem>> -> memref<1x32x513xf32, #tpu.memory_space<vmem>>
          %parallel_loop3A_1374 = tpu.memref_squeeze %parallel_loop3A_1373 : memref<1x32x513xf32, #tpu.memory_space<vmem>> -> memref<32x513xf32, #tpu.memory_space<vmem>>
          tpu.vector_store_idx %parallel_loop3A_1374[%add3A_556, %parallel_loop3A_1354], %parallel_loop3A_1364 : memref<32x513xf32, #tpu.memory_space<vmem>>[vector<16xi32>, vector<16xi32>], vector<16xf32>,
        } {sc.loop_unroll_factor = 8 : i64, sc.parallel_access}
        %dma_start3A_560 = arith.constant 0 : i32
        %dma_start3A_561 = arith.constant 0 : i32
        %dma_start3A_562 = arith.constant 0 : i32
        %dma_start3A_563 = arith.constant 0 : i32
        %dma_start3A_564 = tpu.memref_slice %arg7[%dma_start3A_560, %dma_start3A_562, %dma_start3A_563] : memref<2x32x513xf32, #tpu.memory_space<vmem>> -> memref<1x32x512xf32, #tpu.memory_space<vmem>>
        %dma_start3A_565 = tpu.memref_squeeze %dma_start3A_564 : memref<1x32x512xf32, #tpu.memory_space<vmem>> -> memref<32x512xf32, #tpu.memory_space<vmem>>
        %dma_start3A_566 = arith.constant 0 : i32
        %dma_start3A_567 = arith.constant 1024 : i32
        %dma_start3A_568 = tpu.memref_slice %arg4[%add3A_50, %dma_start3A_566, %dma_start3A_567] : memref<200x32x4096xf32, #tpu.memory_space<hbm>> -> memref<1x32x512xf32, #tpu.memory_space<hbm>>
        %dma_start3A_569 = tpu.memref_squeeze %dma_start3A_568 : memref<1x32x512xf32, #tpu.memory_space<hbm>> -> memref<32x512xf32, #tpu.memory_space<hbm>>
        %dma_start3A_570 = tpu.memref_slice %arg9[%dma_start3A_561] : memref<2x!tpu.dma_semaphore, #tpu.memory_space<semaphore_mem>> -> memref<1x!tpu.dma_semaphore, #tpu.memory_space<semaphore_mem>>
        %dma_start3A_571 = tpu.memref_squeeze %dma_start3A_570 : memref<1x!tpu.dma_semaphore, #tpu.memory_space<semaphore_mem>> -> memref<!tpu.dma_semaphore, #tpu.memory_space<semaphore_mem>>
        %dma_start3A_572 = arith.constant 0 : i32
        %dma_start3A_573 = arith.constant 1024 : i32
        %dma_start3A_574 = tpu.memref_slice %arg4[%add3A_50, %dma_start3A_572, %dma_start3A_573] : memref<200x32x4096xf32, #tpu.memory_space<hbm>> -> memref<1x32x512xf32, #tpu.memory_space<hbm>>
        %dma_start3A_575 = tpu.memref_squeeze %dma_start3A_574 : memref<1x32x512xf32, #tpu.memory_space<hbm>> -> memref<32x512xf32, #tpu.memory_space<hbm>>
        %dma_start3A_576 = arith.constant 0 : i32
        %dma_start3A_577 = arith.constant 0 : i32
        %dma_start3A_578 = tpu.memref_slice %arg7[%dma_start3A_560, %dma_start3A_576, %dma_start3A_577] : memref<2x32x513xf32, #tpu.memory_space<vmem>> -> memref<1x32x512xf32, #tpu.memory_space<vmem>>
        %dma_start3A_579 = tpu.memref_squeeze %dma_start3A_578 : memref<1x32x512xf32, #tpu.memory_space<vmem>> -> memref<32x512xf32, #tpu.memory_space<vmem>>
        tpu.enqueue_dma source(%dma_start3A_579 : memref<32x512xf32, #tpu.memory_space<vmem>>) target(%dma_start3A_575 : memref<32x512xf32, #tpu.memory_space<hbm>>) target_semaphore(%dma_start3A_571 : memref<!tpu.dma_semaphore, #tpu.memory_space<semaphore_mem>>)
        %dma_start3A_580 = arith.constant 16 : i32
        %dma_start3A_581 = arith.constant 0 : i32
        %dma_start3A_582 = arith.constant 0 : i32
        %dma_start3A_583 = arith.constant 0 : i32
        %dma_start3A_584 = arith.constant 0 : i32
        %dma_start3A_585 = tpu.memref_slice %arg6[%dma_start3A_581, %dma_start3A_583, %dma_start3A_584] : memref<2x512x32xf32, #tpu.memory_space<vmem>> -> memref<1x128x32xf32, #tpu.memory_space<vmem>>
        %dma_start3A_586 = tpu.memref_squeeze %dma_start3A_585 : memref<1x128x32xf32, #tpu.memory_space<vmem>> -> memref<128x32xf32, #tpu.memory_space<vmem>>
        %dma_start3A_587 = arith.constant 0 : i32
        %dma_start3A_588 = tpu.memref_slice %arg5[%dma_start3A_580, %dma_start3A_587] : memref<32x128xi32, #tpu.memory_space<vmem>> -> memref<1x128xi32, #tpu.memory_space<vmem>>
        %dma_start3A_589 = tpu.memref_squeeze %dma_start3A_588 : memref<1x128xi32, #tpu.memory_space<vmem>> -> memref<128xi32, #tpu.memory_space<vmem>>
        %dma_start3A_590 = arith.constant 0 : i32
        %dma_start3A_591 = arith.constant 0 : i32
        %dma_start3A_592 = tpu.memref_slice %arg3[%dma_start3A_590, %dma_start3A_591] : memref<1000000x32xf32, #tpu.memory_space<hbm>> -> memref<1000000x32xf32, #tpu.memory_space<hbm>>
        %dma_start3A_593 = tpu.memref_slice %arg8[%dma_start3A_582] : memref<2x!tpu.dma_semaphore, #tpu.memory_space<semaphore_mem>> -> memref<1x!tpu.dma_semaphore, #tpu.memory_space<semaphore_mem>>
        %dma_start3A_594 = tpu.memref_squeeze %dma_start3A_593 : memref<1x!tpu.dma_semaphore, #tpu.memory_space<semaphore_mem>> -> memref<!tpu.dma_semaphore, #tpu.memory_space<semaphore_mem>>
        tpu.enqueue_indirect_dma source(%dma_start3A_592 : memref<1000000x32xf32, #tpu.memory_space<hbm>>) target(%dma_start3A_586 : memref<128x32xf32, #tpu.memory_space<vmem>>) offsets(%dma_start3A_589 : memref<128xi32, #tpu.memory_space<vmem>>) semaphore(%dma_start3A_594 : memref<!tpu.dma_semaphore, #tpu.memory_space<semaphore_mem>>)
        %dma_start3A_595 = arith.constant 17 : i32
        %dma_start3A_596 = arith.constant 0 : i32
        %dma_start3A_597 = arith.constant 0 : i32
        %dma_start3A_598 = arith.constant 128 : i32
        %dma_start3A_599 = arith.constant 0 : i32
        %dma_start3A_600 = tpu.memref_slice %arg6[%dma_start3A_596, %dma_start3A_598, %dma_start3A_599] : memref<2x512x32xf32, #tpu.memory_space<vmem>> -> memref<1x128x32xf32, #tpu.memory_space<vmem>>
        %dma_start3A_601 = tpu.memref_squeeze %dma_start3A_600 : memref<1x128x32xf32, #tpu.memory_space<vmem>> -> memref<128x32xf32, #tpu.memory_space<vmem>>
        %dma_start3A_602 = arith.constant 0 : i32
        %dma_start3A_603 = tpu.memref_slice %arg5[%dma_start3A_595, %dma_start3A_602] : memref<32x128xi32, #tpu.memory_space<vmem>> -> memref<1x128xi32, #tpu.memory_space<vmem>>
        %dma_start3A_604 = tpu.memref_squeeze %dma_start3A_603 : memref<1x128xi32, #tpu.memory_space<vmem>> -> memref<128xi32, #tpu.memory_space<vmem>>
        %dma_start3A_605 = arith.constant 0 : i32
        %dma_start3A_606 = arith.constant 0 : i32
        %dma_start3A_607 = tpu.memref_slice %arg3[%dma_start3A_605, %dma_start3A_606] : memref<1000000x32xf32, #tpu.memory_space<hbm>> -> memref<1000000x32xf32, #tpu.memory_space<hbm>>
        %dma_start3A_608 = tpu.memref_slice %arg8[%dma_start3A_597] : memref<2x!tpu.dma_semaphore, #tpu.memory_space<semaphore_mem>> -> memref<1x!tpu.dma_semaphore, #tpu.memory_space<semaphore_mem>>
        %dma_start3A_609 = tpu.memref_squeeze %dma_start3A_608 : memref<1x!tpu.dma_semaphore, #tpu.memory_space<semaphore_mem>> -> memref<!tpu.dma_semaphore, #tpu.memory_space<semaphore_mem>>
        tpu.enqueue_indirect_dma source(%dma_start3A_607 : memref<1000000x32xf32, #tpu.memory_space<hbm>>) target(%dma_start3A_601 : memref<128x32xf32, #tpu.memory_space<vmem>>) offsets(%dma_start3A_604 : memref<128xi32, #tpu.memory_space<vmem>>) semaphore(%dma_start3A_609 : memref<!tpu.dma_semaphore, #tpu.memory_space<semaphore_mem>>)
        %dma_start3A_610 = arith.constant 18 : i32
        %dma_start3A_611 = arith.constant 0 : i32
        %dma_start3A_612 = arith.constant 0 : i32
        %dma_start3A_613 = arith.constant 256 : i32
        %dma_start3A_614 = arith.constant 0 : i32
        %dma_start3A_615 = tpu.memref_slice %arg6[%dma_start3A_611, %dma_start3A_613, %dma_start3A_614] : memref<2x512x32xf32, #tpu.memory_space<vmem>> -> memref<1x128x32xf32, #tpu.memory_space<vmem>>
        %dma_start3A_616 = tpu.memref_squeeze %dma_start3A_615 : memref<1x128x32xf32, #tpu.memory_space<vmem>> -> memref<128x32xf32, #tpu.memory_space<vmem>>
        %dma_start3A_617 = arith.constant 0 : i32
        %dma_start3A_618 = tpu.memref_slice %arg5[%dma_start3A_610, %dma_start3A_617] : memref<32x128xi32, #tpu.memory_space<vmem>> -> memref<1x128xi32, #tpu.memory_space<vmem>>
        %dma_start3A_619 = tpu.memref_squeeze %dma_start3A_618 : memref<1x128xi32, #tpu.memory_space<vmem>> -> memref<128xi32, #tpu.memory_space<vmem>>
        %dma_start3A_620 = arith.constant 0 : i32
        %dma_start3A_621 = arith.constant 0 : i32
        %dma_start3A_622 = tpu.memref_slice %arg3[%dma_start3A_620, %dma_start3A_621] : memref<1000000x32xf32, #tpu.memory_space<hbm>> -> memref<1000000x32xf32, #tpu.memory_space<hbm>>
        %dma_start3A_623 = tpu.memref_slice %arg8[%dma_start3A_612] : memref<2x!tpu.dma_semaphore, #tpu.memory_space<semaphore_mem>> -> memref<1x!tpu.dma_semaphore, #tpu.memory_space<semaphore_mem>>
        %dma_start3A_624 = tpu.memref_squeeze %dma_start3A_623 : memref<1x!tpu.dma_semaphore, #tpu.memory_space<semaphore_mem>> -> memref<!tpu.dma_semaphore, #tpu.memory_space<semaphore_mem>>
        tpu.enqueue_indirect_dma source(%dma_start3A_622 : memref<1000000x32xf32, #tpu.memory_space<hbm>>) target(%dma_start3A_616 : memref<128x32xf32, #tpu.memory_space<vmem>>) offsets(%dma_start3A_619 : memref<128xi32, #tpu.memory_space<vmem>>) semaphore(%dma_start3A_624 : memref<!tpu.dma_semaphore, #tpu.memory_space<semaphore_mem>>)
        %dma_start3A_625 = arith.constant 19 : i32
        %dma_start3A_626 = arith.constant 0 : i32
        %dma_start3A_627 = arith.constant 0 : i32
        %dma_start3A_628 = arith.constant 384 : i32
        %dma_start3A_629 = arith.constant 0 : i32
        %dma_start3A_630 = tpu.memref_slice %arg6[%dma_start3A_626, %dma_start3A_628, %dma_start3A_629] : memref<2x512x32xf32, #tpu.memory_space<vmem>> -> memref<1x128x32xf32, #tpu.memory_space<vmem>>
        %dma_start3A_631 = tpu.memref_squeeze %dma_start3A_630 : memref<1x128x32xf32, #tpu.memory_space<vmem>> -> memref<128x32xf32, #tpu.memory_space<vmem>>
        %dma_start3A_632 = arith.constant 0 : i32
        %dma_start3A_633 = tpu.memref_slice %arg5[%dma_start3A_625, %dma_start3A_632] : memref<32x128xi32, #tpu.memory_space<vmem>> -> memref<1x128xi32, #tpu.memory_space<vmem>>
        %dma_start3A_634 = tpu.memref_squeeze %dma_start3A_633 : memref<1x128xi32, #tpu.memory_space<vmem>> -> memref<128xi32, #tpu.memory_space<vmem>>
        %dma_start3A_635 = arith.constant 0 : i32
        %dma_start3A_636 = arith.constant 0 : i32
        %dma_start3A_637 = tpu.memref_slice %arg3[%dma_start3A_635, %dma_start3A_636] : memref<1000000x32xf32, #tpu.memory_space<hbm>> -> memref<1000000x32xf32, #tpu.memory_space<hbm>>
        %dma_start3A_638 = tpu.memref_slice %arg8[%dma_start3A_627] : memref<2x!tpu.dma_semaphore, #tpu.memory_space<semaphore_mem>> -> memref<1x!tpu.dma_semaphore, #tpu.memory_space<semaphore_mem>>
        %dma_start3A_639 = tpu.memref_squeeze %dma_start3A_638 : memref<1x!tpu.dma_semaphore, #tpu.memory_space<semaphore_mem>> -> memref<!tpu.dma_semaphore, #tpu.memory_space<semaphore_mem>>
        tpu.enqueue_indirect_dma source(%dma_start3A_637 : memref<1000000x32xf32, #tpu.memory_space<hbm>>) target(%dma_start3A_631 : memref<128x32xf32, #tpu.memory_space<vmem>>) offsets(%dma_start3A_634 : memref<128xi32, #tpu.memory_space<vmem>>) semaphore(%dma_start3A_639 : memref<!tpu.dma_semaphore, #tpu.memory_space<semaphore_mem>>)
        %dma_wait3A_640 = arith.constant 12 : i32
        %dma_wait3A_641 = arith.constant 1 : i32
        %dma_wait3A_642 = arith.constant 1 : i32
        %dma_wait3A_643 = arith.constant 0 : i32
        %dma_wait3A_644 = arith.constant 0 : i32
        %dma_wait3A_645 = tpu.memref_slice %arg6[%dma_wait3A_641, %dma_wait3A_643, %dma_wait3A_644] : memref<2x512x32xf32, #tpu.memory_space<vmem>> -> memref<1x128x32xf32, #tpu.memory_space<vmem>>
        %dma_wait3A_646 = tpu.memref_squeeze %dma_wait3A_645 : memref<1x128x32xf32, #tpu.memory_space<vmem>> -> memref<128x32xf32, #tpu.memory_space<vmem>>
        %dma_wait3A_647 = arith.constant 0 : i32
        %dma_wait3A_648 = tpu.memref_slice %arg5[%dma_wait3A_640, %dma_wait3A_647] : memref<32x128xi32, #tpu.memory_space<vmem>> -> memref<1x128xi32, #tpu.memory_space<vmem>>
        %dma_wait3A_649 = tpu.memref_squeeze %dma_wait3A_648 : memref<1x128xi32, #tpu.memory_space<vmem>> -> memref<128xi32, #tpu.memory_space<vmem>>
        %dma_wait3A_650 = arith.constant 0 : i32
        %dma_wait3A_651 = arith.constant 0 : i32
        %dma_wait3A_652 = tpu.memref_slice %arg3[%dma_wait3A_650, %dma_wait3A_651] : memref<1000000x32xf32, #tpu.memory_space<hbm>> -> memref<1000000x32xf32, #tpu.memory_space<hbm>>
        %dma_wait3A_653 = tpu.memref_slice %arg8[%dma_wait3A_642] : memref<2x!tpu.dma_semaphore, #tpu.memory_space<semaphore_mem>> -> memref<1x!tpu.dma_semaphore, #tpu.memory_space<semaphore_mem>>
        %dma_wait3A_654 = tpu.memref_squeeze %dma_wait3A_653 : memref<1x!tpu.dma_semaphore, #tpu.memory_space<semaphore_mem>> -> memref<!tpu.dma_semaphore, #tpu.memory_space<semaphore_mem>>
        tpu.wait_indirect_dma semaphore(%dma_wait3A_654 : memref<!tpu.dma_semaphore, #tpu.memory_space<semaphore_mem>>) src(%dma_wait3A_652 : memref<1000000x32xf32, #tpu.memory_space<hbm>>) dst(%dma_wait3A_646 : memref<128x32xf32, #tpu.memory_space<vmem>>)
        %dma_wait3A_655 = arith.constant 13 : i32
        %dma_wait3A_656 = arith.constant 1 : i32
        %dma_wait3A_657 = arith.constant 1 : i32
        %dma_wait3A_658 = arith.constant 128 : i32
        %dma_wait3A_659 = arith.constant 0 : i32
        %dma_wait3A_660 = tpu.memref_slice %arg6[%dma_wait3A_656, %dma_wait3A_658, %dma_wait3A_659] : memref<2x512x32xf32, #tpu.memory_space<vmem>> -> memref<1x128x32xf32, #tpu.memory_space<vmem>>
        %dma_wait3A_661 = tpu.memref_squeeze %dma_wait3A_660 : memref<1x128x32xf32, #tpu.memory_space<vmem>> -> memref<128x32xf32, #tpu.memory_space<vmem>>
        %dma_wait3A_662 = arith.constant 0 : i32
        %dma_wait3A_663 = tpu.memref_slice %arg5[%dma_wait3A_655, %dma_wait3A_662] : memref<32x128xi32, #tpu.memory_space<vmem>> -> memref<1x128xi32, #tpu.memory_space<vmem>>
        %dma_wait3A_664 = tpu.memref_squeeze %dma_wait3A_663 : memref<1x128xi32, #tpu.memory_space<vmem>> -> memref<128xi32, #tpu.memory_space<vmem>>
        %dma_wait3A_665 = arith.constant 0 : i32
        %dma_wait3A_666 = arith.constant 0 : i32
        %dma_wait3A_667 = tpu.memref_slice %arg3[%dma_wait3A_665, %dma_wait3A_666] : memref<1000000x32xf32, #tpu.memory_space<hbm>> -> memref<1000000x32xf32, #tpu.memory_space<hbm>>
        %dma_wait3A_668 = tpu.memref_slice %arg8[%dma_wait3A_657] : memref<2x!tpu.dma_semaphore, #tpu.memory_space<semaphore_mem>> -> memref<1x!tpu.dma_semaphore, #tpu.memory_space<semaphore_mem>>
        %dma_wait3A_669 = tpu.memref_squeeze %dma_wait3A_668 : memref<1x!tpu.dma_semaphore, #tpu.memory_space<semaphore_mem>> -> memref<!tpu.dma_semaphore, #tpu.memory_space<semaphore_mem>>
        tpu.wait_indirect_dma semaphore(%dma_wait3A_669 : memref<!tpu.dma_semaphore, #tpu.memory_space<semaphore_mem>>) src(%dma_wait3A_667 : memref<1000000x32xf32, #tpu.memory_space<hbm>>) dst(%dma_wait3A_661 : memref<128x32xf32, #tpu.memory_space<vmem>>)
        %dma_wait3A_670 = arith.constant 14 : i32
        %dma_wait3A_671 = arith.constant 1 : i32
        %dma_wait3A_672 = arith.constant 1 : i32
        %dma_wait3A_673 = arith.constant 256 : i32
        %dma_wait3A_674 = arith.constant 0 : i32
        %dma_wait3A_675 = tpu.memref_slice %arg6[%dma_wait3A_671, %dma_wait3A_673, %dma_wait3A_674] : memref<2x512x32xf32, #tpu.memory_space<vmem>> -> memref<1x128x32xf32, #tpu.memory_space<vmem>>
        %dma_wait3A_676 = tpu.memref_squeeze %dma_wait3A_675 : memref<1x128x32xf32, #tpu.memory_space<vmem>> -> memref<128x32xf32, #tpu.memory_space<vmem>>
        %dma_wait3A_677 = arith.constant 0 : i32
        %dma_wait3A_678 = tpu.memref_slice %arg5[%dma_wait3A_670, %dma_wait3A_677] : memref<32x128xi32, #tpu.memory_space<vmem>> -> memref<1x128xi32, #tpu.memory_space<vmem>>
        %dma_wait3A_679 = tpu.memref_squeeze %dma_wait3A_678 : memref<1x128xi32, #tpu.memory_space<vmem>> -> memref<128xi32, #tpu.memory_space<vmem>>
        %dma_wait3A_680 = arith.constant 0 : i32
        %dma_wait3A_681 = arith.constant 0 : i32
        %dma_wait3A_682 = tpu.memref_slice %arg3[%dma_wait3A_680, %dma_wait3A_681] : memref<1000000x32xf32, #tpu.memory_space<hbm>> -> memref<1000000x32xf32, #tpu.memory_space<hbm>>
        %dma_wait3A_683 = tpu.memref_slice %arg8[%dma_wait3A_672] : memref<2x!tpu.dma_semaphore, #tpu.memory_space<semaphore_mem>> -> memref<1x!tpu.dma_semaphore, #tpu.memory_space<semaphore_mem>>
        %dma_wait3A_684 = tpu.memref_squeeze %dma_wait3A_683 : memref<1x!tpu.dma_semaphore, #tpu.memory_space<semaphore_mem>> -> memref<!tpu.dma_semaphore, #tpu.memory_space<semaphore_mem>>
        tpu.wait_indirect_dma semaphore(%dma_wait3A_684 : memref<!tpu.dma_semaphore, #tpu.memory_space<semaphore_mem>>) src(%dma_wait3A_682 : memref<1000000x32xf32, #tpu.memory_space<hbm>>) dst(%dma_wait3A_676 : memref<128x32xf32, #tpu.memory_space<vmem>>)
        %dma_wait3A_685 = arith.constant 15 : i32
        %dma_wait3A_686 = arith.constant 1 : i32
        %dma_wait3A_687 = arith.constant 1 : i32
        %dma_wait3A_688 = arith.constant 384 : i32
        %dma_wait3A_689 = arith.constant 0 : i32
        %dma_wait3A_690 = tpu.memref_slice %arg6[%dma_wait3A_686, %dma_wait3A_688, %dma_wait3A_689] : memref<2x512x32xf32, #tpu.memory_space<vmem>> -> memref<1x128x32xf32, #tpu.memory_space<vmem>>
        %dma_wait3A_691 = tpu.memref_squeeze %dma_wait3A_690 : memref<1x128x32xf32, #tpu.memory_space<vmem>> -> memref<128x32xf32, #tpu.memory_space<vmem>>
        %dma_wait3A_692 = arith.constant 0 : i32
        %dma_wait3A_693 = tpu.memref_slice %arg5[%dma_wait3A_685, %dma_wait3A_692] : memref<32x128xi32, #tpu.memory_space<vmem>> -> memref<1x128xi32, #tpu.memory_space<vmem>>
        %dma_wait3A_694 = tpu.memref_squeeze %dma_wait3A_693 : memref<1x128xi32, #tpu.memory_space<vmem>> -> memref<128xi32, #tpu.memory_space<vmem>>
        %dma_wait3A_695 = arith.constant 0 : i32
        %dma_wait3A_696 = arith.constant 0 : i32
        %dma_wait3A_697 = tpu.memref_slice %arg3[%dma_wait3A_695, %dma_wait3A_696] : memref<1000000x32xf32, #tpu.memory_space<hbm>> -> memref<1000000x32xf32, #tpu.memory_space<hbm>>
        %dma_wait3A_698 = tpu.memref_slice %arg8[%dma_wait3A_687] : memref<2x!tpu.dma_semaphore, #tpu.memory_space<semaphore_mem>> -> memref<1x!tpu.dma_semaphore, #tpu.memory_space<semaphore_mem>>
        %dma_wait3A_699 = tpu.memref_squeeze %dma_wait3A_698 : memref<1x!tpu.dma_semaphore, #tpu.memory_space<semaphore_mem>> -> memref<!tpu.dma_semaphore, #tpu.memory_space<semaphore_mem>>
        tpu.wait_indirect_dma semaphore(%dma_wait3A_699 : memref<!tpu.dma_semaphore, #tpu.memory_space<semaphore_mem>>) src(%dma_wait3A_697 : memref<1000000x32xf32, #tpu.memory_space<hbm>>) dst(%dma_wait3A_691 : memref<128x32xf32, #tpu.memory_space<vmem>>)
        %dma_wait3A_700 = arith.constant 1 : i32
        %dma_wait3A_701 = arith.constant 1 : i32
        %dma_wait3A_702 = arith.constant 0 : i32
        %dma_wait3A_703 = arith.constant 0 : i32
        %dma_wait3A_704 = tpu.memref_slice %arg7[%dma_wait3A_700, %dma_wait3A_702, %dma_wait3A_703] : memref<2x32x513xf32, #tpu.memory_space<vmem>> -> memref<1x32x512xf32, #tpu.memory_space<vmem>>
        %dma_wait3A_705 = tpu.memref_squeeze %dma_wait3A_704 : memref<1x32x512xf32, #tpu.memory_space<vmem>> -> memref<32x512xf32, #tpu.memory_space<vmem>>
        %dma_wait3A_706 = arith.constant 0 : i32
        %dma_wait3A_707 = arith.constant 1536 : i32
        %dma_wait3A_708 = tpu.memref_slice %arg4[%add3A_50, %dma_wait3A_706, %dma_wait3A_707] : memref<200x32x4096xf32, #tpu.memory_space<hbm>> -> memref<1x32x512xf32, #tpu.memory_space<hbm>>
        %dma_wait3A_709 = tpu.memref_squeeze %dma_wait3A_708 : memref<1x32x512xf32, #tpu.memory_space<hbm>> -> memref<32x512xf32, #tpu.memory_space<hbm>>
        %dma_wait3A_710 = tpu.memref_slice %arg9[%dma_wait3A_701] : memref<2x!tpu.dma_semaphore, #tpu.memory_space<semaphore_mem>> -> memref<1x!tpu.dma_semaphore, #tpu.memory_space<semaphore_mem>>
        %dma_wait3A_711 = tpu.memref_squeeze %dma_wait3A_710 : memref<1x!tpu.dma_semaphore, #tpu.memory_space<semaphore_mem>> -> memref<!tpu.dma_semaphore, #tpu.memory_space<semaphore_mem>>
        %dma_wait3A_712 = arith.constant 0 : i32
        %dma_wait3A_713 = arith.constant 1536 : i32
        %dma_wait3A_714 = tpu.memref_slice %arg4[%add3A_50, %dma_wait3A_712, %dma_wait3A_713] : memref<200x32x4096xf32, #tpu.memory_space<hbm>> -> memref<1x32x512xf32, #tpu.memory_space<hbm>>
        %dma_wait3A_715 = tpu.memref_squeeze %dma_wait3A_714 : memref<1x32x512xf32, #tpu.memory_space<hbm>> -> memref<32x512xf32, #tpu.memory_space<hbm>>
        %dma_wait3A_716 = arith.constant 0 : i32
        %dma_wait3A_717 = arith.constant 0 : i32
        %dma_wait3A_718 = tpu.memref_slice %arg7[%dma_wait3A_700, %dma_wait3A_716, %dma_wait3A_717] : memref<2x32x513xf32, #tpu.memory_space<vmem>> -> memref<1x32x512xf32, #tpu.memory_space<vmem>>
        %dma_wait3A_719 = tpu.memref_squeeze %dma_wait3A_718 : memref<1x32x512xf32, #tpu.memory_space<vmem>> -> memref<32x512xf32, #tpu.memory_space<vmem>>
        tpu.wait_dma2 semaphore(%dma_wait3A_711 : memref<!tpu.dma_semaphore, #tpu.memory_space<semaphore_mem>>) src(%dma_wait3A_719 : memref<32x512xf32, #tpu.memory_space<vmem>>) dst(%dma_wait3A_715 : memref<32x512xf32, #tpu.memory_space<hbm>>)
        %add3A_720 = arith.constant 16 : i32
        %add3A_721 = vector.broadcast %add3A_720 : i32 to vector<16xi32>
        %add3A_722 = arith.addi %iota3A, %add3A_721 : vector<16xi32>
        %parallel_loop3A_723 = arith.constant 0 : i32
        %parallel_loop3A_724 = arith.constant 512 : i32
        %parallel_loop3A_725 = arith.constant 1 : i32
        scf.for %parallel_loop3A_1350 = %parallel_loop3A_723 to %parallel_loop3A_724 step %parallel_loop3A_725  : i32 {
          %parallel_loop3A_1351 = arith.constant 0 : i32
          %parallel_loop3A_1352 = vector.broadcast %parallel_loop3A_1351 : i32 to vector<16xi32>
          %parallel_loop3A_1353 = vector.broadcast %parallel_loop3A_1350 : i32 to vector<16xi32>
          %parallel_loop3A_1354 = arith.addi %parallel_loop3A_1352, %parallel_loop3A_1353 : vector<16xi32>
          %parallel_loop3A_1355 = arith.constant 1 : i32
          %parallel_loop3A_1356 = arith.index_cast %parallel_loop3A_1355 : i32 to index
          %parallel_loop3A_1357 = arith.index_cast %parallel_loop3A_1350 : i32 to index
          %parallel_loop3A_1358 = arith.constant 0 : index
          %parallel_loop3A_1359 = tpu.vector_load %arg6[%parallel_loop3A_1356, %parallel_loop3A_1357, %parallel_loop3A_1358] {strides = array<i32>} : memref<2x512x32xf32, #tpu.memory_space<vmem>>, vector<16xf32>,
          %parallel_loop3A_1360 = arith.constant 1 : i32
          %parallel_loop3A_1361 = arith.index_cast %parallel_loop3A_1360 : i32 to index
          %parallel_loop3A_1362 = arith.index_cast %parallel_loop3A_1350 : i32 to index
          %parallel_loop3A_1363 = arith.constant 16 : index
          %parallel_loop3A_1364 = tpu.vector_load %arg6[%parallel_loop3A_1361, %parallel_loop3A_1362, %parallel_loop3A_1363] {strides = array<i32>} : memref<2x512x32xf32, #tpu.memory_space<vmem>>, vector<16xf32>,
          %parallel_loop3A_1365 = arith.constant 1 : i32
          %parallel_loop3A_1366 = arith.constant 0 : i32
          %parallel_loop3A_1367 = arith.constant 0 : i32
          %parallel_loop3A_1368 = tpu.memref_slice %arg7[%parallel_loop3A_1365, %parallel_loop3A_1366, %parallel_loop3A_1367] : memref<2x32x513xf32, #tpu.memory_space<vmem>> -> memref<1x32x513xf32, #tpu.memory_space<vmem>>
          %parallel_loop3A_1369 = tpu.memref_squeeze %parallel_loop3A_1368 : memref<1x32x513xf32, #tpu.memory_space<vmem>> -> memref<32x513xf32, #tpu.memory_space<vmem>>
          tpu.vector_store_idx %parallel_loop3A_1369[%iota3A, %parallel_loop3A_1354], %parallel_loop3A_1359 : memref<32x513xf32, #tpu.memory_space<vmem>>[vector<16xi32>, vector<16xi32>], vector<16xf32>,
          %parallel_loop3A_1370 = arith.constant 1 : i32
          %parallel_loop3A_1371 = arith.constant 0 : i32
          %parallel_loop3A_1372 = arith.constant 0 : i32
          %parallel_loop3A_1373 = tpu.memref_slice %arg7[%parallel_loop3A_1370, %parallel_loop3A_1371, %parallel_loop3A_1372] : memref<2x32x513xf32, #tpu.memory_space<vmem>> -> memref<1x32x513xf32, #tpu.memory_space<vmem>>
          %parallel_loop3A_1374 = tpu.memref_squeeze %parallel_loop3A_1373 : memref<1x32x513xf32, #tpu.memory_space<vmem>> -> memref<32x513xf32, #tpu.memory_space<vmem>>
          tpu.vector_store_idx %parallel_loop3A_1374[%add3A_722, %parallel_loop3A_1354], %parallel_loop3A_1364 : memref<32x513xf32, #tpu.memory_space<vmem>>[vector<16xi32>, vector<16xi32>], vector<16xf32>,
        } {sc.loop_unroll_factor = 8 : i64, sc.parallel_access}
        %dma_start3A_726 = arith.constant 1 : i32
        %dma_start3A_727 = arith.constant 1 : i32
        %dma_start3A_728 = arith.constant 0 : i32
        %dma_start3A_729 = arith.constant 0 : i32
        %dma_start3A_730 = tpu.memref_slice %arg7[%dma_start3A_726, %dma_start3A_728, %dma_start3A_729] : memref<2x32x513xf32, #tpu.memory_space<vmem>> -> memref<1x32x512xf32, #tpu.memory_space<vmem>>
        %dma_start3A_731 = tpu.memref_squeeze %dma_start3A_730 : memref<1x32x512xf32, #tpu.memory_space<vmem>> -> memref<32x512xf32, #tpu.memory_space<vmem>>
        %dma_start3A_732 = arith.constant 0 : i32
        %dma_start3A_733 = arith.constant 1536 : i32
        %dma_start3A_734 = tpu.memref_slice %arg4[%add3A_50, %dma_start3A_732, %dma_start3A_733] : memref<200x32x4096xf32, #tpu.memory_space<hbm>> -> memref<1x32x512xf32, #tpu.memory_space<hbm>>
        %dma_start3A_735 = tpu.memref_squeeze %dma_start3A_734 : memref<1x32x512xf32, #tpu.memory_space<hbm>> -> memref<32x512xf32, #tpu.memory_space<hbm>>
        %dma_start3A_736 = tpu.memref_slice %arg9[%dma_start3A_727] : memref<2x!tpu.dma_semaphore, #tpu.memory_space<semaphore_mem>> -> memref<1x!tpu.dma_semaphore, #tpu.memory_space<semaphore_mem>>
        %dma_start3A_737 = tpu.memref_squeeze %dma_start3A_736 : memref<1x!tpu.dma_semaphore, #tpu.memory_space<semaphore_mem>> -> memref<!tpu.dma_semaphore, #tpu.memory_space<semaphore_mem>>
        %dma_start3A_738 = arith.constant 0 : i32
        %dma_start3A_739 = arith.constant 1536 : i32
        %dma_start3A_740 = tpu.memref_slice %arg4[%add3A_50, %dma_start3A_738, %dma_start3A_739] : memref<200x32x4096xf32, #tpu.memory_space<hbm>> -> memref<1x32x512xf32, #tpu.memory_space<hbm>>
        %dma_start3A_741 = tpu.memref_squeeze %dma_start3A_740 : memref<1x32x512xf32, #tpu.memory_space<hbm>> -> memref<32x512xf32, #tpu.memory_space<hbm>>
        %dma_start3A_742 = arith.constant 0 : i32
        %dma_start3A_743 = arith.constant 0 : i32
        %dma_start3A_744 = tpu.memref_slice %arg7[%dma_start3A_726, %dma_start3A_742, %dma_start3A_743] : memref<2x32x513xf32, #tpu.memory_space<vmem>> -> memref<1x32x512xf32, #tpu.memory_space<vmem>>
        %dma_start3A_745 = tpu.memref_squeeze %dma_start3A_744 : memref<1x32x512xf32, #tpu.memory_space<vmem>> -> memref<32x512xf32, #tpu.memory_space<vmem>>
        tpu.enqueue_dma source(%dma_start3A_745 : memref<32x512xf32, #tpu.memory_space<vmem>>) target(%dma_start3A_741 : memref<32x512xf32, #tpu.memory_space<hbm>>) target_semaphore(%dma_start3A_737 : memref<!tpu.dma_semaphore, #tpu.memory_space<semaphore_mem>>)
        %dma_start3A_746 = arith.constant 20 : i32
        %dma_start3A_747 = arith.constant 1 : i32
        %dma_start3A_748 = arith.constant 1 : i32
        %dma_start3A_749 = arith.constant 0 : i32
        %dma_start3A_750 = arith.constant 0 : i32
        %dma_start3A_751 = tpu.memref_slice %arg6[%dma_start3A_747, %dma_start3A_749, %dma_start3A_750] : memref<2x512x32xf32, #tpu.memory_space<vmem>> -> memref<1x128x32xf32, #tpu.memory_space<vmem>>
        %dma_start3A_752 = tpu.memref_squeeze %dma_start3A_751 : memref<1x128x32xf32, #tpu.memory_space<vmem>> -> memref<128x32xf32, #tpu.memory_space<vmem>>
        %dma_start3A_753 = arith.constant 0 : i32
        %dma_start3A_754 = tpu.memref_slice %arg5[%dma_start3A_746, %dma_start3A_753] : memref<32x128xi32, #tpu.memory_space<vmem>> -> memref<1x128xi32, #tpu.memory_space<vmem>>
        %dma_start3A_755 = tpu.memref_squeeze %dma_start3A_754 : memref<1x128xi32, #tpu.memory_space<vmem>> -> memref<128xi32, #tpu.memory_space<vmem>>
        %dma_start3A_756 = arith.constant 0 : i32
        %dma_start3A_757 = arith.constant 0 : i32
        %dma_start3A_758 = tpu.memref_slice %arg3[%dma_start3A_756, %dma_start3A_757] : memref<1000000x32xf32, #tpu.memory_space<hbm>> -> memref<1000000x32xf32, #tpu.memory_space<hbm>>
        %dma_start3A_759 = tpu.memref_slice %arg8[%dma_start3A_748] : memref<2x!tpu.dma_semaphore, #tpu.memory_space<semaphore_mem>> -> memref<1x!tpu.dma_semaphore, #tpu.memory_space<semaphore_mem>>
        %dma_start3A_760 = tpu.memref_squeeze %dma_start3A_759 : memref<1x!tpu.dma_semaphore, #tpu.memory_space<semaphore_mem>> -> memref<!tpu.dma_semaphore, #tpu.memory_space<semaphore_mem>>
        tpu.enqueue_indirect_dma source(%dma_start3A_758 : memref<1000000x32xf32, #tpu.memory_space<hbm>>) target(%dma_start3A_752 : memref<128x32xf32, #tpu.memory_space<vmem>>) offsets(%dma_start3A_755 : memref<128xi32, #tpu.memory_space<vmem>>) semaphore(%dma_start3A_760 : memref<!tpu.dma_semaphore, #tpu.memory_space<semaphore_mem>>)
        %dma_start3A_761 = arith.constant 21 : i32
        %dma_start3A_762 = arith.constant 1 : i32
        %dma_start3A_763 = arith.constant 1 : i32
        %dma_start3A_764 = arith.constant 128 : i32
        %dma_start3A_765 = arith.constant 0 : i32
        %dma_start3A_766 = tpu.memref_slice %arg6[%dma_start3A_762, %dma_start3A_764, %dma_start3A_765] : memref<2x512x32xf32, #tpu.memory_space<vmem>> -> memref<1x128x32xf32, #tpu.memory_space<vmem>>
        %dma_start3A_767 = tpu.memref_squeeze %dma_start3A_766 : memref<1x128x32xf32, #tpu.memory_space<vmem>> -> memref<128x32xf32, #tpu.memory_space<vmem>>
        %dma_start3A_768 = arith.constant 0 : i32
        %dma_start3A_769 = tpu.memref_slice %arg5[%dma_start3A_761, %dma_start3A_768] : memref<32x128xi32, #tpu.memory_space<vmem>> -> memref<1x128xi32, #tpu.memory_space<vmem>>
        %dma_start3A_770 = tpu.memref_squeeze %dma_start3A_769 : memref<1x128xi32, #tpu.memory_space<vmem>> -> memref<128xi32, #tpu.memory_space<vmem>>
        %dma_start3A_771 = arith.constant 0 : i32
        %dma_start3A_772 = arith.constant 0 : i32
        %dma_start3A_773 = tpu.memref_slice %arg3[%dma_start3A_771, %dma_start3A_772] : memref<1000000x32xf32, #tpu.memory_space<hbm>> -> memref<1000000x32xf32, #tpu.memory_space<hbm>>
        %dma_start3A_774 = tpu.memref_slice %arg8[%dma_start3A_763] : memref<2x!tpu.dma_semaphore, #tpu.memory_space<semaphore_mem>> -> memref<1x!tpu.dma_semaphore, #tpu.memory_space<semaphore_mem>>
        %dma_start3A_775 = tpu.memref_squeeze %dma_start3A_774 : memref<1x!tpu.dma_semaphore, #tpu.memory_space<semaphore_mem>> -> memref<!tpu.dma_semaphore, #tpu.memory_space<semaphore_mem>>
        tpu.enqueue_indirect_dma source(%dma_start3A_773 : memref<1000000x32xf32, #tpu.memory_space<hbm>>) target(%dma_start3A_767 : memref<128x32xf32, #tpu.memory_space<vmem>>) offsets(%dma_start3A_770 : memref<128xi32, #tpu.memory_space<vmem>>) semaphore(%dma_start3A_775 : memref<!tpu.dma_semaphore, #tpu.memory_space<semaphore_mem>>)
        %dma_start3A_776 = arith.constant 22 : i32
        %dma_start3A_777 = arith.constant 1 : i32
        %dma_start3A_778 = arith.constant 1 : i32
        %dma_start3A_779 = arith.constant 256 : i32
        %dma_start3A_780 = arith.constant 0 : i32
        %dma_start3A_781 = tpu.memref_slice %arg6[%dma_start3A_777, %dma_start3A_779, %dma_start3A_780] : memref<2x512x32xf32, #tpu.memory_space<vmem>> -> memref<1x128x32xf32, #tpu.memory_space<vmem>>
        %dma_start3A_782 = tpu.memref_squeeze %dma_start3A_781 : memref<1x128x32xf32, #tpu.memory_space<vmem>> -> memref<128x32xf32, #tpu.memory_space<vmem>>
        %dma_start3A_783 = arith.constant 0 : i32
        %dma_start3A_784 = tpu.memref_slice %arg5[%dma_start3A_776, %dma_start3A_783] : memref<32x128xi32, #tpu.memory_space<vmem>> -> memref<1x128xi32, #tpu.memory_space<vmem>>
        %dma_start3A_785 = tpu.memref_squeeze %dma_start3A_784 : memref<1x128xi32, #tpu.memory_space<vmem>> -> memref<128xi32, #tpu.memory_space<vmem>>
        %dma_start3A_786 = arith.constant 0 : i32
        %dma_start3A_787 = arith.constant 0 : i32
        %dma_start3A_788 = tpu.memref_slice %arg3[%dma_start3A_786, %dma_start3A_787] : memref<1000000x32xf32, #tpu.memory_space<hbm>> -> memref<1000000x32xf32, #tpu.memory_space<hbm>>
        %dma_start3A_789 = tpu.memref_slice %arg8[%dma_start3A_778] : memref<2x!tpu.dma_semaphore, #tpu.memory_space<semaphore_mem>> -> memref<1x!tpu.dma_semaphore, #tpu.memory_space<semaphore_mem>>
        %dma_start3A_790 = tpu.memref_squeeze %dma_start3A_789 : memref<1x!tpu.dma_semaphore, #tpu.memory_space<semaphore_mem>> -> memref<!tpu.dma_semaphore, #tpu.memory_space<semaphore_mem>>
        tpu.enqueue_indirect_dma source(%dma_start3A_788 : memref<1000000x32xf32, #tpu.memory_space<hbm>>) target(%dma_start3A_782 : memref<128x32xf32, #tpu.memory_space<vmem>>) offsets(%dma_start3A_785 : memref<128xi32, #tpu.memory_space<vmem>>) semaphore(%dma_start3A_790 : memref<!tpu.dma_semaphore, #tpu.memory_space<semaphore_mem>>)
        %dma_start3A_791 = arith.constant 23 : i32
        %dma_start3A_792 = arith.constant 1 : i32
        %dma_start3A_793 = arith.constant 1 : i32
        %dma_start3A_794 = arith.constant 384 : i32
        %dma_start3A_795 = arith.constant 0 : i32
        %dma_start3A_796 = tpu.memref_slice %arg6[%dma_start3A_792, %dma_start3A_794, %dma_start3A_795] : memref<2x512x32xf32, #tpu.memory_space<vmem>> -> memref<1x128x32xf32, #tpu.memory_space<vmem>>
        %dma_start3A_797 = tpu.memref_squeeze %dma_start3A_796 : memref<1x128x32xf32, #tpu.memory_space<vmem>> -> memref<128x32xf32, #tpu.memory_space<vmem>>
        %dma_start3A_798 = arith.constant 0 : i32
        %dma_start3A_799 = tpu.memref_slice %arg5[%dma_start3A_791, %dma_start3A_798] : memref<32x128xi32, #tpu.memory_space<vmem>> -> memref<1x128xi32, #tpu.memory_space<vmem>>
        %dma_start3A_800 = tpu.memref_squeeze %dma_start3A_799 : memref<1x128xi32, #tpu.memory_space<vmem>> -> memref<128xi32, #tpu.memory_space<vmem>>
        %dma_start3A_801 = arith.constant 0 : i32
        %dma_start3A_802 = arith.constant 0 : i32
        %dma_start3A_803 = tpu.memref_slice %arg3[%dma_start3A_801, %dma_start3A_802] : memref<1000000x32xf32, #tpu.memory_space<hbm>> -> memref<1000000x32xf32, #tpu.memory_space<hbm>>
        %dma_start3A_804 = tpu.memref_slice %arg8[%dma_start3A_793] : memref<2x!tpu.dma_semaphore, #tpu.memory_space<semaphore_mem>> -> memref<1x!tpu.dma_semaphore, #tpu.memory_space<semaphore_mem>>
        %dma_start3A_805 = tpu.memref_squeeze %dma_start3A_804 : memref<1x!tpu.dma_semaphore, #tpu.memory_space<semaphore_mem>> -> memref<!tpu.dma_semaphore, #tpu.memory_space<semaphore_mem>>
        tpu.enqueue_indirect_dma source(%dma_start3A_803 : memref<1000000x32xf32, #tpu.memory_space<hbm>>) target(%dma_start3A_797 : memref<128x32xf32, #tpu.memory_space<vmem>>) offsets(%dma_start3A_800 : memref<128xi32, #tpu.memory_space<vmem>>) semaphore(%dma_start3A_805 : memref<!tpu.dma_semaphore, #tpu.memory_space<semaphore_mem>>)
        %dma_wait3A_806 = arith.constant 16 : i32
        %dma_wait3A_807 = arith.constant 0 : i32
        %dma_wait3A_808 = arith.constant 0 : i32
        %dma_wait3A_809 = arith.constant 0 : i32
        %dma_wait3A_810 = arith.constant 0 : i32
        %dma_wait3A_811 = tpu.memref_slice %arg6[%dma_wait3A_807, %dma_wait3A_809, %dma_wait3A_810] : memref<2x512x32xf32, #tpu.memory_space<vmem>> -> memref<1x128x32xf32, #tpu.memory_space<vmem>>
        %dma_wait3A_812 = tpu.memref_squeeze %dma_wait3A_811 : memref<1x128x32xf32, #tpu.memory_space<vmem>> -> memref<128x32xf32, #tpu.memory_space<vmem>>
        %dma_wait3A_813 = arith.constant 0 : i32
        %dma_wait3A_814 = tpu.memref_slice %arg5[%dma_wait3A_806, %dma_wait3A_813] : memref<32x128xi32, #tpu.memory_space<vmem>> -> memref<1x128xi32, #tpu.memory_space<vmem>>
        %dma_wait3A_815 = tpu.memref_squeeze %dma_wait3A_814 : memref<1x128xi32, #tpu.memory_space<vmem>> -> memref<128xi32, #tpu.memory_space<vmem>>
        %dma_wait3A_816 = arith.constant 0 : i32
        %dma_wait3A_817 = arith.constant 0 : i32
        %dma_wait3A_818 = tpu.memref_slice %arg3[%dma_wait3A_816, %dma_wait3A_817] : memref<1000000x32xf32, #tpu.memory_space<hbm>> -> memref<1000000x32xf32, #tpu.memory_space<hbm>>
        %dma_wait3A_819 = tpu.memref_slice %arg8[%dma_wait3A_808] : memref<2x!tpu.dma_semaphore, #tpu.memory_space<semaphore_mem>> -> memref<1x!tpu.dma_semaphore, #tpu.memory_space<semaphore_mem>>
        %dma_wait3A_820 = tpu.memref_squeeze %dma_wait3A_819 : memref<1x!tpu.dma_semaphore, #tpu.memory_space<semaphore_mem>> -> memref<!tpu.dma_semaphore, #tpu.memory_space<semaphore_mem>>
        tpu.wait_indirect_dma semaphore(%dma_wait3A_820 : memref<!tpu.dma_semaphore, #tpu.memory_space<semaphore_mem>>) src(%dma_wait3A_818 : memref<1000000x32xf32, #tpu.memory_space<hbm>>) dst(%dma_wait3A_812 : memref<128x32xf32, #tpu.memory_space<vmem>>)
        %dma_wait3A_821 = arith.constant 17 : i32
        %dma_wait3A_822 = arith.constant 0 : i32
        %dma_wait3A_823 = arith.constant 0 : i32
        %dma_wait3A_824 = arith.constant 128 : i32
        %dma_wait3A_825 = arith.constant 0 : i32
        %dma_wait3A_826 = tpu.memref_slice %arg6[%dma_wait3A_822, %dma_wait3A_824, %dma_wait3A_825] : memref<2x512x32xf32, #tpu.memory_space<vmem>> -> memref<1x128x32xf32, #tpu.memory_space<vmem>>
        %dma_wait3A_827 = tpu.memref_squeeze %dma_wait3A_826 : memref<1x128x32xf32, #tpu.memory_space<vmem>> -> memref<128x32xf32, #tpu.memory_space<vmem>>
        %dma_wait3A_828 = arith.constant 0 : i32
        %dma_wait3A_829 = tpu.memref_slice %arg5[%dma_wait3A_821, %dma_wait3A_828] : memref<32x128xi32, #tpu.memory_space<vmem>> -> memref<1x128xi32, #tpu.memory_space<vmem>>
        %dma_wait3A_830 = tpu.memref_squeeze %dma_wait3A_829 : memref<1x128xi32, #tpu.memory_space<vmem>> -> memref<128xi32, #tpu.memory_space<vmem>>
        %dma_wait3A_831 = arith.constant 0 : i32
        %dma_wait3A_832 = arith.constant 0 : i32
        %dma_wait3A_833 = tpu.memref_slice %arg3[%dma_wait3A_831, %dma_wait3A_832] : memref<1000000x32xf32, #tpu.memory_space<hbm>> -> memref<1000000x32xf32, #tpu.memory_space<hbm>>
        %dma_wait3A_834 = tpu.memref_slice %arg8[%dma_wait3A_823] : memref<2x!tpu.dma_semaphore, #tpu.memory_space<semaphore_mem>> -> memref<1x!tpu.dma_semaphore, #tpu.memory_space<semaphore_mem>>
        %dma_wait3A_835 = tpu.memref_squeeze %dma_wait3A_834 : memref<1x!tpu.dma_semaphore, #tpu.memory_space<semaphore_mem>> -> memref<!tpu.dma_semaphore, #tpu.memory_space<semaphore_mem>>
        tpu.wait_indirect_dma semaphore(%dma_wait3A_835 : memref<!tpu.dma_semaphore, #tpu.memory_space<semaphore_mem>>) src(%dma_wait3A_833 : memref<1000000x32xf32, #tpu.memory_space<hbm>>) dst(%dma_wait3A_827 : memref<128x32xf32, #tpu.memory_space<vmem>>)
        %dma_wait3A_836 = arith.constant 18 : i32
        %dma_wait3A_837 = arith.constant 0 : i32
        %dma_wait3A_838 = arith.constant 0 : i32
        %dma_wait3A_839 = arith.constant 256 : i32
        %dma_wait3A_840 = arith.constant 0 : i32
        %dma_wait3A_841 = tpu.memref_slice %arg6[%dma_wait3A_837, %dma_wait3A_839, %dma_wait3A_840] : memref<2x512x32xf32, #tpu.memory_space<vmem>> -> memref<1x128x32xf32, #tpu.memory_space<vmem>>
        %dma_wait3A_842 = tpu.memref_squeeze %dma_wait3A_841 : memref<1x128x32xf32, #tpu.memory_space<vmem>> -> memref<128x32xf32, #tpu.memory_space<vmem>>
        %dma_wait3A_843 = arith.constant 0 : i32
        %dma_wait3A_844 = tpu.memref_slice %arg5[%dma_wait3A_836, %dma_wait3A_843] : memref<32x128xi32, #tpu.memory_space<vmem>> -> memref<1x128xi32, #tpu.memory_space<vmem>>
        %dma_wait3A_845 = tpu.memref_squeeze %dma_wait3A_844 : memref<1x128xi32, #tpu.memory_space<vmem>> -> memref<128xi32, #tpu.memory_space<vmem>>
        %dma_wait3A_846 = arith.constant 0 : i32
        %dma_wait3A_847 = arith.constant 0 : i32
        %dma_wait3A_848 = tpu.memref_slice %arg3[%dma_wait3A_846, %dma_wait3A_847] : memref<1000000x32xf32, #tpu.memory_space<hbm>> -> memref<1000000x32xf32, #tpu.memory_space<hbm>>
        %dma_wait3A_849 = tpu.memref_slice %arg8[%dma_wait3A_838] : memref<2x!tpu.dma_semaphore, #tpu.memory_space<semaphore_mem>> -> memref<1x!tpu.dma_semaphore, #tpu.memory_space<semaphore_mem>>
        %dma_wait3A_850 = tpu.memref_squeeze %dma_wait3A_849 : memref<1x!tpu.dma_semaphore, #tpu.memory_space<semaphore_mem>> -> memref<!tpu.dma_semaphore, #tpu.memory_space<semaphore_mem>>
        tpu.wait_indirect_dma semaphore(%dma_wait3A_850 : memref<!tpu.dma_semaphore, #tpu.memory_space<semaphore_mem>>) src(%dma_wait3A_848 : memref<1000000x32xf32, #tpu.memory_space<hbm>>) dst(%dma_wait3A_842 : memref<128x32xf32, #tpu.memory_space<vmem>>)
        %dma_wait3A_851 = arith.constant 19 : i32
        %dma_wait3A_852 = arith.constant 0 : i32
        %dma_wait3A_853 = arith.constant 0 : i32
        %dma_wait3A_854 = arith.constant 384 : i32
        %dma_wait3A_855 = arith.constant 0 : i32
        %dma_wait3A_856 = tpu.memref_slice %arg6[%dma_wait3A_852, %dma_wait3A_854, %dma_wait3A_855] : memref<2x512x32xf32, #tpu.memory_space<vmem>> -> memref<1x128x32xf32, #tpu.memory_space<vmem>>
        %dma_wait3A_857 = tpu.memref_squeeze %dma_wait3A_856 : memref<1x128x32xf32, #tpu.memory_space<vmem>> -> memref<128x32xf32, #tpu.memory_space<vmem>>
        %dma_wait3A_858 = arith.constant 0 : i32
        %dma_wait3A_859 = tpu.memref_slice %arg5[%dma_wait3A_851, %dma_wait3A_858] : memref<32x128xi32, #tpu.memory_space<vmem>> -> memref<1x128xi32, #tpu.memory_space<vmem>>
        %dma_wait3A_860 = tpu.memref_squeeze %dma_wait3A_859 : memref<1x128xi32, #tpu.memory_space<vmem>> -> memref<128xi32, #tpu.memory_space<vmem>>
        %dma_wait3A_861 = arith.constant 0 : i32
        %dma_wait3A_862 = arith.constant 0 : i32
        %dma_wait3A_863 = tpu.memref_slice %arg3[%dma_wait3A_861, %dma_wait3A_862] : memref<1000000x32xf32, #tpu.memory_space<hbm>> -> memref<1000000x32xf32, #tpu.memory_space<hbm>>
        %dma_wait3A_864 = tpu.memref_slice %arg8[%dma_wait3A_853] : memref<2x!tpu.dma_semaphore, #tpu.memory_space<semaphore_mem>> -> memref<1x!tpu.dma_semaphore, #tpu.memory_space<semaphore_mem>>
        %dma_wait3A_865 = tpu.memref_squeeze %dma_wait3A_864 : memref<1x!tpu.dma_semaphore, #tpu.memory_space<semaphore_mem>> -> memref<!tpu.dma_semaphore, #tpu.memory_space<semaphore_mem>>
        tpu.wait_indirect_dma semaphore(%dma_wait3A_865 : memref<!tpu.dma_semaphore, #tpu.memory_space<semaphore_mem>>) src(%dma_wait3A_863 : memref<1000000x32xf32, #tpu.memory_space<hbm>>) dst(%dma_wait3A_857 : memref<128x32xf32, #tpu.memory_space<vmem>>)
        %dma_wait3A_866 = arith.constant 0 : i32
        %dma_wait3A_867 = arith.constant 0 : i32
        %dma_wait3A_868 = arith.constant 0 : i32
        %dma_wait3A_869 = arith.constant 0 : i32
        %dma_wait3A_870 = tpu.memref_slice %arg7[%dma_wait3A_866, %dma_wait3A_868, %dma_wait3A_869] : memref<2x32x513xf32, #tpu.memory_space<vmem>> -> memref<1x32x512xf32, #tpu.memory_space<vmem>>
        %dma_wait3A_871 = tpu.memref_squeeze %dma_wait3A_870 : memref<1x32x512xf32, #tpu.memory_space<vmem>> -> memref<32x512xf32, #tpu.memory_space<vmem>>
        %dma_wait3A_872 = arith.constant 0 : i32
        %dma_wait3A_873 = arith.constant 2048 : i32
        %dma_wait3A_874 = tpu.memref_slice %arg4[%add3A_50, %dma_wait3A_872, %dma_wait3A_873] : memref<200x32x4096xf32, #tpu.memory_space<hbm>> -> memref<1x32x512xf32, #tpu.memory_space<hbm>>
        %dma_wait3A_875 = tpu.memref_squeeze %dma_wait3A_874 : memref<1x32x512xf32, #tpu.memory_space<hbm>> -> memref<32x512xf32, #tpu.memory_space<hbm>>
        %dma_wait3A_876 = tpu.memref_slice %arg9[%dma_wait3A_867] : memref<2x!tpu.dma_semaphore, #tpu.memory_space<semaphore_mem>> -> memref<1x!tpu.dma_semaphore, #tpu.memory_space<semaphore_mem>>
        %dma_wait3A_877 = tpu.memref_squeeze %dma_wait3A_876 : memref<1x!tpu.dma_semaphore, #tpu.memory_space<semaphore_mem>> -> memref<!tpu.dma_semaphore, #tpu.memory_space<semaphore_mem>>
        %dma_wait3A_878 = arith.constant 0 : i32
        %dma_wait3A_879 = arith.constant 2048 : i32
        %dma_wait3A_880 = tpu.memref_slice %arg4[%add3A_50, %dma_wait3A_878, %dma_wait3A_879] : memref<200x32x4096xf32, #tpu.memory_space<hbm>> -> memref<1x32x512xf32, #tpu.memory_space<hbm>>
        %dma_wait3A_881 = tpu.memref_squeeze %dma_wait3A_880 : memref<1x32x512xf32, #tpu.memory_space<hbm>> -> memref<32x512xf32, #tpu.memory_space<hbm>>
        %dma_wait3A_882 = arith.constant 0 : i32
        %dma_wait3A_883 = arith.constant 0 : i32
        %dma_wait3A_884 = tpu.memref_slice %arg7[%dma_wait3A_866, %dma_wait3A_882, %dma_wait3A_883] : memref<2x32x513xf32, #tpu.memory_space<vmem>> -> memref<1x32x512xf32, #tpu.memory_space<vmem>>
        %dma_wait3A_885 = tpu.memref_squeeze %dma_wait3A_884 : memref<1x32x512xf32, #tpu.memory_space<vmem>> -> memref<32x512xf32, #tpu.memory_space<vmem>>
        tpu.wait_dma2 semaphore(%dma_wait3A_877 : memref<!tpu.dma_semaphore, #tpu.memory_space<semaphore_mem>>) src(%dma_wait3A_885 : memref<32x512xf32, #tpu.memory_space<vmem>>) dst(%dma_wait3A_881 : memref<32x512xf32, #tpu.memory_space<hbm>>)
        %add3A_886 = arith.constant 16 : i32
        %add3A_887 = vector.broadcast %add3A_886 : i32 to vector<16xi32>
        %add3A_888 = arith.addi %iota3A, %add3A_887 : vector<16xi32>
        %parallel_loop3A_889 = arith.constant 0 : i32
        %parallel_loop3A_890 = arith.constant 512 : i32
        %parallel_loop3A_891 = arith.constant 1 : i32
        scf.for %parallel_loop3A_1350 = %parallel_loop3A_889 to %parallel_loop3A_890 step %parallel_loop3A_891  : i32 {
          %parallel_loop3A_1351 = arith.constant 0 : i32
          %parallel_loop3A_1352 = vector.broadcast %parallel_loop3A_1351 : i32 to vector<16xi32>
          %parallel_loop3A_1353 = vector.broadcast %parallel_loop3A_1350 : i32 to vector<16xi32>
          %parallel_loop3A_1354 = arith.addi %parallel_loop3A_1352, %parallel_loop3A_1353 : vector<16xi32>
          %parallel_loop3A_1355 = arith.constant 0 : i32
          %parallel_loop3A_1356 = arith.index_cast %parallel_loop3A_1355 : i32 to index
          %parallel_loop3A_1357 = arith.index_cast %parallel_loop3A_1350 : i32 to index
          %parallel_loop3A_1358 = arith.constant 0 : index
          %parallel_loop3A_1359 = tpu.vector_load %arg6[%parallel_loop3A_1356, %parallel_loop3A_1357, %parallel_loop3A_1358] {strides = array<i32>} : memref<2x512x32xf32, #tpu.memory_space<vmem>>, vector<16xf32>,
          %parallel_loop3A_1360 = arith.constant 0 : i32
          %parallel_loop3A_1361 = arith.index_cast %parallel_loop3A_1360 : i32 to index
          %parallel_loop3A_1362 = arith.index_cast %parallel_loop3A_1350 : i32 to index
          %parallel_loop3A_1363 = arith.constant 16 : index
          %parallel_loop3A_1364 = tpu.vector_load %arg6[%parallel_loop3A_1361, %parallel_loop3A_1362, %parallel_loop3A_1363] {strides = array<i32>} : memref<2x512x32xf32, #tpu.memory_space<vmem>>, vector<16xf32>,
          %parallel_loop3A_1365 = arith.constant 0 : i32
          %parallel_loop3A_1366 = arith.constant 0 : i32
          %parallel_loop3A_1367 = arith.constant 0 : i32
          %parallel_loop3A_1368 = tpu.memref_slice %arg7[%parallel_loop3A_1365, %parallel_loop3A_1366, %parallel_loop3A_1367] : memref<2x32x513xf32, #tpu.memory_space<vmem>> -> memref<1x32x513xf32, #tpu.memory_space<vmem>>
          %parallel_loop3A_1369 = tpu.memref_squeeze %parallel_loop3A_1368 : memref<1x32x513xf32, #tpu.memory_space<vmem>> -> memref<32x513xf32, #tpu.memory_space<vmem>>
          tpu.vector_store_idx %parallel_loop3A_1369[%iota3A, %parallel_loop3A_1354], %parallel_loop3A_1359 : memref<32x513xf32, #tpu.memory_space<vmem>>[vector<16xi32>, vector<16xi32>], vector<16xf32>,
          %parallel_loop3A_1370 = arith.constant 0 : i32
          %parallel_loop3A_1371 = arith.constant 0 : i32
          %parallel_loop3A_1372 = arith.constant 0 : i32
          %parallel_loop3A_1373 = tpu.memref_slice %arg7[%parallel_loop3A_1370, %parallel_loop3A_1371, %parallel_loop3A_1372] : memref<2x32x513xf32, #tpu.memory_space<vmem>> -> memref<1x32x513xf32, #tpu.memory_space<vmem>>
          %parallel_loop3A_1374 = tpu.memref_squeeze %parallel_loop3A_1373 : memref<1x32x513xf32, #tpu.memory_space<vmem>> -> memref<32x513xf32, #tpu.memory_space<vmem>>
          tpu.vector_store_idx %parallel_loop3A_1374[%add3A_888, %parallel_loop3A_1354], %parallel_loop3A_1364 : memref<32x513xf32, #tpu.memory_space<vmem>>[vector<16xi32>, vector<16xi32>], vector<16xf32>,
        } {sc.loop_unroll_factor = 8 : i64, sc.parallel_access}
        %dma_start3A_892 = arith.constant 0 : i32
        %dma_start3A_893 = arith.constant 0 : i32
        %dma_start3A_894 = arith.constant 0 : i32
        %dma_start3A_895 = arith.constant 0 : i32
        %dma_start3A_896 = tpu.memref_slice %arg7[%dma_start3A_892, %dma_start3A_894, %dma_start3A_895] : memref<2x32x513xf32, #tpu.memory_space<vmem>> -> memref<1x32x512xf32, #tpu.memory_space<vmem>>
        %dma_start3A_897 = tpu.memref_squeeze %dma_start3A_896 : memref<1x32x512xf32, #tpu.memory_space<vmem>> -> memref<32x512xf32, #tpu.memory_space<vmem>>
        %dma_start3A_898 = arith.constant 0 : i32
        %dma_start3A_899 = arith.constant 2048 : i32
        %dma_start3A_900 = tpu.memref_slice %arg4[%add3A_50, %dma_start3A_898, %dma_start3A_899] : memref<200x32x4096xf32, #tpu.memory_space<hbm>> -> memref<1x32x512xf32, #tpu.memory_space<hbm>>
        %dma_start3A_901 = tpu.memref_squeeze %dma_start3A_900 : memref<1x32x512xf32, #tpu.memory_space<hbm>> -> memref<32x512xf32, #tpu.memory_space<hbm>>
        %dma_start3A_902 = tpu.memref_slice %arg9[%dma_start3A_893] : memref<2x!tpu.dma_semaphore, #tpu.memory_space<semaphore_mem>> -> memref<1x!tpu.dma_semaphore, #tpu.memory_space<semaphore_mem>>
        %dma_start3A_903 = tpu.memref_squeeze %dma_start3A_902 : memref<1x!tpu.dma_semaphore, #tpu.memory_space<semaphore_mem>> -> memref<!tpu.dma_semaphore, #tpu.memory_space<semaphore_mem>>
        %dma_start3A_904 = arith.constant 0 : i32
        %dma_start3A_905 = arith.constant 2048 : i32
        %dma_start3A_906 = tpu.memref_slice %arg4[%add3A_50, %dma_start3A_904, %dma_start3A_905] : memref<200x32x4096xf32, #tpu.memory_space<hbm>> -> memref<1x32x512xf32, #tpu.memory_space<hbm>>
        %dma_start3A_907 = tpu.memref_squeeze %dma_start3A_906 : memref<1x32x512xf32, #tpu.memory_space<hbm>> -> memref<32x512xf32, #tpu.memory_space<hbm>>
        %dma_start3A_908 = arith.constant 0 : i32
        %dma_start3A_909 = arith.constant 0 : i32
        %dma_start3A_910 = tpu.memref_slice %arg7[%dma_start3A_892, %dma_start3A_908, %dma_start3A_909] : memref<2x32x513xf32, #tpu.memory_space<vmem>> -> memref<1x32x512xf32, #tpu.memory_space<vmem>>
        %dma_start3A_911 = tpu.memref_squeeze %dma_start3A_910 : memref<1x32x512xf32, #tpu.memory_space<vmem>> -> memref<32x512xf32, #tpu.memory_space<vmem>>
        tpu.enqueue_dma source(%dma_start3A_911 : memref<32x512xf32, #tpu.memory_space<vmem>>) target(%dma_start3A_907 : memref<32x512xf32, #tpu.memory_space<hbm>>) target_semaphore(%dma_start3A_903 : memref<!tpu.dma_semaphore, #tpu.memory_space<semaphore_mem>>)
        %dma_start3A_912 = arith.constant 24 : i32
        %dma_start3A_913 = arith.constant 0 : i32
        %dma_start3A_914 = arith.constant 0 : i32
        %dma_start3A_915 = arith.constant 0 : i32
        %dma_start3A_916 = arith.constant 0 : i32
        %dma_start3A_917 = tpu.memref_slice %arg6[%dma_start3A_913, %dma_start3A_915, %dma_start3A_916] : memref<2x512x32xf32, #tpu.memory_space<vmem>> -> memref<1x128x32xf32, #tpu.memory_space<vmem>>
        %dma_start3A_918 = tpu.memref_squeeze %dma_start3A_917 : memref<1x128x32xf32, #tpu.memory_space<vmem>> -> memref<128x32xf32, #tpu.memory_space<vmem>>
        %dma_start3A_919 = arith.constant 0 : i32
        %dma_start3A_920 = tpu.memref_slice %arg5[%dma_start3A_912, %dma_start3A_919] : memref<32x128xi32, #tpu.memory_space<vmem>> -> memref<1x128xi32, #tpu.memory_space<vmem>>
        %dma_start3A_921 = tpu.memref_squeeze %dma_start3A_920 : memref<1x128xi32, #tpu.memory_space<vmem>> -> memref<128xi32, #tpu.memory_space<vmem>>
        %dma_start3A_922 = arith.constant 0 : i32
        %dma_start3A_923 = arith.constant 0 : i32
        %dma_start3A_924 = tpu.memref_slice %arg3[%dma_start3A_922, %dma_start3A_923] : memref<1000000x32xf32, #tpu.memory_space<hbm>> -> memref<1000000x32xf32, #tpu.memory_space<hbm>>
        %dma_start3A_925 = tpu.memref_slice %arg8[%dma_start3A_914] : memref<2x!tpu.dma_semaphore, #tpu.memory_space<semaphore_mem>> -> memref<1x!tpu.dma_semaphore, #tpu.memory_space<semaphore_mem>>
        %dma_start3A_926 = tpu.memref_squeeze %dma_start3A_925 : memref<1x!tpu.dma_semaphore, #tpu.memory_space<semaphore_mem>> -> memref<!tpu.dma_semaphore, #tpu.memory_space<semaphore_mem>>
        tpu.enqueue_indirect_dma source(%dma_start3A_924 : memref<1000000x32xf32, #tpu.memory_space<hbm>>) target(%dma_start3A_918 : memref<128x32xf32, #tpu.memory_space<vmem>>) offsets(%dma_start3A_921 : memref<128xi32, #tpu.memory_space<vmem>>) semaphore(%dma_start3A_926 : memref<!tpu.dma_semaphore, #tpu.memory_space<semaphore_mem>>)
        %dma_start3A_927 = arith.constant 25 : i32
        %dma_start3A_928 = arith.constant 0 : i32
        %dma_start3A_929 = arith.constant 0 : i32
        %dma_start3A_930 = arith.constant 128 : i32
        %dma_start3A_931 = arith.constant 0 : i32
        %dma_start3A_932 = tpu.memref_slice %arg6[%dma_start3A_928, %dma_start3A_930, %dma_start3A_931] : memref<2x512x32xf32, #tpu.memory_space<vmem>> -> memref<1x128x32xf32, #tpu.memory_space<vmem>>
        %dma_start3A_933 = tpu.memref_squeeze %dma_start3A_932 : memref<1x128x32xf32, #tpu.memory_space<vmem>> -> memref<128x32xf32, #tpu.memory_space<vmem>>
        %dma_start3A_934 = arith.constant 0 : i32
        %dma_start3A_935 = tpu.memref_slice %arg5[%dma_start3A_927, %dma_start3A_934] : memref<32x128xi32, #tpu.memory_space<vmem>> -> memref<1x128xi32, #tpu.memory_space<vmem>>
        %dma_start3A_936 = tpu.memref_squeeze %dma_start3A_935 : memref<1x128xi32, #tpu.memory_space<vmem>> -> memref<128xi32, #tpu.memory_space<vmem>>
        %dma_start3A_937 = arith.constant 0 : i32
        %dma_start3A_938 = arith.constant 0 : i32
        %dma_start3A_939 = tpu.memref_slice %arg3[%dma_start3A_937, %dma_start3A_938] : memref<1000000x32xf32, #tpu.memory_space<hbm>> -> memref<1000000x32xf32, #tpu.memory_space<hbm>>
        %dma_start3A_940 = tpu.memref_slice %arg8[%dma_start3A_929] : memref<2x!tpu.dma_semaphore, #tpu.memory_space<semaphore_mem>> -> memref<1x!tpu.dma_semaphore, #tpu.memory_space<semaphore_mem>>
        %dma_start3A_941 = tpu.memref_squeeze %dma_start3A_940 : memref<1x!tpu.dma_semaphore, #tpu.memory_space<semaphore_mem>> -> memref<!tpu.dma_semaphore, #tpu.memory_space<semaphore_mem>>
        tpu.enqueue_indirect_dma source(%dma_start3A_939 : memref<1000000x32xf32, #tpu.memory_space<hbm>>) target(%dma_start3A_933 : memref<128x32xf32, #tpu.memory_space<vmem>>) offsets(%dma_start3A_936 : memref<128xi32, #tpu.memory_space<vmem>>) semaphore(%dma_start3A_941 : memref<!tpu.dma_semaphore, #tpu.memory_space<semaphore_mem>>)
        %dma_start3A_942 = arith.constant 26 : i32
        %dma_start3A_943 = arith.constant 0 : i32
        %dma_start3A_944 = arith.constant 0 : i32
        %dma_start3A_945 = arith.constant 256 : i32
        %dma_start3A_946 = arith.constant 0 : i32
        %dma_start3A_947 = tpu.memref_slice %arg6[%dma_start3A_943, %dma_start3A_945, %dma_start3A_946] : memref<2x512x32xf32, #tpu.memory_space<vmem>> -> memref<1x128x32xf32, #tpu.memory_space<vmem>>
        %dma_start3A_948 = tpu.memref_squeeze %dma_start3A_947 : memref<1x128x32xf32, #tpu.memory_space<vmem>> -> memref<128x32xf32, #tpu.memory_space<vmem>>
        %dma_start3A_949 = arith.constant 0 : i32
        %dma_start3A_950 = tpu.memref_slice %arg5[%dma_start3A_942, %dma_start3A_949] : memref<32x128xi32, #tpu.memory_space<vmem>> -> memref<1x128xi32, #tpu.memory_space<vmem>>
        %dma_start3A_951 = tpu.memref_squeeze %dma_start3A_950 : memref<1x128xi32, #tpu.memory_space<vmem>> -> memref<128xi32, #tpu.memory_space<vmem>>
        %dma_start3A_952 = arith.constant 0 : i32
        %dma_start3A_953 = arith.constant 0 : i32
        %dma_start3A_954 = tpu.memref_slice %arg3[%dma_start3A_952, %dma_start3A_953] : memref<1000000x32xf32, #tpu.memory_space<hbm>> -> memref<1000000x32xf32, #tpu.memory_space<hbm>>
        %dma_start3A_955 = tpu.memref_slice %arg8[%dma_start3A_944] : memref<2x!tpu.dma_semaphore, #tpu.memory_space<semaphore_mem>> -> memref<1x!tpu.dma_semaphore, #tpu.memory_space<semaphore_mem>>
        %dma_start3A_956 = tpu.memref_squeeze %dma_start3A_955 : memref<1x!tpu.dma_semaphore, #tpu.memory_space<semaphore_mem>> -> memref<!tpu.dma_semaphore, #tpu.memory_space<semaphore_mem>>
        tpu.enqueue_indirect_dma source(%dma_start3A_954 : memref<1000000x32xf32, #tpu.memory_space<hbm>>) target(%dma_start3A_948 : memref<128x32xf32, #tpu.memory_space<vmem>>) offsets(%dma_start3A_951 : memref<128xi32, #tpu.memory_space<vmem>>) semaphore(%dma_start3A_956 : memref<!tpu.dma_semaphore, #tpu.memory_space<semaphore_mem>>)
        %dma_start3A_957 = arith.constant 27 : i32
        %dma_start3A_958 = arith.constant 0 : i32
        %dma_start3A_959 = arith.constant 0 : i32
        %dma_start3A_960 = arith.constant 384 : i32
        %dma_start3A_961 = arith.constant 0 : i32
        %dma_start3A_962 = tpu.memref_slice %arg6[%dma_start3A_958, %dma_start3A_960, %dma_start3A_961] : memref<2x512x32xf32, #tpu.memory_space<vmem>> -> memref<1x128x32xf32, #tpu.memory_space<vmem>>
        %dma_start3A_963 = tpu.memref_squeeze %dma_start3A_962 : memref<1x128x32xf32, #tpu.memory_space<vmem>> -> memref<128x32xf32, #tpu.memory_space<vmem>>
        %dma_start3A_964 = arith.constant 0 : i32
        %dma_start3A_965 = tpu.memref_slice %arg5[%dma_start3A_957, %dma_start3A_964] : memref<32x128xi32, #tpu.memory_space<vmem>> -> memref<1x128xi32, #tpu.memory_space<vmem>>
        %dma_start3A_966 = tpu.memref_squeeze %dma_start3A_965 : memref<1x128xi32, #tpu.memory_space<vmem>> -> memref<128xi32, #tpu.memory_space<vmem>>
        %dma_start3A_967 = arith.constant 0 : i32
        %dma_start3A_968 = arith.constant 0 : i32
        %dma_start3A_969 = tpu.memref_slice %arg3[%dma_start3A_967, %dma_start3A_968] : memref<1000000x32xf32, #tpu.memory_space<hbm>> -> memref<1000000x32xf32, #tpu.memory_space<hbm>>
        %dma_start3A_970 = tpu.memref_slice %arg8[%dma_start3A_959] : memref<2x!tpu.dma_semaphore, #tpu.memory_space<semaphore_mem>> -> memref<1x!tpu.dma_semaphore, #tpu.memory_space<semaphore_mem>>
        %dma_start3A_971 = tpu.memref_squeeze %dma_start3A_970 : memref<1x!tpu.dma_semaphore, #tpu.memory_space<semaphore_mem>> -> memref<!tpu.dma_semaphore, #tpu.memory_space<semaphore_mem>>
        tpu.enqueue_indirect_dma source(%dma_start3A_969 : memref<1000000x32xf32, #tpu.memory_space<hbm>>) target(%dma_start3A_963 : memref<128x32xf32, #tpu.memory_space<vmem>>) offsets(%dma_start3A_966 : memref<128xi32, #tpu.memory_space<vmem>>) semaphore(%dma_start3A_971 : memref<!tpu.dma_semaphore, #tpu.memory_space<semaphore_mem>>)
        %dma_wait3A_972 = arith.constant 20 : i32
        %dma_wait3A_973 = arith.constant 1 : i32
        %dma_wait3A_974 = arith.constant 1 : i32
        %dma_wait3A_975 = arith.constant 0 : i32
        %dma_wait3A_976 = arith.constant 0 : i32
        %dma_wait3A_977 = tpu.memref_slice %arg6[%dma_wait3A_973, %dma_wait3A_975, %dma_wait3A_976] : memref<2x512x32xf32, #tpu.memory_space<vmem>> -> memref<1x128x32xf32, #tpu.memory_space<vmem>>
        %dma_wait3A_978 = tpu.memref_squeeze %dma_wait3A_977 : memref<1x128x32xf32, #tpu.memory_space<vmem>> -> memref<128x32xf32, #tpu.memory_space<vmem>>
        %dma_wait3A_979 = arith.constant 0 : i32
        %dma_wait3A_980 = tpu.memref_slice %arg5[%dma_wait3A_972, %dma_wait3A_979] : memref<32x128xi32, #tpu.memory_space<vmem>> -> memref<1x128xi32, #tpu.memory_space<vmem>>
        %dma_wait3A_981 = tpu.memref_squeeze %dma_wait3A_980 : memref<1x128xi32, #tpu.memory_space<vmem>> -> memref<128xi32, #tpu.memory_space<vmem>>
        %dma_wait3A_982 = arith.constant 0 : i32
        %dma_wait3A_983 = arith.constant 0 : i32
        %dma_wait3A_984 = tpu.memref_slice %arg3[%dma_wait3A_982, %dma_wait3A_983] : memref<1000000x32xf32, #tpu.memory_space<hbm>> -> memref<1000000x32xf32, #tpu.memory_space<hbm>>
        %dma_wait3A_985 = tpu.memref_slice %arg8[%dma_wait3A_974] : memref<2x!tpu.dma_semaphore, #tpu.memory_space<semaphore_mem>> -> memref<1x!tpu.dma_semaphore, #tpu.memory_space<semaphore_mem>>
        %dma_wait3A_986 = tpu.memref_squeeze %dma_wait3A_985 : memref<1x!tpu.dma_semaphore, #tpu.memory_space<semaphore_mem>> -> memref<!tpu.dma_semaphore, #tpu.memory_space<semaphore_mem>>
        tpu.wait_indirect_dma semaphore(%dma_wait3A_986 : memref<!tpu.dma_semaphore, #tpu.memory_space<semaphore_mem>>) src(%dma_wait3A_984 : memref<1000000x32xf32, #tpu.memory_space<hbm>>) dst(%dma_wait3A_978 : memref<128x32xf32, #tpu.memory_space<vmem>>)
        %dma_wait3A_987 = arith.constant 21 : i32
        %dma_wait3A_988 = arith.constant 1 : i32
        %dma_wait3A_989 = arith.constant 1 : i32
        %dma_wait3A_990 = arith.constant 128 : i32
        %dma_wait3A_991 = arith.constant 0 : i32
        %dma_wait3A_992 = tpu.memref_slice %arg6[%dma_wait3A_988, %dma_wait3A_990, %dma_wait3A_991] : memref<2x512x32xf32, #tpu.memory_space<vmem>> -> memref<1x128x32xf32, #tpu.memory_space<vmem>>
        %dma_wait3A_993 = tpu.memref_squeeze %dma_wait3A_992 : memref<1x128x32xf32, #tpu.memory_space<vmem>> -> memref<128x32xf32, #tpu.memory_space<vmem>>
        %dma_wait3A_994 = arith.constant 0 : i32
        %dma_wait3A_995 = tpu.memref_slice %arg5[%dma_wait3A_987, %dma_wait3A_994] : memref<32x128xi32, #tpu.memory_space<vmem>> -> memref<1x128xi32, #tpu.memory_space<vmem>>
        %dma_wait3A_996 = tpu.memref_squeeze %dma_wait3A_995 : memref<1x128xi32, #tpu.memory_space<vmem>> -> memref<128xi32, #tpu.memory_space<vmem>>
        %dma_wait3A_997 = arith.constant 0 : i32
        %dma_wait3A_998 = arith.constant 0 : i32
        %dma_wait3A_999 = tpu.memref_slice %arg3[%dma_wait3A_997, %dma_wait3A_998] : memref<1000000x32xf32, #tpu.memory_space<hbm>> -> memref<1000000x32xf32, #tpu.memory_space<hbm>>
        %dma_wait3A_1000 = tpu.memref_slice %arg8[%dma_wait3A_989] : memref<2x!tpu.dma_semaphore, #tpu.memory_space<semaphore_mem>> -> memref<1x!tpu.dma_semaphore, #tpu.memory_space<semaphore_mem>>
        %dma_wait3A_1001 = tpu.memref_squeeze %dma_wait3A_1000 : memref<1x!tpu.dma_semaphore, #tpu.memory_space<semaphore_mem>> -> memref<!tpu.dma_semaphore, #tpu.memory_space<semaphore_mem>>
        tpu.wait_indirect_dma semaphore(%dma_wait3A_1001 : memref<!tpu.dma_semaphore, #tpu.memory_space<semaphore_mem>>) src(%dma_wait3A_999 : memref<1000000x32xf32, #tpu.memory_space<hbm>>) dst(%dma_wait3A_993 : memref<128x32xf32, #tpu.memory_space<vmem>>)
        %dma_wait3A_1002 = arith.constant 22 : i32
        %dma_wait3A_1003 = arith.constant 1 : i32
        %dma_wait3A_1004 = arith.constant 1 : i32
        %dma_wait3A_1005 = arith.constant 256 : i32
        %dma_wait3A_1006 = arith.constant 0 : i32
        %dma_wait3A_1007 = tpu.memref_slice %arg6[%dma_wait3A_1003, %dma_wait3A_1005, %dma_wait3A_1006] : memref<2x512x32xf32, #tpu.memory_space<vmem>> -> memref<1x128x32xf32, #tpu.memory_space<vmem>>
        %dma_wait3A_1008 = tpu.memref_squeeze %dma_wait3A_1007 : memref<1x128x32xf32, #tpu.memory_space<vmem>> -> memref<128x32xf32, #tpu.memory_space<vmem>>
        %dma_wait3A_1009 = arith.constant 0 : i32
        %dma_wait3A_1010 = tpu.memref_slice %arg5[%dma_wait3A_1002, %dma_wait3A_1009] : memref<32x128xi32, #tpu.memory_space<vmem>> -> memref<1x128xi32, #tpu.memory_space<vmem>>
        %dma_wait3A_1011 = tpu.memref_squeeze %dma_wait3A_1010 : memref<1x128xi32, #tpu.memory_space<vmem>> -> memref<128xi32, #tpu.memory_space<vmem>>
        %dma_wait3A_1012 = arith.constant 0 : i32
        %dma_wait3A_1013 = arith.constant 0 : i32
        %dma_wait3A_1014 = tpu.memref_slice %arg3[%dma_wait3A_1012, %dma_wait3A_1013] : memref<1000000x32xf32, #tpu.memory_space<hbm>> -> memref<1000000x32xf32, #tpu.memory_space<hbm>>
        %dma_wait3A_1015 = tpu.memref_slice %arg8[%dma_wait3A_1004] : memref<2x!tpu.dma_semaphore, #tpu.memory_space<semaphore_mem>> -> memref<1x!tpu.dma_semaphore, #tpu.memory_space<semaphore_mem>>
        %dma_wait3A_1016 = tpu.memref_squeeze %dma_wait3A_1015 : memref<1x!tpu.dma_semaphore, #tpu.memory_space<semaphore_mem>> -> memref<!tpu.dma_semaphore, #tpu.memory_space<semaphore_mem>>
        tpu.wait_indirect_dma semaphore(%dma_wait3A_1016 : memref<!tpu.dma_semaphore, #tpu.memory_space<semaphore_mem>>) src(%dma_wait3A_1014 : memref<1000000x32xf32, #tpu.memory_space<hbm>>) dst(%dma_wait3A_1008 : memref<128x32xf32, #tpu.memory_space<vmem>>)
        %dma_wait3A_1017 = arith.constant 23 : i32
        %dma_wait3A_1018 = arith.constant 1 : i32
        %dma_wait3A_1019 = arith.constant 1 : i32
        %dma_wait3A_1020 = arith.constant 384 : i32
        %dma_wait3A_1021 = arith.constant 0 : i32
        %dma_wait3A_1022 = tpu.memref_slice %arg6[%dma_wait3A_1018, %dma_wait3A_1020, %dma_wait3A_1021] : memref<2x512x32xf32, #tpu.memory_space<vmem>> -> memref<1x128x32xf32, #tpu.memory_space<vmem>>
        %dma_wait3A_1023 = tpu.memref_squeeze %dma_wait3A_1022 : memref<1x128x32xf32, #tpu.memory_space<vmem>> -> memref<128x32xf32, #tpu.memory_space<vmem>>
        %dma_wait3A_1024 = arith.constant 0 : i32
        %dma_wait3A_1025 = tpu.memref_slice %arg5[%dma_wait3A_1017, %dma_wait3A_1024] : memref<32x128xi32, #tpu.memory_space<vmem>> -> memref<1x128xi32, #tpu.memory_space<vmem>>
        %dma_wait3A_1026 = tpu.memref_squeeze %dma_wait3A_1025 : memref<1x128xi32, #tpu.memory_space<vmem>> -> memref<128xi32, #tpu.memory_space<vmem>>
        %dma_wait3A_1027 = arith.constant 0 : i32
        %dma_wait3A_1028 = arith.constant 0 : i32
        %dma_wait3A_1029 = tpu.memref_slice %arg3[%dma_wait3A_1027, %dma_wait3A_1028] : memref<1000000x32xf32, #tpu.memory_space<hbm>> -> memref<1000000x32xf32, #tpu.memory_space<hbm>>
        %dma_wait3A_1030 = tpu.memref_slice %arg8[%dma_wait3A_1019] : memref<2x!tpu.dma_semaphore, #tpu.memory_space<semaphore_mem>> -> memref<1x!tpu.dma_semaphore, #tpu.memory_space<semaphore_mem>>
        %dma_wait3A_1031 = tpu.memref_squeeze %dma_wait3A_1030 : memref<1x!tpu.dma_semaphore, #tpu.memory_space<semaphore_mem>> -> memref<!tpu.dma_semaphore, #tpu.memory_space<semaphore_mem>>
        tpu.wait_indirect_dma semaphore(%dma_wait3A_1031 : memref<!tpu.dma_semaphore, #tpu.memory_space<semaphore_mem>>) src(%dma_wait3A_1029 : memref<1000000x32xf32, #tpu.memory_space<hbm>>) dst(%dma_wait3A_1023 : memref<128x32xf32, #tpu.memory_space<vmem>>)
        %dma_wait3A_1032 = arith.constant 1 : i32
        %dma_wait3A_1033 = arith.constant 1 : i32
        %dma_wait3A_1034 = arith.constant 0 : i32
        %dma_wait3A_1035 = arith.constant 0 : i32
        %dma_wait3A_1036 = tpu.memref_slice %arg7[%dma_wait3A_1032, %dma_wait3A_1034, %dma_wait3A_1035] : memref<2x32x513xf32, #tpu.memory_space<vmem>> -> memref<1x32x512xf32, #tpu.memory_space<vmem>>
        %dma_wait3A_1037 = tpu.memref_squeeze %dma_wait3A_1036 : memref<1x32x512xf32, #tpu.memory_space<vmem>> -> memref<32x512xf32, #tpu.memory_space<vmem>>
        %dma_wait3A_1038 = arith.constant 0 : i32
        %dma_wait3A_1039 = arith.constant 2560 : i32
        %dma_wait3A_1040 = tpu.memref_slice %arg4[%add3A_50, %dma_wait3A_1038, %dma_wait3A_1039] : memref<200x32x4096xf32, #tpu.memory_space<hbm>> -> memref<1x32x512xf32, #tpu.memory_space<hbm>>
        %dma_wait3A_1041 = tpu.memref_squeeze %dma_wait3A_1040 : memref<1x32x512xf32, #tpu.memory_space<hbm>> -> memref<32x512xf32, #tpu.memory_space<hbm>>
        %dma_wait3A_1042 = tpu.memref_slice %arg9[%dma_wait3A_1033] : memref<2x!tpu.dma_semaphore, #tpu.memory_space<semaphore_mem>> -> memref<1x!tpu.dma_semaphore, #tpu.memory_space<semaphore_mem>>
        %dma_wait3A_1043 = tpu.memref_squeeze %dma_wait3A_1042 : memref<1x!tpu.dma_semaphore, #tpu.memory_space<semaphore_mem>> -> memref<!tpu.dma_semaphore, #tpu.memory_space<semaphore_mem>>
        %dma_wait3A_1044 = arith.constant 0 : i32
        %dma_wait3A_1045 = arith.constant 2560 : i32
        %dma_wait3A_1046 = tpu.memref_slice %arg4[%add3A_50, %dma_wait3A_1044, %dma_wait3A_1045] : memref<200x32x4096xf32, #tpu.memory_space<hbm>> -> memref<1x32x512xf32, #tpu.memory_space<hbm>>
        %dma_wait3A_1047 = tpu.memref_squeeze %dma_wait3A_1046 : memref<1x32x512xf32, #tpu.memory_space<hbm>> -> memref<32x512xf32, #tpu.memory_space<hbm>>
        %dma_wait3A_1048 = arith.constant 0 : i32
        %dma_wait3A_1049 = arith.constant 0 : i32
        %dma_wait3A_1050 = tpu.memref_slice %arg7[%dma_wait3A_1032, %dma_wait3A_1048, %dma_wait3A_1049] : memref<2x32x513xf32, #tpu.memory_space<vmem>> -> memref<1x32x512xf32, #tpu.memory_space<vmem>>
        %dma_wait3A_1051 = tpu.memref_squeeze %dma_wait3A_1050 : memref<1x32x512xf32, #tpu.memory_space<vmem>> -> memref<32x512xf32, #tpu.memory_space<vmem>>
        tpu.wait_dma2 semaphore(%dma_wait3A_1043 : memref<!tpu.dma_semaphore, #tpu.memory_space<semaphore_mem>>) src(%dma_wait3A_1051 : memref<32x512xf32, #tpu.memory_space<vmem>>) dst(%dma_wait3A_1047 : memref<32x512xf32, #tpu.memory_space<hbm>>)
        %add3A_1052 = arith.constant 16 : i32
        %add3A_1053 = vector.broadcast %add3A_1052 : i32 to vector<16xi32>
        %add3A_1054 = arith.addi %iota3A, %add3A_1053 : vector<16xi32>
        %parallel_loop3A_1055 = arith.constant 0 : i32
        %parallel_loop3A_1056 = arith.constant 512 : i32
        %parallel_loop3A_1057 = arith.constant 1 : i32
        scf.for %parallel_loop3A_1350 = %parallel_loop3A_1055 to %parallel_loop3A_1056 step %parallel_loop3A_1057  : i32 {
          %parallel_loop3A_1351 = arith.constant 0 : i32
          %parallel_loop3A_1352 = vector.broadcast %parallel_loop3A_1351 : i32 to vector<16xi32>
          %parallel_loop3A_1353 = vector.broadcast %parallel_loop3A_1350 : i32 to vector<16xi32>
          %parallel_loop3A_1354 = arith.addi %parallel_loop3A_1352, %parallel_loop3A_1353 : vector<16xi32>
          %parallel_loop3A_1355 = arith.constant 1 : i32
          %parallel_loop3A_1356 = arith.index_cast %parallel_loop3A_1355 : i32 to index
          %parallel_loop3A_1357 = arith.index_cast %parallel_loop3A_1350 : i32 to index
          %parallel_loop3A_1358 = arith.constant 0 : index
          %parallel_loop3A_1359 = tpu.vector_load %arg6[%parallel_loop3A_1356, %parallel_loop3A_1357, %parallel_loop3A_1358] {strides = array<i32>} : memref<2x512x32xf32, #tpu.memory_space<vmem>>, vector<16xf32>,
          %parallel_loop3A_1360 = arith.constant 1 : i32
          %parallel_loop3A_1361 = arith.index_cast %parallel_loop3A_1360 : i32 to index
          %parallel_loop3A_1362 = arith.index_cast %parallel_loop3A_1350 : i32 to index
          %parallel_loop3A_1363 = arith.constant 16 : index
          %parallel_loop3A_1364 = tpu.vector_load %arg6[%parallel_loop3A_1361, %parallel_loop3A_1362, %parallel_loop3A_1363] {strides = array<i32>} : memref<2x512x32xf32, #tpu.memory_space<vmem>>, vector<16xf32>,
          %parallel_loop3A_1365 = arith.constant 1 : i32
          %parallel_loop3A_1366 = arith.constant 0 : i32
          %parallel_loop3A_1367 = arith.constant 0 : i32
          %parallel_loop3A_1368 = tpu.memref_slice %arg7[%parallel_loop3A_1365, %parallel_loop3A_1366, %parallel_loop3A_1367] : memref<2x32x513xf32, #tpu.memory_space<vmem>> -> memref<1x32x513xf32, #tpu.memory_space<vmem>>
          %parallel_loop3A_1369 = tpu.memref_squeeze %parallel_loop3A_1368 : memref<1x32x513xf32, #tpu.memory_space<vmem>> -> memref<32x513xf32, #tpu.memory_space<vmem>>
          tpu.vector_store_idx %parallel_loop3A_1369[%iota3A, %parallel_loop3A_1354], %parallel_loop3A_1359 : memref<32x513xf32, #tpu.memory_space<vmem>>[vector<16xi32>, vector<16xi32>], vector<16xf32>,
          %parallel_loop3A_1370 = arith.constant 1 : i32
          %parallel_loop3A_1371 = arith.constant 0 : i32
          %parallel_loop3A_1372 = arith.constant 0 : i32
          %parallel_loop3A_1373 = tpu.memref_slice %arg7[%parallel_loop3A_1370, %parallel_loop3A_1371, %parallel_loop3A_1372] : memref<2x32x513xf32, #tpu.memory_space<vmem>> -> memref<1x32x513xf32, #tpu.memory_space<vmem>>
          %parallel_loop3A_1374 = tpu.memref_squeeze %parallel_loop3A_1373 : memref<1x32x513xf32, #tpu.memory_space<vmem>> -> memref<32x513xf32, #tpu.memory_space<vmem>>
          tpu.vector_store_idx %parallel_loop3A_1374[%add3A_1054, %parallel_loop3A_1354], %parallel_loop3A_1364 : memref<32x513xf32, #tpu.memory_space<vmem>>[vector<16xi32>, vector<16xi32>], vector<16xf32>,
        } {sc.loop_unroll_factor = 8 : i64, sc.parallel_access}
        %dma_start3A_1058 = arith.constant 1 : i32
        %dma_start3A_1059 = arith.constant 1 : i32
        %dma_start3A_1060 = arith.constant 0 : i32
        %dma_start3A_1061 = arith.constant 0 : i32
        %dma_start3A_1062 = tpu.memref_slice %arg7[%dma_start3A_1058, %dma_start3A_1060, %dma_start3A_1061] : memref<2x32x513xf32, #tpu.memory_space<vmem>> -> memref<1x32x512xf32, #tpu.memory_space<vmem>>
        %dma_start3A_1063 = tpu.memref_squeeze %dma_start3A_1062 : memref<1x32x512xf32, #tpu.memory_space<vmem>> -> memref<32x512xf32, #tpu.memory_space<vmem>>
        %dma_start3A_1064 = arith.constant 0 : i32
        %dma_start3A_1065 = arith.constant 2560 : i32
        %dma_start3A_1066 = tpu.memref_slice %arg4[%add3A_50, %dma_start3A_1064, %dma_start3A_1065] : memref<200x32x4096xf32, #tpu.memory_space<hbm>> -> memref<1x32x512xf32, #tpu.memory_space<hbm>>
        %dma_start3A_1067 = tpu.memref_squeeze %dma_start3A_1066 : memref<1x32x512xf32, #tpu.memory_space<hbm>> -> memref<32x512xf32, #tpu.memory_space<hbm>>
        %dma_start3A_1068 = tpu.memref_slice %arg9[%dma_start3A_1059] : memref<2x!tpu.dma_semaphore, #tpu.memory_space<semaphore_mem>> -> memref<1x!tpu.dma_semaphore, #tpu.memory_space<semaphore_mem>>
        %dma_start3A_1069 = tpu.memref_squeeze %dma_start3A_1068 : memref<1x!tpu.dma_semaphore, #tpu.memory_space<semaphore_mem>> -> memref<!tpu.dma_semaphore, #tpu.memory_space<semaphore_mem>>
        %dma_start3A_1070 = arith.constant 0 : i32
        %dma_start3A_1071 = arith.constant 2560 : i32
        %dma_start3A_1072 = tpu.memref_slice %arg4[%add3A_50, %dma_start3A_1070, %dma_start3A_1071] : memref<200x32x4096xf32, #tpu.memory_space<hbm>> -> memref<1x32x512xf32, #tpu.memory_space<hbm>>
        %dma_start3A_1073 = tpu.memref_squeeze %dma_start3A_1072 : memref<1x32x512xf32, #tpu.memory_space<hbm>> -> memref<32x512xf32, #tpu.memory_space<hbm>>
        %dma_start3A_1074 = arith.constant 0 : i32
        %dma_start3A_1075 = arith.constant 0 : i32
        %dma_start3A_1076 = tpu.memref_slice %arg7[%dma_start3A_1058, %dma_start3A_1074, %dma_start3A_1075] : memref<2x32x513xf32, #tpu.memory_space<vmem>> -> memref<1x32x512xf32, #tpu.memory_space<vmem>>
        %dma_start3A_1077 = tpu.memref_squeeze %dma_start3A_1076 : memref<1x32x512xf32, #tpu.memory_space<vmem>> -> memref<32x512xf32, #tpu.memory_space<vmem>>
        tpu.enqueue_dma source(%dma_start3A_1077 : memref<32x512xf32, #tpu.memory_space<vmem>>) target(%dma_start3A_1073 : memref<32x512xf32, #tpu.memory_space<hbm>>) target_semaphore(%dma_start3A_1069 : memref<!tpu.dma_semaphore, #tpu.memory_space<semaphore_mem>>)
        %dma_start3A_1078 = arith.constant 28 : i32
        %dma_start3A_1079 = arith.constant 1 : i32
        %dma_start3A_1080 = arith.constant 1 : i32
        %dma_start3A_1081 = arith.constant 0 : i32
        %dma_start3A_1082 = arith.constant 0 : i32
        %dma_start3A_1083 = tpu.memref_slice %arg6[%dma_start3A_1079, %dma_start3A_1081, %dma_start3A_1082] : memref<2x512x32xf32, #tpu.memory_space<vmem>> -> memref<1x128x32xf32, #tpu.memory_space<vmem>>
        %dma_start3A_1084 = tpu.memref_squeeze %dma_start3A_1083 : memref<1x128x32xf32, #tpu.memory_space<vmem>> -> memref<128x32xf32, #tpu.memory_space<vmem>>
        %dma_start3A_1085 = arith.constant 0 : i32
        %dma_start3A_1086 = tpu.memref_slice %arg5[%dma_start3A_1078, %dma_start3A_1085] : memref<32x128xi32, #tpu.memory_space<vmem>> -> memref<1x128xi32, #tpu.memory_space<vmem>>
        %dma_start3A_1087 = tpu.memref_squeeze %dma_start3A_1086 : memref<1x128xi32, #tpu.memory_space<vmem>> -> memref<128xi32, #tpu.memory_space<vmem>>
        %dma_start3A_1088 = arith.constant 0 : i32
        %dma_start3A_1089 = arith.constant 0 : i32
        %dma_start3A_1090 = tpu.memref_slice %arg3[%dma_start3A_1088, %dma_start3A_1089] : memref<1000000x32xf32, #tpu.memory_space<hbm>> -> memref<1000000x32xf32, #tpu.memory_space<hbm>>
        %dma_start3A_1091 = tpu.memref_slice %arg8[%dma_start3A_1080] : memref<2x!tpu.dma_semaphore, #tpu.memory_space<semaphore_mem>> -> memref<1x!tpu.dma_semaphore, #tpu.memory_space<semaphore_mem>>
        %dma_start3A_1092 = tpu.memref_squeeze %dma_start3A_1091 : memref<1x!tpu.dma_semaphore, #tpu.memory_space<semaphore_mem>> -> memref<!tpu.dma_semaphore, #tpu.memory_space<semaphore_mem>>
        tpu.enqueue_indirect_dma source(%dma_start3A_1090 : memref<1000000x32xf32, #tpu.memory_space<hbm>>) target(%dma_start3A_1084 : memref<128x32xf32, #tpu.memory_space<vmem>>) offsets(%dma_start3A_1087 : memref<128xi32, #tpu.memory_space<vmem>>) semaphore(%dma_start3A_1092 : memref<!tpu.dma_semaphore, #tpu.memory_space<semaphore_mem>>)
        %dma_start3A_1093 = arith.constant 29 : i32
        %dma_start3A_1094 = arith.constant 1 : i32
        %dma_start3A_1095 = arith.constant 1 : i32
        %dma_start3A_1096 = arith.constant 128 : i32
        %dma_start3A_1097 = arith.constant 0 : i32
        %dma_start3A_1098 = tpu.memref_slice %arg6[%dma_start3A_1094, %dma_start3A_1096, %dma_start3A_1097] : memref<2x512x32xf32, #tpu.memory_space<vmem>> -> memref<1x128x32xf32, #tpu.memory_space<vmem>>
        %dma_start3A_1099 = tpu.memref_squeeze %dma_start3A_1098 : memref<1x128x32xf32, #tpu.memory_space<vmem>> -> memref<128x32xf32, #tpu.memory_space<vmem>>
        %dma_start3A_1100 = arith.constant 0 : i32
        %dma_start3A_1101 = tpu.memref_slice %arg5[%dma_start3A_1093, %dma_start3A_1100] : memref<32x128xi32, #tpu.memory_space<vmem>> -> memref<1x128xi32, #tpu.memory_space<vmem>>
        %dma_start3A_1102 = tpu.memref_squeeze %dma_start3A_1101 : memref<1x128xi32, #tpu.memory_space<vmem>> -> memref<128xi32, #tpu.memory_space<vmem>>
        %dma_start3A_1103 = arith.constant 0 : i32
        %dma_start3A_1104 = arith.constant 0 : i32
        %dma_start3A_1105 = tpu.memref_slice %arg3[%dma_start3A_1103, %dma_start3A_1104] : memref<1000000x32xf32, #tpu.memory_space<hbm>> -> memref<1000000x32xf32, #tpu.memory_space<hbm>>
        %dma_start3A_1106 = tpu.memref_slice %arg8[%dma_start3A_1095] : memref<2x!tpu.dma_semaphore, #tpu.memory_space<semaphore_mem>> -> memref<1x!tpu.dma_semaphore, #tpu.memory_space<semaphore_mem>>
        %dma_start3A_1107 = tpu.memref_squeeze %dma_start3A_1106 : memref<1x!tpu.dma_semaphore, #tpu.memory_space<semaphore_mem>> -> memref<!tpu.dma_semaphore, #tpu.memory_space<semaphore_mem>>
        tpu.enqueue_indirect_dma source(%dma_start3A_1105 : memref<1000000x32xf32, #tpu.memory_space<hbm>>) target(%dma_start3A_1099 : memref<128x32xf32, #tpu.memory_space<vmem>>) offsets(%dma_start3A_1102 : memref<128xi32, #tpu.memory_space<vmem>>) semaphore(%dma_start3A_1107 : memref<!tpu.dma_semaphore, #tpu.memory_space<semaphore_mem>>)
        %dma_start3A_1108 = arith.constant 30 : i32
        %dma_start3A_1109 = arith.constant 1 : i32
        %dma_start3A_1110 = arith.constant 1 : i32
        %dma_start3A_1111 = arith.constant 256 : i32
        %dma_start3A_1112 = arith.constant 0 : i32
        %dma_start3A_1113 = tpu.memref_slice %arg6[%dma_start3A_1109, %dma_start3A_1111, %dma_start3A_1112] : memref<2x512x32xf32, #tpu.memory_space<vmem>> -> memref<1x128x32xf32, #tpu.memory_space<vmem>>
        %dma_start3A_1114 = tpu.memref_squeeze %dma_start3A_1113 : memref<1x128x32xf32, #tpu.memory_space<vmem>> -> memref<128x32xf32, #tpu.memory_space<vmem>>
        %dma_start3A_1115 = arith.constant 0 : i32
        %dma_start3A_1116 = tpu.memref_slice %arg5[%dma_start3A_1108, %dma_start3A_1115] : memref<32x128xi32, #tpu.memory_space<vmem>> -> memref<1x128xi32, #tpu.memory_space<vmem>>
        %dma_start3A_1117 = tpu.memref_squeeze %dma_start3A_1116 : memref<1x128xi32, #tpu.memory_space<vmem>> -> memref<128xi32, #tpu.memory_space<vmem>>
        %dma_start3A_1118 = arith.constant 0 : i32
        %dma_start3A_1119 = arith.constant 0 : i32
        %dma_start3A_1120 = tpu.memref_slice %arg3[%dma_start3A_1118, %dma_start3A_1119] : memref<1000000x32xf32, #tpu.memory_space<hbm>> -> memref<1000000x32xf32, #tpu.memory_space<hbm>>
        %dma_start3A_1121 = tpu.memref_slice %arg8[%dma_start3A_1110] : memref<2x!tpu.dma_semaphore, #tpu.memory_space<semaphore_mem>> -> memref<1x!tpu.dma_semaphore, #tpu.memory_space<semaphore_mem>>
        %dma_start3A_1122 = tpu.memref_squeeze %dma_start3A_1121 : memref<1x!tpu.dma_semaphore, #tpu.memory_space<semaphore_mem>> -> memref<!tpu.dma_semaphore, #tpu.memory_space<semaphore_mem>>
        tpu.enqueue_indirect_dma source(%dma_start3A_1120 : memref<1000000x32xf32, #tpu.memory_space<hbm>>) target(%dma_start3A_1114 : memref<128x32xf32, #tpu.memory_space<vmem>>) offsets(%dma_start3A_1117 : memref<128xi32, #tpu.memory_space<vmem>>) semaphore(%dma_start3A_1122 : memref<!tpu.dma_semaphore, #tpu.memory_space<semaphore_mem>>)
        %dma_start3A_1123 = arith.constant 31 : i32
        %dma_start3A_1124 = arith.constant 1 : i32
        %dma_start3A_1125 = arith.constant 1 : i32
        %dma_start3A_1126 = arith.constant 384 : i32
        %dma_start3A_1127 = arith.constant 0 : i32
        %dma_start3A_1128 = tpu.memref_slice %arg6[%dma_start3A_1124, %dma_start3A_1126, %dma_start3A_1127] : memref<2x512x32xf32, #tpu.memory_space<vmem>> -> memref<1x128x32xf32, #tpu.memory_space<vmem>>
        %dma_start3A_1129 = tpu.memref_squeeze %dma_start3A_1128 : memref<1x128x32xf32, #tpu.memory_space<vmem>> -> memref<128x32xf32, #tpu.memory_space<vmem>>
        %dma_start3A_1130 = arith.constant 0 : i32
        %dma_start3A_1131 = tpu.memref_slice %arg5[%dma_start3A_1123, %dma_start3A_1130] : memref<32x128xi32, #tpu.memory_space<vmem>> -> memref<1x128xi32, #tpu.memory_space<vmem>>
        %dma_start3A_1132 = tpu.memref_squeeze %dma_start3A_1131 : memref<1x128xi32, #tpu.memory_space<vmem>> -> memref<128xi32, #tpu.memory_space<vmem>>
        %dma_start3A_1133 = arith.constant 0 : i32
        %dma_start3A_1134 = arith.constant 0 : i32
        %dma_start3A_1135 = tpu.memref_slice %arg3[%dma_start3A_1133, %dma_start3A_1134] : memref<1000000x32xf32, #tpu.memory_space<hbm>> -> memref<1000000x32xf32, #tpu.memory_space<hbm>>
        %dma_start3A_1136 = tpu.memref_slice %arg8[%dma_start3A_1125] : memref<2x!tpu.dma_semaphore, #tpu.memory_space<semaphore_mem>> -> memref<1x!tpu.dma_semaphore, #tpu.memory_space<semaphore_mem>>
        %dma_start3A_1137 = tpu.memref_squeeze %dma_start3A_1136 : memref<1x!tpu.dma_semaphore, #tpu.memory_space<semaphore_mem>> -> memref<!tpu.dma_semaphore, #tpu.memory_space<semaphore_mem>>
        tpu.enqueue_indirect_dma source(%dma_start3A_1135 : memref<1000000x32xf32, #tpu.memory_space<hbm>>) target(%dma_start3A_1129 : memref<128x32xf32, #tpu.memory_space<vmem>>) offsets(%dma_start3A_1132 : memref<128xi32, #tpu.memory_space<vmem>>) semaphore(%dma_start3A_1137 : memref<!tpu.dma_semaphore, #tpu.memory_space<semaphore_mem>>)
        %dma_wait3A_1138 = arith.constant 24 : i32
        %dma_wait3A_1139 = arith.constant 0 : i32
        %dma_wait3A_1140 = arith.constant 0 : i32
        %dma_wait3A_1141 = arith.constant 0 : i32
        %dma_wait3A_1142 = arith.constant 0 : i32
        %dma_wait3A_1143 = tpu.memref_slice %arg6[%dma_wait3A_1139, %dma_wait3A_1141, %dma_wait3A_1142] : memref<2x512x32xf32, #tpu.memory_space<vmem>> -> memref<1x128x32xf32, #tpu.memory_space<vmem>>
        %dma_wait3A_1144 = tpu.memref_squeeze %dma_wait3A_1143 : memref<1x128x32xf32, #tpu.memory_space<vmem>> -> memref<128x32xf32, #tpu.memory_space<vmem>>
        %dma_wait3A_1145 = arith.constant 0 : i32
        %dma_wait3A_1146 = tpu.memref_slice %arg5[%dma_wait3A_1138, %dma_wait3A_1145] : memref<32x128xi32, #tpu.memory_space<vmem>> -> memref<1x128xi32, #tpu.memory_space<vmem>>
        %dma_wait3A_1147 = tpu.memref_squeeze %dma_wait3A_1146 : memref<1x128xi32, #tpu.memory_space<vmem>> -> memref<128xi32, #tpu.memory_space<vmem>>
        %dma_wait3A_1148 = arith.constant 0 : i32
        %dma_wait3A_1149 = arith.constant 0 : i32
        %dma_wait3A_1150 = tpu.memref_slice %arg3[%dma_wait3A_1148, %dma_wait3A_1149] : memref<1000000x32xf32, #tpu.memory_space<hbm>> -> memref<1000000x32xf32, #tpu.memory_space<hbm>>
        %dma_wait3A_1151 = tpu.memref_slice %arg8[%dma_wait3A_1140] : memref<2x!tpu.dma_semaphore, #tpu.memory_space<semaphore_mem>> -> memref<1x!tpu.dma_semaphore, #tpu.memory_space<semaphore_mem>>
        %dma_wait3A_1152 = tpu.memref_squeeze %dma_wait3A_1151 : memref<1x!tpu.dma_semaphore, #tpu.memory_space<semaphore_mem>> -> memref<!tpu.dma_semaphore, #tpu.memory_space<semaphore_mem>>
        tpu.wait_indirect_dma semaphore(%dma_wait3A_1152 : memref<!tpu.dma_semaphore, #tpu.memory_space<semaphore_mem>>) src(%dma_wait3A_1150 : memref<1000000x32xf32, #tpu.memory_space<hbm>>) dst(%dma_wait3A_1144 : memref<128x32xf32, #tpu.memory_space<vmem>>)
        %dma_wait3A_1153 = arith.constant 25 : i32
        %dma_wait3A_1154 = arith.constant 0 : i32
        %dma_wait3A_1155 = arith.constant 0 : i32
        %dma_wait3A_1156 = arith.constant 128 : i32
        %dma_wait3A_1157 = arith.constant 0 : i32
        %dma_wait3A_1158 = tpu.memref_slice %arg6[%dma_wait3A_1154, %dma_wait3A_1156, %dma_wait3A_1157] : memref<2x512x32xf32, #tpu.memory_space<vmem>> -> memref<1x128x32xf32, #tpu.memory_space<vmem>>
        %dma_wait3A_1159 = tpu.memref_squeeze %dma_wait3A_1158 : memref<1x128x32xf32, #tpu.memory_space<vmem>> -> memref<128x32xf32, #tpu.memory_space<vmem>>
        %dma_wait3A_1160 = arith.constant 0 : i32
        %dma_wait3A_1161 = tpu.memref_slice %arg5[%dma_wait3A_1153, %dma_wait3A_1160] : memref<32x128xi32, #tpu.memory_space<vmem>> -> memref<1x128xi32, #tpu.memory_space<vmem>>
        %dma_wait3A_1162 = tpu.memref_squeeze %dma_wait3A_1161 : memref<1x128xi32, #tpu.memory_space<vmem>> -> memref<128xi32, #tpu.memory_space<vmem>>
        %dma_wait3A_1163 = arith.constant 0 : i32
        %dma_wait3A_1164 = arith.constant 0 : i32
        %dma_wait3A_1165 = tpu.memref_slice %arg3[%dma_wait3A_1163, %dma_wait3A_1164] : memref<1000000x32xf32, #tpu.memory_space<hbm>> -> memref<1000000x32xf32, #tpu.memory_space<hbm>>
        %dma_wait3A_1166 = tpu.memref_slice %arg8[%dma_wait3A_1155] : memref<2x!tpu.dma_semaphore, #tpu.memory_space<semaphore_mem>> -> memref<1x!tpu.dma_semaphore, #tpu.memory_space<semaphore_mem>>
        %dma_wait3A_1167 = tpu.memref_squeeze %dma_wait3A_1166 : memref<1x!tpu.dma_semaphore, #tpu.memory_space<semaphore_mem>> -> memref<!tpu.dma_semaphore, #tpu.memory_space<semaphore_mem>>
        tpu.wait_indirect_dma semaphore(%dma_wait3A_1167 : memref<!tpu.dma_semaphore, #tpu.memory_space<semaphore_mem>>) src(%dma_wait3A_1165 : memref<1000000x32xf32, #tpu.memory_space<hbm>>) dst(%dma_wait3A_1159 : memref<128x32xf32, #tpu.memory_space<vmem>>)
        %dma_wait3A_1168 = arith.constant 26 : i32
        %dma_wait3A_1169 = arith.constant 0 : i32
        %dma_wait3A_1170 = arith.constant 0 : i32
        %dma_wait3A_1171 = arith.constant 256 : i32
        %dma_wait3A_1172 = arith.constant 0 : i32
        %dma_wait3A_1173 = tpu.memref_slice %arg6[%dma_wait3A_1169, %dma_wait3A_1171, %dma_wait3A_1172] : memref<2x512x32xf32, #tpu.memory_space<vmem>> -> memref<1x128x32xf32, #tpu.memory_space<vmem>>
        %dma_wait3A_1174 = tpu.memref_squeeze %dma_wait3A_1173 : memref<1x128x32xf32, #tpu.memory_space<vmem>> -> memref<128x32xf32, #tpu.memory_space<vmem>>
        %dma_wait3A_1175 = arith.constant 0 : i32
        %dma_wait3A_1176 = tpu.memref_slice %arg5[%dma_wait3A_1168, %dma_wait3A_1175] : memref<32x128xi32, #tpu.memory_space<vmem>> -> memref<1x128xi32, #tpu.memory_space<vmem>>
        %dma_wait3A_1177 = tpu.memref_squeeze %dma_wait3A_1176 : memref<1x128xi32, #tpu.memory_space<vmem>> -> memref<128xi32, #tpu.memory_space<vmem>>
        %dma_wait3A_1178 = arith.constant 0 : i32
        %dma_wait3A_1179 = arith.constant 0 : i32
        %dma_wait3A_1180 = tpu.memref_slice %arg3[%dma_wait3A_1178, %dma_wait3A_1179] : memref<1000000x32xf32, #tpu.memory_space<hbm>> -> memref<1000000x32xf32, #tpu.memory_space<hbm>>
        %dma_wait3A_1181 = tpu.memref_slice %arg8[%dma_wait3A_1170] : memref<2x!tpu.dma_semaphore, #tpu.memory_space<semaphore_mem>> -> memref<1x!tpu.dma_semaphore, #tpu.memory_space<semaphore_mem>>
        %dma_wait3A_1182 = tpu.memref_squeeze %dma_wait3A_1181 : memref<1x!tpu.dma_semaphore, #tpu.memory_space<semaphore_mem>> -> memref<!tpu.dma_semaphore, #tpu.memory_space<semaphore_mem>>
        tpu.wait_indirect_dma semaphore(%dma_wait3A_1182 : memref<!tpu.dma_semaphore, #tpu.memory_space<semaphore_mem>>) src(%dma_wait3A_1180 : memref<1000000x32xf32, #tpu.memory_space<hbm>>) dst(%dma_wait3A_1174 : memref<128x32xf32, #tpu.memory_space<vmem>>)
        %dma_wait3A_1183 = arith.constant 27 : i32
        %dma_wait3A_1184 = arith.constant 0 : i32
        %dma_wait3A_1185 = arith.constant 0 : i32
        %dma_wait3A_1186 = arith.constant 384 : i32
        %dma_wait3A_1187 = arith.constant 0 : i32
        %dma_wait3A_1188 = tpu.memref_slice %arg6[%dma_wait3A_1184, %dma_wait3A_1186, %dma_wait3A_1187] : memref<2x512x32xf32, #tpu.memory_space<vmem>> -> memref<1x128x32xf32, #tpu.memory_space<vmem>>
        %dma_wait3A_1189 = tpu.memref_squeeze %dma_wait3A_1188 : memref<1x128x32xf32, #tpu.memory_space<vmem>> -> memref<128x32xf32, #tpu.memory_space<vmem>>
        %dma_wait3A_1190 = arith.constant 0 : i32
        %dma_wait3A_1191 = tpu.memref_slice %arg5[%dma_wait3A_1183, %dma_wait3A_1190] : memref<32x128xi32, #tpu.memory_space<vmem>> -> memref<1x128xi32, #tpu.memory_space<vmem>>
        %dma_wait3A_1192 = tpu.memref_squeeze %dma_wait3A_1191 : memref<1x128xi32, #tpu.memory_space<vmem>> -> memref<128xi32, #tpu.memory_space<vmem>>
        %dma_wait3A_1193 = arith.constant 0 : i32
        %dma_wait3A_1194 = arith.constant 0 : i32
        %dma_wait3A_1195 = tpu.memref_slice %arg3[%dma_wait3A_1193, %dma_wait3A_1194] : memref<1000000x32xf32, #tpu.memory_space<hbm>> -> memref<1000000x32xf32, #tpu.memory_space<hbm>>
        %dma_wait3A_1196 = tpu.memref_slice %arg8[%dma_wait3A_1185] : memref<2x!tpu.dma_semaphore, #tpu.memory_space<semaphore_mem>> -> memref<1x!tpu.dma_semaphore, #tpu.memory_space<semaphore_mem>>
        %dma_wait3A_1197 = tpu.memref_squeeze %dma_wait3A_1196 : memref<1x!tpu.dma_semaphore, #tpu.memory_space<semaphore_mem>> -> memref<!tpu.dma_semaphore, #tpu.memory_space<semaphore_mem>>
        tpu.wait_indirect_dma semaphore(%dma_wait3A_1197 : memref<!tpu.dma_semaphore, #tpu.memory_space<semaphore_mem>>) src(%dma_wait3A_1195 : memref<1000000x32xf32, #tpu.memory_space<hbm>>) dst(%dma_wait3A_1189 : memref<128x32xf32, #tpu.memory_space<vmem>>)
        %dma_wait3A_1198 = arith.constant 0 : i32
        %dma_wait3A_1199 = arith.constant 0 : i32
        %dma_wait3A_1200 = arith.constant 0 : i32
        %dma_wait3A_1201 = arith.constant 0 : i32
        %dma_wait3A_1202 = tpu.memref_slice %arg7[%dma_wait3A_1198, %dma_wait3A_1200, %dma_wait3A_1201] : memref<2x32x513xf32, #tpu.memory_space<vmem>> -> memref<1x32x512xf32, #tpu.memory_space<vmem>>
        %dma_wait3A_1203 = tpu.memref_squeeze %dma_wait3A_1202 : memref<1x32x512xf32, #tpu.memory_space<vmem>> -> memref<32x512xf32, #tpu.memory_space<vmem>>
        %dma_wait3A_1204 = arith.constant 0 : i32
        %dma_wait3A_1205 = arith.constant 3072 : i32
        %dma_wait3A_1206 = tpu.memref_slice %arg4[%add3A_50, %dma_wait3A_1204, %dma_wait3A_1205] : memref<200x32x4096xf32, #tpu.memory_space<hbm>> -> memref<1x32x512xf32, #tpu.memory_space<hbm>>
        %dma_wait3A_1207 = tpu.memref_squeeze %dma_wait3A_1206 : memref<1x32x512xf32, #tpu.memory_space<hbm>> -> memref<32x512xf32, #tpu.memory_space<hbm>>
        %dma_wait3A_1208 = tpu.memref_slice %arg9[%dma_wait3A_1199] : memref<2x!tpu.dma_semaphore, #tpu.memory_space<semaphore_mem>> -> memref<1x!tpu.dma_semaphore, #tpu.memory_space<semaphore_mem>>
        %dma_wait3A_1209 = tpu.memref_squeeze %dma_wait3A_1208 : memref<1x!tpu.dma_semaphore, #tpu.memory_space<semaphore_mem>> -> memref<!tpu.dma_semaphore, #tpu.memory_space<semaphore_mem>>
        %dma_wait3A_1210 = arith.constant 0 : i32
        %dma_wait3A_1211 = arith.constant 3072 : i32
        %dma_wait3A_1212 = tpu.memref_slice %arg4[%add3A_50, %dma_wait3A_1210, %dma_wait3A_1211] : memref<200x32x4096xf32, #tpu.memory_space<hbm>> -> memref<1x32x512xf32, #tpu.memory_space<hbm>>
        %dma_wait3A_1213 = tpu.memref_squeeze %dma_wait3A_1212 : memref<1x32x512xf32, #tpu.memory_space<hbm>> -> memref<32x512xf32, #tpu.memory_space<hbm>>
        %dma_wait3A_1214 = arith.constant 0 : i32
        %dma_wait3A_1215 = arith.constant 0 : i32
        %dma_wait3A_1216 = tpu.memref_slice %arg7[%dma_wait3A_1198, %dma_wait3A_1214, %dma_wait3A_1215] : memref<2x32x513xf32, #tpu.memory_space<vmem>> -> memref<1x32x512xf32, #tpu.memory_space<vmem>>
        %dma_wait3A_1217 = tpu.memref_squeeze %dma_wait3A_1216 : memref<1x32x512xf32, #tpu.memory_space<vmem>> -> memref<32x512xf32, #tpu.memory_space<vmem>>
        tpu.wait_dma2 semaphore(%dma_wait3A_1209 : memref<!tpu.dma_semaphore, #tpu.memory_space<semaphore_mem>>) src(%dma_wait3A_1217 : memref<32x512xf32, #tpu.memory_space<vmem>>) dst(%dma_wait3A_1213 : memref<32x512xf32, #tpu.memory_space<hbm>>)
        %add3A_1218 = arith.constant 16 : i32
        %add3A_1219 = vector.broadcast %add3A_1218 : i32 to vector<16xi32>
        %add3A_1220 = arith.addi %iota3A, %add3A_1219 : vector<16xi32>
        %parallel_loop3A_1221 = arith.constant 0 : i32
        %parallel_loop3A_1222 = arith.constant 512 : i32
        %parallel_loop3A_1223 = arith.constant 1 : i32
        scf.for %parallel_loop3A_1350 = %parallel_loop3A_1221 to %parallel_loop3A_1222 step %parallel_loop3A_1223  : i32 {
          %parallel_loop3A_1351 = arith.constant 0 : i32
          %parallel_loop3A_1352 = vector.broadcast %parallel_loop3A_1351 : i32 to vector<16xi32>
          %parallel_loop3A_1353 = vector.broadcast %parallel_loop3A_1350 : i32 to vector<16xi32>
          %parallel_loop3A_1354 = arith.addi %parallel_loop3A_1352, %parallel_loop3A_1353 : vector<16xi32>
          %parallel_loop3A_1355 = arith.constant 0 : i32
          %parallel_loop3A_1356 = arith.index_cast %parallel_loop3A_1355 : i32 to index
          %parallel_loop3A_1357 = arith.index_cast %parallel_loop3A_1350 : i32 to index
          %parallel_loop3A_1358 = arith.constant 0 : index
          %parallel_loop3A_1359 = tpu.vector_load %arg6[%parallel_loop3A_1356, %parallel_loop3A_1357, %parallel_loop3A_1358] {strides = array<i32>} : memref<2x512x32xf32, #tpu.memory_space<vmem>>, vector<16xf32>,
          %parallel_loop3A_1360 = arith.constant 0 : i32
          %parallel_loop3A_1361 = arith.index_cast %parallel_loop3A_1360 : i32 to index
          %parallel_loop3A_1362 = arith.index_cast %parallel_loop3A_1350 : i32 to index
          %parallel_loop3A_1363 = arith.constant 16 : index
          %parallel_loop3A_1364 = tpu.vector_load %arg6[%parallel_loop3A_1361, %parallel_loop3A_1362, %parallel_loop3A_1363] {strides = array<i32>} : memref<2x512x32xf32, #tpu.memory_space<vmem>>, vector<16xf32>,
          %parallel_loop3A_1365 = arith.constant 0 : i32
          %parallel_loop3A_1366 = arith.constant 0 : i32
          %parallel_loop3A_1367 = arith.constant 0 : i32
          %parallel_loop3A_1368 = tpu.memref_slice %arg7[%parallel_loop3A_1365, %parallel_loop3A_1366, %parallel_loop3A_1367] : memref<2x32x513xf32, #tpu.memory_space<vmem>> -> memref<1x32x513xf32, #tpu.memory_space<vmem>>
          %parallel_loop3A_1369 = tpu.memref_squeeze %parallel_loop3A_1368 : memref<1x32x513xf32, #tpu.memory_space<vmem>> -> memref<32x513xf32, #tpu.memory_space<vmem>>
          tpu.vector_store_idx %parallel_loop3A_1369[%iota3A, %parallel_loop3A_1354], %parallel_loop3A_1359 : memref<32x513xf32, #tpu.memory_space<vmem>>[vector<16xi32>, vector<16xi32>], vector<16xf32>,
          %parallel_loop3A_1370 = arith.constant 0 : i32
          %parallel_loop3A_1371 = arith.constant 0 : i32
          %parallel_loop3A_1372 = arith.constant 0 : i32
          %parallel_loop3A_1373 = tpu.memref_slice %arg7[%parallel_loop3A_1370, %parallel_loop3A_1371, %parallel_loop3A_1372] : memref<2x32x513xf32, #tpu.memory_space<vmem>> -> memref<1x32x513xf32, #tpu.memory_space<vmem>>
          %parallel_loop3A_1374 = tpu.memref_squeeze %parallel_loop3A_1373 : memref<1x32x513xf32, #tpu.memory_space<vmem>> -> memref<32x513xf32, #tpu.memory_space<vmem>>
          tpu.vector_store_idx %parallel_loop3A_1374[%add3A_1220, %parallel_loop3A_1354], %parallel_loop3A_1364 : memref<32x513xf32, #tpu.memory_space<vmem>>[vector<16xi32>, vector<16xi32>], vector<16xf32>,
        } {sc.loop_unroll_factor = 8 : i64, sc.parallel_access}
        %dma_start3A_1224 = arith.constant 0 : i32
        %dma_start3A_1225 = arith.constant 0 : i32
        %dma_start3A_1226 = arith.constant 0 : i32
        %dma_start3A_1227 = arith.constant 0 : i32
        %dma_start3A_1228 = tpu.memref_slice %arg7[%dma_start3A_1224, %dma_start3A_1226, %dma_start3A_1227] : memref<2x32x513xf32, #tpu.memory_space<vmem>> -> memref<1x32x512xf32, #tpu.memory_space<vmem>>
        %dma_start3A_1229 = tpu.memref_squeeze %dma_start3A_1228 : memref<1x32x512xf32, #tpu.memory_space<vmem>> -> memref<32x512xf32, #tpu.memory_space<vmem>>
        %dma_start3A_1230 = arith.constant 0 : i32
        %dma_start3A_1231 = arith.constant 3072 : i32
        %dma_start3A_1232 = tpu.memref_slice %arg4[%add3A_50, %dma_start3A_1230, %dma_start3A_1231] : memref<200x32x4096xf32, #tpu.memory_space<hbm>> -> memref<1x32x512xf32, #tpu.memory_space<hbm>>
        %dma_start3A_1233 = tpu.memref_squeeze %dma_start3A_1232 : memref<1x32x512xf32, #tpu.memory_space<hbm>> -> memref<32x512xf32, #tpu.memory_space<hbm>>
        %dma_start3A_1234 = tpu.memref_slice %arg9[%dma_start3A_1225] : memref<2x!tpu.dma_semaphore, #tpu.memory_space<semaphore_mem>> -> memref<1x!tpu.dma_semaphore, #tpu.memory_space<semaphore_mem>>
        %dma_start3A_1235 = tpu.memref_squeeze %dma_start3A_1234 : memref<1x!tpu.dma_semaphore, #tpu.memory_space<semaphore_mem>> -> memref<!tpu.dma_semaphore, #tpu.memory_space<semaphore_mem>>
        %dma_start3A_1236 = arith.constant 0 : i32
        %dma_start3A_1237 = arith.constant 3072 : i32
        %dma_start3A_1238 = tpu.memref_slice %arg4[%add3A_50, %dma_start3A_1236, %dma_start3A_1237] : memref<200x32x4096xf32, #tpu.memory_space<hbm>> -> memref<1x32x512xf32, #tpu.memory_space<hbm>>
        %dma_start3A_1239 = tpu.memref_squeeze %dma_start3A_1238 : memref<1x32x512xf32, #tpu.memory_space<hbm>> -> memref<32x512xf32, #tpu.memory_space<hbm>>
        %dma_start3A_1240 = arith.constant 0 : i32
        %dma_start3A_1241 = arith.constant 0 : i32
        %dma_start3A_1242 = tpu.memref_slice %arg7[%dma_start3A_1224, %dma_start3A_1240, %dma_start3A_1241] : memref<2x32x513xf32, #tpu.memory_space<vmem>> -> memref<1x32x512xf32, #tpu.memory_space<vmem>>
        %dma_start3A_1243 = tpu.memref_squeeze %dma_start3A_1242 : memref<1x32x512xf32, #tpu.memory_space<vmem>> -> memref<32x512xf32, #tpu.memory_space<vmem>>
        tpu.enqueue_dma source(%dma_start3A_1243 : memref<32x512xf32, #tpu.memory_space<vmem>>) target(%dma_start3A_1239 : memref<32x512xf32, #tpu.memory_space<hbm>>) target_semaphore(%dma_start3A_1235 : memref<!tpu.dma_semaphore, #tpu.memory_space<semaphore_mem>>)
        %dma_wait3A_1244 = arith.constant 28 : i32
        %dma_wait3A_1245 = arith.constant 1 : i32
        %dma_wait3A_1246 = arith.constant 1 : i32
        %dma_wait3A_1247 = arith.constant 0 : i32
        %dma_wait3A_1248 = arith.constant 0 : i32
        %dma_wait3A_1249 = tpu.memref_slice %arg6[%dma_wait3A_1245, %dma_wait3A_1247, %dma_wait3A_1248] : memref<2x512x32xf32, #tpu.memory_space<vmem>> -> memref<1x128x32xf32, #tpu.memory_space<vmem>>
        %dma_wait3A_1250 = tpu.memref_squeeze %dma_wait3A_1249 : memref<1x128x32xf32, #tpu.memory_space<vmem>> -> memref<128x32xf32, #tpu.memory_space<vmem>>
        %dma_wait3A_1251 = arith.constant 0 : i32
        %dma_wait3A_1252 = tpu.memref_slice %arg5[%dma_wait3A_1244, %dma_wait3A_1251] : memref<32x128xi32, #tpu.memory_space<vmem>> -> memref<1x128xi32, #tpu.memory_space<vmem>>
        %dma_wait3A_1253 = tpu.memref_squeeze %dma_wait3A_1252 : memref<1x128xi32, #tpu.memory_space<vmem>> -> memref<128xi32, #tpu.memory_space<vmem>>
        %dma_wait3A_1254 = arith.constant 0 : i32
        %dma_wait3A_1255 = arith.constant 0 : i32
        %dma_wait3A_1256 = tpu.memref_slice %arg3[%dma_wait3A_1254, %dma_wait3A_1255] : memref<1000000x32xf32, #tpu.memory_space<hbm>> -> memref<1000000x32xf32, #tpu.memory_space<hbm>>
        %dma_wait3A_1257 = tpu.memref_slice %arg8[%dma_wait3A_1246] : memref<2x!tpu.dma_semaphore, #tpu.memory_space<semaphore_mem>> -> memref<1x!tpu.dma_semaphore, #tpu.memory_space<semaphore_mem>>
        %dma_wait3A_1258 = tpu.memref_squeeze %dma_wait3A_1257 : memref<1x!tpu.dma_semaphore, #tpu.memory_space<semaphore_mem>> -> memref<!tpu.dma_semaphore, #tpu.memory_space<semaphore_mem>>
        tpu.wait_indirect_dma semaphore(%dma_wait3A_1258 : memref<!tpu.dma_semaphore, #tpu.memory_space<semaphore_mem>>) src(%dma_wait3A_1256 : memref<1000000x32xf32, #tpu.memory_space<hbm>>) dst(%dma_wait3A_1250 : memref<128x32xf32, #tpu.memory_space<vmem>>)
        %dma_wait3A_1259 = arith.constant 29 : i32
        %dma_wait3A_1260 = arith.constant 1 : i32
        %dma_wait3A_1261 = arith.constant 1 : i32
        %dma_wait3A_1262 = arith.constant 128 : i32
        %dma_wait3A_1263 = arith.constant 0 : i32
        %dma_wait3A_1264 = tpu.memref_slice %arg6[%dma_wait3A_1260, %dma_wait3A_1262, %dma_wait3A_1263] : memref<2x512x32xf32, #tpu.memory_space<vmem>> -> memref<1x128x32xf32, #tpu.memory_space<vmem>>
        %dma_wait3A_1265 = tpu.memref_squeeze %dma_wait3A_1264 : memref<1x128x32xf32, #tpu.memory_space<vmem>> -> memref<128x32xf32, #tpu.memory_space<vmem>>
        %dma_wait3A_1266 = arith.constant 0 : i32
        %dma_wait3A_1267 = tpu.memref_slice %arg5[%dma_wait3A_1259, %dma_wait3A_1266] : memref<32x128xi32, #tpu.memory_space<vmem>> -> memref<1x128xi32, #tpu.memory_space<vmem>>
        %dma_wait3A_1268 = tpu.memref_squeeze %dma_wait3A_1267 : memref<1x128xi32, #tpu.memory_space<vmem>> -> memref<128xi32, #tpu.memory_space<vmem>>
        %dma_wait3A_1269 = arith.constant 0 : i32
        %dma_wait3A_1270 = arith.constant 0 : i32
        %dma_wait3A_1271 = tpu.memref_slice %arg3[%dma_wait3A_1269, %dma_wait3A_1270] : memref<1000000x32xf32, #tpu.memory_space<hbm>> -> memref<1000000x32xf32, #tpu.memory_space<hbm>>
        %dma_wait3A_1272 = tpu.memref_slice %arg8[%dma_wait3A_1261] : memref<2x!tpu.dma_semaphore, #tpu.memory_space<semaphore_mem>> -> memref<1x!tpu.dma_semaphore, #tpu.memory_space<semaphore_mem>>
        %dma_wait3A_1273 = tpu.memref_squeeze %dma_wait3A_1272 : memref<1x!tpu.dma_semaphore, #tpu.memory_space<semaphore_mem>> -> memref<!tpu.dma_semaphore, #tpu.memory_space<semaphore_mem>>
        tpu.wait_indirect_dma semaphore(%dma_wait3A_1273 : memref<!tpu.dma_semaphore, #tpu.memory_space<semaphore_mem>>) src(%dma_wait3A_1271 : memref<1000000x32xf32, #tpu.memory_space<hbm>>) dst(%dma_wait3A_1265 : memref<128x32xf32, #tpu.memory_space<vmem>>)
        %dma_wait3A_1274 = arith.constant 30 : i32
        %dma_wait3A_1275 = arith.constant 1 : i32
        %dma_wait3A_1276 = arith.constant 1 : i32
        %dma_wait3A_1277 = arith.constant 256 : i32
        %dma_wait3A_1278 = arith.constant 0 : i32
        %dma_wait3A_1279 = tpu.memref_slice %arg6[%dma_wait3A_1275, %dma_wait3A_1277, %dma_wait3A_1278] : memref<2x512x32xf32, #tpu.memory_space<vmem>> -> memref<1x128x32xf32, #tpu.memory_space<vmem>>
        %dma_wait3A_1280 = tpu.memref_squeeze %dma_wait3A_1279 : memref<1x128x32xf32, #tpu.memory_space<vmem>> -> memref<128x32xf32, #tpu.memory_space<vmem>>
        %dma_wait3A_1281 = arith.constant 0 : i32
        %dma_wait3A_1282 = tpu.memref_slice %arg5[%dma_wait3A_1274, %dma_wait3A_1281] : memref<32x128xi32, #tpu.memory_space<vmem>> -> memref<1x128xi32, #tpu.memory_space<vmem>>
        %dma_wait3A_1283 = tpu.memref_squeeze %dma_wait3A_1282 : memref<1x128xi32, #tpu.memory_space<vmem>> -> memref<128xi32, #tpu.memory_space<vmem>>
        %dma_wait3A_1284 = arith.constant 0 : i32
        %dma_wait3A_1285 = arith.constant 0 : i32
        %dma_wait3A_1286 = tpu.memref_slice %arg3[%dma_wait3A_1284, %dma_wait3A_1285] : memref<1000000x32xf32, #tpu.memory_space<hbm>> -> memref<1000000x32xf32, #tpu.memory_space<hbm>>
        %dma_wait3A_1287 = tpu.memref_slice %arg8[%dma_wait3A_1276] : memref<2x!tpu.dma_semaphore, #tpu.memory_space<semaphore_mem>> -> memref<1x!tpu.dma_semaphore, #tpu.memory_space<semaphore_mem>>
        %dma_wait3A_1288 = tpu.memref_squeeze %dma_wait3A_1287 : memref<1x!tpu.dma_semaphore, #tpu.memory_space<semaphore_mem>> -> memref<!tpu.dma_semaphore, #tpu.memory_space<semaphore_mem>>
        tpu.wait_indirect_dma semaphore(%dma_wait3A_1288 : memref<!tpu.dma_semaphore, #tpu.memory_space<semaphore_mem>>) src(%dma_wait3A_1286 : memref<1000000x32xf32, #tpu.memory_space<hbm>>) dst(%dma_wait3A_1280 : memref<128x32xf32, #tpu.memory_space<vmem>>)
        %dma_wait3A_1289 = arith.constant 31 : i32
        %dma_wait3A_1290 = arith.constant 1 : i32
        %dma_wait3A_1291 = arith.constant 1 : i32
        %dma_wait3A_1292 = arith.constant 384 : i32
        %dma_wait3A_1293 = arith.constant 0 : i32
        %dma_wait3A_1294 = tpu.memref_slice %arg6[%dma_wait3A_1290, %dma_wait3A_1292, %dma_wait3A_1293] : memref<2x512x32xf32, #tpu.memory_space<vmem>> -> memref<1x128x32xf32, #tpu.memory_space<vmem>>
        %dma_wait3A_1295 = tpu.memref_squeeze %dma_wait3A_1294 : memref<1x128x32xf32, #tpu.memory_space<vmem>> -> memref<128x32xf32, #tpu.memory_space<vmem>>
        %dma_wait3A_1296 = arith.constant 0 : i32
        %dma_wait3A_1297 = tpu.memref_slice %arg5[%dma_wait3A_1289, %dma_wait3A_1296] : memref<32x128xi32, #tpu.memory_space<vmem>> -> memref<1x128xi32, #tpu.memory_space<vmem>>
        %dma_wait3A_1298 = tpu.memref_squeeze %dma_wait3A_1297 : memref<1x128xi32, #tpu.memory_space<vmem>> -> memref<128xi32, #tpu.memory_space<vmem>>
        %dma_wait3A_1299 = arith.constant 0 : i32
        %dma_wait3A_1300 = arith.constant 0 : i32
        %dma_wait3A_1301 = tpu.memref_slice %arg3[%dma_wait3A_1299, %dma_wait3A_1300] : memref<1000000x32xf32, #tpu.memory_space<hbm>> -> memref<1000000x32xf32, #tpu.memory_space<hbm>>
        %dma_wait3A_1302 = tpu.memref_slice %arg8[%dma_wait3A_1291] : memref<2x!tpu.dma_semaphore, #tpu.memory_space<semaphore_mem>> -> memref<1x!tpu.dma_semaphore, #tpu.memory_space<semaphore_mem>>
        %dma_wait3A_1303 = tpu.memref_squeeze %dma_wait3A_1302 : memref<1x!tpu.dma_semaphore, #tpu.memory_space<semaphore_mem>> -> memref<!tpu.dma_semaphore, #tpu.memory_space<semaphore_mem>>
        tpu.wait_indirect_dma semaphore(%dma_wait3A_1303 : memref<!tpu.dma_semaphore, #tpu.memory_space<semaphore_mem>>) src(%dma_wait3A_1301 : memref<1000000x32xf32, #tpu.memory_space<hbm>>) dst(%dma_wait3A_1295 : memref<128x32xf32, #tpu.memory_space<vmem>>)
        %dma_wait3A_1304 = arith.constant 1 : i32
        %dma_wait3A_1305 = arith.constant 1 : i32
        %dma_wait3A_1306 = arith.constant 0 : i32
        %dma_wait3A_1307 = arith.constant 0 : i32
        %dma_wait3A_1308 = tpu.memref_slice %arg7[%dma_wait3A_1304, %dma_wait3A_1306, %dma_wait3A_1307] : memref<2x32x513xf32, #tpu.memory_space<vmem>> -> memref<1x32x512xf32, #tpu.memory_space<vmem>>
        %dma_wait3A_1309 = tpu.memref_squeeze %dma_wait3A_1308 : memref<1x32x512xf32, #tpu.memory_space<vmem>> -> memref<32x512xf32, #tpu.memory_space<vmem>>
        %dma_wait3A_1310 = arith.constant 0 : i32
        %dma_wait3A_1311 = arith.constant 3584 : i32
        %dma_wait3A_1312 = tpu.memref_slice %arg4[%add3A_50, %dma_wait3A_1310, %dma_wait3A_1311] : memref<200x32x4096xf32, #tpu.memory_space<hbm>> -> memref<1x32x512xf32, #tpu.memory_space<hbm>>
        %dma_wait3A_1313 = tpu.memref_squeeze %dma_wait3A_1312 : memref<1x32x512xf32, #tpu.memory_space<hbm>> -> memref<32x512xf32, #tpu.memory_space<hbm>>
        %dma_wait3A_1314 = tpu.memref_slice %arg9[%dma_wait3A_1305] : memref<2x!tpu.dma_semaphore, #tpu.memory_space<semaphore_mem>> -> memref<1x!tpu.dma_semaphore, #tpu.memory_space<semaphore_mem>>
        %dma_wait3A_1315 = tpu.memref_squeeze %dma_wait3A_1314 : memref<1x!tpu.dma_semaphore, #tpu.memory_space<semaphore_mem>> -> memref<!tpu.dma_semaphore, #tpu.memory_space<semaphore_mem>>
        %dma_wait3A_1316 = arith.constant 0 : i32
        %dma_wait3A_1317 = arith.constant 3584 : i32
        %dma_wait3A_1318 = tpu.memref_slice %arg4[%add3A_50, %dma_wait3A_1316, %dma_wait3A_1317] : memref<200x32x4096xf32, #tpu.memory_space<hbm>> -> memref<1x32x512xf32, #tpu.memory_space<hbm>>
        %dma_wait3A_1319 = tpu.memref_squeeze %dma_wait3A_1318 : memref<1x32x512xf32, #tpu.memory_space<hbm>> -> memref<32x512xf32, #tpu.memory_space<hbm>>
        %dma_wait3A_1320 = arith.constant 0 : i32
        %dma_wait3A_1321 = arith.constant 0 : i32
        %dma_wait3A_1322 = tpu.memref_slice %arg7[%dma_wait3A_1304, %dma_wait3A_1320, %dma_wait3A_1321] : memref<2x32x513xf32, #tpu.memory_space<vmem>> -> memref<1x32x512xf32, #tpu.memory_space<vmem>>
        %dma_wait3A_1323 = tpu.memref_squeeze %dma_wait3A_1322 : memref<1x32x512xf32, #tpu.memory_space<vmem>> -> memref<32x512xf32, #tpu.memory_space<vmem>>
        tpu.wait_dma2 semaphore(%dma_wait3A_1315 : memref<!tpu.dma_semaphore, #tpu.memory_space<semaphore_mem>>) src(%dma_wait3A_1323 : memref<32x512xf32, #tpu.memory_space<vmem>>) dst(%dma_wait3A_1319 : memref<32x512xf32, #tpu.memory_space<hbm>>)
        %add3A_1324 = arith.constant 16 : i32
        %add3A_1325 = vector.broadcast %add3A_1324 : i32 to vector<16xi32>
        %add3A_1326 = arith.addi %iota3A, %add3A_1325 : vector<16xi32>
        %parallel_loop3A_1327 = arith.constant 0 : i32
        %parallel_loop3A_1328 = arith.constant 512 : i32
        %parallel_loop3A_1329 = arith.constant 1 : i32
        scf.for %parallel_loop3A_1350 = %parallel_loop3A_1327 to %parallel_loop3A_1328 step %parallel_loop3A_1329  : i32 {
          %parallel_loop3A_1351 = arith.constant 0 : i32
          %parallel_loop3A_1352 = vector.broadcast %parallel_loop3A_1351 : i32 to vector<16xi32>
          %parallel_loop3A_1353 = vector.broadcast %parallel_loop3A_1350 : i32 to vector<16xi32>
          %parallel_loop3A_1354 = arith.addi %parallel_loop3A_1352, %parallel_loop3A_1353 : vector<16xi32>
          %parallel_loop3A_1355 = arith.constant 1 : i32
          %parallel_loop3A_1356 = arith.index_cast %parallel_loop3A_1355 : i32 to index
          %parallel_loop3A_1357 = arith.index_cast %parallel_loop3A_1350 : i32 to index
          %parallel_loop3A_1358 = arith.constant 0 : index
          %parallel_loop3A_1359 = tpu.vector_load %arg6[%parallel_loop3A_1356, %parallel_loop3A_1357, %parallel_loop3A_1358] {strides = array<i32>} : memref<2x512x32xf32, #tpu.memory_space<vmem>>, vector<16xf32>,
          %parallel_loop3A_1360 = arith.constant 1 : i32
          %parallel_loop3A_1361 = arith.index_cast %parallel_loop3A_1360 : i32 to index
          %parallel_loop3A_1362 = arith.index_cast %parallel_loop3A_1350 : i32 to index
          %parallel_loop3A_1363 = arith.constant 16 : index
          %parallel_loop3A_1364 = tpu.vector_load %arg6[%parallel_loop3A_1361, %parallel_loop3A_1362, %parallel_loop3A_1363] {strides = array<i32>} : memref<2x512x32xf32, #tpu.memory_space<vmem>>, vector<16xf32>,
          %parallel_loop3A_1365 = arith.constant 1 : i32
          %parallel_loop3A_1366 = arith.constant 0 : i32
          %parallel_loop3A_1367 = arith.constant 0 : i32
          %parallel_loop3A_1368 = tpu.memref_slice %arg7[%parallel_loop3A_1365, %parallel_loop3A_1366, %parallel_loop3A_1367] : memref<2x32x513xf32, #tpu.memory_space<vmem>> -> memref<1x32x513xf32, #tpu.memory_space<vmem>>
          %parallel_loop3A_1369 = tpu.memref_squeeze %parallel_loop3A_1368 : memref<1x32x513xf32, #tpu.memory_space<vmem>> -> memref<32x513xf32, #tpu.memory_space<vmem>>
          tpu.vector_store_idx %parallel_loop3A_1369[%iota3A, %parallel_loop3A_1354], %parallel_loop3A_1359 : memref<32x513xf32, #tpu.memory_space<vmem>>[vector<16xi32>, vector<16xi32>], vector<16xf32>,
          %parallel_loop3A_1370 = arith.constant 1 : i32
          %parallel_loop3A_1371 = arith.constant 0 : i32
          %parallel_loop3A_1372 = arith.constant 0 : i32
          %parallel_loop3A_1373 = tpu.memref_slice %arg7[%parallel_loop3A_1370, %parallel_loop3A_1371, %parallel_loop3A_1372] : memref<2x32x513xf32, #tpu.memory_space<vmem>> -> memref<1x32x513xf32, #tpu.memory_space<vmem>>
          %parallel_loop3A_1374 = tpu.memref_squeeze %parallel_loop3A_1373 : memref<1x32x513xf32, #tpu.memory_space<vmem>> -> memref<32x513xf32, #tpu.memory_space<vmem>>
          tpu.vector_store_idx %parallel_loop3A_1374[%add3A_1326, %parallel_loop3A_1354], %parallel_loop3A_1364 : memref<32x513xf32, #tpu.memory_space<vmem>>[vector<16xi32>, vector<16xi32>], vector<16xf32>,
        } {sc.loop_unroll_factor = 8 : i64, sc.parallel_access}
        %dma_start3A_1330 = arith.constant 1 : i32
        %dma_start3A_1331 = arith.constant 1 : i32
        %dma_start3A_1332 = arith.constant 0 : i32
        %dma_start3A_1333 = arith.constant 0 : i32
        %dma_start3A_1334 = tpu.memref_slice %arg7[%dma_start3A_1330, %dma_start3A_1332, %dma_start3A_1333] : memref<2x32x513xf32, #tpu.memory_space<vmem>> -> memref<1x32x512xf32, #tpu.memory_space<vmem>>
        %dma_start3A_1335 = tpu.memref_squeeze %dma_start3A_1334 : memref<1x32x512xf32, #tpu.memory_space<vmem>> -> memref<32x512xf32, #tpu.memory_space<vmem>>
        %dma_start3A_1336 = arith.constant 0 : i32
        %dma_start3A_1337 = arith.constant 3584 : i32
        %dma_start3A_1338 = tpu.memref_slice %arg4[%add3A_50, %dma_start3A_1336, %dma_start3A_1337] : memref<200x32x4096xf32, #tpu.memory_space<hbm>> -> memref<1x32x512xf32, #tpu.memory_space<hbm>>
        %dma_start3A_1339 = tpu.memref_squeeze %dma_start3A_1338 : memref<1x32x512xf32, #tpu.memory_space<hbm>> -> memref<32x512xf32, #tpu.memory_space<hbm>>
        %dma_start3A_1340 = tpu.memref_slice %arg9[%dma_start3A_1331] : memref<2x!tpu.dma_semaphore, #tpu.memory_space<semaphore_mem>> -> memref<1x!tpu.dma_semaphore, #tpu.memory_space<semaphore_mem>>
        %dma_start3A_1341 = tpu.memref_squeeze %dma_start3A_1340 : memref<1x!tpu.dma_semaphore, #tpu.memory_space<semaphore_mem>> -> memref<!tpu.dma_semaphore, #tpu.memory_space<semaphore_mem>>
        %dma_start3A_1342 = arith.constant 0 : i32
        %dma_start3A_1343 = arith.constant 3584 : i32
        %dma_start3A_1344 = tpu.memref_slice %arg4[%add3A_50, %dma_start3A_1342, %dma_start3A_1343] : memref<200x32x4096xf32, #tpu.memory_space<hbm>> -> memref<1x32x512xf32, #tpu.memory_space<hbm>>
        %dma_start3A_1345 = tpu.memref_squeeze %dma_start3A_1344 : memref<1x32x512xf32, #tpu.memory_space<hbm>> -> memref<32x512xf32, #tpu.memory_space<hbm>>
        %dma_start3A_1346 = arith.constant 0 : i32
        %dma_start3A_1347 = arith.constant 0 : i32
        %dma_start3A_1348 = tpu.memref_slice %arg7[%dma_start3A_1330, %dma_start3A_1346, %dma_start3A_1347] : memref<2x32x513xf32, #tpu.memory_space<vmem>> -> memref<1x32x512xf32, #tpu.memory_space<vmem>>
        %dma_start3A_1349 = tpu.memref_squeeze %dma_start3A_1348 : memref<1x32x512xf32, #tpu.memory_space<vmem>> -> memref<32x512xf32, #tpu.memory_space<vmem>>
        tpu.enqueue_dma source(%dma_start3A_1349 : memref<32x512xf32, #tpu.memory_space<vmem>>) target(%dma_start3A_1345 : memref<32x512xf32, #tpu.memory_space<hbm>>) target_semaphore(%dma_start3A_1341 : memref<!tpu.dma_semaphore, #tpu.memory_space<semaphore_mem>>)
      } else {
      }
    }
    %scan3A_5 = arith.constant 7 : i32
    %dma_wait3A = arith.constant 0 : i32
    %dma_wait3A_6 = arith.constant 0 : i32
    %dma_wait3A_7 = arith.constant 0 : i32
    %dma_wait3A_8 = arith.constant 0 : i32
    %dma_wait3A_9 = arith.constant 0 : i32
    %dma_wait3A_10 = tpu.memref_slice %arg7[%dma_wait3A, %dma_wait3A_8, %dma_wait3A_9] : memref<2x32x513xf32, #tpu.memory_space<vmem>> -> memref<1x32x512xf32, #tpu.memory_space<vmem>>
    %dma_wait3A_11 = tpu.memref_squeeze %dma_wait3A_10 : memref<1x32x512xf32, #tpu.memory_space<vmem>> -> memref<32x512xf32, #tpu.memory_space<vmem>>
    %dma_wait3A_12 = arith.constant 0 : i32
    %dma_wait3A_13 = arith.constant 0 : i32
    %dma_wait3A_14 = tpu.memref_slice %arg4[%dma_wait3A_6, %dma_wait3A_12, %dma_wait3A_13] : memref<200x32x4096xf32, #tpu.memory_space<hbm>> -> memref<1x32x512xf32, #tpu.memory_space<hbm>>
    %dma_wait3A_15 = tpu.memref_squeeze %dma_wait3A_14 : memref<1x32x512xf32, #tpu.memory_space<hbm>> -> memref<32x512xf32, #tpu.memory_space<hbm>>
    %dma_wait3A_16 = tpu.memref_slice %arg9[%dma_wait3A_7] : memref<2x!tpu.dma_semaphore, #tpu.memory_space<semaphore_mem>> -> memref<1x!tpu.dma_semaphore, #tpu.memory_space<semaphore_mem>>
    %dma_wait3A_17 = tpu.memref_squeeze %dma_wait3A_16 : memref<1x!tpu.dma_semaphore, #tpu.memory_space<semaphore_mem>> -> memref<!tpu.dma_semaphore, #tpu.memory_space<semaphore_mem>>
    %dma_wait3A_18 = arith.constant 0 : i32
    %dma_wait3A_19 = arith.constant 0 : i32
    %dma_wait3A_20 = tpu.memref_slice %arg4[%dma_wait3A_6, %dma_wait3A_18, %dma_wait3A_19] : memref<200x32x4096xf32, #tpu.memory_space<hbm>> -> memref<1x32x512xf32, #tpu.memory_space<hbm>>
    %dma_wait3A_21 = tpu.memref_squeeze %dma_wait3A_20 : memref<1x32x512xf32, #tpu.memory_space<hbm>> -> memref<32x512xf32, #tpu.memory_space<hbm>>
    %dma_wait3A_22 = arith.constant 0 : i32
    %dma_wait3A_23 = arith.constant 0 : i32
    %dma_wait3A_24 = tpu.memref_slice %arg7[%dma_wait3A, %dma_wait3A_22, %dma_wait3A_23] : memref<2x32x513xf32, #tpu.memory_space<vmem>> -> memref<1x32x512xf32, #tpu.memory_space<vmem>>
    %dma_wait3A_25 = tpu.memref_squeeze %dma_wait3A_24 : memref<1x32x512xf32, #tpu.memory_space<vmem>> -> memref<32x512xf32, #tpu.memory_space<vmem>>
    tpu.wait_dma2 semaphore(%dma_wait3A_17 : memref<!tpu.dma_semaphore, #tpu.memory_space<semaphore_mem>>) src(%dma_wait3A_25 : memref<32x512xf32, #tpu.memory_space<vmem>>) dst(%dma_wait3A_21 : memref<32x512xf32, #tpu.memory_space<hbm>>)
    %dma_wait3A_26 = arith.constant 1 : i32
    %dma_wait3A_27 = arith.constant 0 : i32
    %dma_wait3A_28 = arith.constant 1 : i32
    %dma_wait3A_29 = arith.constant 0 : i32
    %dma_wait3A_30 = arith.constant 0 : i32
    %dma_wait3A_31 = tpu.memref_slice %arg7[%dma_wait3A_26, %dma_wait3A_29, %dma_wait3A_30] : memref<2x32x513xf32, #tpu.memory_space<vmem>> -> memref<1x32x512xf32, #tpu.memory_space<vmem>>
    %dma_wait3A_32 = tpu.memref_squeeze %dma_wait3A_31 : memref<1x32x512xf32, #tpu.memory_space<vmem>> -> memref<32x512xf32, #tpu.memory_space<vmem>>
    %dma_wait3A_33 = arith.constant 0 : i32
    %dma_wait3A_34 = arith.constant 0 : i32
    %dma_wait3A_35 = tpu.memref_slice %arg4[%dma_wait3A_27, %dma_wait3A_33, %dma_wait3A_34] : memref<200x32x4096xf32, #tpu.memory_space<hbm>> -> memref<1x32x512xf32, #tpu.memory_space<hbm>>
    %dma_wait3A_36 = tpu.memref_squeeze %dma_wait3A_35 : memref<1x32x512xf32, #tpu.memory_space<hbm>> -> memref<32x512xf32, #tpu.memory_space<hbm>>
    %dma_wait3A_37 = tpu.memref_slice %arg9[%dma_wait3A_28] : memref<2x!tpu.dma_semaphore, #tpu.memory_space<semaphore_mem>> -> memref<1x!tpu.dma_semaphore, #tpu.memory_space<semaphore_mem>>
    %dma_wait3A_38 = tpu.memref_squeeze %dma_wait3A_37 : memref<1x!tpu.dma_semaphore, #tpu.memory_space<semaphore_mem>> -> memref<!tpu.dma_semaphore, #tpu.memory_space<semaphore_mem>>
    %dma_wait3A_39 = arith.constant 0 : i32
    %dma_wait3A_40 = arith.constant 0 : i32
    %dma_wait3A_41 = tpu.memref_slice %arg4[%dma_wait3A_27, %dma_wait3A_39, %dma_wait3A_40] : memref<200x32x4096xf32, #tpu.memory_space<hbm>> -> memref<1x32x512xf32, #tpu.memory_space<hbm>>
    %dma_wait3A_42 = tpu.memref_squeeze %dma_wait3A_41 : memref<1x32x512xf32, #tpu.memory_space<hbm>> -> memref<32x512xf32, #tpu.memory_space<hbm>>
    %dma_wait3A_43 = arith.constant 0 : i32
    %dma_wait3A_44 = arith.constant 0 : i32
    %dma_wait3A_45 = tpu.memref_slice %arg7[%dma_wait3A_26, %dma_wait3A_43, %dma_wait3A_44] : memref<2x32x513xf32, #tpu.memory_space<vmem>> -> memref<1x32x512xf32, #tpu.memory_space<vmem>>
    %dma_wait3A_46 = tpu.memref_squeeze %dma_wait3A_45 : memref<1x32x512xf32, #tpu.memory_space<vmem>> -> memref<32x512xf32, #tpu.memory_space<vmem>>
    tpu.wait_dma2 semaphore(%dma_wait3A_38 : memref<!tpu.dma_semaphore, #tpu.memory_space<semaphore_mem>>) src(%dma_wait3A_46 : memref<32x512xf32, #tpu.memory_space<vmem>>) dst(%dma_wait3A_42 : memref<32x512xf32, #tpu.memory_space<hbm>>)
    return
  }
}

</mosaic_0001>

<sc_bundles>
// kernel: kernel.3.cloned.1.call-start
scs
__scs_entry_jumppad:
0x0: {  	(pc) =	sbr.rel $0x88, $3  }
0x1: {  	(tag) =	ssettag $0x0;
	lr =	simm.s32 $0x1  }
0x2: {  	[smem:$0x3F9F] =	sst lr;
	_ =	strace $0xD0000000  }
0x3: {  	_ = 	snop  }
0x4: {  	_ = 	snop  }
0x5: {  	_ = 	snop  }
0x6: {  	_ = 	snop  }
0x7: {  	_ = 	snop  }
__scs_overlays_trampoline_lowered:
0x8: {  	[smem:$0x3FAE] =	sst s0  }
0x9: {  	[smem:$0x3FAF] =	sst s1  }
0xa: {  	[smem:$0x3FB0] =	sst s2  }
0xb: {  	[smem:$0x3FB1] =	sst s3  }
0xc: {  	[smem:$0x3FB2] =	sst s4  }
0xd: {  	[smem:$0x3FB3] =	sst s5  }
0xe: {  	[smem:$0x3FB4] =	sst s6  }
0xf: {  	[smem:$0x3FB5] =	sst s7  }
0x10: {  	[smem:$0x3FB6] =	sst s8  }
0x11: {  	[smem:$0x3FB7] =	sst s9;
	s0 =	simm.s32 @!p0 $0x0  }
0x12: {  	s1 =	sld [smem:$0x3F9D];
	s0 =	simm.s32 @p0 $0x1  }
0x13: {  	[smem:$0x3FB8] =	sst s0;
	s0 =	simm.s32 @!p1 $0x0  }
0x14: {  	s2 =	sld [smem:$0x3F9C];
	s0 =	simm.s32 @p1 $0x1  }
0x15: {  	[smem:$0x3FB9] =	sst s0;
	s0 =	simm.s32 @!p2 $0x0  }
0x16: {  	s3 =	sld [smem:$0x3FDB];
	s0 =	simm.s32 @p2 $0x1  }
0x17: {  	s4 =	simm.s32 $0x1BF5;
	[smem:$0x3FBB] =	sst s0  }
0x18: {  	s0 =	sld [smem:$0x3F9E];
	_ =	swait.ge [sflag:s4], $0x0  }
0x19: {  	s7 =	sld [smem:$0x3F9F]  }
0x1a: {  	s8 =	sadd.s32 $0xFFFFE003, lr  }
0x1b: {  	s9 =	sadd.s32 $0xFFFFFEF7, lr;
	s5 =	simm.s32 $0xFFFFFFFF;
	p2 =	slt.u32 s8, $0xFFFFF086  }
0x1c: {  	p1 =	slt.u32 s9, $0xF7A;
	s5 =	simm.s32 @!p2 $0x0  }
0x1d: {  	s5 =	simm.s32 @p1 $0x1;
	p0 =	seq.s32 s7, s2  }
0x1e: {  	s7 =	smul.u32 @!p0 $0xF7A, s2;
	p2 =	seq.s32 @!p0 s5, $0x0  }
0x1f: {  	s9 =	smul.u32 $0xF7A, s1;
	s8 =	simm.s32 @!p0 $0x1BF5;
	p2 =	por !p2, p0  }
0x20: {  	[sflag:s8] =	ssyncset.s32 @!p0 $0xFFFFF086;
	s6 =	sadd.s32 @!p0 s3, s7;
	s7 =	simm.s32 @!p0 $0x108  }
0x21: {  	s3 =	sadd.s32 s3, s9;
	s6 =	sadd.s32 @!p0 $0x88, s6;
	s7 =	simm.s32 @p2 $0x1082  }
0x22: {  	[simem:s7], [sflag:s8] =	dma.local @!p0 [hbm:s6], $0xF7A  }
0x23: {  	s9 =	sor.u32 $0xD0000000, s2;
	s6 =	simm.s32 $0x108;
	_ =	swait.ge @!p0 [sflag:s8], $0x0  }
0x24: {  	s3 =	sadd.s32 $0x88, s3;
	s6 =	simm.s32 @!p1 $0x1082;
	[sflag:s4] =	ssyncset.s32 $0xFFFFF086  }
0x25: {  	[simem:s6], [sflag:s4] =	dma.local [hbm:s3], $0xF7A  }
0x26: {  	[smem:$0x3F9F] =	sst s1;
	(tag) =	ssettag s2;
	_ =	strace s9  }
0x27: {  	s1 =	sld [smem:$0x3FAF]  }
0x28: {  	s2 =	sld [smem:$0x3FB0]  }
0x29: {  	s4 =	sld [smem:$0x3FB2]  }
0x2a: {  	p0 =	seq.s32 s5, $0x0;
	s5 =	sld [smem:$0x3FB3]  }
0x2b: {  	s6 =	sld [smem:$0x3FB4]  }
0x2c: {  	s7 =	sld [smem:$0x3FB5]  }
0x2d: {  	s3 =	simm.s32 $0x108;
	s8 =	sld [smem:$0x3FB6]  }
0x2e: {  	s3 =	simm.s32 @!p0 $0x1082;
	s9 =	sld [smem:$0x3FB7]  }
0x2f: {  	lr =	sadd.s32 s0, s3;
	s0 =	sld [smem:$0x3FAE]  }
0x30: {  	s3 =	sld [smem:$0x3FB1]  }
0x31: {  	[smem:$0x3FBA] =	sst s10  }
0x32: {  	s10 =	sld [smem:$0x3FB8];
	_ =	sdelay $0x3  }
0x33: {  	p0 =	seq.s32 s10, $0x1;
	s10 =	sld [smem:$0x3FBA];
	_ =	sdelay $0x3  }
0x34: {  	[smem:$0x3FBA] =	sst s10  }
0x35: {  	s10 =	sld [smem:$0x3FB9];
	_ =	sdelay $0x3  }
0x36: {  	p1 =	seq.s32 s10, $0x1;
	s10 =	sld [smem:$0x3FBA];
	_ =	sdelay $0x3  }
0x37: {  	[smem:$0x3FBA] =	sst s10  }
0x38: {  	s10 =	sld [smem:$0x3FBB]  }
0x39: {  	_ = 	snop;
	(pc) =	sbr.ind lr, $3  }
0x3a: {  	_ = 	snop  }
0x3b: {  	_ = 	snop  }
0x3c: {  	p2 =	seq.s32 s10, $0x1;
	s10 =	sld [smem:$0x3FBA]  }
0x3d: {  	_ =	shalt  }
0x3e: {  	_ =	shalt  }
0x3f: {  	_ =	shalt  }
0x40: {  	_ =	shalt  }
0x41: {  	_ =	shalt  }
0x42: {  	_ =	shalt  }
0x43: {  	_ =	shalt  }
0x44: {  	_ =	shalt  }
0x45: {  	_ =	shalt  }
0x46: {  	_ =	shalt  }
0x47: {  	_ =	shalt  }
0x48: {  	_ =	shalt  }
0x49: {  	_ =	shalt  }
0x4a: {  	_ =	shalt  }
0x4b: {  	_ =	shalt  }
0x4c: {  	_ =	shalt  }
0x4d: {  	_ =	shalt  }
0x4e: {  	_ =	shalt  }
0x4f: {  	_ =	shalt  }
0x50: {  	_ =	shalt  }
0x51: {  	_ =	shalt  }
0x52: {  	_ =	shalt  }
0x53: {  	_ =	shalt  }
0x54: {  	_ =	shalt  }
0x55: {  	_ =	shalt  }
0x56: {  	_ =	shalt  }
0x57: {  	_ =	shalt  }
0x58: {  	_ =	shalt  }
0x59: {  	_ =	shalt  }
0x5a: {  	_ =	shalt  }
0x5b: {  	_ =	shalt  }
0x5c: {  	_ =	shalt  }
0x5d: {  	_ =	shalt  }
0x5e: {  	_ =	shalt  }
0x5f: {  	_ =	shalt  }
0x60: {  	_ =	shalt  }
0x61: {  	_ =	shalt  }
0x62: {  	_ =	shalt  }
0x63: {  	_ =	shalt  }
0x64: {  	_ =	shalt  }
0x65: {  	_ =	shalt  }
0x66: {  	_ =	shalt  }
0x67: {  	_ =	shalt  }
0x68: {  	_ =	shalt  }
0x69: {  	_ =	shalt  }
0x6a: {  	_ =	shalt  }
0x6b: {  	_ =	shalt  }
0x6c: {  	_ =	shalt  }
0x6d: {  	_ =	shalt  }
0x6e: {  	_ =	shalt  }
0x6f: {  	_ =	shalt  }
0x70: {  	_ =	shalt  }
0x71: {  	_ =	shalt  }
0x72: {  	_ =	shalt  }
0x73: {  	_ =	shalt  }
0x74: {  	_ =	shalt  }
0x75: {  	_ =	shalt  }
0x76: {  	_ =	shalt  }
0x77: {  	_ =	shalt  }
0x78: {  	_ =	shalt  }
0x79: {  	_ =	shalt  }
0x7a: {  	_ =	shalt  }
0x7b: {  	_ =	shalt  }
0x7c: {  	_ =	shalt  }
0x7d: {  	_ =	shalt  }
0x7e: {  	_ =	shalt  }
0x7f: {  	_ =	shalt  }
0x80: {  	_ =	shalt  }
0x81: {  	_ =	shalt  }
0x82: {  	_ =	shalt  }
0x83: {  	_ =	shalt  }
0x84: {  	_ =	shalt  }
0x85: {  	_ =	shalt  }
0x86: {  	_ =	shalt  }
0x87: {  	_ =	shalt  }
.Lfunc_end0:
.L_simem_size_0:
called_computation_lowered:
.L_overlay_start_0:
0x88: {  	s2 =	sld [smem:$0x3FD9]  }
0x89: {  	s3 =	sld [smem:$0x3FFE];
	_ =	sdelay $0x1  }
0x8a: {  	s1 =	srdreg.scid  }
0x8b: {  	s0 =	sand.u32 $0x1, s1  }
0x8c: {  	s17 =	sshll.u32 s0, $0xA;
	s2 =	sadd.s32 s3, s2  }
0x8d: {  	s2 =	sadd.s32 s2, s17  }
0x8e: {  	[smem:$0x3FC6] =	sst s2  }
0x8f: {  	_ = 	snop  }
0x90: {  	s2 =	sld [smem:$0x3FD0];
	(tm) =	ssettm $0x1  }
0x91: {  	s18 =	sld [smem:$0x3FFB];
	_ =	sdelay $0x3  }
0x92: {  	_ =	strace s18  }
0x93: {  	s3 =	sld [smem:$0x3FFC];
	_ =	sdelay $0x3  }
0x94: {  	_ =	strace s3  }
0x95: {  	s3 =	sld [smem:$0x3FFD];
	_ =	sdelay $0x3  }
0x96: {  	_ =	strace s3  }
0x97: {  	_ =	strace $0x8FFFFFFF  }
0x98: {  	s19 =	sld [smem:$0x3FDB];
	_ =	sdelay $0x1  }
0x99: {  	s4 =	simm.s32 $_scs_section_size  }
0x9a: {  	s5 =	simm.s32 $_size__tile_overlayer_lowered;
	s6 =	simm.s32 $_tile_overlayer_lowered  }
0x9b: {  	s22 =	simm.s32 $0x1BFF;
	s21 =	sshll.u32 s6, $0x1;
	s3 =	sadd.s32 s4, s19  }
0x9c: {  	s7 =	simm.s32 $0x0;
	s20 =	sshll.u32 s5, $0x1;
	s5 =	sadd.s32 s21, s3  }
0x9d: {  	[timem:s7], [sflag:s22] =	dma.local [hbm:s5], s20  }
0x9e: {  	_ =	swait.ge [sflag:s22], s20  }
0x9f: {  	s4 =	ssub.s32 $0x0, s20;
	[sflag:s22] =	ssyncset.done $0x0  }
0xa0: {  	[sflag:s22] =	ssyncadd.s32 s4;
	_ =	sdelay $0x1  }
0xa1: {  	s23 =	simm.s32 $0x1B8B  }
0xa2: {  	_ =	swait.ge [sflag:s23], $0x1  }
0xa3: {  	[sflag:s23] =	ssyncset.done $0x0  }
0xa4: {  	s25 =	simm.s32 $0x1B8E;
	s24 =	sld [smem:$0x3FFE];
	[sflag:s23] =	ssyncadd.s32 $0xFFFFFFFF  }
0xa5: {  	s26 =	simm.s32 $execute0_lowered;
	[smem:$0x3FD2] =	sst s25  }
0xa6: {  	s5 =	sshll.u32 s26, $0x1;
	_ =	strace $0x80000046;
	[dreg:$0x1] =	wrdreg $0xFFFFFFFF  }
0xa7: {  	s28 =	simm.s32 $_size_execute0_lowered;
	s3 =	sadd.s32 s3, s5;
	[dreg:$0x0] =	wrdreg $0x0  }
0xa8: {  	s5 =	sshll.u32 s28, $0x1;
	[dreg:$0x2] =	wrdreg s3  }
0xa9: {  	[dreg:$0x3] =	wrdreg s5  }
0xaa: {  	[dreg:$0x4] =	wrdreg $0xC0  }
0xab: {  	_ =	task [dreg:s7], $0x5FFFF  }
0xac: {  	[dreg:$0x1] =	wrdreg $0xFFFFFFFF  }
0xad: {  	[dreg:$0x0] =	wrdreg $0x60  }
0xae: {  	[dreg:$0x2] =	wrdreg s2  }
0xaf: {  	[dreg:$0x3] =	wrdreg s24  }
0xb0: {  	[dreg:$0x4] =	wrdreg $0x9  }
0xb1: {  	_ =	task.clear_ibuf [dreg:s7], $0x5FFFF;
	_ =	strace $0x90000046  }
0xb2: {  	s29 =	simm.s32 $0x9;
	_ =	strace $0x80000048  }
0xb3: {  	_ =	swait.ge [sflag:s29], $0x1  }
0xb4: {  	[sflag:s29] =	ssyncadd.s32 $0xFFFFFFFF  }
0xb5: {  	_ =	strace $0x90000048  }
0xb6: {  	_ =	sfence  }
0xb7: {  	s30 =	sld [smem:$0x0];
	_ =	sdelay $0x2  }
0xb8: {  	s31 =	sshll.u32 s1, $0xD;
	s1 =	sshrl.u32 s1, $0x2  }
0xb9: {  	s3 =	sand.u32 $0x4000, s31;
	s1 =	sadd.s32 s1, s30  }
0xba: {  	s0 =	sor.u32 s3, s0;
	s1 =	sshll.u32 s1, $0x11  }
0xbb: {  	s0 =	sor.u32 s1, s0  }
0xbc: {  	s0 =	sadd.s32 $0x8F2B, s0  }
0xbd: {  	[sflag:s0] =	ssyncadd.remote.s32 $0x1  }
0xbe: {  	_ =	sfence.sel $0xFFFF  }
0xbf: {  	[dreg:$0x0] =	wrdreg $0xFFFFFFFF;
	(pc) =	sbr.abs _section_cstart, $3  }
0xc0: {  	[dreg:$0x1] =	wrdreg $0xFFFFFFFF  }
0xc1: {  	_ =	task.clear_ibuf [dreg:s7], $0x2FFFF;
	_ =	strace $0x9FFFFFFF  }
0xc2: {  	(tm) =	ssettm $0x7FFFFFFF  }
0xc3: {  	_ =	shalt  }
tec
execute0_lowered:
.L_overlay_start_1:
0x0: {  	(tag) =	ssettag $0x1  }
0x1: {  	s0 =	rddreg [dreg:$0x1];
	s2 =	simm.s32 $0x0;
	s1 =	srdreg.scid  }
0x2: {  	s4 =	stileid.u32;
	s16 =	simm.s32 $0x5;
	s17 =	simm.s32 $0x80  }
0x3: {  	s18 =	simm.s32 $0x1000;
	s19 =	simm.s32 $0x2000;
	s21 =	simm.s32 $0x3000  }
0x4: {  	s28 =	simm.s32 $0x6000;
	s30 =	simm.s32 $0x7000;
	s15 =	simm.s32 $0x9000  }
0x5: {  	s29 =	simm.s32 $0xD100;
	s31 =	simm.s32 $0x4;
	[smem:$0x7FF] =	sst s2  }
0x6: {  	s1 =	sand.u32 $0x1, s1;
	s5 =	sadd.s32 $0xF42A00, s0;
	s3 =	sadd.s32 $0x600, s0  }
0x7: {  	s7 =	sshll.u32 s4, $0x1;
	s23 =	sadd.s32 $0x640, s0;
	s24 =	sadd.s32 $0x680, s0  }
0x8: {  	v0 =	vlaneseq.u32;
	s25 =	sadd.s32 $0x6C0, s0;
	s11 =	sadd.s32 $0x700, s0;
	s12 =	sadd.s32 $0x740, s0  }
0x9: {  	v1 =	vimm.s32 $0x0;
	vm0 =	vcmask $0x300;
	s13 =	sadd.s32 $0x780, s0;
	s14 =	sadd.s32 $0x7C0, s0;
	s0 =	simm.s32 $0x8000;
	v0 =	vmul.u32 $0x208, v0  }
0xa: {  	v1 =	vsel vm0, $0x3, v1;
	_ =	strace $0x80000047;
	s10 =	smov.u32 s1;
	[dreg:$0x3] =	wrdreg s3  }
.Ltmp0:
0xb: {  	s1 =	ssub.s32 $0x2, s1;
	[dreg:$0x4] =	wrdreg s23;
	v2 =	vadd.s32 $0x2080, v0;
	v3 =	vor.u32 $0x1, v0;
	v4 =	vadd.s32 $0x2081, v0;
	(pc) =	sbr.rel .LBB2_1-.Ltmp0, $4  }
0xc: {  	s4 =	simm.s32 $0x1;
	[dreg:$0x5] =	wrdreg s24;
	s22 =	sshrl.u32 s1, $0x1;
	v5 =	vor.u32 $0x2, v0;
	v6 =	vadd.s32 $0x2082, v0;
	v7 =	vor.u32 $0x3, v0  }
0xd: {  	[dreg:$0x6] =	wrdreg s25;
	s23 =	simm.s32 $0x4000;
	v8 =	vadd.s32 $0x2083, v0;
	v9 =	vor.u32 $0x4, v0;
	v10 =	vadd.s32 $0x2084, v0;
	s1 =	ssub.s32 s1, s22  }
0xe: {  	s25 =	simm.s32 $0x5000;
	s24 =	simm.s32 $0x3;
	v11 =	vor.u32 $0x5, v0;
	v12 =	vadd.s32 $0x2085, v0;
	v13 =	vor.u32 $0x6, v0;
	s26 =	smax.u32 s1, $0x1  }
0xf: {  	s3 =	simm.s32 $0x0;
	v14 =	vadd.s32 $0x2086, v0;
	v15 =	vor.u32 $0x7, v0;
	v16 =	vadd.s32 $0x2087, v0;
	[dreg:$0x7] =	wrdreg s26;
	s26 =	simm.s32 $0x2  }
.LBB2_37:
0x10: {  	_ =	swait.ge [sflag:s24], $0x4000  }
0x11: {  	[sflag:s24] =	ssyncset.done $0x0  }
0x12: {  	[sflag:s24] =	ssyncadd.s32 $0xFFFFC000  }
0x13: {  	_ =	swait.ge [sflag:s31], $0x4000  }
0x14: {  	s3 =	rddreg [dreg:$0x8]  }
0x15: {  	s1 =	rddreg [dreg:$0x7];
	s3 =	sadd.s32 $0x1, s3  }
0x16: {  	p0 =	sne.s32 s3, s1  }
.Ltmp1:
0x17: {  	_ = 	snop;
	(pc) =	sbr.rel @!p0 .LBB2_38-.Ltmp1, $3  }
0x18: {  	_ =	sdelay $0x1  }
0x19: {  	[sflag:s31] =	ssyncset.done $0x0  }
0x1a: {  	[sflag:s31] =	ssyncadd.s32 $0xFFFFC000  }
.LBB2_1:
.Ltmp2:
0x1b: {  	(pc) =	sbr.rel .LBB2_2-.Ltmp2, $2  }
0x1c: {  	_ =	sdelay $0x2  }
0x1d: {  	[dreg:$0x8] =	wrdreg s3;
	s1 =	simm.s32 $0x0  }
.LBB2_36:
0x1e: {  	s1 =	sadd.s32 $0x1, s1  }
0x1f: {  	p0 =	sne.s32 s1, $0x7  }
.Ltmp3:
0x20: {  	_ = 	snop;
	(pc) =	sbr.rel @!p0 .LBB2_37-.Ltmp3, $1  }
0x21: {  	_ =	sdelay $0x3  }
.LBB2_2:
0x22: {  	s3 =	sshll.u32 s1, $0x5  }
0x23: {  	s3 =	sor.u32 s7, s3  }
0x24: {  	p0 =	sgt.u32 s3, $0xC7  }
.Ltmp4:
0x25: {  	_ = 	snop;
	(pc) =	sbr.rel @p0 .LBB2_36-.Ltmp4, $1  }
0x26: {  	_ =	sdelay $0x3  }
0x27: {  	s20 =	sor.u32 s10, s3  }
0x28: {  	s6 =	rddreg [dreg:$0x0];
	s3 =	sshll.u32 s20, $0x9  }
0x29: {  	s3 =	sadd.s32 s6, s3  }
0x2a: {  	[tilespmem:s2], [sflag:$0x5] =	stream.linear.gather [hbm4b:s3+s2], $0x1000, $0x38;
	[tilespmem:$0x11200] =	vst v63  }
0x2b: {  	_ =	swait.ge [sflag:s16], $0x1000  }
0x2c: {  	[sflag:s16] =	ssyncset.done $0x0  }
0x2d: {  	[sflag:s16] =	ssyncadd.s32 $0xFFFFF000  }
0x2e: {  	[tilespmem:s18], [sflag:$0x1] =	stream.indirect.gather [hbm4b:s5+s17], $0x20, s2, s17, $0xb8;
	[tilespmem:$0x11200] =	vst v63  }
0x2f: {  	_ = 	snop  }
0x30: {  	[tilespmem:s19], [sflag:$0x1] =	stream.indirect.gather [hbm4b:s5+s17], $0x20, s17, s17, $0xb8;
	[tilespmem:$0x11200] =	vst v63  }
0x31: {  	s22 =	simm.s32 $0x100  }
0x32: {  	[tilespmem:s21], [sflag:$0x1] =	stream.indirect.gather [hbm4b:s5+s17], $0x20, s22, s17, $0xb8;
	[tilespmem:$0x11200] =	vst v63  }
0x33: {  	s6 =	simm.s32 $0x180  }
0x34: {  	[tilespmem:s23], [sflag:$0x1] =	stream.indirect.gather [hbm4b:s5+s17], $0x20, s6, s17, $0xb8;
	[tilespmem:$0x11200] =	vst v63  }
0x35: {  	s8 =	simm.s32 $0x200  }
0x36: {  	[tilespmem:s25], [sflag:$0x2] =	stream.indirect.gather [hbm4b:s5+s17], $0x20, s8, s17, $0xb8;
	[tilespmem:$0x11200] =	vst v63  }
0x37: {  	s9 =	simm.s32 $0x280  }
0x38: {  	[tilespmem:s28], [sflag:$0x2] =	stream.indirect.gather [hbm4b:s5+s17], $0x20, s9, s17, $0xb8;
	[tilespmem:$0x11200] =	vst v63  }
0x39: {  	s22 =	simm.s32 $0x300  }
0x3a: {  	[tilespmem:s30], [sflag:$0x2] =	stream.indirect.gather [hbm4b:s5+s17], $0x20, s22, s17, $0xb8;
	[tilespmem:$0x11200] =	vst v63  }
0x3b: {  	s6 =	simm.s32 $0x380  }
0x3c: {  	[tilespmem:s0], [sflag:$0x2] =	stream.indirect.gather [hbm4b:s5+s17], $0x20, s6, s17, $0xb8;
	[tilespmem:$0x11200] =	vst v63  }
0x3d: {  	_ =	swait.ge [sflag:s4], $0x1000  }
0x3e: {  	[sflag:s4] =	ssyncset.done $0x0  }
0x3f: {  	[sflag:s4] =	ssyncadd.s32 $0xFFFFF000  }
0x40: {  	_ =	swait.ge [sflag:s4], $0x1000  }
0x41: {  	[sflag:s4] =	ssyncset.done $0x0  }
0x42: {  	[sflag:s4] =	ssyncadd.s32 $0xFFFFF000  }
0x43: {  	_ =	swait.ge [sflag:s4], $0x1000  }
0x44: {  	[sflag:s4] =	ssyncset.done $0x0  }
0x45: {  	[sflag:s4] =	ssyncadd.s32 $0xFFFFF000  }
0x46: {  	s8 =	simm.s32 $0x7;
	_ =	swait.ge [sflag:s4], $0x1000  }
0x47: {  	p0 =	seq.s32 s1, $0x0;
	v17 =	vmov s8;
	s9 =	simm.s32 $0x0;
	[sflag:s4] =	ssyncset.done $0x0  }
0x48: {  	s3 =	simm.s32 @!p0 $0x3;
	v17 =	vshrl.u32 v17, $0x3;
	v18 =	vmov s9;
	[sflag:s4] =	ssyncadd.s32 $0xFFFFF000  }
0x49: {  	v17 =	vshll.u32 v17, v1;
	v18 =	vshrl.u32 v18, $0x3;
	_ =	swait.ge @!p0 [sflag:s3], $0x4000  }
0x4a: {  	s8 =	simm.s32 $0x1;
	v17 =	vbroadcast v17, $0x0;
	v18 =	vshll.u32 v18, v1;
	[sflag:s3] =	ssyncset.done @!p0 $0x0  }
0x4b: {  	v19 =	vmov s8;
	s22 =	simm.s32 $0x2;
	s6 =	simm.s32 $0x1080;
	v18 =	vbroadcast v18, $0x0;
	[sflag:s3] =	ssyncadd.s32 @!p0 $0xFFFFC000  }
0x4c: {  	v19 =	vshrl.u32 v19, $0x3;
	v22 =	vmov s22;
	v21 =	vadd.s32 v15, v17;
	v20 =	vld [tilespmem:s6+$0x60]  }
0x4d: {  	v19 =	vshll.u32 v19, v1;
	v22 =	vshrl.u32 v22, $0x3;
	v25 =	vadd.s32 v0, v18;
	v24 =	vld [tilespmem:s6+$0xFFFFFF80]  }
0x4e: {  	s8 =	simm.s32 $0x3;
	v19 =	vbroadcast v19, $0x0;
	v17 =	vadd.s32 v16, v17;
	v22 =	vshll.u32 v22, v1;
	v23 =	vld [tilespmem:s6+$0x70]  }
0x4f: {  	v27 =	vmov s8;
	v18 =	vadd.s32 v2, v18;
	v22 =	vbroadcast v22, $0x0;
	v26 =	vld [tilespmem:s6+$0xFFFFFF90]  }
0x50: {  	s9 =	simm.s32 $0x4;
	v27 =	vshrl.u32 v27, $0x3;
	v29 =	vadd.s32 v3, v19;
	v31 =	vadd.s32 v4, v19;
	v28 =	vld [tilespmem:s6+$0xFFFFFFA0]  }
0x51: {  	v19 =	vshll.u32 v27, v1;
	v27 =	vmov s9;
	v33 =	vadd.s32 v5, v22;
	v32 =	vld [tilespmem:s6+$0xFFFFFFC0];
	[tilespmem:v21+s15+$0x0] =	vst.idx.msk $0xffff, v20  }
0x52: {  	s22 =	simm.s32 $0x5;
	v34 =	vbroadcast v19, $0x0;
	v19 =	vshrl.u32 v27, $0x3;
	v30 =	vld [tilespmem:s6+$0xFFFFFFB0];
	[tilespmem:v25+s15+$0x0] =	vst.idx.msk $0xffff, v24  }
0x53: {  	v19 =	vshll.u32 v19, v1;
	v20 =	vld [tilespmem:s6+$0xFFFFFFD0];
	v25 =	vadd.s32 v6, v22;
	v22 =	vmov s22;
	[tilespmem:v17+s15+$0x0] =	vst.idx.msk $0xffff, v23  }
0x54: {  	s8 =	simm.s32 $0x6;
	v35 =	vbroadcast v19, $0x0;
	v21 =	vadd.s32 v7, v34;
	[tilespmem:v18+s15+$0x0] =	vst.idx.msk $0xffff, v26;
	v17 =	vld [tilespmem:s6+$0xFFFFFFE0];
	v18 =	vshrl.u32 v22, $0x3  }
0x55: {  	v19 =	vld [tilespmem:s6+$0xFFFFFFF0];
	[tilespmem:v29+s15+$0x0] =	vst.idx.msk $0xffff, v28;
	v23 =	vadd.s32 v8, v34;
	v22 =	vmov s8;
	v18 =	vshll.u32 v18, v1  }
0x56: {  	s9 =	simm.s32 $0xF;
	v24 =	vld [tilespmem:s6+$0x0];
	[tilespmem:v33+s15+$0x0] =	vst.idx.msk $0xffff, v32;
	v26 =	vadd.s32 v9, v35;
	v29 =	vshrl.u32 v22, $0x3;
	v27 =	vbroadcast v18, $0x0  }
0x57: {  	s3 =	simm.s32 $0x10;
	s22 =	simm.s32 $0x8;
	v28 =	vmov s9;
	[tilespmem:v31+s15+$0x0] =	vst.idx.msk $0xffff, v30;
	v22 =	vadd.s32 v10, v35;
	v18 =	vld [tilespmem:s6+$0x10];
	v29 =	vshll.u32 v29, v1  }
.LBB2_4:
0x58: {  	p1 =	slt.u32 s3, $0x1F8;
	v28 =	vshrl.u32 v28, $0x3;
	[tilespmem:v25+s15+$0x0] =	vst.idx.msk $0xffff, v20;
	v20 =	vld [tilespmem:s6+$0x20];
	v25 =	vadd.s32 v11, v27;
	v29 =	vbroadcast v29, $0x0  }
0x59: {  	v30 =	vmov s22;
	v28 =	vshll.u32 v28, v1;
	[tilespmem:v21+s15+$0x0] =	vst.idx.msk $0xffff, v17;
	v17 =	vld [tilespmem:s6+$0x30];
	v21 =	vadd.s32 v12, v27  }
0x5a: {  	s8 =	sadd.s32 $0x1, s22;
	v27 =	vshrl.u32 v30, $0x3;
	v28 =	vbroadcast v28, $0x0;
	[tilespmem:v23+s15+$0x0] =	vst.idx.msk $0xffff, v19;
	v19 =	vld [tilespmem:s6+$0x40];
	v23 =	vadd.s32 v13, v29  }
0x5b: {  	v30 =	vmov s8;
	v27 =	vshll.u32 v27, v1;
	[tilespmem:v26+s15+$0x0] =	vst.idx.msk $0xffff, v24;
	v24 =	vld [tilespmem:s6+$0x50];
	v26 =	vadd.s32 v14, v29;
	s6 =	sadd.s32 $0x100, s6  }
0x5c: {  	s8 =	sadd.s32 $0x2, s22;
	v27 =	vbroadcast v27, $0x0;
	v29 =	vshrl.u32 v30, $0x3;
	v30 =	vld [tilespmem:s6+$0x60];
	v31 =	vadd.s32 v15, v28;
	[tilespmem:v22+s15+$0x0] =	vst.idx.msk $0xffff, v18  }
0x5d: {  	v18 =	vshll.u32 v29, v1;
	v22 =	vmov s8;
	v28 =	vadd.s32 v16, v28;
	v29 =	vld [tilespmem:s6+$0x70];
	[tilespmem:v25+s15+$0x0] =	vst.idx.msk $0xffff, v20  }
0x5e: {  	s8 =	sadd.s32 $0x3, s22;
	v25 =	vadd.s32 v0, v27;
	v18 =	vbroadcast v18, $0x0;
	v22 =	vshrl.u32 v22, $0x3;
	v20 =	vld [tilespmem:s6+$0xFFFFFF80];
	[tilespmem:v21+s15+$0x0] =	vst.idx.msk $0xffff, v17  }
0x5f: {  	v21 =	vadd.s32 v2, v27;
	v22 =	vshll.u32 v22, v1;
	v27 =	vmov s8;
	v17 =	vld [tilespmem:s6+$0xFFFFFF90];
	[tilespmem:v23+s15+$0x0] =	vst.idx.msk $0xffff, v19  }
0x60: {  	s8 =	sadd.s32 $0x4, s22;
	v23 =	vadd.s32 v3, v18;
	v22 =	vbroadcast v22, $0x0;
	v27 =	vshrl.u32 v27, $0x3;
	v19 =	vld [tilespmem:s6+$0xFFFFFFA0];
	[tilespmem:v26+s15+$0x0] =	vst.idx.msk $0xffff, v24  }
0x61: {  	v18 =	vadd.s32 v4, v18;
	v26 =	vshll.u32 v27, v1;
	v27 =	vmov s8;
	v24 =	vld [tilespmem:s6+$0xFFFFFFB0];
	[tilespmem:v31+s15+$0x0] =	vst.idx.msk $0xffff, v30  }
0x62: {  	s8 =	sadd.s32 $0x5, s22;
	v31 =	vadd.s32 v5, v22;
	v26 =	vbroadcast v26, $0x0;
	v27 =	vshrl.u32 v27, $0x3;
	v30 =	vld [tilespmem:s6+$0xFFFFFFC0];
	[tilespmem:v28+s15+$0x0] =	vst.idx.msk $0xffff, v29  }
.Ltmp5:
0x63: {  	[tilespmem:v25+s15+$0x0] =	vst.idx.msk $0xffff, v20;
	v20 =	vld [tilespmem:s6+$0xFFFFFFD0];
	v25 =	vadd.s32 v6, v22;
	v22 =	vshll.u32 v27, v1;
	v27 =	vmov s8;
	(pc) =	sbr.rel @p1 .LBB2_4-.Ltmp5, $4  }
0x64: {  	s8 =	sadd.s32 $0x6, s22;
	s22 =	smov.u32 s3;
	[tilespmem:v21+s15+$0x0] =	vst.idx.msk $0xffff, v17;
	v17 =	vld [tilespmem:s6+$0xFFFFFFE0];
	v21 =	vadd.s32 v7, v26;
	v22 =	vbroadcast v22, $0x0;
	v27 =	vshrl.u32 v27, $0x3  }
0x65: {  	v28 =	vmov s8;
	[tilespmem:v23+s15+$0x0] =	vst.idx.msk $0xffff, v19;
	v19 =	vld [tilespmem:s6+$0xFFFFFFF0];
	v23 =	vadd.s32 v8, v26;
	v27 =	vshll.u32 v27, v1  }
0x66: {  	s8 =	sadd.s32 $0x7, s3;
	v29 =	vshrl.u32 v28, $0x3;
	[tilespmem:v18+s15+$0x0] =	vst.idx.msk $0xffff, v24;
	v24 =	vld [tilespmem:s6+$0x0];
	v26 =	vadd.s32 v9, v22;
	v27 =	vbroadcast v27, $0x0  }
0x67: {  	s3 =	sadd.s32 $0x8, s3;
	v28 =	vmov s8;
	v22 =	vadd.s32 v10, v22;
	v29 =	vshll.u32 v29, v1;
	[tilespmem:v31+s15+$0x0] =	vst.idx.msk $0xffff, v30;
	v18 =	vld [tilespmem:s6+$0x10]  }
0x68: {  	_ =	sdelay $0x2  }
0x69: {  	v28 =	vshrl.u32 v28, $0x3;
	v60 =	vadd.s32 v11, v27;
	v29 =	vbroadcast v29, $0x0  }
0x6a: {  	[tilespmem:v25+s15+$0x0] =	vst.idx.msk $0xffff, v20;
	v59 =	vld [tilespmem:s6+$0x20];
	v30 =	vmov s22;
	v61 =	vadd.s32 v12, v27;
	s3 =	sadd.s32 $0x1, s22;
	s9 =	sadd.s32 $0x2, s22;
	v28 =	vshll.u32 v28, v1  }
0x6b: {  	s8 =	sadd.s32 $0x3, s22;
	[tilespmem:v21+s15+$0x0] =	vst.idx.msk $0xffff, v17;
	v17 =	vld [tilespmem:s6+$0x30];
	v62 =	vshrl.u32 v30, $0x3;
	v33 =	vmov s3;
	v38 =	vmov s9  }
0x6c: {  	v43 =	vmov s8;
	v28 =	vbroadcast v28, $0x0;
	[tilespmem:v23+s15+$0x0] =	vst.idx.msk $0xffff, v19;
	v19 =	vld [tilespmem:s6+$0x40];
	v63 =	vadd.s32 v13, v29  }
0x6d: {  	v34 =	vld [tilespmem:s6+$0x50];
	s3 =	sadd.s32 $0x100, s6;
	s9 =	sadd.s32 $0x4, s22;
	v27 =	vshll.u32 v62, v1;
	v35 =	vadd.s32 v14, v29;
	v36 =	vshrl.u32 v33, $0x3;
	[tilespmem:v26+s15+$0x0] =	vst.idx.msk $0xffff, v24  }
0x6e: {  	s8 =	sadd.s32 $0x5, s22;
	v37 =	vld [tilespmem:s3+$0x60];
	v47 =	vmov s9;
	v27 =	vbroadcast v27, $0x0;
	v31 =	vadd.s32 v15, v28;
	[tilespmem:v22+s15+$0x0] =	vst.idx.msk $0xffff, v18  }
0x6f: {  	v39 =	vld [tilespmem:s3+$0x70];
	v52 =	vmov s8;
	v18 =	vshll.u32 v36, v1;
	v28 =	vadd.s32 v16, v28;
	[tilespmem:v60+s15+$0x0] =	vst.idx.msk $0xffff, v59  }
0x70: {  	v40 =	vld [tilespmem:s3+$0xFFFFFF80];
	v22 =	vshrl.u32 v38, $0x3;
	v41 =	vadd.s32 v0, v27;
	v18 =	vbroadcast v18, $0x0;
	[tilespmem:v61+s15+$0x0] =	vst.idx.msk $0xffff, v17  }
0x71: {  	v42 =	vadd.s32 v2, v27;
	v22 =	vshll.u32 v22, v1;
	v27 =	vshrl.u32 v43, $0x3;
	v17 =	vld [tilespmem:s3+$0xFFFFFF90];
	[tilespmem:v63+s15+$0x0] =	vst.idx.msk $0xffff, v19  }
0x72: {  	v22 =	vbroadcast v22, $0x0;
	v46 =	vshll.u32 v27, v1;
	v19 =	vld [tilespmem:s3+$0xFFFFFFA0];
	v44 =	vadd.s32 v3, v18;
	[tilespmem:v35+s15+$0x0] =	vst.idx.msk $0xffff, v34  }
0x73: {  	v45 =	vld [tilespmem:s3+$0xFFFFFFB0];
	v27 =	vshrl.u32 v47, $0x3;
	v18 =	vadd.s32 v4, v18;
	v26 =	vbroadcast v46, $0x0;
	[tilespmem:v31+s15+$0x0] =	vst.idx.msk $0xffff, v37  }
0x74: {  	v48 =	vld [tilespmem:s3+$0xFFFFFFC0];
	v51 =	vshll.u32 v27, v1;
	v27 =	vshrl.u32 v52, $0x3;
	v49 =	vadd.s32 v5, v22;
	[tilespmem:v28+s15+$0x0] =	vst.idx.msk $0xffff, v39  }
0x75: {  	v50 =	vld [tilespmem:s3+$0xFFFFFFD0];
	v22 =	vadd.s32 v6, v22;
	v55 =	vshll.u32 v27, v1;
	[tilespmem:v41+s15+$0x0] =	vst.idx.msk $0xffff, v40  }
0x76: {  	s9 =	sadd.s32 $0x6, s22;
	v53 =	vadd.s32 v7, v26;
	v54 =	vadd.s32 v8, v26;
	v26 =	vbroadcast v55, $0x0;
	[tilespmem:v42+s15+$0x0] =	vst.idx.msk $0xffff, v17;
	v17 =	vld [tilespmem:s3+$0xFFFFFFE0]  }
0x77: {  	v56 =	vmov s9;
	v25 =	vbroadcast v51, $0x0;
	[tilespmem:v44+s15+$0x0] =	vst.idx.msk $0xffff, v19;
	v19 =	vld [tilespmem:s3+$0xFFFFFFF0]  }
0x78: {  	v59 =	vld [tilespmem:s3+$0x20];
	v27 =	vshrl.u32 v56, $0x3;
	v60 =	vadd.s32 v11, v26;
	[tilespmem:v18+s15+$0x0] =	vst.idx.msk $0xffff, v45  }
0x79: {  	v27 =	vshll.u32 v27, v1;
	v57 =	vadd.s32 v9, v25;
	v18 =	vld [tilespmem:s3+$0x0];
	[tilespmem:v49+s15+$0x0] =	vst.idx.msk $0xffff, v48  }
0x7a: {  	v58 =	vld [tilespmem:s3+$0x10];
	v25 =	vadd.s32 v10, v25;
	v27 =	vbroadcast v27, $0x0;
	[tilespmem:v22+s15+$0x0] =	vst.idx.msk $0xffff, v50  }
0x7b: {  	v61 =	vadd.s32 v12, v26;
	[tilespmem:v53+s15+$0x0] =	vst.idx.msk $0xffff, v17;
	v17 =	vld [tilespmem:s3+$0x30]  }
0x7c: {  	v62 =	vadd.s32 v13, v27;
	[tilespmem:v54+s15+$0x0] =	vst.idx.msk $0xffff, v19;
	v19 =	vld [tilespmem:s3+$0x40]  }
0x7d: {  	[tilespmem:v60+s15+$0x0] =	vst.idx.msk $0xffff, v59  }
0x7e: {  	[tilespmem:v57+s15+$0x0] =	vst.idx.msk $0xffff, v18  }
0x7f: {  	v63 =	vadd.s32 v14, v27;
	v18 =	vld [tilespmem:s3+$0x50];
	[tilespmem:v25+s15+$0x0] =	vst.idx.msk $0xffff, v58  }
0x80: {  	[tilespmem:v61+s15+$0x0] =	vst.idx.msk $0xffff, v17  }
0x81: {  	[tilespmem:v62+s15+$0x0] =	vst.idx.msk $0xffff, v19  }
0x82: {  	s20 =	sshll.u32 s20, $0xE;
	s22 =	rddreg [dreg:$0x3]  }
0x83: {  	s6 =	simm.s32 $0x9000;
	s3 =	sadd.s32 s22, s20  }
0x84: {  	s8 =	simm.s32 $0x200;
	[tilespmem:v63+s15+$0x0] =	vst.idx.msk $0xffff, v18;
	s22 =	simm.s32 $0x9208;
	s9 =	sadd.s32 $0x0, s3  }
.LBB2_6:
0x85: {  	[hbm4b:s9+s2] =	stream.linear.scatter [tilespmem:s6], [sflag:$0x3], $0x200, $0x38;
	[tilespmem:$0x11200] =	vst v63  }
0x86: {  	s9 =	smov.u32 s8;
	s6 =	smov.u32 s22;
	p1 =	sne.s32 s8, $0x3E00  }
.Ltmp6:
0x87: {  	s8 =	sadd.s32 $0x200, s8;
	(pc) =	sbr.rel @p1 .LBB2_6-.Ltmp6, $2  }
0x88: {  	_ =	sdelay $0x2  }
0x89: {  	s22 =	sadd.s32 $0x208, s22;
	s9 =	sadd.s32 s9, s3  }
0x8a: {  	[hbm4b:s9+s2] =	stream.linear.scatter [tilespmem:s6], [sflag:$0x3], $0x200, $0x38;
	[tilespmem:$0x11200] =	vst v63  }
0x8b: {  	s3 =	simm.s32 $0x400  }
0x8c: {  	[tilespmem:s18], [sflag:$0x1] =	stream.indirect.gather [hbm4b:s5+s17], $0x20, s3, s17, $0xb8;
	[tilespmem:$0x11200] =	vst v63  }
0x8d: {  	s9 =	simm.s32 $0x480  }
0x8e: {  	[tilespmem:s19], [sflag:$0x1] =	stream.indirect.gather [hbm4b:s5+s17], $0x20, s9, s17, $0xb8;
	[tilespmem:$0x11200] =	vst v63  }
0x8f: {  	s22 =	simm.s32 $0x500  }
0x90: {  	[tilespmem:s21], [sflag:$0x1] =	stream.indirect.gather [hbm4b:s5+s17], $0x20, s22, s17, $0xb8;
	[tilespmem:$0x11200] =	vst v63  }
0x91: {  	s6 =	simm.s32 $0x580  }
0x92: {  	[tilespmem:s23], [sflag:$0x1] =	stream.indirect.gather [hbm4b:s5+s17], $0x20, s6, s17, $0xb8;
	[tilespmem:$0x11200] =	vst v63  }
0x93: {  	_ =	swait.ge [sflag:s26], $0x1000  }
0x94: {  	[sflag:s26] =	ssyncset.done $0x0  }
0x95: {  	[sflag:s26] =	ssyncadd.s32 $0xFFFFF000  }
0x96: {  	_ =	swait.ge [sflag:s26], $0x1000  }
0x97: {  	[sflag:s26] =	ssyncset.done $0x0  }
0x98: {  	[sflag:s26] =	ssyncadd.s32 $0xFFFFF000  }
0x99: {  	_ =	swait.ge [sflag:s26], $0x1000  }
0x9a: {  	[sflag:s26] =	ssyncset.done $0x0  }
0x9b: {  	[sflag:s26] =	ssyncadd.s32 $0xFFFFF000  }
0x9c: {  	s8 =	simm.s32 $0x7;
	_ =	swait.ge [sflag:s26], $0x1000  }
0x9d: {  	v17 =	vmov s8;
	s9 =	simm.s32 $0x0;
	[sflag:s26] =	ssyncset.done $0x0  }
0x9e: {  	s3 =	simm.s32 @!p0 $0x4;
	v17 =	vshrl.u32 v17, $0x3;
	v18 =	vmov s9;
	[sflag:s26] =	ssyncadd.s32 $0xFFFFF000  }
0x9f: {  	v17 =	vshll.u32 v17, v1;
	v18 =	vshrl.u32 v18, $0x3;
	_ =	swait.ge @!p0 [sflag:s3], $0x4000  }
0xa0: {  	s8 =	simm.s32 $0x1;
	v17 =	vbroadcast v17, $0x0;
	v18 =	vshll.u32 v18, v1;
	[sflag:s3] =	ssyncset.done @!p0 $0x0  }
0xa1: {  	v19 =	vmov s8;
	s22 =	simm.s32 $0x2;
	s6 =	simm.s32 $0x50F0;
	v18 =	vbroadcast v18, $0x0;
	[sflag:s3] =	ssyncadd.s32 @!p0 $0xFFFFC000  }
0xa2: {  	v19 =	vshrl.u32 v19, $0x3;
	v21 =	vadd.s32 v15, v17;
	v22 =	vmov s22;
	v20 =	vld [tilespmem:s6+$0xFFFFFFF0]  }
0xa3: {  	v19 =	vshll.u32 v19, v1;
	v22 =	vshrl.u32 v22, $0x3;
	v25 =	vadd.s32 v0, v18;
	v24 =	vld [tilespmem:s6+$0xFFFFFF10]  }
0xa4: {  	s8 =	simm.s32 $0x3;
	v19 =	vbroadcast v19, $0x0;
	v17 =	vadd.s32 v16, v17;
	v22 =	vshll.u32 v22, v1;
	v23 =	vld [tilespmem:s6+$0x0]  }
0xa5: {  	v27 =	vmov s8;
	v18 =	vadd.s32 v2, v18;
	v22 =	vbroadcast v22, $0x0;
	v26 =	vld [tilespmem:s6+$0xFFFFFF20]  }
0xa6: {  	v27 =	vshrl.u32 v27, $0x3;
	s9 =	simm.s32 $0x4;
	v29 =	vadd.s32 v3, v19;
	v31 =	vadd.s32 v4, v19;
	v28 =	vld [tilespmem:s6+$0xFFFFFF30]  }
0xa7: {  	v19 =	vshll.u32 v27, v1;
	v27 =	vmov s9;
	v33 =	vadd.s32 v5, v22;
	v32 =	vld [tilespmem:s6+$0xFFFFFF50];
	[tilespmem:v21+s29+$0x0] =	vst.idx.msk $0xffff, v20  }
0xa8: {  	s22 =	simm.s32 $0x5;
	v34 =	vbroadcast v19, $0x0;
	v19 =	vshrl.u32 v27, $0x3;
	v30 =	vld [tilespmem:s6+$0xFFFFFF40];
	[tilespmem:v25+s29+$0x0] =	vst.idx.msk $0xffff, v24  }
0xa9: {  	v19 =	vshll.u32 v19, v1;
	v20 =	vld [tilespmem:s6+$0xFFFFFF60];
	v25 =	vadd.s32 v6, v22;
	v22 =	vmov s22;
	[tilespmem:v17+s29+$0x0] =	vst.idx.msk $0xffff, v23  }
0xaa: {  	s8 =	simm.s32 $0x6;
	v35 =	vbroadcast v19, $0x0;
	v21 =	vadd.s32 v7, v34;
	[tilespmem:v18+s29+$0x0] =	vst.idx.msk $0xffff, v26;
	v17 =	vld [tilespmem:s6+$0xFFFFFF70];
	v18 =	vshrl.u32 v22, $0x3  }
0xab: {  	v19 =	vld [tilespmem:s6+$0xFFFFFF80];
	[tilespmem:v29+s29+$0x0] =	vst.idx.msk $0xffff, v28;
	v23 =	vadd.s32 v8, v34;
	v22 =	vmov s8;
	v18 =	vshll.u32 v18, v1  }
0xac: {  	s9 =	simm.s32 $0xF;
	v24 =	vld [tilespmem:s6+$0xFFFFFF90];
	[tilespmem:v33+s29+$0x0] =	vst.idx.msk $0xffff, v32;
	v26 =	vadd.s32 v9, v35;
	v29 =	vshrl.u32 v22, $0x3;
	v27 =	vbroadcast v18, $0x0  }
0xad: {  	s3 =	simm.s32 $0x10;
	s22 =	simm.s32 $0x8;
	v28 =	vmov s9;
	[tilespmem:v31+s29+$0x0] =	vst.idx.msk $0xffff, v30;
	v22 =	vadd.s32 v10, v35;
	v18 =	vld [tilespmem:s6+$0xFFFFFFA0];
	v29 =	vshll.u32 v29, v1  }
.LBB2_8:
0xae: {  	p0 =	slt.u32 s3, $0x1F8;
	v28 =	vshrl.u32 v28, $0x3;
	[tilespmem:v25+s29+$0x0] =	vst.idx.msk $0xffff, v20;
	v20 =	vld [tilespmem:s6+$0xFFFFFFB0];
	v25 =	vadd.s32 v11, v27;
	v29 =	vbroadcast v29, $0x0  }
0xaf: {  	v30 =	vmov s22;
	v28 =	vshll.u32 v28, v1;
	[tilespmem:v21+s29+$0x0] =	vst.idx.msk $0xffff, v17;
	v17 =	vld [tilespmem:s6+$0xFFFFFFC0];
	v21 =	vadd.s32 v12, v27  }
0xb0: {  	s8 =	sadd.s32 $0x1, s22;
	v27 =	vshrl.u32 v30, $0x3;
	v28 =	vbroadcast v28, $0x0;
	[tilespmem:v23+s29+$0x0] =	vst.idx.msk $0xffff, v19;
	v19 =	vld [tilespmem:s6+$0xFFFFFFD0];
	v23 =	vadd.s32 v13, v29  }
0xb1: {  	v30 =	vmov s8;
	v27 =	vshll.u32 v27, v1;
	[tilespmem:v26+s29+$0x0] =	vst.idx.msk $0xffff, v24;
	v24 =	vld [tilespmem:s6+$0xFFFFFFE0];
	v26 =	vadd.s32 v14, v29;
	s6 =	sadd.s32 $0x100, s6  }
0xb2: {  	s8 =	sadd.s32 $0x2, s22;
	v27 =	vbroadcast v27, $0x0;
	v29 =	vshrl.u32 v30, $0x3;
	v30 =	vld [tilespmem:s6+$0xFFFFFFF0];
	v31 =	vadd.s32 v15, v28;
	[tilespmem:v22+s29+$0x0] =	vst.idx.msk $0xffff, v18  }
0xb3: {  	v18 =	vshll.u32 v29, v1;
	v22 =	vmov s8;
	v28 =	vadd.s32 v16, v28;
	v29 =	vld [tilespmem:s6+$0x0];
	[tilespmem:v25+s29+$0x0] =	vst.idx.msk $0xffff, v20  }
0xb4: {  	s8 =	sadd.s32 $0x3, s22;
	v25 =	vadd.s32 v0, v27;
	v18 =	vbroadcast v18, $0x0;
	v22 =	vshrl.u32 v22, $0x3;
	v20 =	vld [tilespmem:s6+$0xFFFFFF10];
	[tilespmem:v21+s29+$0x0] =	vst.idx.msk $0xffff, v17  }
0xb5: {  	v21 =	vadd.s32 v2, v27;
	v22 =	vshll.u32 v22, v1;
	v27 =	vmov s8;
	v17 =	vld [tilespmem:s6+$0xFFFFFF20];
	[tilespmem:v23+s29+$0x0] =	vst.idx.msk $0xffff, v19  }
0xb6: {  	s8 =	sadd.s32 $0x4, s22;
	v23 =	vadd.s32 v3, v18;
	v22 =	vbroadcast v22, $0x0;
	v27 =	vshrl.u32 v27, $0x3;
	v19 =	vld [tilespmem:s6+$0xFFFFFF30];
	[tilespmem:v26+s29+$0x0] =	vst.idx.msk $0xffff, v24  }
0xb7: {  	v18 =	vadd.s32 v4, v18;
	v26 =	vshll.u32 v27, v1;
	v27 =	vmov s8;
	v24 =	vld [tilespmem:s6+$0xFFFFFF40];
	[tilespmem:v31+s29+$0x0] =	vst.idx.msk $0xffff, v30  }
0xb8: {  	s8 =	sadd.s32 $0x5, s22;
	v31 =	vadd.s32 v5, v22;
	v26 =	vbroadcast v26, $0x0;
	v27 =	vshrl.u32 v27, $0x3;
	v30 =	vld [tilespmem:s6+$0xFFFFFF50];
	[tilespmem:v28+s29+$0x0] =	vst.idx.msk $0xffff, v29  }
.Ltmp7:
0xb9: {  	[tilespmem:v25+s29+$0x0] =	vst.idx.msk $0xffff, v20;
	v20 =	vld [tilespmem:s6+$0xFFFFFF60];
	v25 =	vadd.s32 v6, v22;
	v22 =	vshll.u32 v27, v1;
	v27 =	vmov s8;
	(pc) =	sbr.rel @p0 .LBB2_8-.Ltmp7, $4  }
0xba: {  	s8 =	sadd.s32 $0x6, s22;
	s22 =	smov.u32 s3;
	[tilespmem:v21+s29+$0x0] =	vst.idx.msk $0xffff, v17;
	v17 =	vld [tilespmem:s6+$0xFFFFFF70];
	v21 =	vadd.s32 v7, v26;
	v22 =	vbroadcast v22, $0x0;
	v27 =	vshrl.u32 v27, $0x3  }
0xbb: {  	v28 =	vmov s8;
	[tilespmem:v23+s29+$0x0] =	vst.idx.msk $0xffff, v19;
	v19 =	vld [tilespmem:s6+$0xFFFFFF80];
	v23 =	vadd.s32 v8, v26;
	v27 =	vshll.u32 v27, v1  }
0xbc: {  	s8 =	sadd.s32 $0x7, s3;
	v29 =	vshrl.u32 v28, $0x3;
	[tilespmem:v18+s29+$0x0] =	vst.idx.msk $0xffff, v24;
	v24 =	vld [tilespmem:s6+$0xFFFFFF90];
	v26 =	vadd.s32 v9, v22;
	v27 =	vbroadcast v27, $0x0  }
0xbd: {  	s3 =	sadd.s32 $0x8, s3;
	v28 =	vmov s8;
	v22 =	vadd.s32 v10, v22;
	v29 =	vshll.u32 v29, v1;
	[tilespmem:v31+s29+$0x0] =	vst.idx.msk $0xffff, v30;
	v18 =	vld [tilespmem:s6+$0xFFFFFFA0]  }
0xbe: {  	_ =	sdelay $0x2  }
0xbf: {  	v28 =	vshrl.u32 v28, $0x3;
	v60 =	vadd.s32 v11, v27;
	v29 =	vbroadcast v29, $0x0  }
0xc0: {  	[tilespmem:v25+s29+$0x0] =	vst.idx.msk $0xffff, v20;
	v59 =	vld [tilespmem:s6+$0xFFFFFFB0];
	v30 =	vmov s22;
	v61 =	vadd.s32 v12, v27;
	s3 =	sadd.s32 $0x1, s22;
	s9 =	sadd.s32 $0x2, s22;
	v28 =	vshll.u32 v28, v1  }
0xc1: {  	s8 =	sadd.s32 $0x3, s22;
	[tilespmem:v21+s29+$0x0] =	vst.idx.msk $0xffff, v17;
	v17 =	vld [tilespmem:s6+$0xFFFFFFC0];
	v62 =	vshrl.u32 v30, $0x3;
	v33 =	vmov s3;
	v38 =	vmov s9  }
0xc2: {  	v43 =	vmov s8;
	v28 =	vbroadcast v28, $0x0;
	[tilespmem:v23+s29+$0x0] =	vst.idx.msk $0xffff, v19;
	v19 =	vld [tilespmem:s6+$0xFFFFFFD0];
	v63 =	vadd.s32 v13, v29  }
0xc3: {  	v34 =	vld [tilespmem:s6+$0xFFFFFFE0];
	s3 =	sadd.s32 $0x100, s6;
	s9 =	sadd.s32 $0x4, s22;
	v27 =	vshll.u32 v62, v1;
	v35 =	vadd.s32 v14, v29;
	v36 =	vshrl.u32 v33, $0x3;
	[tilespmem:v26+s29+$0x0] =	vst.idx.msk $0xffff, v24  }
0xc4: {  	s8 =	sadd.s32 $0x5, s22;
	v37 =	vld [tilespmem:s3+$0xFFFFFFF0];
	v47 =	vmov s9;
	v27 =	vbroadcast v27, $0x0;
	v31 =	vadd.s32 v15, v28;
	[tilespmem:v22+s29+$0x0] =	vst.idx.msk $0xffff, v18  }
0xc5: {  	v39 =	vld [tilespmem:s3+$0x0];
	v52 =	vmov s8;
	v18 =	vshll.u32 v36, v1;
	v28 =	vadd.s32 v16, v28;
	[tilespmem:v60+s29+$0x0] =	vst.idx.msk $0xffff, v59  }
0xc6: {  	v40 =	vld [tilespmem:s3+$0xFFFFFF10];
	v22 =	vshrl.u32 v38, $0x3;
	v41 =	vadd.s32 v0, v27;
	v18 =	vbroadcast v18, $0x0;
	[tilespmem:v61+s29+$0x0] =	vst.idx.msk $0xffff, v17  }
0xc7: {  	v42 =	vadd.s32 v2, v27;
	v22 =	vshll.u32 v22, v1;
	v27 =	vshrl.u32 v43, $0x3;
	v17 =	vld [tilespmem:s3+$0xFFFFFF20];
	[tilespmem:v63+s29+$0x0] =	vst.idx.msk $0xffff, v19  }
0xc8: {  	v22 =	vbroadcast v22, $0x0;
	v46 =	vshll.u32 v27, v1;
	v19 =	vld [tilespmem:s3+$0xFFFFFF30];
	v44 =	vadd.s32 v3, v18;
	[tilespmem:v35+s29+$0x0] =	vst.idx.msk $0xffff, v34  }
0xc9: {  	v45 =	vld [tilespmem:s3+$0xFFFFFF40];
	v27 =	vshrl.u32 v47, $0x3;
	v18 =	vadd.s32 v4, v18;
	v26 =	vbroadcast v46, $0x0;
	[tilespmem:v31+s29+$0x0] =	vst.idx.msk $0xffff, v37  }
0xca: {  	v48 =	vld [tilespmem:s3+$0xFFFFFF50];
	v51 =	vshll.u32 v27, v1;
	v27 =	vshrl.u32 v52, $0x3;
	v49 =	vadd.s32 v5, v22;
	[tilespmem:v28+s29+$0x0] =	vst.idx.msk $0xffff, v39  }
0xcb: {  	v50 =	vld [tilespmem:s3+$0xFFFFFF60];
	v22 =	vadd.s32 v6, v22;
	v55 =	vshll.u32 v27, v1;
	[tilespmem:v41+s29+$0x0] =	vst.idx.msk $0xffff, v40  }
0xcc: {  	s9 =	sadd.s32 $0x6, s22;
	v53 =	vadd.s32 v7, v26;
	v54 =	vadd.s32 v8, v26;
	v26 =	vbroadcast v55, $0x0;
	[tilespmem:v42+s29+$0x0] =	vst.idx.msk $0xffff, v17;
	v17 =	vld [tilespmem:s3+$0xFFFFFF70]  }
0xcd: {  	v56 =	vmov s9;
	v25 =	vbroadcast v51, $0x0;
	[tilespmem:v44+s29+$0x0] =	vst.idx.msk $0xffff, v19;
	v19 =	vld [tilespmem:s3+$0xFFFFFF80]  }
0xce: {  	v59 =	vld [tilespmem:s3+$0xFFFFFFB0];
	v27 =	vshrl.u32 v56, $0x3;
	v60 =	vadd.s32 v11, v26;
	[tilespmem:v18+s29+$0x0] =	vst.idx.msk $0xffff, v45  }
0xcf: {  	v27 =	vshll.u32 v27, v1;
	v57 =	vadd.s32 v9, v25;
	v18 =	vld [tilespmem:s3+$0xFFFFFF90];
	[tilespmem:v49+s29+$0x0] =	vst.idx.msk $0xffff, v48  }
0xd0: {  	v58 =	vld [tilespmem:s3+$0xFFFFFFA0];
	v25 =	vadd.s32 v10, v25;
	v27 =	vbroadcast v27, $0x0;
	[tilespmem:v22+s29+$0x0] =	vst.idx.msk $0xffff, v50  }
0xd1: {  	v61 =	vadd.s32 v12, v26;
	[tilespmem:v53+s29+$0x0] =	vst.idx.msk $0xffff, v17;
	v17 =	vld [tilespmem:s3+$0xFFFFFFC0]  }
0xd2: {  	v62 =	vadd.s32 v13, v27;
	[tilespmem:v54+s29+$0x0] =	vst.idx.msk $0xffff, v19;
	v19 =	vld [tilespmem:s3+$0xFFFFFFD0]  }
0xd3: {  	[tilespmem:v60+s29+$0x0] =	vst.idx.msk $0xffff, v59  }
0xd4: {  	[tilespmem:v57+s29+$0x0] =	vst.idx.msk $0xffff, v18  }
0xd5: {  	v63 =	vadd.s32 v14, v27;
	v18 =	vld [tilespmem:s3+$0xFFFFFFE0];
	[tilespmem:v25+s29+$0x0] =	vst.idx.msk $0xffff, v58  }
0xd6: {  	[tilespmem:v61+s29+$0x0] =	vst.idx.msk $0xffff, v17  }
0xd7: {  	[tilespmem:v62+s29+$0x0] =	vst.idx.msk $0xffff, v19  }
0xd8: {  	s22 =	rddreg [dreg:$0x4]  }
0xd9: {  	s6 =	simm.s32 $0xD100;
	s3 =	sadd.s32 s20, s22  }
0xda: {  	s8 =	simm.s32 $0x200;
	[tilespmem:v63+s29+$0x0] =	vst.idx.msk $0xffff, v18;
	s22 =	simm.s32 $0xD308;
	s9 =	sadd.s32 $0x0, s3  }
.LBB2_10:
0xdb: {  	[hbm4b:s9+s2] =	stream.linear.scatter [tilespmem:s6], [sflag:$0x4], $0x200, $0x38;
	[tilespmem:$0x11200] =	vst v63  }
0xdc: {  	s9 =	smov.u32 s8;
	s6 =	smov.u32 s22;
	p0 =	sne.s32 s8, $0x3E00  }
.Ltmp8:
0xdd: {  	s8 =	sadd.s32 $0x200, s8;
	(pc) =	sbr.rel @p0 .LBB2_10-.Ltmp8, $2  }
0xde: {  	_ =	sdelay $0x2  }
0xdf: {  	s22 =	sadd.s32 $0x208, s22;
	s9 =	sadd.s32 s9, s3  }
0xe0: {  	[hbm4b:s9+s2] =	stream.linear.scatter [tilespmem:s6], [sflag:$0x4], $0x200, $0x38;
	[tilespmem:$0x11200] =	vst v63  }
0xe1: {  	s3 =	simm.s32 $0x600  }
0xe2: {  	[tilespmem:s25], [sflag:$0x2] =	stream.indirect.gather [hbm4b:s5+s17], $0x20, s3, s17, $0xb8;
	[tilespmem:$0x11200] =	vst v63  }
0xe3: {  	s9 =	simm.s32 $0x680  }
0xe4: {  	[tilespmem:s28], [sflag:$0x2] =	stream.indirect.gather [hbm4b:s5+s17], $0x20, s9, s17, $0xb8;
	[tilespmem:$0x11200] =	vst v63  }
0xe5: {  	s22 =	simm.s32 $0x700  }
0xe6: {  	[tilespmem:s30], [sflag:$0x2] =	stream.indirect.gather [hbm4b:s5+s17], $0x20, s22, s17, $0xb8;
	[tilespmem:$0x11200] =	vst v63  }
0xe7: {  	s6 =	simm.s32 $0x780  }
0xe8: {  	[tilespmem:s0], [sflag:$0x2] =	stream.indirect.gather [hbm4b:s5+s17], $0x20, s6, s17, $0xb8;
	[tilespmem:$0x11200] =	vst v63  }
0xe9: {  	_ =	swait.ge [sflag:s4], $0x1000  }
0xea: {  	[sflag:s4] =	ssyncset.done $0x0  }
0xeb: {  	[sflag:s4] =	ssyncadd.s32 $0xFFFFF000  }
0xec: {  	_ =	swait.ge [sflag:s4], $0x1000  }
0xed: {  	[sflag:s4] =	ssyncset.done $0x0  }
0xee: {  	[sflag:s4] =	ssyncadd.s32 $0xFFFFF000  }
0xef: {  	_ =	swait.ge [sflag:s4], $0x1000  }
0xf0: {  	[sflag:s4] =	ssyncset.done $0x0  }
0xf1: {  	[sflag:s4] =	ssyncadd.s32 $0xFFFFF000  }
0xf2: {  	_ =	swait.ge [sflag:s4], $0x1000  }
0xf3: {  	[sflag:s4] =	ssyncset.done $0x0  }
0xf4: {  	[sflag:s4] =	ssyncadd.s32 $0xFFFFF000  }
0xf5: {  	s9 =	simm.s32 $0x0;
	_ =	swait.ge [sflag:s24], $0x4000  }
0xf6: {  	v18 =	vmov s9;
	s8 =	rddreg [dreg:$0x5]  }
0xf7: {  	v18 =	vshrl.u32 v18, $0x3;
	s22 =	sadd.s32 s20, s8;
	s8 =	simm.s32 $0x7  }
0xf8: {  	v18 =	vshll.u32 v18, v1;
	v17 =	vmov s8  }
0xf9: {  	s9 =	simm.s32 $0x1;
	v18 =	vbroadcast v18, $0x0;
	[sflag:s24] =	ssyncset.done $0x0;
	v17 =	vshrl.u32 v17, $0x3  }
0xfa: {  	v19 =	vmov s9;
	s6 =	simm.s32 $0x1080;
	[sflag:s24] =	ssyncadd.s32 $0xFFFFC000;
	v17 =	vshll.u32 v17, v1  }
0xfb: {  	v19 =	vshrl.u32 v19, $0x3;
	v25 =	vadd.s32 v0, v18;
	s8 =	simm.s32 $0x2;
	v24 =	vld [tilespmem:s6+$0xFFFFFF80];
	v17 =	vbroadcast v17, $0x0  }
0xfc: {  	v19 =	vshll.u32 v19, v1;
	v18 =	vadd.s32 v2, v18;
	v26 =	vld [tilespmem:s6+$0xFFFFFF90];
	v22 =	vmov s8  }
0xfd: {  	s9 =	simm.s32 $0x3;
	v19 =	vbroadcast v19, $0x0;
	v20 =	vld [tilespmem:s6+$0x60];
	v22 =	vshrl.u32 v22, $0x3;
	v21 =	vadd.s32 v15, v17  }
0xfe: {  	v27 =	vmov s9;
	v23 =	vld [tilespmem:s6+$0x70];
	v22 =	vshll.u32 v22, v1;
	v17 =	vadd.s32 v16, v17  }
0xff: {  	v27 =	vshrl.u32 v27, $0x3;
	v29 =	vadd.s32 v3, v19;
	v28 =	vld [tilespmem:s6+$0xFFFFFFA0];
	s8 =	simm.s32 $0x4;
	v22 =	vbroadcast v22, $0x0  }
0x100: {  	v31 =	vadd.s32 v4, v19;
	v19 =	vshll.u32 v27, v1;
	v30 =	vld [tilespmem:s6+$0xFFFFFFB0];
	v27 =	vmov s8;
	[tilespmem:v25+s15+$0x0] =	vst.idx.msk $0xffff, v24  }
0x101: {  	s9 =	simm.s32 $0x5;
	v34 =	vbroadcast v19, $0x0;
	v32 =	vld [tilespmem:s6+$0xFFFFFFC0];
	v19 =	vshrl.u32 v27, $0x3;
	v33 =	vadd.s32 v5, v22;
	[tilespmem:v18+s15+$0x0] =	vst.idx.msk $0xffff, v26  }
0x102: {  	v19 =	vshll.u32 v19, v1;
	v25 =	vadd.s32 v6, v22;
	v22 =	vmov s9;
	[tilespmem:v21+s15+$0x0] =	vst.idx.msk $0xffff, v20;
	v20 =	vld [tilespmem:s6+$0xFFFFFFD0]  }
0x103: {  	s8 =	simm.s32 $0x6;
	v35 =	vbroadcast v19, $0x0;
	v18 =	vshrl.u32 v22, $0x3;
	v21 =	vadd.s32 v7, v34;
	[tilespmem:v17+s15+$0x0] =	vst.idx.msk $0xffff, v23;
	v17 =	vld [tilespmem:s6+$0xFFFFFFE0]  }
0x104: {  	[tilespmem:v29+s15+$0x0] =	vst.idx.msk $0xffff, v28;
	v19 =	vld [tilespmem:s6+$0xFFFFFFF0];
	v22 =	vmov s8;
	v18 =	vshll.u32 v18, v1;
	v23 =	vadd.s32 v8, v34  }
0x105: {  	v24 =	vld [tilespmem:s6+$0x0];
	s9 =	simm.s32 $0xF;
	[tilespmem:v31+s15+$0x0] =	vst.idx.msk $0xffff, v30;
	v26 =	vadd.s32 v9, v35;
	v29 =	vshrl.u32 v22, $0x3;
	v27 =	vbroadcast v18, $0x0  }
0x106: {  	s3 =	simm.s32 $0x8;
	v28 =	vmov s9;
	s8 =	simm.s32 $0x10;
	v22 =	vadd.s32 v10, v35;
	v18 =	vld [tilespmem:s6+$0x10];
	v29 =	vshll.u32 v29, v1;
	[tilespmem:v33+s15+$0x0] =	vst.idx.msk $0xffff, v32  }
.LBB2_12:
0x107: {  	p0 =	slt.u32 s8, $0x1F8;
	v28 =	vshrl.u32 v28, $0x3;
	[tilespmem:v25+s15+$0x0] =	vst.idx.msk $0xffff, v20;
	v20 =	vld [tilespmem:s6+$0x20];
	v25 =	vadd.s32 v11, v27;
	v29 =	vbroadcast v29, $0x0  }
0x108: {  	v30 =	vmov s3;
	v28 =	vshll.u32 v28, v1;
	[tilespmem:v21+s15+$0x0] =	vst.idx.msk $0xffff, v17;
	v17 =	vld [tilespmem:s6+$0x30];
	v21 =	vadd.s32 v12, v27  }
0x109: {  	s9 =	sadd.s32 $0x1, s3;
	v27 =	vshrl.u32 v30, $0x3;
	v28 =	vbroadcast v28, $0x0;
	[tilespmem:v23+s15+$0x0] =	vst.idx.msk $0xffff, v19;
	v19 =	vld [tilespmem:s6+$0x40];
	v23 =	vadd.s32 v13, v29  }
0x10a: {  	v30 =	vmov s9;
	v27 =	vshll.u32 v27, v1;
	[tilespmem:v26+s15+$0x0] =	vst.idx.msk $0xffff, v24;
	v24 =	vld [tilespmem:s6+$0x50];
	v26 =	vadd.s32 v14, v29;
	s6 =	sadd.s32 $0x100, s6  }
0x10b: {  	s9 =	sadd.s32 $0x2, s3;
	v27 =	vbroadcast v27, $0x0;
	v29 =	vshrl.u32 v30, $0x3;
	v30 =	vld [tilespmem:s6+$0x60];
	v31 =	vadd.s32 v15, v28;
	[tilespmem:v22+s15+$0x0] =	vst.idx.msk $0xffff, v18  }
0x10c: {  	v18 =	vshll.u32 v29, v1;
	v22 =	vmov s9;
	v28 =	vadd.s32 v16, v28;
	v29 =	vld [tilespmem:s6+$0x70];
	[tilespmem:v25+s15+$0x0] =	vst.idx.msk $0xffff, v20  }
0x10d: {  	s9 =	sadd.s32 $0x3, s3;
	v25 =	vadd.s32 v0, v27;
	v18 =	vbroadcast v18, $0x0;
	v22 =	vshrl.u32 v22, $0x3;
	v20 =	vld [tilespmem:s6+$0xFFFFFF80];
	[tilespmem:v21+s15+$0x0] =	vst.idx.msk $0xffff, v17  }
0x10e: {  	v21 =	vadd.s32 v2, v27;
	v22 =	vshll.u32 v22, v1;
	v27 =	vmov s9;
	v17 =	vld [tilespmem:s6+$0xFFFFFF90];
	[tilespmem:v23+s15+$0x0] =	vst.idx.msk $0xffff, v19  }
0x10f: {  	s9 =	sadd.s32 $0x4, s3;
	v23 =	vadd.s32 v3, v18;
	v22 =	vbroadcast v22, $0x0;
	v27 =	vshrl.u32 v27, $0x3;
	v19 =	vld [tilespmem:s6+$0xFFFFFFA0];
	[tilespmem:v26+s15+$0x0] =	vst.idx.msk $0xffff, v24  }
0x110: {  	v18 =	vadd.s32 v4, v18;
	v26 =	vshll.u32 v27, v1;
	v27 =	vmov s9;
	v24 =	vld [tilespmem:s6+$0xFFFFFFB0];
	[tilespmem:v31+s15+$0x0] =	vst.idx.msk $0xffff, v30  }
0x111: {  	s9 =	sadd.s32 $0x5, s3;
	v31 =	vadd.s32 v5, v22;
	v26 =	vbroadcast v26, $0x0;
	v27 =	vshrl.u32 v27, $0x3;
	v30 =	vld [tilespmem:s6+$0xFFFFFFC0];
	[tilespmem:v28+s15+$0x0] =	vst.idx.msk $0xffff, v29  }
.Ltmp9:
0x112: {  	[tilespmem:v25+s15+$0x0] =	vst.idx.msk $0xffff, v20;
	v20 =	vld [tilespmem:s6+$0xFFFFFFD0];
	v25 =	vadd.s32 v6, v22;
	v22 =	vshll.u32 v27, v1;
	v27 =	vmov s9;
	(pc) =	sbr.rel @p0 .LBB2_12-.Ltmp9, $4  }
0x113: {  	s9 =	sadd.s32 $0x6, s3;
	s3 =	smov.u32 s8;
	[tilespmem:v21+s15+$0x0] =	vst.idx.msk $0xffff, v17;
	v17 =	vld [tilespmem:s6+$0xFFFFFFE0];
	v21 =	vadd.s32 v7, v26;
	v22 =	vbroadcast v22, $0x0;
	v27 =	vshrl.u32 v27, $0x3  }
0x114: {  	v28 =	vmov s9;
	[tilespmem:v23+s15+$0x0] =	vst.idx.msk $0xffff, v19;
	v19 =	vld [tilespmem:s6+$0xFFFFFFF0];
	v23 =	vadd.s32 v8, v26;
	v27 =	vshll.u32 v27, v1  }
0x115: {  	s9 =	sadd.s32 $0x7, s8;
	v29 =	vshrl.u32 v28, $0x3;
	[tilespmem:v18+s15+$0x0] =	vst.idx.msk $0xffff, v24;
	v24 =	vld [tilespmem:s6+$0x0];
	v26 =	vadd.s32 v9, v22;
	v27 =	vbroadcast v27, $0x0  }
0x116: {  	s8 =	sadd.s32 $0x8, s8;
	v28 =	vmov s9;
	v22 =	vadd.s32 v10, v22;
	v29 =	vshll.u32 v29, v1;
	[tilespmem:v31+s15+$0x0] =	vst.idx.msk $0xffff, v30;
	v18 =	vld [tilespmem:s6+$0x10]  }
0x117: {  	_ =	sdelay $0x2  }
0x118: {  	v28 =	vshrl.u32 v28, $0x3  }
0x119: {  	[tilespmem:v25+s15+$0x0] =	vst.idx.msk $0xffff, v20;
	v59 =	vld [tilespmem:s6+$0x20];
	v60 =	vadd.s32 v11, v27;
	v29 =	vbroadcast v29, $0x0;
	v30 =	vmov s3  }
0x11a: {  	v61 =	vadd.s32 v12, v27;
	s8 =	sadd.s32 $0x1, s3;
	v28 =	vshll.u32 v28, v1;
	[tilespmem:v21+s15+$0x0] =	vst.idx.msk $0xffff, v17;
	v17 =	vld [tilespmem:s6+$0x30];
	v62 =	vshrl.u32 v30, $0x3  }
0x11b: {  	s9 =	sadd.s32 $0x2, s3;
	v33 =	vmov s8;
	v28 =	vbroadcast v28, $0x0;
	[tilespmem:v23+s15+$0x0] =	vst.idx.msk $0xffff, v19;
	v19 =	vld [tilespmem:s6+$0x40];
	v63 =	vadd.s32 v13, v29  }
0x11c: {  	v34 =	vld [tilespmem:s6+$0x50];
	v38 =	vmov s9;
	v27 =	vshll.u32 v62, v1;
	v35 =	vadd.s32 v14, v29;
	s6 =	sadd.s32 $0x100, s6;
	[tilespmem:v26+s15+$0x0] =	vst.idx.msk $0xffff, v24  }
0x11d: {  	s9 =	sadd.s32 $0x3, s3;
	v36 =	vshrl.u32 v33, $0x3;
	v27 =	vbroadcast v27, $0x0;
	v37 =	vld [tilespmem:s6+$0x60];
	v31 =	vadd.s32 v15, v28;
	[tilespmem:v22+s15+$0x0] =	vst.idx.msk $0xffff, v18  }
0x11e: {  	v43 =	vmov s9;
	v39 =	vld [tilespmem:s6+$0x70];
	v18 =	vshll.u32 v36, v1;
	v28 =	vadd.s32 v16, v28;
	[tilespmem:v60+s15+$0x0] =	vst.idx.msk $0xffff, v59  }
0x11f: {  	s9 =	sadd.s32 $0x4, s3;
	v40 =	vld [tilespmem:s6+$0xFFFFFF80];
	v22 =	vshrl.u32 v38, $0x3;
	v41 =	vadd.s32 v0, v27;
	v18 =	vbroadcast v18, $0x0;
	[tilespmem:v61+s15+$0x0] =	vst.idx.msk $0xffff, v17  }
0x120: {  	v47 =	vmov s9;
	v42 =	vadd.s32 v2, v27;
	v22 =	vshll.u32 v22, v1;
	v17 =	vld [tilespmem:s6+$0xFFFFFF90];
	[tilespmem:v63+s15+$0x0] =	vst.idx.msk $0xffff, v19  }
0x121: {  	s9 =	sadd.s32 $0x5, s3;
	v27 =	vshrl.u32 v43, $0x3;
	v22 =	vbroadcast v22, $0x0;
	v19 =	vld [tilespmem:s6+$0xFFFFFFA0];
	v44 =	vadd.s32 v3, v18;
	[tilespmem:v35+s15+$0x0] =	vst.idx.msk $0xffff, v34  }
0x122: {  	v45 =	vld [tilespmem:s6+$0xFFFFFFB0];
	v52 =	vmov s9;
	v46 =	vshll.u32 v27, v1;
	v18 =	vadd.s32 v4, v18;
	[tilespmem:v31+s15+$0x0] =	vst.idx.msk $0xffff, v37  }
0x123: {  	v48 =	vld [tilespmem:s6+$0xFFFFFFC0];
	v27 =	vshrl.u32 v47, $0x3;
	v26 =	vbroadcast v46, $0x0;
	v49 =	vadd.s32 v5, v22;
	[tilespmem:v28+s15+$0x0] =	vst.idx.msk $0xffff, v39  }
0x124: {  	v50 =	vld [tilespmem:s6+$0xFFFFFFD0];
	v51 =	vshll.u32 v27, v1;
	v27 =	vshrl.u32 v52, $0x3;
	v22 =	vadd.s32 v6, v22;
	[tilespmem:v41+s15+$0x0] =	vst.idx.msk $0xffff, v40  }
0x125: {  	s9 =	sadd.s32 $0x6, s3;
	v25 =	vbroadcast v51, $0x0;
	v55 =	vshll.u32 v27, v1;
	v53 =	vadd.s32 v7, v26;
	[tilespmem:v42+s15+$0x0] =	vst.idx.msk $0xffff, v17;
	v17 =	vld [tilespmem:s6+$0xFFFFFFE0]  }
0x126: {  	v56 =	vmov s9;
	v54 =	vadd.s32 v8, v26;
	v26 =	vbroadcast v55, $0x0;
	[tilespmem:v44+s15+$0x0] =	vst.idx.msk $0xffff, v19;
	v19 =	vld [tilespmem:s6+$0xFFFFFFF0]  }
0x127: {  	v27 =	vshrl.u32 v56, $0x3;
	v57 =	vadd.s32 v9, v25;
	[tilespmem:v18+s15+$0x0] =	vst.idx.msk $0xffff, v45;
	v18 =	vld [tilespmem:s6+$0x0]  }
0x128: {  	v59 =	vld [tilespmem:s6+$0x20];
	v27 =	vshll.u32 v27, v1;
	v60 =	vadd.s32 v11, v26;
	[tilespmem:v49+s15+$0x0] =	vst.idx.msk $0xffff, v48  }
0x129: {  	v58 =	vld [tilespmem:s6+$0x10];
	v25 =	vadd.s32 v10, v25;
	v27 =	vbroadcast v27, $0x0;
	[tilespmem:v22+s15+$0x0] =	vst.idx.msk $0xffff, v50  }
0x12a: {  	v61 =	vadd.s32 v12, v26;
	[tilespmem:v53+s15+$0x0] =	vst.idx.msk $0xffff, v17;
	v17 =	vld [tilespmem:s6+$0x30]  }
0x12b: {  	v62 =	vadd.s32 v13, v27;
	[tilespmem:v54+s15+$0x0] =	vst.idx.msk $0xffff, v19;
	v19 =	vld [tilespmem:s6+$0x40]  }
0x12c: {  	v63 =	vadd.s32 v14, v27;
	[tilespmem:v57+s15+$0x0] =	vst.idx.msk $0xffff, v18;
	v18 =	vld [tilespmem:s6+$0x50]  }
0x12d: {  	[tilespmem:v60+s15+$0x0] =	vst.idx.msk $0xffff, v59  }
0x12e: {  	[tilespmem:v25+s15+$0x0] =	vst.idx.msk $0xffff, v58  }
0x12f: {  	[tilespmem:v61+s15+$0x0] =	vst.idx.msk $0xffff, v17  }
0x130: {  	s8 =	simm.s32 $0x9208;
	[tilespmem:v62+s15+$0x0] =	vst.idx.msk $0xffff, v19  }
0x131: {  	s3 =	simm.s32 $0x9000;
	s9 =	sadd.s32 $0x0, s22;
	s6 =	simm.s32 $0x200;
	[tilespmem:v63+s15+$0x0] =	vst.idx.msk $0xffff, v18  }
.LBB2_14:
0x132: {  	[hbm4b:s9+s2] =	stream.linear.scatter [tilespmem:s3], [sflag:$0x3], $0x200, $0x38;
	[tilespmem:$0x11200] =	vst v63  }
0x133: {  	s9 =	smov.u32 s6;
	s3 =	smov.u32 s8;
	p0 =	sne.s32 s6, $0x3E00  }
.Ltmp10:
0x134: {  	s6 =	sadd.s32 $0x200, s6;
	(pc) =	sbr.rel @p0 .LBB2_14-.Ltmp10, $2  }
0x135: {  	_ =	sdelay $0x2  }
0x136: {  	s8 =	sadd.s32 $0x208, s8;
	s9 =	sadd.s32 s9, s22  }
0x137: {  	[hbm4b:s9+s2] =	stream.linear.scatter [tilespmem:s3], [sflag:$0x3], $0x200, $0x38;
	[tilespmem:$0x11200] =	vst v63  }
0x138: {  	s8 =	simm.s32 $0x800  }
0x139: {  	[tilespmem:s18], [sflag:$0x1] =	stream.indirect.gather [hbm4b:s5+s17], $0x20, s8, s17, $0xb8;
	[tilespmem:$0x11200] =	vst v63  }
0x13a: {  	s9 =	simm.s32 $0x880  }
0x13b: {  	[tilespmem:s19], [sflag:$0x1] =	stream.indirect.gather [hbm4b:s5+s17], $0x20, s9, s17, $0xb8;
	[tilespmem:$0x11200] =	vst v63  }
0x13c: {  	s22 =	simm.s32 $0x900  }
0x13d: {  	[tilespmem:s21], [sflag:$0x1] =	stream.indirect.gather [hbm4b:s5+s17], $0x20, s22, s17, $0xb8;
	[tilespmem:$0x11200] =	vst v63  }
0x13e: {  	s6 =	simm.s32 $0x980  }
0x13f: {  	[tilespmem:s23], [sflag:$0x1] =	stream.indirect.gather [hbm4b:s5+s17], $0x20, s6, s17, $0xb8;
	[tilespmem:$0x11200] =	vst v63  }
0x140: {  	_ =	swait.ge [sflag:s26], $0x1000  }
0x141: {  	[sflag:s26] =	ssyncset.done $0x0  }
0x142: {  	[sflag:s26] =	ssyncadd.s32 $0xFFFFF000  }
0x143: {  	_ =	swait.ge [sflag:s26], $0x1000  }
0x144: {  	[sflag:s26] =	ssyncset.done $0x0  }
0x145: {  	[sflag:s26] =	ssyncadd.s32 $0xFFFFF000  }
0x146: {  	_ =	swait.ge [sflag:s26], $0x1000  }
0x147: {  	[sflag:s26] =	ssyncset.done $0x0  }
0x148: {  	[sflag:s26] =	ssyncadd.s32 $0xFFFFF000  }
0x149: {  	_ =	swait.ge [sflag:s26], $0x1000  }
0x14a: {  	[sflag:s26] =	ssyncset.done $0x0  }
0x14b: {  	[sflag:s26] =	ssyncadd.s32 $0xFFFFF000  }
0x14c: {  	s9 =	simm.s32 $0x0;
	_ =	swait.ge [sflag:s31], $0x4000  }
0x14d: {  	v18 =	vmov s9;
	s8 =	rddreg [dreg:$0x6]  }
0x14e: {  	v18 =	vshrl.u32 v18, $0x3;
	s22 =	sadd.s32 s20, s8;
	s8 =	simm.s32 $0x7  }
0x14f: {  	v18 =	vshll.u32 v18, v1;
	v17 =	vmov s8  }
0x150: {  	s9 =	simm.s32 $0x1;
	v18 =	vbroadcast v18, $0x0;
	[sflag:s31] =	ssyncset.done $0x0;
	v17 =	vshrl.u32 v17, $0x3  }
0x151: {  	v19 =	vmov s9;
	s6 =	simm.s32 $0x50F0;
	[sflag:s31] =	ssyncadd.s32 $0xFFFFC000;
	v17 =	vshll.u32 v17, v1  }
0x152: {  	v19 =	vshrl.u32 v19, $0x3;
	v25 =	vadd.s32 v0, v18;
	s8 =	simm.s32 $0x2;
	v24 =	vld [tilespmem:s6+$0xFFFFFF10];
	v17 =	vbroadcast v17, $0x0  }
0x153: {  	v19 =	vshll.u32 v19, v1;
	v18 =	vadd.s32 v2, v18;
	v26 =	vld [tilespmem:s6+$0xFFFFFF20];
	v22 =	vmov s8  }
0x154: {  	s9 =	simm.s32 $0x3;
	v19 =	vbroadcast v19, $0x0;
	v20 =	vld [tilespmem:s6+$0xFFFFFFF0];
	v22 =	vshrl.u32 v22, $0x3;
	v21 =	vadd.s32 v15, v17  }
0x155: {  	v27 =	vmov s9;
	v23 =	vld [tilespmem:s6+$0x0];
	v22 =	vshll.u32 v22, v1;
	v17 =	vadd.s32 v16, v17  }
0x156: {  	v27 =	vshrl.u32 v27, $0x3;
	v29 =	vadd.s32 v3, v19;
	v28 =	vld [tilespmem:s6+$0xFFFFFF30];
	s8 =	simm.s32 $0x4;
	v22 =	vbroadcast v22, $0x0  }
0x157: {  	v31 =	vadd.s32 v4, v19;
	v19 =	vshll.u32 v27, v1;
	v30 =	vld [tilespmem:s6+$0xFFFFFF40];
	v27 =	vmov s8;
	[tilespmem:v25+s29+$0x0] =	vst.idx.msk $0xffff, v24  }
0x158: {  	s9 =	simm.s32 $0x5;
	v34 =	vbroadcast v19, $0x0;
	v32 =	vld [tilespmem:s6+$0xFFFFFF50];
	v19 =	vshrl.u32 v27, $0x3;
	v33 =	vadd.s32 v5, v22;
	[tilespmem:v18+s29+$0x0] =	vst.idx.msk $0xffff, v26  }
0x159: {  	v19 =	vshll.u32 v19, v1;
	v25 =	vadd.s32 v6, v22;
	v22 =	vmov s9;
	[tilespmem:v21+s29+$0x0] =	vst.idx.msk $0xffff, v20;
	v20 =	vld [tilespmem:s6+$0xFFFFFF60]  }
0x15a: {  	s8 =	simm.s32 $0x6;
	v35 =	vbroadcast v19, $0x0;
	v18 =	vshrl.u32 v22, $0x3;
	v21 =	vadd.s32 v7, v34;
	[tilespmem:v17+s29+$0x0] =	vst.idx.msk $0xffff, v23;
	v17 =	vld [tilespmem:s6+$0xFFFFFF70]  }
0x15b: {  	[tilespmem:v29+s29+$0x0] =	vst.idx.msk $0xffff, v28;
	v19 =	vld [tilespmem:s6+$0xFFFFFF80];
	v22 =	vmov s8;
	v18 =	vshll.u32 v18, v1;
	v23 =	vadd.s32 v8, v34  }
0x15c: {  	v24 =	vld [tilespmem:s6+$0xFFFFFF90];
	s9 =	simm.s32 $0xF;
	[tilespmem:v31+s29+$0x0] =	vst.idx.msk $0xffff, v30;
	v26 =	vadd.s32 v9, v35;
	v29 =	vshrl.u32 v22, $0x3;
	v27 =	vbroadcast v18, $0x0  }
0x15d: {  	s3 =	simm.s32 $0x8;
	v28 =	vmov s9;
	s8 =	simm.s32 $0x10;
	v22 =	vadd.s32 v10, v35;
	v18 =	vld [tilespmem:s6+$0xFFFFFFA0];
	v29 =	vshll.u32 v29, v1;
	[tilespmem:v33+s29+$0x0] =	vst.idx.msk $0xffff, v32  }
.LBB2_16:
0x15e: {  	p0 =	slt.u32 s8, $0x1F8;
	v28 =	vshrl.u32 v28, $0x3;
	[tilespmem:v25+s29+$0x0] =	vst.idx.msk $0xffff, v20;
	v20 =	vld [tilespmem:s6+$0xFFFFFFB0];
	v25 =	vadd.s32 v11, v27;
	v29 =	vbroadcast v29, $0x0  }
0x15f: {  	v30 =	vmov s3;
	v28 =	vshll.u32 v28, v1;
	[tilespmem:v21+s29+$0x0] =	vst.idx.msk $0xffff, v17;
	v17 =	vld [tilespmem:s6+$0xFFFFFFC0];
	v21 =	vadd.s32 v12, v27  }
0x160: {  	s9 =	sadd.s32 $0x1, s3;
	v27 =	vshrl.u32 v30, $0x3;
	v28 =	vbroadcast v28, $0x0;
	[tilespmem:v23+s29+$0x0] =	vst.idx.msk $0xffff, v19;
	v19 =	vld [tilespmem:s6+$0xFFFFFFD0];
	v23 =	vadd.s32 v13, v29  }
0x161: {  	v30 =	vmov s9;
	v27 =	vshll.u32 v27, v1;
	[tilespmem:v26+s29+$0x0] =	vst.idx.msk $0xffff, v24;
	v24 =	vld [tilespmem:s6+$0xFFFFFFE0];
	v26 =	vadd.s32 v14, v29;
	s6 =	sadd.s32 $0x100, s6  }
0x162: {  	s9 =	sadd.s32 $0x2, s3;
	v27 =	vbroadcast v27, $0x0;
	v29 =	vshrl.u32 v30, $0x3;
	v30 =	vld [tilespmem:s6+$0xFFFFFFF0];
	v31 =	vadd.s32 v15, v28;
	[tilespmem:v22+s29+$0x0] =	vst.idx.msk $0xffff, v18  }
0x163: {  	v18 =	vshll.u32 v29, v1;
	v22 =	vmov s9;
	v28 =	vadd.s32 v16, v28;
	v29 =	vld [tilespmem:s6+$0x0];
	[tilespmem:v25+s29+$0x0] =	vst.idx.msk $0xffff, v20  }
0x164: {  	s9 =	sadd.s32 $0x3, s3;
	v25 =	vadd.s32 v0, v27;
	v18 =	vbroadcast v18, $0x0;
	v22 =	vshrl.u32 v22, $0x3;
	v20 =	vld [tilespmem:s6+$0xFFFFFF10];
	[tilespmem:v21+s29+$0x0] =	vst.idx.msk $0xffff, v17  }
0x165: {  	v21 =	vadd.s32 v2, v27;
	v22 =	vshll.u32 v22, v1;
	v27 =	vmov s9;
	v17 =	vld [tilespmem:s6+$0xFFFFFF20];
	[tilespmem:v23+s29+$0x0] =	vst.idx.msk $0xffff, v19  }
0x166: {  	s9 =	sadd.s32 $0x4, s3;
	v23 =	vadd.s32 v3, v18;
	v22 =	vbroadcast v22, $0x0;
	v27 =	vshrl.u32 v27, $0x3;
	v19 =	vld [tilespmem:s6+$0xFFFFFF30];
	[tilespmem:v26+s29+$0x0] =	vst.idx.msk $0xffff, v24  }
0x167: {  	v18 =	vadd.s32 v4, v18;
	v26 =	vshll.u32 v27, v1;
	v27 =	vmov s9;
	v24 =	vld [tilespmem:s6+$0xFFFFFF40];
	[tilespmem:v31+s29+$0x0] =	vst.idx.msk $0xffff, v30  }
0x168: {  	s9 =	sadd.s32 $0x5, s3;
	v31 =	vadd.s32 v5, v22;
	v26 =	vbroadcast v26, $0x0;
	v27 =	vshrl.u32 v27, $0x3;
	v30 =	vld [tilespmem:s6+$0xFFFFFF50];
	[tilespmem:v28+s29+$0x0] =	vst.idx.msk $0xffff, v29  }
.Ltmp11:
0x169: {  	[tilespmem:v25+s29+$0x0] =	vst.idx.msk $0xffff, v20;
	v20 =	vld [tilespmem:s6+$0xFFFFFF60];
	v25 =	vadd.s32 v6, v22;
	v22 =	vshll.u32 v27, v1;
	v27 =	vmov s9;
	(pc) =	sbr.rel @p0 .LBB2_16-.Ltmp11, $4  }
0x16a: {  	s9 =	sadd.s32 $0x6, s3;
	s3 =	smov.u32 s8;
	[tilespmem:v21+s29+$0x0] =	vst.idx.msk $0xffff, v17;
	v17 =	vld [tilespmem:s6+$0xFFFFFF70];
	v21 =	vadd.s32 v7, v26;
	v22 =	vbroadcast v22, $0x0;
	v27 =	vshrl.u32 v27, $0x3  }
0x16b: {  	v28 =	vmov s9;
	[tilespmem:v23+s29+$0x0] =	vst.idx.msk $0xffff, v19;
	v19 =	vld [tilespmem:s6+$0xFFFFFF80];
	v23 =	vadd.s32 v8, v26;
	v27 =	vshll.u32 v27, v1  }
0x16c: {  	s9 =	sadd.s32 $0x7, s8;
	v29 =	vshrl.u32 v28, $0x3;
	[tilespmem:v18+s29+$0x0] =	vst.idx.msk $0xffff, v24;
	v24 =	vld [tilespmem:s6+$0xFFFFFF90];
	v26 =	vadd.s32 v9, v22;
	v27 =	vbroadcast v27, $0x0  }
0x16d: {  	s8 =	sadd.s32 $0x8, s8;
	v28 =	vmov s9;
	v22 =	vadd.s32 v10, v22;
	v29 =	vshll.u32 v29, v1;
	[tilespmem:v31+s29+$0x0] =	vst.idx.msk $0xffff, v30;
	v18 =	vld [tilespmem:s6+$0xFFFFFFA0]  }
0x16e: {  	_ =	sdelay $0x2  }
0x16f: {  	v28 =	vshrl.u32 v28, $0x3  }
0x170: {  	[tilespmem:v25+s29+$0x0] =	vst.idx.msk $0xffff, v20;
	v59 =	vld [tilespmem:s6+$0xFFFFFFB0];
	v60 =	vadd.s32 v11, v27;
	v29 =	vbroadcast v29, $0x0;
	v30 =	vmov s3  }
0x171: {  	v61 =	vadd.s32 v12, v27;
	s8 =	sadd.s32 $0x1, s3;
	v28 =	vshll.u32 v28, v1;
	[tilespmem:v21+s29+$0x0] =	vst.idx.msk $0xffff, v17;
	v17 =	vld [tilespmem:s6+$0xFFFFFFC0];
	v62 =	vshrl.u32 v30, $0x3  }
0x172: {  	s9 =	sadd.s32 $0x2, s3;
	v33 =	vmov s8;
	v28 =	vbroadcast v28, $0x0;
	[tilespmem:v23+s29+$0x0] =	vst.idx.msk $0xffff, v19;
	v19 =	vld [tilespmem:s6+$0xFFFFFFD0];
	v63 =	vadd.s32 v13, v29  }
0x173: {  	v34 =	vld [tilespmem:s6+$0xFFFFFFE0];
	v38 =	vmov s9;
	v27 =	vshll.u32 v62, v1;
	v35 =	vadd.s32 v14, v29;
	s6 =	sadd.s32 $0x100, s6;
	[tilespmem:v26+s29+$0x0] =	vst.idx.msk $0xffff, v24  }
0x174: {  	s9 =	sadd.s32 $0x3, s3;
	v36 =	vshrl.u32 v33, $0x3;
	v27 =	vbroadcast v27, $0x0;
	v37 =	vld [tilespmem:s6+$0xFFFFFFF0];
	v31 =	vadd.s32 v15, v28;
	[tilespmem:v22+s29+$0x0] =	vst.idx.msk $0xffff, v18  }
0x175: {  	v43 =	vmov s9;
	v39 =	vld [tilespmem:s6+$0x0];
	v18 =	vshll.u32 v36, v1;
	v28 =	vadd.s32 v16, v28;
	[tilespmem:v60+s29+$0x0] =	vst.idx.msk $0xffff, v59  }
0x176: {  	s9 =	sadd.s32 $0x4, s3;
	v40 =	vld [tilespmem:s6+$0xFFFFFF10];
	v22 =	vshrl.u32 v38, $0x3;
	v41 =	vadd.s32 v0, v27;
	v18 =	vbroadcast v18, $0x0;
	[tilespmem:v61+s29+$0x0] =	vst.idx.msk $0xffff, v17  }
0x177: {  	v47 =	vmov s9;
	v42 =	vadd.s32 v2, v27;
	v22 =	vshll.u32 v22, v1;
	v17 =	vld [tilespmem:s6+$0xFFFFFF20];
	[tilespmem:v63+s29+$0x0] =	vst.idx.msk $0xffff, v19  }
0x178: {  	s9 =	sadd.s32 $0x5, s3;
	v27 =	vshrl.u32 v43, $0x3;
	v22 =	vbroadcast v22, $0x0;
	v19 =	vld [tilespmem:s6+$0xFFFFFF30];
	v44 =	vadd.s32 v3, v18;
	[tilespmem:v35+s29+$0x0] =	vst.idx.msk $0xffff, v34  }
0x179: {  	v45 =	vld [tilespmem:s6+$0xFFFFFF40];
	v52 =	vmov s9;
	v46 =	vshll.u32 v27, v1;
	v18 =	vadd.s32 v4, v18;
	[tilespmem:v31+s29+$0x0] =	vst.idx.msk $0xffff, v37  }
0x17a: {  	v48 =	vld [tilespmem:s6+$0xFFFFFF50];
	v27 =	vshrl.u32 v47, $0x3;
	v26 =	vbroadcast v46, $0x0;
	v49 =	vadd.s32 v5, v22;
	[tilespmem:v28+s29+$0x0] =	vst.idx.msk $0xffff, v39  }
0x17b: {  	v50 =	vld [tilespmem:s6+$0xFFFFFF60];
	v51 =	vshll.u32 v27, v1;
	v27 =	vshrl.u32 v52, $0x3;
	v22 =	vadd.s32 v6, v22;
	[tilespmem:v41+s29+$0x0] =	vst.idx.msk $0xffff, v40  }
0x17c: {  	s9 =	sadd.s32 $0x6, s3;
	v25 =	vbroadcast v51, $0x0;
	v55 =	vshll.u32 v27, v1;
	v53 =	vadd.s32 v7, v26;
	[tilespmem:v42+s29+$0x0] =	vst.idx.msk $0xffff, v17;
	v17 =	vld [tilespmem:s6+$0xFFFFFF70]  }
0x17d: {  	v56 =	vmov s9;
	v54 =	vadd.s32 v8, v26;
	v26 =	vbroadcast v55, $0x0;
	[tilespmem:v44+s29+$0x0] =	vst.idx.msk $0xffff, v19;
	v19 =	vld [tilespmem:s6+$0xFFFFFF80]  }
0x17e: {  	v27 =	vshrl.u32 v56, $0x3;
	v57 =	vadd.s32 v9, v25;
	[tilespmem:v18+s29+$0x0] =	vst.idx.msk $0xffff, v45;
	v18 =	vld [tilespmem:s6+$0xFFFFFF90]  }
0x17f: {  	v59 =	vld [tilespmem:s6+$0xFFFFFFB0];
	v27 =	vshll.u32 v27, v1;
	v60 =	vadd.s32 v11, v26;
	[tilespmem:v49+s29+$0x0] =	vst.idx.msk $0xffff, v48  }
0x180: {  	v58 =	vld [tilespmem:s6+$0xFFFFFFA0];
	v25 =	vadd.s32 v10, v25;
	v27 =	vbroadcast v27, $0x0;
	[tilespmem:v22+s29+$0x0] =	vst.idx.msk $0xffff, v50  }
0x181: {  	v61 =	vadd.s32 v12, v26;
	[tilespmem:v53+s29+$0x0] =	vst.idx.msk $0xffff, v17;
	v17 =	vld [tilespmem:s6+$0xFFFFFFC0]  }
0x182: {  	v62 =	vadd.s32 v13, v27;
	[tilespmem:v54+s29+$0x0] =	vst.idx.msk $0xffff, v19;
	v19 =	vld [tilespmem:s6+$0xFFFFFFD0]  }
0x183: {  	v63 =	vadd.s32 v14, v27;
	[tilespmem:v57+s29+$0x0] =	vst.idx.msk $0xffff, v18;
	v18 =	vld [tilespmem:s6+$0xFFFFFFE0]  }
0x184: {  	[tilespmem:v60+s29+$0x0] =	vst.idx.msk $0xffff, v59  }
0x185: {  	[tilespmem:v25+s29+$0x0] =	vst.idx.msk $0xffff, v58  }
0x186: {  	[tilespmem:v61+s29+$0x0] =	vst.idx.msk $0xffff, v17  }
0x187: {  	s8 =	simm.s32 $0xD308;
	[tilespmem:v62+s29+$0x0] =	vst.idx.msk $0xffff, v19  }
0x188: {  	s3 =	simm.s32 $0xD100;
	s9 =	sadd.s32 $0x0, s22;
	s6 =	simm.s32 $0x200;
	[tilespmem:v63+s29+$0x0] =	vst.idx.msk $0xffff, v18  }
.LBB2_18:
0x189: {  	[hbm4b:s9+s2] =	stream.linear.scatter [tilespmem:s3], [sflag:$0x4], $0x200, $0x38;
	[tilespmem:$0x11200] =	vst v63  }
0x18a: {  	s9 =	smov.u32 s6;
	s3 =	smov.u32 s8;
	p0 =	sne.s32 s6, $0x3E00  }
.Ltmp12:
0x18b: {  	s6 =	sadd.s32 $0x200, s6;
	(pc) =	sbr.rel @p0 .LBB2_18-.Ltmp12, $2  }
0x18c: {  	_ =	sdelay $0x2  }
0x18d: {  	s8 =	sadd.s32 $0x208, s8;
	s9 =	sadd.s32 s9, s22  }
0x18e: {  	[hbm4b:s9+s2] =	stream.linear.scatter [tilespmem:s3], [sflag:$0x4], $0x200, $0x38;
	[tilespmem:$0x11200] =	vst v63  }
0x18f: {  	s9 =	simm.s32 $0xA00  }
0x190: {  	[tilespmem:s25], [sflag:$0x2] =	stream.indirect.gather [hbm4b:s5+s17], $0x20, s9, s17, $0xb8;
	[tilespmem:$0x11200] =	vst v63  }
0x191: {  	s22 =	simm.s32 $0xA80  }
0x192: {  	[tilespmem:s28], [sflag:$0x2] =	stream.indirect.gather [hbm4b:s5+s17], $0x20, s22, s17, $0xb8;
	[tilespmem:$0x11200] =	vst v63  }
0x193: {  	s6 =	simm.s32 $0xB00  }
0x194: {  	[tilespmem:s30], [sflag:$0x2] =	stream.indirect.gather [hbm4b:s5+s17], $0x20, s6, s17, $0xb8;
	[tilespmem:$0x11200] =	vst v63  }
0x195: {  	s8 =	simm.s32 $0xB80  }
0x196: {  	[tilespmem:s0], [sflag:$0x2] =	stream.indirect.gather [hbm4b:s5+s17], $0x20, s8, s17, $0xb8;
	[tilespmem:$0x11200] =	vst v63  }
0x197: {  	_ =	swait.ge [sflag:s4], $0x1000  }
0x198: {  	[sflag:s4] =	ssyncset.done $0x0  }
0x199: {  	[sflag:s4] =	ssyncadd.s32 $0xFFFFF000  }
0x19a: {  	_ =	swait.ge [sflag:s4], $0x1000  }
0x19b: {  	[sflag:s4] =	ssyncset.done $0x0  }
0x19c: {  	[sflag:s4] =	ssyncadd.s32 $0xFFFFF000  }
0x19d: {  	_ =	swait.ge [sflag:s4], $0x1000  }
0x19e: {  	[sflag:s4] =	ssyncset.done $0x0  }
0x19f: {  	[sflag:s4] =	ssyncadd.s32 $0xFFFFF000  }
0x1a0: {  	s8 =	simm.s32 $0x7;
	_ =	swait.ge [sflag:s4], $0x1000  }
0x1a1: {  	s9 =	simm.s32 $0x0;
	v17 =	vmov s8;
	[sflag:s4] =	ssyncset.done $0x0  }
0x1a2: {  	v18 =	vmov s9;
	v17 =	vshrl.u32 v17, $0x3;
	[sflag:s4] =	ssyncadd.s32 $0xFFFFF000  }
0x1a3: {  	v18 =	vshrl.u32 v18, $0x3;
	v17 =	vshll.u32 v17, v1;
	_ =	swait.ge [sflag:s24], $0x4000  }
0x1a4: {  	s9 =	simm.s32 $0x1;
	v18 =	vshll.u32 v18, v1;
	v17 =	vbroadcast v17, $0x0;
	[sflag:s24] =	ssyncset.done $0x0  }
0x1a5: {  	v19 =	vmov s9;
	s6 =	simm.s32 $0x1080;
	v18 =	vbroadcast v18, $0x0;
	s8 =	simm.s32 $0x2;
	[sflag:s24] =	ssyncadd.s32 $0xFFFFC000  }
0x1a6: {  	v19 =	vshrl.u32 v19, $0x3;
	v22 =	vmov s8;
	v21 =	vadd.s32 v15, v17;
	v20 =	vld [tilespmem:s6+$0x60]  }
0x1a7: {  	v19 =	vshll.u32 v19, v1;
	v25 =	vadd.s32 v0, v18;
	v22 =	vshrl.u32 v22, $0x3;
	v24 =	vld [tilespmem:s6+$0xFFFFFF80]  }
0x1a8: {  	s9 =	simm.s32 $0x3;
	v19 =	vbroadcast v19, $0x0;
	v22 =	vshll.u32 v22, v1;
	v17 =	vadd.s32 v16, v17;
	v23 =	vld [tilespmem:s6+$0x70]  }
0x1a9: {  	v27 =	vmov s9;
	v18 =	vadd.s32 v2, v18;
	v22 =	vbroadcast v22, $0x0;
	v26 =	vld [tilespmem:s6+$0xFFFFFF90]  }
0x1aa: {  	v27 =	vshrl.u32 v27, $0x3;
	v29 =	vadd.s32 v3, v19;
	v31 =	vadd.s32 v4, v19;
	s8 =	simm.s32 $0x4;
	v28 =	vld [tilespmem:s6+$0xFFFFFFA0]  }
0x1ab: {  	v19 =	vshll.u32 v27, v1;
	v27 =	vmov s8;
	v33 =	vadd.s32 v5, v22;
	v32 =	vld [tilespmem:s6+$0xFFFFFFC0];
	[tilespmem:v21+s15+$0x0] =	vst.idx.msk $0xffff, v20  }
0x1ac: {  	s9 =	simm.s32 $0x5;
	v34 =	vbroadcast v19, $0x0;
	v19 =	vshrl.u32 v27, $0x3;
	v30 =	vld [tilespmem:s6+$0xFFFFFFB0];
	[tilespmem:v25+s15+$0x0] =	vst.idx.msk $0xffff, v24  }
0x1ad: {  	v19 =	vshll.u32 v19, v1;
	v20 =	vld [tilespmem:s6+$0xFFFFFFD0];
	v25 =	vadd.s32 v6, v22;
	v22 =	vmov s9;
	[tilespmem:v17+s15+$0x0] =	vst.idx.msk $0xffff, v23  }
0x1ae: {  	s8 =	simm.s32 $0x6;
	v35 =	vbroadcast v19, $0x0;
	v21 =	vadd.s32 v7, v34;
	[tilespmem:v18+s15+$0x0] =	vst.idx.msk $0xffff, v26;
	v17 =	vld [tilespmem:s6+$0xFFFFFFE0];
	v18 =	vshrl.u32 v22, $0x3  }
0x1af: {  	v19 =	vld [tilespmem:s6+$0xFFFFFFF0];
	[tilespmem:v29+s15+$0x0] =	vst.idx.msk $0xffff, v28;
	v23 =	vadd.s32 v8, v34;
	v22 =	vmov s8;
	v18 =	vshll.u32 v18, v1  }
0x1b0: {  	s9 =	simm.s32 $0xF;
	v24 =	vld [tilespmem:s6+$0x0];
	[tilespmem:v33+s15+$0x0] =	vst.idx.msk $0xffff, v32;
	v26 =	vadd.s32 v9, v35;
	v29 =	vshrl.u32 v22, $0x3;
	v27 =	vbroadcast v18, $0x0  }
0x1b1: {  	s3 =	simm.s32 $0x8;
	s22 =	sadd.s32 s20, s11;
	[tilespmem:v31+s15+$0x0] =	vst.idx.msk $0xffff, v30;
	v28 =	vmov s9;
	s8 =	simm.s32 $0x10;
	v22 =	vadd.s32 v10, v35;
	v18 =	vld [tilespmem:s6+$0x10];
	v29 =	vshll.u32 v29, v1  }
.LBB2_20:
0x1b2: {  	p0 =	slt.u32 s8, $0x1F8;
	v28 =	vshrl.u32 v28, $0x3;
	[tilespmem:v25+s15+$0x0] =	vst.idx.msk $0xffff, v20;
	v20 =	vld [tilespmem:s6+$0x20];
	v25 =	vadd.s32 v11, v27;
	v29 =	vbroadcast v29, $0x0  }
0x1b3: {  	v30 =	vmov s3;
	v28 =	vshll.u32 v28, v1;
	[tilespmem:v21+s15+$0x0] =	vst.idx.msk $0xffff, v17;
	v17 =	vld [tilespmem:s6+$0x30];
	v21 =	vadd.s32 v12, v27  }
0x1b4: {  	s9 =	sadd.s32 $0x1, s3;
	v27 =	vshrl.u32 v30, $0x3;
	v28 =	vbroadcast v28, $0x0;
	[tilespmem:v23+s15+$0x0] =	vst.idx.msk $0xffff, v19;
	v19 =	vld [tilespmem:s6+$0x40];
	v23 =	vadd.s32 v13, v29  }
0x1b5: {  	v30 =	vmov s9;
	v27 =	vshll.u32 v27, v1;
	[tilespmem:v26+s15+$0x0] =	vst.idx.msk $0xffff, v24;
	v24 =	vld [tilespmem:s6+$0x50];
	v26 =	vadd.s32 v14, v29;
	s6 =	sadd.s32 $0x100, s6  }
0x1b6: {  	s9 =	sadd.s32 $0x2, s3;
	v27 =	vbroadcast v27, $0x0;
	v29 =	vshrl.u32 v30, $0x3;
	v30 =	vld [tilespmem:s6+$0x60];
	v31 =	vadd.s32 v15, v28;
	[tilespmem:v22+s15+$0x0] =	vst.idx.msk $0xffff, v18  }
0x1b7: {  	v18 =	vshll.u32 v29, v1;
	v22 =	vmov s9;
	v28 =	vadd.s32 v16, v28;
	v29 =	vld [tilespmem:s6+$0x70];
	[tilespmem:v25+s15+$0x0] =	vst.idx.msk $0xffff, v20  }
0x1b8: {  	s9 =	sadd.s32 $0x3, s3;
	v25 =	vadd.s32 v0, v27;
	v18 =	vbroadcast v18, $0x0;
	v22 =	vshrl.u32 v22, $0x3;
	v20 =	vld [tilespmem:s6+$0xFFFFFF80];
	[tilespmem:v21+s15+$0x0] =	vst.idx.msk $0xffff, v17  }
0x1b9: {  	v21 =	vadd.s32 v2, v27;
	v22 =	vshll.u32 v22, v1;
	v27 =	vmov s9;
	v17 =	vld [tilespmem:s6+$0xFFFFFF90];
	[tilespmem:v23+s15+$0x0] =	vst.idx.msk $0xffff, v19  }
0x1ba: {  	s9 =	sadd.s32 $0x4, s3;
	v23 =	vadd.s32 v3, v18;
	v22 =	vbroadcast v22, $0x0;
	v27 =	vshrl.u32 v27, $0x3;
	v19 =	vld [tilespmem:s6+$0xFFFFFFA0];
	[tilespmem:v26+s15+$0x0] =	vst.idx.msk $0xffff, v24  }
0x1bb: {  	v18 =	vadd.s32 v4, v18;
	v26 =	vshll.u32 v27, v1;
	v27 =	vmov s9;
	v24 =	vld [tilespmem:s6+$0xFFFFFFB0];
	[tilespmem:v31+s15+$0x0] =	vst.idx.msk $0xffff, v30  }
0x1bc: {  	s9 =	sadd.s32 $0x5, s3;
	v31 =	vadd.s32 v5, v22;
	v26 =	vbroadcast v26, $0x0;
	v27 =	vshrl.u32 v27, $0x3;
	v30 =	vld [tilespmem:s6+$0xFFFFFFC0];
	[tilespmem:v28+s15+$0x0] =	vst.idx.msk $0xffff, v29  }
.Ltmp13:
0x1bd: {  	[tilespmem:v25+s15+$0x0] =	vst.idx.msk $0xffff, v20;
	v20 =	vld [tilespmem:s6+$0xFFFFFFD0];
	v25 =	vadd.s32 v6, v22;
	v22 =	vshll.u32 v27, v1;
	v27 =	vmov s9;
	(pc) =	sbr.rel @p0 .LBB2_20-.Ltmp13, $4  }
0x1be: {  	s9 =	sadd.s32 $0x6, s3;
	s3 =	smov.u32 s8;
	[tilespmem:v21+s15+$0x0] =	vst.idx.msk $0xffff, v17;
	v17 =	vld [tilespmem:s6+$0xFFFFFFE0];
	v21 =	vadd.s32 v7, v26;
	v22 =	vbroadcast v22, $0x0;
	v27 =	vshrl.u32 v27, $0x3  }
0x1bf: {  	v28 =	vmov s9;
	[tilespmem:v23+s15+$0x0] =	vst.idx.msk $0xffff, v19;
	v19 =	vld [tilespmem:s6+$0xFFFFFFF0];
	v23 =	vadd.s32 v8, v26;
	v27 =	vshll.u32 v27, v1  }
0x1c0: {  	s9 =	sadd.s32 $0x7, s8;
	v29 =	vshrl.u32 v28, $0x3;
	[tilespmem:v18+s15+$0x0] =	vst.idx.msk $0xffff, v24;
	v24 =	vld [tilespmem:s6+$0x0];
	v26 =	vadd.s32 v9, v22;
	v27 =	vbroadcast v27, $0x0  }
0x1c1: {  	s8 =	sadd.s32 $0x8, s8;
	v28 =	vmov s9;
	v22 =	vadd.s32 v10, v22;
	v29 =	vshll.u32 v29, v1;
	[tilespmem:v31+s15+$0x0] =	vst.idx.msk $0xffff, v30;
	v18 =	vld [tilespmem:s6+$0x10]  }
0x1c2: {  	_ =	sdelay $0x2  }
0x1c3: {  	v28 =	vshrl.u32 v28, $0x3  }
0x1c4: {  	[tilespmem:v25+s15+$0x0] =	vst.idx.msk $0xffff, v20;
	v59 =	vld [tilespmem:s6+$0x20];
	v60 =	vadd.s32 v11, v27;
	v29 =	vbroadcast v29, $0x0;
	v30 =	vmov s3  }
0x1c5: {  	v61 =	vadd.s32 v12, v27;
	s8 =	sadd.s32 $0x1, s3;
	v28 =	vshll.u32 v28, v1;
	[tilespmem:v21+s15+$0x0] =	vst.idx.msk $0xffff, v17;
	v17 =	vld [tilespmem:s6+$0x30];
	v62 =	vshrl.u32 v30, $0x3  }
0x1c6: {  	s9 =	sadd.s32 $0x2, s3;
	v33 =	vmov s8;
	v28 =	vbroadcast v28, $0x0;
	[tilespmem:v23+s15+$0x0] =	vst.idx.msk $0xffff, v19;
	v19 =	vld [tilespmem:s6+$0x40];
	v63 =	vadd.s32 v13, v29  }
0x1c7: {  	v34 =	vld [tilespmem:s6+$0x50];
	v38 =	vmov s9;
	v27 =	vshll.u32 v62, v1;
	v35 =	vadd.s32 v14, v29;
	s6 =	sadd.s32 $0x100, s6;
	[tilespmem:v26+s15+$0x0] =	vst.idx.msk $0xffff, v24  }
0x1c8: {  	s9 =	sadd.s32 $0x3, s3;
	v36 =	vshrl.u32 v33, $0x3;
	v27 =	vbroadcast v27, $0x0;
	v37 =	vld [tilespmem:s6+$0x60];
	v31 =	vadd.s32 v15, v28;
	[tilespmem:v22+s15+$0x0] =	vst.idx.msk $0xffff, v18  }
0x1c9: {  	v43 =	vmov s9;
	v39 =	vld [tilespmem:s6+$0x70];
	v18 =	vshll.u32 v36, v1;
	v28 =	vadd.s32 v16, v28;
	[tilespmem:v60+s15+$0x0] =	vst.idx.msk $0xffff, v59  }
0x1ca: {  	s9 =	sadd.s32 $0x4, s3;
	v40 =	vld [tilespmem:s6+$0xFFFFFF80];
	v22 =	vshrl.u32 v38, $0x3;
	v41 =	vadd.s32 v0, v27;
	v18 =	vbroadcast v18, $0x0;
	[tilespmem:v61+s15+$0x0] =	vst.idx.msk $0xffff, v17  }
0x1cb: {  	v47 =	vmov s9;
	v42 =	vadd.s32 v2, v27;
	v22 =	vshll.u32 v22, v1;
	v17 =	vld [tilespmem:s6+$0xFFFFFF90];
	[tilespmem:v63+s15+$0x0] =	vst.idx.msk $0xffff, v19  }
0x1cc: {  	s9 =	sadd.s32 $0x5, s3;
	v27 =	vshrl.u32 v43, $0x3;
	v22 =	vbroadcast v22, $0x0;
	v19 =	vld [tilespmem:s6+$0xFFFFFFA0];
	v44 =	vadd.s32 v3, v18;
	[tilespmem:v35+s15+$0x0] =	vst.idx.msk $0xffff, v34  }
0x1cd: {  	v45 =	vld [tilespmem:s6+$0xFFFFFFB0];
	v52 =	vmov s9;
	v46 =	vshll.u32 v27, v1;
	v18 =	vadd.s32 v4, v18;
	[tilespmem:v31+s15+$0x0] =	vst.idx.msk $0xffff, v37  }
0x1ce: {  	v48 =	vld [tilespmem:s6+$0xFFFFFFC0];
	v27 =	vshrl.u32 v47, $0x3;
	v26 =	vbroadcast v46, $0x0;
	v49 =	vadd.s32 v5, v22;
	[tilespmem:v28+s15+$0x0] =	vst.idx.msk $0xffff, v39  }
0x1cf: {  	v50 =	vld [tilespmem:s6+$0xFFFFFFD0];
	v51 =	vshll.u32 v27, v1;
	v27 =	vshrl.u32 v52, $0x3;
	v22 =	vadd.s32 v6, v22;
	[tilespmem:v41+s15+$0x0] =	vst.idx.msk $0xffff, v40  }
0x1d0: {  	s9 =	sadd.s32 $0x6, s3;
	v25 =	vbroadcast v51, $0x0;
	v55 =	vshll.u32 v27, v1;
	v53 =	vadd.s32 v7, v26;
	[tilespmem:v42+s15+$0x0] =	vst.idx.msk $0xffff, v17;
	v17 =	vld [tilespmem:s6+$0xFFFFFFE0]  }
0x1d1: {  	v56 =	vmov s9;
	v54 =	vadd.s32 v8, v26;
	v26 =	vbroadcast v55, $0x0;
	[tilespmem:v44+s15+$0x0] =	vst.idx.msk $0xffff, v19;
	v19 =	vld [tilespmem:s6+$0xFFFFFFF0]  }
0x1d2: {  	v27 =	vshrl.u32 v56, $0x3;
	v57 =	vadd.s32 v9, v25;
	[tilespmem:v18+s15+$0x0] =	vst.idx.msk $0xffff, v45;
	v18 =	vld [tilespmem:s6+$0x0]  }
0x1d3: {  	v59 =	vld [tilespmem:s6+$0x20];
	v27 =	vshll.u32 v27, v1;
	v60 =	vadd.s32 v11, v26;
	[tilespmem:v49+s15+$0x0] =	vst.idx.msk $0xffff, v48  }
0x1d4: {  	v58 =	vld [tilespmem:s6+$0x10];
	v25 =	vadd.s32 v10, v25;
	v27 =	vbroadcast v27, $0x0;
	[tilespmem:v22+s15+$0x0] =	vst.idx.msk $0xffff, v50  }
0x1d5: {  	v61 =	vadd.s32 v12, v26;
	[tilespmem:v53+s15+$0x0] =	vst.idx.msk $0xffff, v17;
	v17 =	vld [tilespmem:s6+$0x30]  }
0x1d6: {  	v62 =	vadd.s32 v13, v27;
	[tilespmem:v54+s15+$0x0] =	vst.idx.msk $0xffff, v19;
	v19 =	vld [tilespmem:s6+$0x40]  }
0x1d7: {  	v63 =	vadd.s32 v14, v27;
	[tilespmem:v57+s15+$0x0] =	vst.idx.msk $0xffff, v18;
	v18 =	vld [tilespmem:s6+$0x50]  }
0x1d8: {  	[tilespmem:v60+s15+$0x0] =	vst.idx.msk $0xffff, v59  }
0x1d9: {  	[tilespmem:v25+s15+$0x0] =	vst.idx.msk $0xffff, v58  }
0x1da: {  	[tilespmem:v61+s15+$0x0] =	vst.idx.msk $0xffff, v17  }
0x1db: {  	s8 =	simm.s32 $0x9208;
	[tilespmem:v62+s15+$0x0] =	vst.idx.msk $0xffff, v19  }
0x1dc: {  	s3 =	simm.s32 $0x9000;
	s9 =	sadd.s32 $0x0, s22;
	s6 =	simm.s32 $0x200;
	[tilespmem:v63+s15+$0x0] =	vst.idx.msk $0xffff, v18  }
.LBB2_22:
0x1dd: {  	[hbm4b:s9+s2] =	stream.linear.scatter [tilespmem:s3], [sflag:$0x3], $0x200, $0x38;
	[tilespmem:$0x11200] =	vst v63  }
0x1de: {  	s9 =	smov.u32 s6;
	s3 =	smov.u32 s8;
	p0 =	sne.s32 s6, $0x3E00  }
.Ltmp14:
0x1df: {  	s6 =	sadd.s32 $0x200, s6;
	(pc) =	sbr.rel @p0 .LBB2_22-.Ltmp14, $2  }
0x1e0: {  	_ =	sdelay $0x2  }
0x1e1: {  	s8 =	sadd.s32 $0x208, s8;
	s9 =	sadd.s32 s9, s22  }
0x1e2: {  	[hbm4b:s9+s2] =	stream.linear.scatter [tilespmem:s3], [sflag:$0x3], $0x200, $0x38;
	[tilespmem:$0x11200] =	vst v63  }
0x1e3: {  	s9 =	simm.s32 $0xC00  }
0x1e4: {  	[tilespmem:s18], [sflag:$0x1] =	stream.indirect.gather [hbm4b:s5+s17], $0x20, s9, s17, $0xb8;
	[tilespmem:$0x11200] =	vst v63  }
0x1e5: {  	s22 =	simm.s32 $0xC80  }
0x1e6: {  	[tilespmem:s19], [sflag:$0x1] =	stream.indirect.gather [hbm4b:s5+s17], $0x20, s22, s17, $0xb8;
	[tilespmem:$0x11200] =	vst v63  }
0x1e7: {  	s6 =	simm.s32 $0xD00  }
0x1e8: {  	[tilespmem:s21], [sflag:$0x1] =	stream.indirect.gather [hbm4b:s5+s17], $0x20, s6, s17, $0xb8;
	[tilespmem:$0x11200] =	vst v63  }
0x1e9: {  	s8 =	simm.s32 $0xD80  }
0x1ea: {  	[tilespmem:s23], [sflag:$0x1] =	stream.indirect.gather [hbm4b:s5+s17], $0x20, s8, s17, $0xb8;
	[tilespmem:$0x11200] =	vst v63  }
0x1eb: {  	_ =	swait.ge [sflag:s26], $0x1000  }
0x1ec: {  	[sflag:s26] =	ssyncset.done $0x0  }
0x1ed: {  	[sflag:s26] =	ssyncadd.s32 $0xFFFFF000  }
0x1ee: {  	_ =	swait.ge [sflag:s26], $0x1000  }
0x1ef: {  	[sflag:s26] =	ssyncset.done $0x0  }
0x1f0: {  	[sflag:s26] =	ssyncadd.s32 $0xFFFFF000  }
0x1f1: {  	_ =	swait.ge [sflag:s26], $0x1000  }
0x1f2: {  	[sflag:s26] =	ssyncset.done $0x0  }
0x1f3: {  	[sflag:s26] =	ssyncadd.s32 $0xFFFFF000  }
0x1f4: {  	s8 =	simm.s32 $0x7;
	_ =	swait.ge [sflag:s26], $0x1000  }
0x1f5: {  	s9 =	simm.s32 $0x0;
	v17 =	vmov s8;
	[sflag:s26] =	ssyncset.done $0x0  }
0x1f6: {  	v18 =	vmov s9;
	v17 =	vshrl.u32 v17, $0x3;
	[sflag:s26] =	ssyncadd.s32 $0xFFFFF000  }
0x1f7: {  	v18 =	vshrl.u32 v18, $0x3;
	v17 =	vshll.u32 v17, v1;
	_ =	swait.ge [sflag:s31], $0x4000  }
0x1f8: {  	s9 =	simm.s32 $0x1;
	v18 =	vshll.u32 v18, v1;
	v17 =	vbroadcast v17, $0x0;
	[sflag:s31] =	ssyncset.done $0x0  }
0x1f9: {  	v19 =	vmov s9;
	s6 =	simm.s32 $0x50F0;
	v18 =	vbroadcast v18, $0x0;
	s8 =	simm.s32 $0x2;
	[sflag:s31] =	ssyncadd.s32 $0xFFFFC000  }
0x1fa: {  	v19 =	vshrl.u32 v19, $0x3;
	v22 =	vmov s8;
	v21 =	vadd.s32 v15, v17;
	v20 =	vld [tilespmem:s6+$0xFFFFFFF0]  }
0x1fb: {  	v19 =	vshll.u32 v19, v1;
	v25 =	vadd.s32 v0, v18;
	v22 =	vshrl.u32 v22, $0x3;
	v24 =	vld [tilespmem:s6+$0xFFFFFF10]  }
0x1fc: {  	s9 =	simm.s32 $0x3;
	v19 =	vbroadcast v19, $0x0;
	v22 =	vshll.u32 v22, v1;
	v17 =	vadd.s32 v16, v17;
	v23 =	vld [tilespmem:s6+$0x0]  }
0x1fd: {  	v27 =	vmov s9;
	v18 =	vadd.s32 v2, v18;
	v22 =	vbroadcast v22, $0x0;
	v26 =	vld [tilespmem:s6+$0xFFFFFF20]  }
0x1fe: {  	v27 =	vshrl.u32 v27, $0x3;
	v29 =	vadd.s32 v3, v19;
	v31 =	vadd.s32 v4, v19;
	s8 =	simm.s32 $0x4;
	v28 =	vld [tilespmem:s6+$0xFFFFFF30]  }
0x1ff: {  	v19 =	vshll.u32 v27, v1;
	v27 =	vmov s8;
	v33 =	vadd.s32 v5, v22;
	v32 =	vld [tilespmem:s6+$0xFFFFFF50];
	[tilespmem:v21+s29+$0x0] =	vst.idx.msk $0xffff, v20  }
0x200: {  	s9 =	simm.s32 $0x5;
	v34 =	vbroadcast v19, $0x0;
	v19 =	vshrl.u32 v27, $0x3;
	v30 =	vld [tilespmem:s6+$0xFFFFFF40];
	[tilespmem:v25+s29+$0x0] =	vst.idx.msk $0xffff, v24  }
0x201: {  	v19 =	vshll.u32 v19, v1;
	v20 =	vld [tilespmem:s6+$0xFFFFFF60];
	v25 =	vadd.s32 v6, v22;
	v22 =	vmov s9;
	[tilespmem:v17+s29+$0x0] =	vst.idx.msk $0xffff, v23  }
0x202: {  	s8 =	simm.s32 $0x6;
	v35 =	vbroadcast v19, $0x0;
	v21 =	vadd.s32 v7, v34;
	[tilespmem:v18+s29+$0x0] =	vst.idx.msk $0xffff, v26;
	v17 =	vld [tilespmem:s6+$0xFFFFFF70];
	v18 =	vshrl.u32 v22, $0x3  }
0x203: {  	v19 =	vld [tilespmem:s6+$0xFFFFFF80];
	[tilespmem:v29+s29+$0x0] =	vst.idx.msk $0xffff, v28;
	v23 =	vadd.s32 v8, v34;
	v22 =	vmov s8;
	v18 =	vshll.u32 v18, v1  }
0x204: {  	s9 =	simm.s32 $0xF;
	v24 =	vld [tilespmem:s6+$0xFFFFFF90];
	[tilespmem:v33+s29+$0x0] =	vst.idx.msk $0xffff, v32;
	v26 =	vadd.s32 v9, v35;
	v29 =	vshrl.u32 v22, $0x3;
	v27 =	vbroadcast v18, $0x0  }
0x205: {  	s3 =	simm.s32 $0x8;
	s22 =	sadd.s32 s20, s12;
	[tilespmem:v31+s29+$0x0] =	vst.idx.msk $0xffff, v30;
	v28 =	vmov s9;
	s8 =	simm.s32 $0x10;
	v22 =	vadd.s32 v10, v35;
	v18 =	vld [tilespmem:s6+$0xFFFFFFA0];
	v29 =	vshll.u32 v29, v1  }
.LBB2_24:
0x206: {  	p0 =	slt.u32 s8, $0x1F8;
	v28 =	vshrl.u32 v28, $0x3;
	[tilespmem:v25+s29+$0x0] =	vst.idx.msk $0xffff, v20;
	v20 =	vld [tilespmem:s6+$0xFFFFFFB0];
	v25 =	vadd.s32 v11, v27;
	v29 =	vbroadcast v29, $0x0  }
0x207: {  	v30 =	vmov s3;
	v28 =	vshll.u32 v28, v1;
	[tilespmem:v21+s29+$0x0] =	vst.idx.msk $0xffff, v17;
	v17 =	vld [tilespmem:s6+$0xFFFFFFC0];
	v21 =	vadd.s32 v12, v27  }
0x208: {  	s9 =	sadd.s32 $0x1, s3;
	v27 =	vshrl.u32 v30, $0x3;
	v28 =	vbroadcast v28, $0x0;
	[tilespmem:v23+s29+$0x0] =	vst.idx.msk $0xffff, v19;
	v19 =	vld [tilespmem:s6+$0xFFFFFFD0];
	v23 =	vadd.s32 v13, v29  }
0x209: {  	v30 =	vmov s9;
	v27 =	vshll.u32 v27, v1;
	[tilespmem:v26+s29+$0x0] =	vst.idx.msk $0xffff, v24;
	v24 =	vld [tilespmem:s6+$0xFFFFFFE0];
	v26 =	vadd.s32 v14, v29;
	s6 =	sadd.s32 $0x100, s6  }
0x20a: {  	s9 =	sadd.s32 $0x2, s3;
	v27 =	vbroadcast v27, $0x0;
	v29 =	vshrl.u32 v30, $0x3;
	v30 =	vld [tilespmem:s6+$0xFFFFFFF0];
	v31 =	vadd.s32 v15, v28;
	[tilespmem:v22+s29+$0x0] =	vst.idx.msk $0xffff, v18  }
0x20b: {  	v18 =	vshll.u32 v29, v1;
	v22 =	vmov s9;
	v28 =	vadd.s32 v16, v28;
	v29 =	vld [tilespmem:s6+$0x0];
	[tilespmem:v25+s29+$0x0] =	vst.idx.msk $0xffff, v20  }
0x20c: {  	s9 =	sadd.s32 $0x3, s3;
	v25 =	vadd.s32 v0, v27;
	v18 =	vbroadcast v18, $0x0;
	v22 =	vshrl.u32 v22, $0x3;
	v20 =	vld [tilespmem:s6+$0xFFFFFF10];
	[tilespmem:v21+s29+$0x0] =	vst.idx.msk $0xffff, v17  }
0x20d: {  	v21 =	vadd.s32 v2, v27;
	v22 =	vshll.u32 v22, v1;
	v27 =	vmov s9;
	v17 =	vld [tilespmem:s6+$0xFFFFFF20];
	[tilespmem:v23+s29+$0x0] =	vst.idx.msk $0xffff, v19  }
0x20e: {  	s9 =	sadd.s32 $0x4, s3;
	v23 =	vadd.s32 v3, v18;
	v22 =	vbroadcast v22, $0x0;
	v27 =	vshrl.u32 v27, $0x3;
	v19 =	vld [tilespmem:s6+$0xFFFFFF30];
	[tilespmem:v26+s29+$0x0] =	vst.idx.msk $0xffff, v24  }
0x20f: {  	v18 =	vadd.s32 v4, v18;
	v26 =	vshll.u32 v27, v1;
	v27 =	vmov s9;
	v24 =	vld [tilespmem:s6+$0xFFFFFF40];
	[tilespmem:v31+s29+$0x0] =	vst.idx.msk $0xffff, v30  }
0x210: {  	s9 =	sadd.s32 $0x5, s3;
	v31 =	vadd.s32 v5, v22;
	v26 =	vbroadcast v26, $0x0;
	v27 =	vshrl.u32 v27, $0x3;
	v30 =	vld [tilespmem:s6+$0xFFFFFF50];
	[tilespmem:v28+s29+$0x0] =	vst.idx.msk $0xffff, v29  }
.Ltmp15:
0x211: {  	[tilespmem:v25+s29+$0x0] =	vst.idx.msk $0xffff, v20;
	v20 =	vld [tilespmem:s6+$0xFFFFFF60];
	v25 =	vadd.s32 v6, v22;
	v22 =	vshll.u32 v27, v1;
	v27 =	vmov s9;
	(pc) =	sbr.rel @p0 .LBB2_24-.Ltmp15, $4  }
0x212: {  	s9 =	sadd.s32 $0x6, s3;
	s3 =	smov.u32 s8;
	[tilespmem:v21+s29+$0x0] =	vst.idx.msk $0xffff, v17;
	v17 =	vld [tilespmem:s6+$0xFFFFFF70];
	v21 =	vadd.s32 v7, v26;
	v22 =	vbroadcast v22, $0x0;
	v27 =	vshrl.u32 v27, $0x3  }
0x213: {  	v28 =	vmov s9;
	[tilespmem:v23+s29+$0x0] =	vst.idx.msk $0xffff, v19;
	v19 =	vld [tilespmem:s6+$0xFFFFFF80];
	v23 =	vadd.s32 v8, v26;
	v27 =	vshll.u32 v27, v1  }
0x214: {  	s9 =	sadd.s32 $0x7, s8;
	v29 =	vshrl.u32 v28, $0x3;
	[tilespmem:v18+s29+$0x0] =	vst.idx.msk $0xffff, v24;
	v24 =	vld [tilespmem:s6+$0xFFFFFF90];
	v26 =	vadd.s32 v9, v22;
	v27 =	vbroadcast v27, $0x0  }
0x215: {  	s8 =	sadd.s32 $0x8, s8;
	v28 =	vmov s9;
	v22 =	vadd.s32 v10, v22;
	v29 =	vshll.u32 v29, v1;
	[tilespmem:v31+s29+$0x0] =	vst.idx.msk $0xffff, v30;
	v18 =	vld [tilespmem:s6+$0xFFFFFFA0]  }
0x216: {  	_ =	sdelay $0x2  }
0x217: {  	v28 =	vshrl.u32 v28, $0x3  }
0x218: {  	[tilespmem:v25+s29+$0x0] =	vst.idx.msk $0xffff, v20;
	v59 =	vld [tilespmem:s6+$0xFFFFFFB0];
	v60 =	vadd.s32 v11, v27;
	v29 =	vbroadcast v29, $0x0;
	v30 =	vmov s3  }
0x219: {  	v61 =	vadd.s32 v12, v27;
	s8 =	sadd.s32 $0x1, s3;
	v28 =	vshll.u32 v28, v1;
	[tilespmem:v21+s29+$0x0] =	vst.idx.msk $0xffff, v17;
	v17 =	vld [tilespmem:s6+$0xFFFFFFC0];
	v62 =	vshrl.u32 v30, $0x3  }
0x21a: {  	s9 =	sadd.s32 $0x2, s3;
	v33 =	vmov s8;
	v28 =	vbroadcast v28, $0x0;
	[tilespmem:v23+s29+$0x0] =	vst.idx.msk $0xffff, v19;
	v19 =	vld [tilespmem:s6+$0xFFFFFFD0];
	v63 =	vadd.s32 v13, v29  }
0x21b: {  	v34 =	vld [tilespmem:s6+$0xFFFFFFE0];
	v38 =	vmov s9;
	v27 =	vshll.u32 v62, v1;
	v35 =	vadd.s32 v14, v29;
	s6 =	sadd.s32 $0x100, s6;
	[tilespmem:v26+s29+$0x0] =	vst.idx.msk $0xffff, v24  }
0x21c: {  	s9 =	sadd.s32 $0x3, s3;
	v36 =	vshrl.u32 v33, $0x3;
	v27 =	vbroadcast v27, $0x0;
	v37 =	vld [tilespmem:s6+$0xFFFFFFF0];
	v31 =	vadd.s32 v15, v28;
	[tilespmem:v22+s29+$0x0] =	vst.idx.msk $0xffff, v18  }
0x21d: {  	v43 =	vmov s9;
	v39 =	vld [tilespmem:s6+$0x0];
	v18 =	vshll.u32 v36, v1;
	v28 =	vadd.s32 v16, v28;
	[tilespmem:v60+s29+$0x0] =	vst.idx.msk $0xffff, v59  }
0x21e: {  	s9 =	sadd.s32 $0x4, s3;
	v40 =	vld [tilespmem:s6+$0xFFFFFF10];
	v22 =	vshrl.u32 v38, $0x3;
	v41 =	vadd.s32 v0, v27;
	v18 =	vbroadcast v18, $0x0;
	[tilespmem:v61+s29+$0x0] =	vst.idx.msk $0xffff, v17  }
0x21f: {  	v47 =	vmov s9;
	v42 =	vadd.s32 v2, v27;
	v22 =	vshll.u32 v22, v1;
	v17 =	vld [tilespmem:s6+$0xFFFFFF20];
	[tilespmem:v63+s29+$0x0] =	vst.idx.msk $0xffff, v19  }
0x220: {  	s9 =	sadd.s32 $0x5, s3;
	v27 =	vshrl.u32 v43, $0x3;
	v22 =	vbroadcast v22, $0x0;
	v19 =	vld [tilespmem:s6+$0xFFFFFF30];
	v44 =	vadd.s32 v3, v18;
	[tilespmem:v35+s29+$0x0] =	vst.idx.msk $0xffff, v34  }
0x221: {  	v45 =	vld [tilespmem:s6+$0xFFFFFF40];
	v52 =	vmov s9;
	v46 =	vshll.u32 v27, v1;
	v18 =	vadd.s32 v4, v18;
	[tilespmem:v31+s29+$0x0] =	vst.idx.msk $0xffff, v37  }
0x222: {  	v48 =	vld [tilespmem:s6+$0xFFFFFF50];
	v27 =	vshrl.u32 v47, $0x3;
	v26 =	vbroadcast v46, $0x0;
	v49 =	vadd.s32 v5, v22;
	[tilespmem:v28+s29+$0x0] =	vst.idx.msk $0xffff, v39  }
0x223: {  	v50 =	vld [tilespmem:s6+$0xFFFFFF60];
	v51 =	vshll.u32 v27, v1;
	v27 =	vshrl.u32 v52, $0x3;
	v22 =	vadd.s32 v6, v22;
	[tilespmem:v41+s29+$0x0] =	vst.idx.msk $0xffff, v40  }
0x224: {  	s9 =	sadd.s32 $0x6, s3;
	v25 =	vbroadcast v51, $0x0;
	v55 =	vshll.u32 v27, v1;
	v53 =	vadd.s32 v7, v26;
	[tilespmem:v42+s29+$0x0] =	vst.idx.msk $0xffff, v17;
	v17 =	vld [tilespmem:s6+$0xFFFFFF70]  }
0x225: {  	v56 =	vmov s9;
	v54 =	vadd.s32 v8, v26;
	v26 =	vbroadcast v55, $0x0;
	[tilespmem:v44+s29+$0x0] =	vst.idx.msk $0xffff, v19;
	v19 =	vld [tilespmem:s6+$0xFFFFFF80]  }
0x226: {  	v27 =	vshrl.u32 v56, $0x3;
	v57 =	vadd.s32 v9, v25;
	[tilespmem:v18+s29+$0x0] =	vst.idx.msk $0xffff, v45;
	v18 =	vld [tilespmem:s6+$0xFFFFFF90]  }
0x227: {  	v59 =	vld [tilespmem:s6+$0xFFFFFFB0];
	v27 =	vshll.u32 v27, v1;
	v60 =	vadd.s32 v11, v26;
	[tilespmem:v49+s29+$0x0] =	vst.idx.msk $0xffff, v48  }
0x228: {  	v58 =	vld [tilespmem:s6+$0xFFFFFFA0];
	v25 =	vadd.s32 v10, v25;
	v27 =	vbroadcast v27, $0x0;
	[tilespmem:v22+s29+$0x0] =	vst.idx.msk $0xffff, v50  }
0x229: {  	v61 =	vadd.s32 v12, v26;
	[tilespmem:v53+s29+$0x0] =	vst.idx.msk $0xffff, v17;
	v17 =	vld [tilespmem:s6+$0xFFFFFFC0]  }
0x22a: {  	v62 =	vadd.s32 v13, v27;
	[tilespmem:v54+s29+$0x0] =	vst.idx.msk $0xffff, v19;
	v19 =	vld [tilespmem:s6+$0xFFFFFFD0]  }
0x22b: {  	v63 =	vadd.s32 v14, v27;
	[tilespmem:v57+s29+$0x0] =	vst.idx.msk $0xffff, v18;
	v18 =	vld [tilespmem:s6+$0xFFFFFFE0]  }
0x22c: {  	[tilespmem:v60+s29+$0x0] =	vst.idx.msk $0xffff, v59  }
0x22d: {  	[tilespmem:v25+s29+$0x0] =	vst.idx.msk $0xffff, v58  }
0x22e: {  	[tilespmem:v61+s29+$0x0] =	vst.idx.msk $0xffff, v17  }
0x22f: {  	s8 =	simm.s32 $0xD308;
	[tilespmem:v62+s29+$0x0] =	vst.idx.msk $0xffff, v19  }
0x230: {  	s3 =	simm.s32 $0xD100;
	s9 =	sadd.s32 $0x0, s22;
	s6 =	simm.s32 $0x200;
	[tilespmem:v63+s29+$0x0] =	vst.idx.msk $0xffff, v18  }
.LBB2_26:
0x231: {  	[hbm4b:s9+s2] =	stream.linear.scatter [tilespmem:s3], [sflag:$0x4], $0x200, $0x38;
	[tilespmem:$0x11200] =	vst v63  }
0x232: {  	s9 =	smov.u32 s6;
	s3 =	smov.u32 s8;
	p0 =	sne.s32 s6, $0x3E00  }
.Ltmp16:
0x233: {  	s6 =	sadd.s32 $0x200, s6;
	(pc) =	sbr.rel @p0 .LBB2_26-.Ltmp16, $2  }
0x234: {  	_ =	sdelay $0x2  }
0x235: {  	s8 =	sadd.s32 $0x208, s8;
	s9 =	sadd.s32 s9, s22  }
0x236: {  	[hbm4b:s9+s2] =	stream.linear.scatter [tilespmem:s3], [sflag:$0x4], $0x200, $0x38;
	[tilespmem:$0x11200] =	vst v63  }
0x237: {  	s9 =	simm.s32 $0xE00  }
0x238: {  	[tilespmem:s25], [sflag:$0x2] =	stream.indirect.gather [hbm4b:s5+s17], $0x20, s9, s17, $0xb8;
	[tilespmem:$0x11200] =	vst v63  }
0x239: {  	s22 =	simm.s32 $0xE80  }
0x23a: {  	[tilespmem:s28], [sflag:$0x2] =	stream.indirect.gather [hbm4b:s5+s17], $0x20, s22, s17, $0xb8;
	[tilespmem:$0x11200] =	vst v63  }
0x23b: {  	s6 =	simm.s32 $0xF00  }
0x23c: {  	[tilespmem:s30], [sflag:$0x2] =	stream.indirect.gather [hbm4b:s5+s17], $0x20, s6, s17, $0xb8;
	[tilespmem:$0x11200] =	vst v63  }
0x23d: {  	s8 =	simm.s32 $0xF80  }
0x23e: {  	[tilespmem:s0], [sflag:$0x2] =	stream.indirect.gather [hbm4b:s5+s17], $0x20, s8, s17, $0xb8;
	[tilespmem:$0x11200] =	vst v63  }
0x23f: {  	_ =	swait.ge [sflag:s4], $0x1000  }
0x240: {  	[sflag:s4] =	ssyncset.done $0x0  }
0x241: {  	[sflag:s4] =	ssyncadd.s32 $0xFFFFF000  }
0x242: {  	_ =	swait.ge [sflag:s4], $0x1000  }
0x243: {  	[sflag:s4] =	ssyncset.done $0x0  }
0x244: {  	[sflag:s4] =	ssyncadd.s32 $0xFFFFF000  }
0x245: {  	_ =	swait.ge [sflag:s4], $0x1000  }
0x246: {  	[sflag:s4] =	ssyncset.done $0x0  }
0x247: {  	[sflag:s4] =	ssyncadd.s32 $0xFFFFF000  }
0x248: {  	s8 =	simm.s32 $0x7;
	_ =	swait.ge [sflag:s4], $0x1000  }
0x249: {  	s9 =	simm.s32 $0x0;
	v17 =	vmov s8;
	[sflag:s4] =	ssyncset.done $0x0  }
0x24a: {  	v18 =	vmov s9;
	v17 =	vshrl.u32 v17, $0x3;
	[sflag:s4] =	ssyncadd.s32 $0xFFFFF000  }
0x24b: {  	v18 =	vshrl.u32 v18, $0x3;
	v17 =	vshll.u32 v17, v1;
	_ =	swait.ge [sflag:s24], $0x4000  }
0x24c: {  	s9 =	simm.s32 $0x1;
	v18 =	vshll.u32 v18, v1;
	v17 =	vbroadcast v17, $0x0;
	[sflag:s24] =	ssyncset.done $0x0  }
0x24d: {  	v19 =	vmov s9;
	s6 =	simm.s32 $0x1080;
	v18 =	vbroadcast v18, $0x0;
	s8 =	simm.s32 $0x2;
	[sflag:s24] =	ssyncadd.s32 $0xFFFFC000  }
0x24e: {  	v19 =	vshrl.u32 v19, $0x3;
	v22 =	vmov s8;
	v21 =	vadd.s32 v15, v17;
	v20 =	vld [tilespmem:s6+$0x60]  }
0x24f: {  	v19 =	vshll.u32 v19, v1;
	v25 =	vadd.s32 v0, v18;
	v22 =	vshrl.u32 v22, $0x3;
	v24 =	vld [tilespmem:s6+$0xFFFFFF80]  }
0x250: {  	s9 =	simm.s32 $0x3;
	v19 =	vbroadcast v19, $0x0;
	v22 =	vshll.u32 v22, v1;
	v17 =	vadd.s32 v16, v17;
	v23 =	vld [tilespmem:s6+$0x70]  }
0x251: {  	v27 =	vmov s9;
	v18 =	vadd.s32 v2, v18;
	v22 =	vbroadcast v22, $0x0;
	v26 =	vld [tilespmem:s6+$0xFFFFFF90]  }
0x252: {  	v27 =	vshrl.u32 v27, $0x3;
	v29 =	vadd.s32 v3, v19;
	v31 =	vadd.s32 v4, v19;
	s8 =	simm.s32 $0x4;
	v28 =	vld [tilespmem:s6+$0xFFFFFFA0]  }
0x253: {  	v19 =	vshll.u32 v27, v1;
	v27 =	vmov s8;
	v33 =	vadd.s32 v5, v22;
	v32 =	vld [tilespmem:s6+$0xFFFFFFC0];
	[tilespmem:v21+s15+$0x0] =	vst.idx.msk $0xffff, v20  }
0x254: {  	s9 =	simm.s32 $0x5;
	v34 =	vbroadcast v19, $0x0;
	v19 =	vshrl.u32 v27, $0x3;
	v30 =	vld [tilespmem:s6+$0xFFFFFFB0];
	[tilespmem:v25+s15+$0x0] =	vst.idx.msk $0xffff, v24  }
0x255: {  	v19 =	vshll.u32 v19, v1;
	v20 =	vld [tilespmem:s6+$0xFFFFFFD0];
	v25 =	vadd.s32 v6, v22;
	v22 =	vmov s9;
	[tilespmem:v17+s15+$0x0] =	vst.idx.msk $0xffff, v23  }
0x256: {  	s8 =	simm.s32 $0x6;
	v35 =	vbroadcast v19, $0x0;
	v21 =	vadd.s32 v7, v34;
	[tilespmem:v18+s15+$0x0] =	vst.idx.msk $0xffff, v26;
	v17 =	vld [tilespmem:s6+$0xFFFFFFE0];
	v18 =	vshrl.u32 v22, $0x3  }
0x257: {  	v19 =	vld [tilespmem:s6+$0xFFFFFFF0];
	[tilespmem:v29+s15+$0x0] =	vst.idx.msk $0xffff, v28;
	v23 =	vadd.s32 v8, v34;
	v22 =	vmov s8;
	v18 =	vshll.u32 v18, v1  }
0x258: {  	s9 =	simm.s32 $0xF;
	v24 =	vld [tilespmem:s6+$0x0];
	[tilespmem:v33+s15+$0x0] =	vst.idx.msk $0xffff, v32;
	v26 =	vadd.s32 v9, v35;
	v29 =	vshrl.u32 v22, $0x3;
	v27 =	vbroadcast v18, $0x0  }
0x259: {  	s3 =	simm.s32 $0x8;
	s22 =	sadd.s32 s20, s13;
	[tilespmem:v31+s15+$0x0] =	vst.idx.msk $0xffff, v30;
	v28 =	vmov s9;
	s8 =	simm.s32 $0x10;
	v22 =	vadd.s32 v10, v35;
	v18 =	vld [tilespmem:s6+$0x10];
	v29 =	vshll.u32 v29, v1  }
.LBB2_28:
0x25a: {  	p0 =	slt.u32 s8, $0x1F8;
	v28 =	vshrl.u32 v28, $0x3;
	[tilespmem:v25+s15+$0x0] =	vst.idx.msk $0xffff, v20;
	v20 =	vld [tilespmem:s6+$0x20];
	v25 =	vadd.s32 v11, v27;
	v29 =	vbroadcast v29, $0x0  }
0x25b: {  	v30 =	vmov s3;
	v28 =	vshll.u32 v28, v1;
	[tilespmem:v21+s15+$0x0] =	vst.idx.msk $0xffff, v17;
	v17 =	vld [tilespmem:s6+$0x30];
	v21 =	vadd.s32 v12, v27  }
0x25c: {  	s9 =	sadd.s32 $0x1, s3;
	v27 =	vshrl.u32 v30, $0x3;
	v28 =	vbroadcast v28, $0x0;
	[tilespmem:v23+s15+$0x0] =	vst.idx.msk $0xffff, v19;
	v19 =	vld [tilespmem:s6+$0x40];
	v23 =	vadd.s32 v13, v29  }
0x25d: {  	v30 =	vmov s9;
	v27 =	vshll.u32 v27, v1;
	[tilespmem:v26+s15+$0x0] =	vst.idx.msk $0xffff, v24;
	v24 =	vld [tilespmem:s6+$0x50];
	v26 =	vadd.s32 v14, v29;
	s6 =	sadd.s32 $0x100, s6  }
0x25e: {  	s9 =	sadd.s32 $0x2, s3;
	v27 =	vbroadcast v27, $0x0;
	v29 =	vshrl.u32 v30, $0x3;
	v30 =	vld [tilespmem:s6+$0x60];
	v31 =	vadd.s32 v15, v28;
	[tilespmem:v22+s15+$0x0] =	vst.idx.msk $0xffff, v18  }
0x25f: {  	v18 =	vshll.u32 v29, v1;
	v22 =	vmov s9;
	v28 =	vadd.s32 v16, v28;
	v29 =	vld [tilespmem:s6+$0x70];
	[tilespmem:v25+s15+$0x0] =	vst.idx.msk $0xffff, v20  }
0x260: {  	s9 =	sadd.s32 $0x3, s3;
	v25 =	vadd.s32 v0, v27;
	v18 =	vbroadcast v18, $0x0;
	v22 =	vshrl.u32 v22, $0x3;
	v20 =	vld [tilespmem:s6+$0xFFFFFF80];
	[tilespmem:v21+s15+$0x0] =	vst.idx.msk $0xffff, v17  }
0x261: {  	v21 =	vadd.s32 v2, v27;
	v22 =	vshll.u32 v22, v1;
	v27 =	vmov s9;
	v17 =	vld [tilespmem:s6+$0xFFFFFF90];
	[tilespmem:v23+s15+$0x0] =	vst.idx.msk $0xffff, v19  }
0x262: {  	s9 =	sadd.s32 $0x4, s3;
	v23 =	vadd.s32 v3, v18;
	v22 =	vbroadcast v22, $0x0;
	v27 =	vshrl.u32 v27, $0x3;
	v19 =	vld [tilespmem:s6+$0xFFFFFFA0];
	[tilespmem:v26+s15+$0x0] =	vst.idx.msk $0xffff, v24  }
0x263: {  	v18 =	vadd.s32 v4, v18;
	v26 =	vshll.u32 v27, v1;
	v27 =	vmov s9;
	v24 =	vld [tilespmem:s6+$0xFFFFFFB0];
	[tilespmem:v31+s15+$0x0] =	vst.idx.msk $0xffff, v30  }
0x264: {  	s9 =	sadd.s32 $0x5, s3;
	v31 =	vadd.s32 v5, v22;
	v26 =	vbroadcast v26, $0x0;
	v27 =	vshrl.u32 v27, $0x3;
	v30 =	vld [tilespmem:s6+$0xFFFFFFC0];
	[tilespmem:v28+s15+$0x0] =	vst.idx.msk $0xffff, v29  }
.Ltmp17:
0x265: {  	[tilespmem:v25+s15+$0x0] =	vst.idx.msk $0xffff, v20;
	v20 =	vld [tilespmem:s6+$0xFFFFFFD0];
	v25 =	vadd.s32 v6, v22;
	v22 =	vshll.u32 v27, v1;
	v27 =	vmov s9;
	(pc) =	sbr.rel @p0 .LBB2_28-.Ltmp17, $4  }
0x266: {  	s9 =	sadd.s32 $0x6, s3;
	s3 =	smov.u32 s8;
	[tilespmem:v21+s15+$0x0] =	vst.idx.msk $0xffff, v17;
	v17 =	vld [tilespmem:s6+$0xFFFFFFE0];
	v21 =	vadd.s32 v7, v26;
	v22 =	vbroadcast v22, $0x0;
	v27 =	vshrl.u32 v27, $0x3  }
0x267: {  	v28 =	vmov s9;
	[tilespmem:v23+s15+$0x0] =	vst.idx.msk $0xffff, v19;
	v19 =	vld [tilespmem:s6+$0xFFFFFFF0];
	v23 =	vadd.s32 v8, v26;
	v27 =	vshll.u32 v27, v1  }
0x268: {  	s9 =	sadd.s32 $0x7, s8;
	v29 =	vshrl.u32 v28, $0x3;
	[tilespmem:v18+s15+$0x0] =	vst.idx.msk $0xffff, v24;
	v24 =	vld [tilespmem:s6+$0x0];
	v26 =	vadd.s32 v9, v22;
	v27 =	vbroadcast v27, $0x0  }
0x269: {  	s8 =	sadd.s32 $0x8, s8;
	v28 =	vmov s9;
	v22 =	vadd.s32 v10, v22;
	v29 =	vshll.u32 v29, v1;
	[tilespmem:v31+s15+$0x0] =	vst.idx.msk $0xffff, v30;
	v18 =	vld [tilespmem:s6+$0x10]  }
0x26a: {  	_ =	sdelay $0x2  }
0x26b: {  	v28 =	vshrl.u32 v28, $0x3  }
0x26c: {  	[tilespmem:v25+s15+$0x0] =	vst.idx.msk $0xffff, v20;
	v59 =	vld [tilespmem:s6+$0x20];
	v60 =	vadd.s32 v11, v27;
	v29 =	vbroadcast v29, $0x0;
	v30 =	vmov s3  }
0x26d: {  	v61 =	vadd.s32 v12, v27;
	s8 =	sadd.s32 $0x1, s3;
	v28 =	vshll.u32 v28, v1;
	[tilespmem:v21+s15+$0x0] =	vst.idx.msk $0xffff, v17;
	v17 =	vld [tilespmem:s6+$0x30];
	v62 =	vshrl.u32 v30, $0x3  }
0x26e: {  	s9 =	sadd.s32 $0x2, s3;
	v33 =	vmov s8;
	v28 =	vbroadcast v28, $0x0;
	[tilespmem:v23+s15+$0x0] =	vst.idx.msk $0xffff, v19;
	v19 =	vld [tilespmem:s6+$0x40];
	v63 =	vadd.s32 v13, v29  }
0x26f: {  	v34 =	vld [tilespmem:s6+$0x50];
	v38 =	vmov s9;
	v27 =	vshll.u32 v62, v1;
	v35 =	vadd.s32 v14, v29;
	s6 =	sadd.s32 $0x100, s6;
	[tilespmem:v26+s15+$0x0] =	vst.idx.msk $0xffff, v24  }
0x270: {  	s9 =	sadd.s32 $0x3, s3;
	v36 =	vshrl.u32 v33, $0x3;
	v27 =	vbroadcast v27, $0x0;
	v37 =	vld [tilespmem:s6+$0x60];
	v31 =	vadd.s32 v15, v28;
	[tilespmem:v22+s15+$0x0] =	vst.idx.msk $0xffff, v18  }
0x271: {  	v43 =	vmov s9;
	v39 =	vld [tilespmem:s6+$0x70];
	v18 =	vshll.u32 v36, v1;
	v28 =	vadd.s32 v16, v28;
	[tilespmem:v60+s15+$0x0] =	vst.idx.msk $0xffff, v59  }
0x272: {  	s9 =	sadd.s32 $0x4, s3;
	v40 =	vld [tilespmem:s6+$0xFFFFFF80];
	v22 =	vshrl.u32 v38, $0x3;
	v41 =	vadd.s32 v0, v27;
	v18 =	vbroadcast v18, $0x0;
	[tilespmem:v61+s15+$0x0] =	vst.idx.msk $0xffff, v17  }
0x273: {  	v47 =	vmov s9;
	v42 =	vadd.s32 v2, v27;
	v22 =	vshll.u32 v22, v1;
	v17 =	vld [tilespmem:s6+$0xFFFFFF90];
	[tilespmem:v63+s15+$0x0] =	vst.idx.msk $0xffff, v19  }
0x274: {  	s9 =	sadd.s32 $0x5, s3;
	v27 =	vshrl.u32 v43, $0x3;
	v22 =	vbroadcast v22, $0x0;
	v19 =	vld [tilespmem:s6+$0xFFFFFFA0];
	v44 =	vadd.s32 v3, v18;
	[tilespmem:v35+s15+$0x0] =	vst.idx.msk $0xffff, v34  }
0x275: {  	v45 =	vld [tilespmem:s6+$0xFFFFFFB0];
	v52 =	vmov s9;
	v46 =	vshll.u32 v27, v1;
	v18 =	vadd.s32 v4, v18;
	[tilespmem:v31+s15+$0x0] =	vst.idx.msk $0xffff, v37  }
0x276: {  	v48 =	vld [tilespmem:s6+$0xFFFFFFC0];
	v27 =	vshrl.u32 v47, $0x3;
	v26 =	vbroadcast v46, $0x0;
	v49 =	vadd.s32 v5, v22;
	[tilespmem:v28+s15+$0x0] =	vst.idx.msk $0xffff, v39  }
0x277: {  	v50 =	vld [tilespmem:s6+$0xFFFFFFD0];
	v51 =	vshll.u32 v27, v1;
	v27 =	vshrl.u32 v52, $0x3;
	v22 =	vadd.s32 v6, v22;
	[tilespmem:v41+s15+$0x0] =	vst.idx.msk $0xffff, v40  }
0x278: {  	s9 =	sadd.s32 $0x6, s3;
	v25 =	vbroadcast v51, $0x0;
	v55 =	vshll.u32 v27, v1;
	v53 =	vadd.s32 v7, v26;
	[tilespmem:v42+s15+$0x0] =	vst.idx.msk $0xffff, v17;
	v17 =	vld [tilespmem:s6+$0xFFFFFFE0]  }
0x279: {  	v56 =	vmov s9;
	v54 =	vadd.s32 v8, v26;
	v26 =	vbroadcast v55, $0x0;
	[tilespmem:v44+s15+$0x0] =	vst.idx.msk $0xffff, v19;
	v19 =	vld [tilespmem:s6+$0xFFFFFFF0]  }
0x27a: {  	v27 =	vshrl.u32 v56, $0x3;
	v57 =	vadd.s32 v9, v25;
	[tilespmem:v18+s15+$0x0] =	vst.idx.msk $0xffff, v45;
	v18 =	vld [tilespmem:s6+$0x0]  }
0x27b: {  	v59 =	vld [tilespmem:s6+$0x20];
	v27 =	vshll.u32 v27, v1;
	v60 =	vadd.s32 v11, v26;
	[tilespmem:v49+s15+$0x0] =	vst.idx.msk $0xffff, v48  }
0x27c: {  	v58 =	vld [tilespmem:s6+$0x10];
	v25 =	vadd.s32 v10, v25;
	v27 =	vbroadcast v27, $0x0;
	[tilespmem:v22+s15+$0x0] =	vst.idx.msk $0xffff, v50  }
0x27d: {  	v61 =	vadd.s32 v12, v26;
	[tilespmem:v53+s15+$0x0] =	vst.idx.msk $0xffff, v17;
	v17 =	vld [tilespmem:s6+$0x30]  }
0x27e: {  	v62 =	vadd.s32 v13, v27;
	[tilespmem:v54+s15+$0x0] =	vst.idx.msk $0xffff, v19;
	v19 =	vld [tilespmem:s6+$0x40]  }
0x27f: {  	v63 =	vadd.s32 v14, v27;
	[tilespmem:v57+s15+$0x0] =	vst.idx.msk $0xffff, v18;
	v18 =	vld [tilespmem:s6+$0x50]  }
0x280: {  	[tilespmem:v60+s15+$0x0] =	vst.idx.msk $0xffff, v59  }
0x281: {  	[tilespmem:v25+s15+$0x0] =	vst.idx.msk $0xffff, v58  }
0x282: {  	[tilespmem:v61+s15+$0x0] =	vst.idx.msk $0xffff, v17  }
0x283: {  	s8 =	simm.s32 $0x9208;
	[tilespmem:v62+s15+$0x0] =	vst.idx.msk $0xffff, v19  }
0x284: {  	s3 =	simm.s32 $0x9000;
	s9 =	sadd.s32 $0x0, s22;
	s6 =	simm.s32 $0x200;
	[tilespmem:v63+s15+$0x0] =	vst.idx.msk $0xffff, v18  }
.LBB2_30:
0x285: {  	[hbm4b:s9+s2] =	stream.linear.scatter [tilespmem:s3], [sflag:$0x3], $0x200, $0x38;
	[tilespmem:$0x11200] =	vst v63  }
0x286: {  	s9 =	smov.u32 s6;
	s3 =	smov.u32 s8;
	p0 =	sne.s32 s6, $0x3E00  }
.Ltmp18:
0x287: {  	s6 =	sadd.s32 $0x200, s6;
	(pc) =	sbr.rel @p0 .LBB2_30-.Ltmp18, $2  }
0x288: {  	_ =	sdelay $0x2  }
0x289: {  	s8 =	sadd.s32 $0x208, s8;
	s9 =	sadd.s32 s9, s22  }
0x28a: {  	[hbm4b:s9+s2] =	stream.linear.scatter [tilespmem:s3], [sflag:$0x3], $0x200, $0x38;
	[tilespmem:$0x11200] =	vst v63  }
0x28b: {  	_ =	swait.ge [sflag:s26], $0x1000  }
0x28c: {  	[sflag:s26] =	ssyncset.done $0x0  }
0x28d: {  	[sflag:s26] =	ssyncadd.s32 $0xFFFFF000  }
0x28e: {  	_ =	swait.ge [sflag:s26], $0x1000  }
0x28f: {  	[sflag:s26] =	ssyncset.done $0x0  }
0x290: {  	[sflag:s26] =	ssyncadd.s32 $0xFFFFF000  }
0x291: {  	_ =	swait.ge [sflag:s26], $0x1000  }
0x292: {  	[sflag:s26] =	ssyncset.done $0x0  }
0x293: {  	[sflag:s26] =	ssyncadd.s32 $0xFFFFF000  }
0x294: {  	s8 =	simm.s32 $0x7;
	_ =	swait.ge [sflag:s26], $0x1000  }
0x295: {  	s9 =	simm.s32 $0x0;
	v17 =	vmov s8;
	[sflag:s26] =	ssyncset.done $0x0  }
0x296: {  	v18 =	vmov s9;
	v17 =	vshrl.u32 v17, $0x3;
	[sflag:s26] =	ssyncadd.s32 $0xFFFFF000  }
0x297: {  	v18 =	vshrl.u32 v18, $0x3;
	v17 =	vshll.u32 v17, v1;
	_ =	swait.ge [sflag:s31], $0x4000  }
0x298: {  	s22 =	simm.s32 $0x1;
	v18 =	vshll.u32 v18, v1;
	v17 =	vbroadcast v17, $0x0;
	[sflag:s31] =	ssyncset.done $0x0  }
0x299: {  	s6 =	simm.s32 $0x50F0;
	v19 =	vmov s22;
	s8 =	simm.s32 $0x2;
	v18 =	vbroadcast v18, $0x0;
	[sflag:s31] =	ssyncadd.s32 $0xFFFFC000  }
0x29a: {  	v19 =	vshrl.u32 v19, $0x3;
	v22 =	vmov s8;
	v21 =	vadd.s32 v15, v17;
	v20 =	vld [tilespmem:s6+$0xFFFFFFF0]  }
0x29b: {  	v19 =	vshll.u32 v19, v1;
	v22 =	vshrl.u32 v22, $0x3;
	v25 =	vadd.s32 v0, v18;
	v24 =	vld [tilespmem:s6+$0xFFFFFF10]  }
0x29c: {  	s9 =	simm.s32 $0x3;
	v19 =	vbroadcast v19, $0x0;
	v22 =	vshll.u32 v22, v1;
	v17 =	vadd.s32 v16, v17;
	v23 =	vld [tilespmem:s6+$0x0]  }
0x29d: {  	v27 =	vmov s9;
	v22 =	vbroadcast v22, $0x0;
	v18 =	vadd.s32 v2, v18;
	v26 =	vld [tilespmem:s6+$0xFFFFFF20]  }
0x29e: {  	s22 =	simm.s32 $0x4;
	v27 =	vshrl.u32 v27, $0x3;
	v29 =	vadd.s32 v3, v19;
	v31 =	vadd.s32 v4, v19;
	v28 =	vld [tilespmem:s6+$0xFFFFFF30]  }
0x29f: {  	v19 =	vshll.u32 v27, v1;
	v27 =	vmov s22;
	v33 =	vadd.s32 v5, v22;
	v32 =	vld [tilespmem:s6+$0xFFFFFF50];
	[tilespmem:v21+s29+$0x0] =	vst.idx.msk $0xffff, v20  }
0x2a0: {  	s8 =	simm.s32 $0x5;
	v34 =	vbroadcast v19, $0x0;
	v19 =	vshrl.u32 v27, $0x3;
	v30 =	vld [tilespmem:s6+$0xFFFFFF40];
	[tilespmem:v25+s29+$0x0] =	vst.idx.msk $0xffff, v24  }
0x2a1: {  	v19 =	vshll.u32 v19, v1;
	v20 =	vld [tilespmem:s6+$0xFFFFFF60];
	v25 =	vadd.s32 v6, v22;
	v22 =	vmov s8;
	[tilespmem:v17+s29+$0x0] =	vst.idx.msk $0xffff, v23  }
0x2a2: {  	s9 =	simm.s32 $0x6;
	v35 =	vbroadcast v19, $0x0;
	v21 =	vadd.s32 v7, v34;
	[tilespmem:v18+s29+$0x0] =	vst.idx.msk $0xffff, v26;
	v17 =	vld [tilespmem:s6+$0xFFFFFF70];
	v18 =	vshrl.u32 v22, $0x3  }
0x2a3: {  	v19 =	vld [tilespmem:s6+$0xFFFFFF80];
	[tilespmem:v29+s29+$0x0] =	vst.idx.msk $0xffff, v28;
	v23 =	vadd.s32 v8, v34;
	v22 =	vmov s9;
	v18 =	vshll.u32 v18, v1  }
0x2a4: {  	s22 =	simm.s32 $0xF;
	v24 =	vld [tilespmem:s6+$0xFFFFFF90];
	[tilespmem:v33+s29+$0x0] =	vst.idx.msk $0xffff, v32;
	v26 =	vadd.s32 v9, v35;
	v29 =	vshrl.u32 v22, $0x3;
	v27 =	vbroadcast v18, $0x0  }
0x2a5: {  	s20 =	sadd.s32 s20, s14;
	s3 =	simm.s32 $0x8;
	v28 =	vmov s22;
	s8 =	simm.s32 $0x10;
	[tilespmem:v31+s29+$0x0] =	vst.idx.msk $0xffff, v30;
	v22 =	vadd.s32 v10, v35;
	v18 =	vld [tilespmem:s6+$0xFFFFFFA0];
	v29 =	vshll.u32 v29, v1  }
.LBB2_32:
0x2a6: {  	p0 =	slt.u32 s8, $0x1F8;
	v28 =	vshrl.u32 v28, $0x3;
	[tilespmem:v25+s29+$0x0] =	vst.idx.msk $0xffff, v20;
	v20 =	vld [tilespmem:s6+$0xFFFFFFB0];
	v25 =	vadd.s32 v11, v27;
	v29 =	vbroadcast v29, $0x0  }
0x2a7: {  	v30 =	vmov s3;
	v28 =	vshll.u32 v28, v1;
	[tilespmem:v21+s29+$0x0] =	vst.idx.msk $0xffff, v17;
	v17 =	vld [tilespmem:s6+$0xFFFFFFC0];
	v21 =	vadd.s32 v12, v27  }
0x2a8: {  	s9 =	sadd.s32 $0x1, s3;
	v27 =	vshrl.u32 v30, $0x3;
	v28 =	vbroadcast v28, $0x0;
	[tilespmem:v23+s29+$0x0] =	vst.idx.msk $0xffff, v19;
	v19 =	vld [tilespmem:s6+$0xFFFFFFD0];
	v23 =	vadd.s32 v13, v29  }
0x2a9: {  	v30 =	vmov s9;
	v27 =	vshll.u32 v27, v1;
	[tilespmem:v26+s29+$0x0] =	vst.idx.msk $0xffff, v24;
	v24 =	vld [tilespmem:s6+$0xFFFFFFE0];
	v26 =	vadd.s32 v14, v29;
	s6 =	sadd.s32 $0x100, s6  }
0x2aa: {  	s9 =	sadd.s32 $0x2, s3;
	v27 =	vbroadcast v27, $0x0;
	v29 =	vshrl.u32 v30, $0x3;
	v30 =	vld [tilespmem:s6+$0xFFFFFFF0];
	v31 =	vadd.s32 v15, v28;
	[tilespmem:v22+s29+$0x0] =	vst.idx.msk $0xffff, v18  }
0x2ab: {  	v18 =	vshll.u32 v29, v1;
	v22 =	vmov s9;
	v28 =	vadd.s32 v16, v28;
	v29 =	vld [tilespmem:s6+$0x0];
	[tilespmem:v25+s29+$0x0] =	vst.idx.msk $0xffff, v20  }
0x2ac: {  	s9 =	sadd.s32 $0x3, s3;
	v25 =	vadd.s32 v0, v27;
	v18 =	vbroadcast v18, $0x0;
	v22 =	vshrl.u32 v22, $0x3;
	v20 =	vld [tilespmem:s6+$0xFFFFFF10];
	[tilespmem:v21+s29+$0x0] =	vst.idx.msk $0xffff, v17  }
0x2ad: {  	v21 =	vadd.s32 v2, v27;
	v22 =	vshll.u32 v22, v1;
	v27 =	vmov s9;
	v17 =	vld [tilespmem:s6+$0xFFFFFF20];
	[tilespmem:v23+s29+$0x0] =	vst.idx.msk $0xffff, v19  }
0x2ae: {  	s9 =	sadd.s32 $0x4, s3;
	v23 =	vadd.s32 v3, v18;
	v22 =	vbroadcast v22, $0x0;
	v27 =	vshrl.u32 v27, $0x3;
	v19 =	vld [tilespmem:s6+$0xFFFFFF30];
	[tilespmem:v26+s29+$0x0] =	vst.idx.msk $0xffff, v24  }
0x2af: {  	v18 =	vadd.s32 v4, v18;
	v26 =	vshll.u32 v27, v1;
	v27 =	vmov s9;
	v24 =	vld [tilespmem:s6+$0xFFFFFF40];
	[tilespmem:v31+s29+$0x0] =	vst.idx.msk $0xffff, v30  }
0x2b0: {  	s9 =	sadd.s32 $0x5, s3;
	v31 =	vadd.s32 v5, v22;
	v26 =	vbroadcast v26, $0x0;
	v27 =	vshrl.u32 v27, $0x3;
	v30 =	vld [tilespmem:s6+$0xFFFFFF50];
	[tilespmem:v28+s29+$0x0] =	vst.idx.msk $0xffff, v29  }
.Ltmp19:
0x2b1: {  	[tilespmem:v25+s29+$0x0] =	vst.idx.msk $0xffff, v20;
	v20 =	vld [tilespmem:s6+$0xFFFFFF60];
	v25 =	vadd.s32 v6, v22;
	v22 =	vshll.u32 v27, v1;
	v27 =	vmov s9;
	(pc) =	sbr.rel @p0 .LBB2_32-.Ltmp19, $4  }
0x2b2: {  	s9 =	sadd.s32 $0x6, s3;
	s3 =	smov.u32 s8;
	[tilespmem:v21+s29+$0x0] =	vst.idx.msk $0xffff, v17;
	v17 =	vld [tilespmem:s6+$0xFFFFFF70];
	v21 =	vadd.s32 v7, v26;
	v22 =	vbroadcast v22, $0x0;
	v27 =	vshrl.u32 v27, $0x3  }
0x2b3: {  	v28 =	vmov s9;
	[tilespmem:v23+s29+$0x0] =	vst.idx.msk $0xffff, v19;
	v19 =	vld [tilespmem:s6+$0xFFFFFF80];
	v23 =	vadd.s32 v8, v26;
	v27 =	vshll.u32 v27, v1  }
0x2b4: {  	s9 =	sadd.s32 $0x7, s8;
	v29 =	vshrl.u32 v28, $0x3;
	[tilespmem:v18+s29+$0x0] =	vst.idx.msk $0xffff, v24;
	v24 =	vld [tilespmem:s6+$0xFFFFFF90];
	v26 =	vadd.s32 v9, v22;
	v27 =	vbroadcast v27, $0x0  }
0x2b5: {  	s8 =	sadd.s32 $0x8, s8;
	v28 =	vmov s9;
	v22 =	vadd.s32 v10, v22;
	v29 =	vshll.u32 v29, v1;
	[tilespmem:v31+s29+$0x0] =	vst.idx.msk $0xffff, v30;
	v18 =	vld [tilespmem:s6+$0xFFFFFFA0]  }
0x2b6: {  	_ =	sdelay $0x2  }
0x2b7: {  	v28 =	vshrl.u32 v28, $0x3  }
0x2b8: {  	[tilespmem:v25+s29+$0x0] =	vst.idx.msk $0xffff, v20;
	v59 =	vld [tilespmem:s6+$0xFFFFFFB0];
	v60 =	vadd.s32 v11, v27;
	v29 =	vbroadcast v29, $0x0;
	v30 =	vmov s3  }
0x2b9: {  	v61 =	vadd.s32 v12, v27;
	s8 =	sadd.s32 $0x1, s3;
	v28 =	vshll.u32 v28, v1;
	[tilespmem:v21+s29+$0x0] =	vst.idx.msk $0xffff, v17;
	v17 =	vld [tilespmem:s6+$0xFFFFFFC0];
	v62 =	vshrl.u32 v30, $0x3  }
0x2ba: {  	s22 =	sadd.s32 $0x2, s3;
	v33 =	vmov s8;
	v28 =	vbroadcast v28, $0x0;
	[tilespmem:v23+s29+$0x0] =	vst.idx.msk $0xffff, v19;
	v19 =	vld [tilespmem:s6+$0xFFFFFFD0];
	v63 =	vadd.s32 v13, v29  }
0x2bb: {  	v34 =	vld [tilespmem:s6+$0xFFFFFFE0];
	v38 =	vmov s22;
	v27 =	vshll.u32 v62, v1;
	v35 =	vadd.s32 v14, v29;
	s6 =	sadd.s32 $0x100, s6;
	[tilespmem:v26+s29+$0x0] =	vst.idx.msk $0xffff, v24  }
0x2bc: {  	s9 =	sadd.s32 $0x3, s3;
	v36 =	vshrl.u32 v33, $0x3;
	v27 =	vbroadcast v27, $0x0;
	v37 =	vld [tilespmem:s6+$0xFFFFFFF0];
	v31 =	vadd.s32 v15, v28;
	[tilespmem:v22+s29+$0x0] =	vst.idx.msk $0xffff, v18  }
0x2bd: {  	v43 =	vmov s9;
	v39 =	vld [tilespmem:s6+$0x0];
	v18 =	vshll.u32 v36, v1;
	v28 =	vadd.s32 v16, v28;
	[tilespmem:v60+s29+$0x0] =	vst.idx.msk $0xffff, v59  }
0x2be: {  	s22 =	sadd.s32 $0x4, s3;
	v40 =	vld [tilespmem:s6+$0xFFFFFF10];
	v22 =	vshrl.u32 v38, $0x3;
	v41 =	vadd.s32 v0, v27;
	v18 =	vbroadcast v18, $0x0;
	[tilespmem:v61+s29+$0x0] =	vst.idx.msk $0xffff, v17  }
0x2bf: {  	v47 =	vmov s22;
	v42 =	vadd.s32 v2, v27;
	v22 =	vshll.u32 v22, v1;
	v17 =	vld [tilespmem:s6+$0xFFFFFF20];
	[tilespmem:v63+s29+$0x0] =	vst.idx.msk $0xffff, v19  }
0x2c0: {  	s9 =	sadd.s32 $0x5, s3;
	v27 =	vshrl.u32 v43, $0x3;
	v22 =	vbroadcast v22, $0x0;
	v19 =	vld [tilespmem:s6+$0xFFFFFF30];
	v44 =	vadd.s32 v3, v18;
	[tilespmem:v35+s29+$0x0] =	vst.idx.msk $0xffff, v34  }
0x2c1: {  	v52 =	vmov s9;
	v45 =	vld [tilespmem:s6+$0xFFFFFF40];
	v46 =	vshll.u32 v27, v1;
	v18 =	vadd.s32 v4, v18;
	[tilespmem:v31+s29+$0x0] =	vst.idx.msk $0xffff, v37  }
0x2c2: {  	v48 =	vld [tilespmem:s6+$0xFFFFFF50];
	v27 =	vshrl.u32 v47, $0x3;
	v26 =	vbroadcast v46, $0x0;
	v49 =	vadd.s32 v5, v22;
	[tilespmem:v28+s29+$0x0] =	vst.idx.msk $0xffff, v39  }
0x2c3: {  	v50 =	vld [tilespmem:s6+$0xFFFFFF60];
	v51 =	vshll.u32 v27, v1;
	v27 =	vshrl.u32 v52, $0x3;
	v22 =	vadd.s32 v6, v22;
	[tilespmem:v41+s29+$0x0] =	vst.idx.msk $0xffff, v40  }
0x2c4: {  	s22 =	sadd.s32 $0x6, s3;
	v25 =	vbroadcast v51, $0x0;
	v55 =	vshll.u32 v27, v1;
	v53 =	vadd.s32 v7, v26;
	[tilespmem:v42+s29+$0x0] =	vst.idx.msk $0xffff, v17;
	v17 =	vld [tilespmem:s6+$0xFFFFFF70]  }
0x2c5: {  	v56 =	vmov s22;
	v54 =	vadd.s32 v8, v26;
	v26 =	vbroadcast v55, $0x0;
	[tilespmem:v44+s29+$0x0] =	vst.idx.msk $0xffff, v19;
	v19 =	vld [tilespmem:s6+$0xFFFFFF80]  }
0x2c6: {  	v27 =	vshrl.u32 v56, $0x3;
	v57 =	vadd.s32 v9, v25;
	[tilespmem:v18+s29+$0x0] =	vst.idx.msk $0xffff, v45;
	v18 =	vld [tilespmem:s6+$0xFFFFFF90]  }
0x2c7: {  	v59 =	vld [tilespmem:s6+$0xFFFFFFB0];
	v27 =	vshll.u32 v27, v1;
	v60 =	vadd.s32 v11, v26;
	[tilespmem:v49+s29+$0x0] =	vst.idx.msk $0xffff, v48  }
0x2c8: {  	v58 =	vld [tilespmem:s6+$0xFFFFFFA0];
	v25 =	vadd.s32 v10, v25;
	v27 =	vbroadcast v27, $0x0;
	[tilespmem:v22+s29+$0x0] =	vst.idx.msk $0xffff, v50  }
0x2c9: {  	v61 =	vadd.s32 v12, v26;
	[tilespmem:v53+s29+$0x0] =	vst.idx.msk $0xffff, v17;
	v17 =	vld [tilespmem:s6+$0xFFFFFFC0]  }
0x2ca: {  	v62 =	vadd.s32 v13, v27;
	[tilespmem:v54+s29+$0x0] =	vst.idx.msk $0xffff, v19;
	v19 =	vld [tilespmem:s6+$0xFFFFFFD0]  }
0x2cb: {  	v63 =	vadd.s32 v14, v27;
	[tilespmem:v57+s29+$0x0] =	vst.idx.msk $0xffff, v18;
	v18 =	vld [tilespmem:s6+$0xFFFFFFE0]  }
0x2cc: {  	[tilespmem:v60+s29+$0x0] =	vst.idx.msk $0xffff, v59  }
0x2cd: {  	[tilespmem:v25+s29+$0x0] =	vst.idx.msk $0xffff, v58  }
0x2ce: {  	[tilespmem:v61+s29+$0x0] =	vst.idx.msk $0xffff, v17  }
0x2cf: {  	s8 =	simm.s32 $0xD308;
	[tilespmem:v62+s29+$0x0] =	vst.idx.msk $0xffff, v19  }
0x2d0: {  	s3 =	simm.s32 $0xD100;
	s9 =	sadd.s32 $0x0, s20;
	s6 =	simm.s32 $0x200;
	[tilespmem:v63+s29+$0x0] =	vst.idx.msk $0xffff, v18  }
.LBB2_34:
0x2d1: {  	[hbm4b:s9+s2] =	stream.linear.scatter [tilespmem:s3], [sflag:$0x4], $0x200, $0x38;
	[tilespmem:$0x11200] =	vst v63  }
0x2d2: {  	s9 =	smov.u32 s6;
	s3 =	smov.u32 s8;
	p0 =	sne.s32 s6, $0x3E00  }
.Ltmp20:
0x2d3: {  	s6 =	sadd.s32 $0x200, s6;
	(pc) =	sbr.rel @p0 .LBB2_34-.Ltmp20, $2  }
0x2d4: {  	_ =	sdelay $0x2  }
0x2d5: {  	s8 =	sadd.s32 $0x208, s8;
	s9 =	sadd.s32 s9, s20  }
.Ltmp21:
0x2d6: {  	(pc) =	sbr.rel .LBB2_36-.Ltmp21, $2  }
0x2d7: {  	_ =	sdelay $0x2  }
0x2d8: {  	[hbm4b:s9+s2] =	stream.linear.scatter [tilespmem:s3], [sflag:$0x4], $0x200, $0x38;
	[tilespmem:$0x11200] =	vst v63  }
.LBB2_38:
0x2d9: {  	_ =	sfence.sel $0x180000  }
0x2da: {  	[bflag:$0x0] =	sbarrier.arrive $0xFFFF  }
0x2db: {  	_ =	strace $0x90000047  }
0x2dc: {  	s0 =	stileid.u32;
	[bflag:$0x2] =	sbarrier.arrive $0xFFFF  }
0x2dd: {  	p0 =	sne.s32 s0, $0x0;
	s0 =	rddreg [dreg:$0x2]  }
0x2de: {  	s0 =	sadd.s32 @!p0 $0x100000, s0  }
0x2df: {  	[sflag:s0] =	ssyncadd.tile.s32 @!p0 $0x1;
	_ =	shalt  }
.Lfunc_end2:
_tile_overlayer_lowered:
.L_overlay_start_2:
0x2e0: {  	(tag) =	ssettag $0x2  }
0x2e1: {  	s0 =	rddreg [dreg:$0x0];
	s2 =	stileid.u32  }
0x2e2: {  	s1 =	rddreg [dreg:$0x1];
	p0 =	sne.s32 s2, $0x0  }
0x2e3: {  	s3 =	rddreg [dreg:$0x2];
	[bflag:$0x3] =	sbarrier.arrive $0xFFFF;
	s2 =	simm.s32 @!p0 $0x1C05  }
0x2e4: {  	[timem:s3], [sflag:s2] =	dma.local @!p0 [hbm:s0], s1  }
0x2e5: {  	s0 =	simm.s32 @!p0 $0x5  }
0x2e6: {  	_ =	swait.ge @!p0 [sflag:s0], s1  }
0x2e7: {  	s1 =	ssub.s32 @!p0 $0x0, s1;
	[sflag:s0] =	ssyncset.done @!p0 $0x0  }
0x2e8: {  	[sflag:s0] =	ssyncadd.s32 @!p0 s1  }
0x2e9: {  	[bflag:$0x3] =	sbarrier.arrive $0xFFFF  }
0x2ea: {  	_ =	shalt  }

</sc_bundles>
